<compile_context>
chip_gen: v7x
topology: tpu7x:2x2x1
jax: 0.10.2.dev20260603
libtpu: 0.0.44.dev20260713+nightly
codegen_flags: <defaults>
</compile_context>

<pallas_src>
import jax
import jax.numpy as jnp
import numpy as np
from jax import lax
from jax.experimental import pallas as pl
from jax.experimental.pallas import tpu as pltpu
from jax.experimental.pallas import tpu_sc as plsc

NBASIS = 128
CUTOFF = 6.0
N_NODES = 10000
N_EDGES = 320000

_DELTA = CUTOFF / (NBASIS - 1)
_GAMMA = 1.0 / _DELTA
_PI = float(np.pi)

_EPAD = 327680
_ROWS = 16
_GRID = _EPAD // (_ROWS * 128)


def _edge_body(w4_ref, rx_ref, ry_ref, rz_ref,
               d_ref, c1_ref, c0_ref, ps_ref):
    rx = rx_ref[0]
    ry = ry_ref[0]
    rz = rz_ref[0]
    l2 = rx * rx + ry * ry + rz * rz
    mask = l2 > 0.0
    l2s = jnp.maximum(l2, 1e-30)
    inv_l = lax.rsqrt(l2s)
    bl = l2s * inv_l
    th = (_PI / CUTOFF) * bl
    fc = 0.5 + 0.5 * jnp.cos(th)
    fcp = (-_PI / (2.0 * CUTOFF)) * jnp.sin(th)

    w4 = w4_ref[...]
    ccol = lax.broadcasted_iota(jnp.int32, (16, 1), 0).astype(jnp.float32) * (
        8.0 * _DELTA)

    sa_rows, sac_rows, sb_rows, sbc_rows = [], [], [], []
    _RPD = 16
    for g in range(_ROWS // _RPD):
        etiles = []
        for s in range(g * _RPD, (g + 1) * _RPD):
            blr = bl[s:s + 1, :]
            t0 = blr - ccol
            anchor = jnp.exp((-_GAMMA) * (t0 * t0))
            w = jnp.exp(2.0 * t0)
            rows = [anchor]
            x = anchor
            for _ in range(7):
                x = x * w
                rows.append(x)
            etiles.append(jnp.concatenate(rows, axis=0))
        ebig = jnp.concatenate(etiles, axis=1)
        r4 = lax.dot_general(w4, ebig, (((1,), (0,)), ((), ())),
                             precision=lax.Precision.HIGHEST,
                             preferred_element_type=jnp.float32)
        for q in range(_RPD):
            cs = q * 128
            sa_rows.append(r4[0:1, cs:cs + 128])
            sac_rows.append(r4[1:2, cs:cs + 128])
            sb_rows.append(r4[2:3, cs:cs + 128])
            sbc_rows.append(r4[3:4, cs:cs + 128])

    sa = jnp.concatenate(sa_rows, axis=0)
    sac = jnp.concatenate(sac_rows, axis=0)
    sb = jnp.concatenate(sb_rows, axis=0)
    sbc = jnp.concatenate(sbc_rows, axis=0)

    ap = (-2.0 * _GAMMA) * (bl * sa - sac)
    bp = (-2.0 * _GAMMA) * (bl * sb - sbc)
    zero = jnp.zeros_like(bl)
    d = jnp.where(mask, 0.5 * sa * fc, zero)
    c1 = jnp.where(mask, 0.5 * (ap * fc + sa * fcp) * inv_l, zero)
    p = jnp.where(mask, 0.5 * sb * fc * inv_l, zero)
    c0 = jnp.where(mask, ((bp * fc + sb * fcp) * 0.5 * inv_l - p * inv_l)
                   * inv_l, zero)

    d_ref[...] = d.reshape(1, _ROWS, 128)
    c1_ref[...] = c1.reshape(1, _ROWS, 128)
    c0_ref[...] = c0.reshape(1, _ROWS, 128)

    @pl.when(pl.program_id(0) == 0)
    def _():
        ps_ref[0, 0] = 0.0

    ps_ref[0, 0] += jnp.sum(p)


def _edge_stage(w4, rx2, ry2, rz2):
    blk = pl.BlockSpec((1, _ROWS, 128), lambda i: (i, 0, 0))
    return pl.pallas_call(
        _edge_body,
        grid=(_GRID,),
        in_specs=[
            pl.BlockSpec((4, 128), lambda i: (0, 0)),
            blk, blk, blk,
        ],
        out_specs=[
            blk, blk, blk,
            pl.BlockSpec((1, 1), lambda i: (0, 0), memory_space=pltpu.SMEM),
        ],
        out_shape=[
            jax.ShapeDtypeStruct((_GRID, _ROWS, 128), jnp.float32),
            jax.ShapeDtypeStruct((_GRID, _ROWS, 128), jnp.float32),
            jax.ShapeDtypeStruct((_GRID, _ROWS, 128), jnp.float32),
            jax.ShapeDtypeStruct((1, 1), jnp.float32),
        ],
    )(w4, rx2, ry2, rz2)


_NT = 16
_EPW = _EPAD // _NT
_NSUB = 4
_CH = _EPW // _NSUB
_NPAD = 10240
_NPT = _NPAD // _NT


def _rsqrt_newton(x):
    m = x
    sc = jnp.full((16,), 1.0, jnp.float32)
    for _ in range(16):
        big = m >= 4.0
        m = jnp.where(big, m * 0.25, m)
        sc = jnp.where(big, sc * 0.5, sc)
    for _ in range(32):
        small = m < 1.0
        m = jnp.where(small, m * 4.0, m)
        sc = jnp.where(small, sc * 2.0, sc)
    y = 1.30880086 + m * (-0.39516662 + m * 0.04939814)
    for _ in range(3):
        y = y * (1.5 - (0.5 * m) * y * y)
    return y * sc


def _sc_body(d_hbm, c1_hbm, c0_hbm, rx_hbm, ry_hbm, rz_hbm,
             src_hbm, dst_hbm, coef_hbm, zn_hbm, zf_hbm,
             fout_hbm, esum_hbm,
             rho_sh, fp_sh, fpos_sh, fneg_sh, es_sh,
             idxd, idxs, v0, v1, vx, vy, vz, dxyz,
             fp_loc, rho_loc, fp_part, coef_v, va, vb, es_loc, sem):
    wid = lax.axis_index("s")
    ebase = wid * _EPW
    nbase = wid * _NPT

    pltpu.sync_copy(zn_hbm, rho_loc)
    pltpu.sync_copy(rho_loc, rho_sh.at[pl.ds(nbase, _NPT)])
    pltpu.sync_copy(zf_hbm, va)
    pltpu.sync_copy(va, fpos_sh.at[pl.ds(nbase, _NPT)])
    pltpu.sync_copy(va, fneg_sh.at[pl.ds(nbase, _NPT)])
    for k in range(_CH // _NPT):
        pltpu.sync_copy(zf_hbm, dxyz.at[pl.ds(k * _NPT, _NPT)])
    pltpu.sync_copy(coef_hbm, coef_v)
    plsc.subcore_barrier()

    for s in range(_NSUB):
        off = ebase + s * _CH
        cps = [pltpu.async_copy(d_hbm.at[pl.ds(off, _CH)], v0, sem),
               pltpu.async_copy(dst_hbm.at[pl.ds(off, _CH)], idxd, sem)]
        for cp in cps:
            cp.wait()
        pltpu.sync_copy(v0, rho_sh.at[idxd], add=True)
    plsc.subcore_barrier()

    pltpu.sync_copy(rho_sh.at[pl.ds(nbase, _NPT)], rho_loc)
    cf = [coef_v[j] for j in range(5)]
    gf = [coef_v[5 + j] for j in range(5)]

    def node_step(i, facc):
        o = i * 16
        x = rho_loc[pl.ds(o, 16)]
        y = _rsqrt_newton(x)
        s = x * y
        fval = cf[0] * s + x * (cf[1] + x * (cf[2] + x * (cf[3] + x * cf[4])))
        fp = gf[0] * y + gf[1] + x * (gf[2] + x * (gf[3] + x * gf[4]))
        fp_part[pl.ds(o, 16)] = fp
        return facc + fval

    facc = lax.fori_loop(0, _NPT // 16, node_step, jnp.zeros((16,), jnp.float32))
    pltpu.sync_copy(fp_part, fp_sh.at[pl.ds(nbase, _NPT)])
    es_loc[0] = facc
    pltpu.sync_copy(es_loc.at[0], es_sh.at[wid])
    plsc.subcore_barrier()

    pltpu.sync_copy(fp_sh, fp_loc)
    iota = lax.iota(jnp.int32, 16)
    col0 = jnp.zeros((16,), jnp.int32)
    col1 = jnp.full((16,), 1, jnp.int32)
    col2 = jnp.full((16,), 2, jnp.int32)
    for s in range(_NSUB):
        off = ebase + s * _CH
        cps = [pltpu.async_copy(c1_hbm.at[pl.ds(off, _CH)], v0, sem),
               pltpu.async_copy(c0_hbm.at[pl.ds(off, _CH)], v1, sem),
               pltpu.async_copy(dst_hbm.at[pl.ds(off, _CH)], idxd, sem),
               pltpu.async_copy(src_hbm.at[pl.ds(off, _CH)], idxs, sem),
               pltpu.async_copy(rx_hbm.at[pl.ds(off, _CH)], vx, sem),
               pltpu.async_copy(ry_hbm.at[pl.ds(off, _CH)], vy, sem),
               pltpu.async_copy(rz_hbm.at[pl.ds(off, _CH)], vz, sem)]
        for cp in cps:
            cp.wait()

        def edge_step(j, _):
            o = j * 16
            dv = idxd[pl.ds(o, 16)]
            fpd = plsc.load_gather(fp_loc, ([dv]))
            g = fpd * v0[pl.ds(o, 16)] + v1[pl.ds(o, 16)]
            rows = iota + o
            plsc.store_scatter(dxyz, ([rows, col0]),
                               g * vx[pl.ds(o, 16)])
            plsc.store_scatter(dxyz, ([rows, col1]),
                               g * vy[pl.ds(o, 16)])
            plsc.store_scatter(dxyz, ([rows, col2]),
                               g * vz[pl.ds(o, 16)])
            return 0

        lax.fori_loop(0, _CH // 16, edge_step, 0)
        pltpu.sync_copy(dxyz, fpos_sh.at[idxs], add=True)
        pltpu.sync_copy(dxyz, fneg_sh.at[idxd], add=True)
    plsc.subcore_barrier()

    pltpu.sync_copy(fpos_sh.at[pl.ds(nbase, _NPT)], va)
    pltpu.sync_copy(fneg_sh.at[pl.ds(nbase, _NPT)], vb)

    def sub_step(m, _):
        c = m // (_NPT // 16)
        rows = iota + 16 * (m % (_NPT // 16))
        colv = jnp.full((16,), 1, jnp.int32) * c
        a = plsc.load_gather(va, ([rows, colv]))
        b = plsc.load_gather(vb, ([rows, colv]))
        plsc.store_scatter(va, ([rows, colv]), a - b)
        return 0

    lax.fori_loop(0, 3 * (_NPT // 16), sub_step, 0)
    pltpu.sync_copy(va, fout_hbm.at[pl.ds(nbase, _NPT)])

    @pl.when(wid == 0)
    def _():
        pltpu.sync_copy(es_sh, es_loc)
        acc = es_loc[0]
        for t in range(1, _NT):
            acc = acc + es_loc[t]
        tot = lax.broadcast(jnp.sum(acc, axis=0), (16,))
        es_loc[0] = tot
        pltpu.sync_copy(es_loc.at[0], esum_hbm)


def _sc_stage(d_e, c1_e, c0_e, rx, ry, rz, src, dst, coefs, zn, zf):
    mesh = plsc.VectorSubcoreMesh(core_axis_name="c", subcore_axis_name="s",
                                  num_cores=1, num_subcores=_NT)
    f32 = jnp.float32
    run = pl.kernel(
        _sc_body,
        out_type=[
            jax.ShapeDtypeStruct((_NPAD, 8), f32),
            jax.ShapeDtypeStruct((16,), f32),
        ],
        mesh=mesh,
        compiler_params=pltpu.CompilerParams(needs_layout_passes=False,
                                             use_tc_tiling_on_sc=False),
        scratch_types=[
            pltpu.VMEM_SHARED((_NPAD,), f32),
            pltpu.VMEM_SHARED((_NPAD,), f32),
            pltpu.VMEM_SHARED((_NPAD, 8), f32),
            pltpu.VMEM_SHARED((_NPAD, 8), f32),
            pltpu.VMEM_SHARED((_NT, 16), f32),
            pltpu.VMEM((_CH,), jnp.int32),
            pltpu.VMEM((_CH,), jnp.int32),
            pltpu.VMEM((_CH,), f32),
            pltpu.VMEM((_CH,), f32),
            pltpu.VMEM((_CH,), f32),
            pltpu.VMEM((_CH,), f32),
            pltpu.VMEM((_CH,), f32),
            pltpu.VMEM((_CH, 8), f32),
            pltpu.VMEM((_NPAD,), f32),
            pltpu.VMEM((_NPT,), f32),
            pltpu.VMEM((_NPT,), f32),
            pltpu.VMEM((10, 16), f32),
            pltpu.VMEM((_NPT, 8), f32),
            pltpu.VMEM((_NPT, 8), f32),
            pltpu.VMEM((_NT, 16), f32),
            pltpu.SemaphoreType.DMA,
        ],
    )
    return run(d_e, c1_e, c0_e, rx, ry, rz, src, dst, coefs, zn, zf)


_POWERS = np.concatenate([[0.5], 1.0 + np.arange(4)]).astype(np.float32)
_SF = np.concatenate(
    [[2.0], 1.0 / 10.0 ** np.cumsum(np.log10(1.0 + np.arange(4)))]
).astype(np.float32)


@jax.jit
def kernel(r, edge_index, phi_density, phi_pair, emb_weights):
    sp = jax.nn.softplus(phi_density)
    pp = phi_pair

    rr = np.arange(128)
    karr = 8 * (rr % 16) + rr // 16
    qarr = jnp.asarray(np.exp(-((rr // 16) ** 2) * _DELTA).astype(np.float32))
    cen = jnp.asarray((_DELTA * np.arange(128)).astype(np.float32))
    spk = sp[karr] * qarr
    ppk = pp[karr] * qarr
    ck = cen[karr]
    w4 = jnp.stack([spk, spk * ck, ppk, ppk * ck], axis=0)

    npad = _EPAD - N_EDGES
    rxp = jnp.pad(r[:, 0], (0, npad))
    ryp = jnp.pad(r[:, 1], (0, npad))
    rzp = jnp.pad(r[:, 2], (0, npad))

    d2, c12, c02, psum = _edge_stage(
        w4,
        rxp.reshape(_GRID, _ROWS, 128),
        ryp.reshape(_GRID, _ROWS, 128),
        rzp.reshape(_GRID, _ROWS, 128))

    cf = emb_weights * jnp.asarray(_SF)
    gfc = cf * jnp.asarray(_POWERS)
    coefs = jnp.broadcast_to(
        jnp.concatenate([cf, gfc])[:, None], (10, 16)).astype(jnp.float32)

    src_i = jnp.pad(edge_index[0].astype(jnp.int32), (0, npad))
    dst_i = jnp.pad(edge_index[1].astype(jnp.int32), (0, npad))
    zn = jnp.zeros((_NPT,), jnp.float32)
    zf = jnp.zeros((_NPT, 8), jnp.float32)

    fout, esum = _sc_stage(
        d2.reshape(_EPAD), c12.reshape(_EPAD), c02.reshape(_EPAD),
        rxp, ryp, rzp, src_i, dst_i, coefs, zn, zf)

    total_energy = (esum[0] + psum[0, 0]).reshape(1)
    forces = fout[:N_NODES, :3]
    return (total_energy, forces)

# --- scband reference (transcript-rebuilt; emitter-appended) ---
"""Pipeline reference for scband-embedded-atom-potential-12128987644533 (READ-ONLY COPY).

The authoritative reference and input builder live on the scoring server;
editing this copy changes nothing except your own understanding.
"""

import jax, jax.numpy as jnp
import numpy as np

NBASIS = 128
CUTOFF = 6.0
N_NODES = 10000
N_EDGES = 320000
DEGREE = 4

# RBFExpansion: centers linspace(0, cutoff, bins), gamma = 1/lengthscale
_centers = jnp.linspace(0.0, CUTOFF, NBASIS)
_gamma = 1.0 / (_centers[1] - _centers[0])

# PolynomialEmbeddingFunction(degree=4, use_sqrt_term=True)
_pb = 1.0 + np.arange(DEGREE)
_sf = 1.0 / 10.0 ** np.cumsum(np.log10(_pb))
POWERS = jnp.concatenate([jnp.array([0.5], dtype=jnp.float32), jnp.asarray(_pb, dtype=jnp.float32)])
SCALEFACTORS = jnp.concatenate([jnp.array([2.0], dtype=jnp.float32), jnp.asarray(_sf, dtype=jnp.float32)])


def setup_inputs(seed: int = 0) -> dict:
    key = jax.random.key(seed)
    k1, k2, k3, k4, k5 = jax.random.split(key, 5)
    r = jax.random.normal(k1, (N_EDGES, 3), dtype=jnp.float32)
    edge_index = jax.random.randint(k2, (2, N_EDGES), 0, N_NODES)
    # GaussianSpline.reset_parameters: normal(0, 0.5)
    phi_density = 0.5 * jax.random.normal(k3, (NBASIS,), dtype=jnp.float32)
    phi_pair = 0.5 * jax.random.normal(k4, (NBASIS,), dtype=jnp.float32)
    # PolynomialEmbeddingFunction init: [-0.5, 0, 0, 0, 0] + small noise
    emb_weights = jnp.array([-0.5, 0.0, 0.0, 0.0, 0.0], dtype=jnp.float32) + 0.01 * jax.random.normal(k5, (DEGREE + 1,), dtype=jnp.float32)
    return {"r": r, "edge_index": edge_index, "phi_density": phi_density, "phi_pair": phi_pair, "emb_weights": emb_weights}


def _fcut(blen):
    return (1.0 + jnp.cos(np.pi * blen / CUTOFF)) / 2.0


def reference(r, edge_index, phi_density, phi_pair, emb_weights):
    src = edge_index[0]
    dst = edge_index[1]

    def energy_fn(r_):
        bondlen = jnp.linalg.norm(r_, axis=1)
        rbf = jnp.exp(-_gamma * (bondlen[:, None] - _centers) ** 2)
        b = rbf * _fcut(bondlen)[:, None] / 2.0
        # density spline: softplus activation on phi
        density_ij = (jax.nn.softplus(phi_density) * b).sum(axis=1)
        # message passing: sum density over edges into dst nodes
        local_density = jax.ops.segment_sum(density_ij, dst, num_segments=N_NODES)
        # embedding energy F(rho)
        F = (local_density[:, None] ** POWERS) @ (emb_weights * SCALEFACTORS)
        # pair repulsion spline (identity activation), divided by bondlen
        pair = (phi_pair * b).sum(axis=1) / bondlen
        return F.sum() + pair.sum()

    energy, dEdr = jax.value_and_grad(energy_fn)(r)
    # autograd forces: dE/dx_j += dE/dr_ij, dE/dx_i -= dE/dr_ij (r_ij = x_j - x_i); F = -dE/dx
    dEdx = jnp.zeros((N_NODES, 3), dtype=r.dtype).at[dst].add(dEdr).at[src].add(-dEdr)
    forces = -dEdx
    total_energy = jnp.reshape(energy, (1,))
    return (total_energy, forces)

if __name__ == "__main__":
    import jax
    _d = setup_inputs()
    print(jax.jit(kernel)(*tuple(_d.values())))

</pallas_src>

<mosaic_0001>
#map = affine_map<(d0, d1) -> (0)>
#map1 = affine_map<(d0, d1) -> (0, 0)>
module attributes {stable_mosaic.version = 14 : i64} {
  func.func @_sc_body(%arg0: i32, %arg1: i32, %arg2: memref<327680xf32, #tpu.memory_space<hbm>>, %arg3: memref<327680xf32, #tpu.memory_space<hbm>>, %arg4: memref<327680xf32, #tpu.memory_space<hbm>>, %arg5: memref<327680xf32, #tpu.memory_space<hbm>>, %arg6: memref<327680xf32, #tpu.memory_space<hbm>>, %arg7: memref<327680xf32, #tpu.memory_space<hbm>>, %arg8: memref<327680xi32, #tpu.memory_space<hbm>>, %arg9: memref<327680xi32, #tpu.memory_space<hbm>>, %arg10: memref<10x16xf32, #tpu.memory_space<hbm>>, %arg11: memref<640xf32, #tpu.memory_space<hbm>>, %arg12: memref<640x8xf32, #tpu.memory_space<hbm>>, %arg13: memref<10240x8xf32, #tpu.memory_space<hbm>>, %arg14: memref<16xf32, #tpu.memory_space<hbm>>, %arg15: memref<10240xf32, #tpu.memory_space<vmem_shared>>, %arg16: memref<10240xf32, #tpu.memory_space<vmem_shared>>, %arg17: memref<10240x8xf32, #tpu.memory_space<vmem_shared>>, %arg18: memref<10240x8xf32, #tpu.memory_space<vmem_shared>>, %arg19: memref<16x16xf32, #tpu.memory_space<vmem_shared>>, %arg20: memref<5120xi32, #tpu.memory_space<vmem>>, %arg21: memref<5120xi32, #tpu.memory_space<vmem>>, %arg22: memref<5120xf32, #tpu.memory_space<vmem>>, %arg23: memref<5120xf32, #tpu.memory_space<vmem>>, %arg24: memref<5120xf32, #tpu.memory_space<vmem>>, %arg25: memref<5120xf32, #tpu.memory_space<vmem>>, %arg26: memref<5120xf32, #tpu.memory_space<vmem>>, %arg27: memref<5120x8xf32, #tpu.memory_space<vmem>>, %arg28: memref<10240xf32, #tpu.memory_space<vmem>>, %arg29: memref<640xf32, #tpu.memory_space<vmem>>, %arg30: memref<640xf32, #tpu.memory_space<vmem>>, %arg31: memref<10x16xf32, #tpu.memory_space<vmem>>, %arg32: memref<640x8xf32, #tpu.memory_space<vmem>>, %arg33: memref<640x8xf32, #tpu.memory_space<vmem>>, %arg34: memref<16x16xf32, #tpu.memory_space<vmem>>, %arg35: memref<!tpu.dma_semaphore, #tpu.memory_space<semaphore_mem>>) attributes {dimension_semantics = [#tpu.dimension_semantics<core_parallel>, #tpu.dimension_semantics<subcore_parallel>], iteration_bounds = array<i64: 1, 16>, scalar_prefetch = 0 : i64, scratch_operands = 21 : i64, tpu.core_type = #tpu.core_type<sc_vector_subcore>, window_params = [{transform_indices = #map}, {transform_indices = #map}, {transform_indices = #map}, {transform_indices = #map}, {transform_indices = #map}, {transform_indices = #map}, {transform_indices = #map}, {transform_indices = #map}, {transform_indices = #map1}, {transform_indices = #map}, {transform_indices = #map1}, {transform_indices = #map1}, {transform_indices = #map}]} {
    %mul3A = arith.constant 20480 : i32
    %mul3A_0 = arith.muli %arg1, %mul3A : i32
    %mul3A_1 = arith.constant 640 : i32
    %mul3A_2 = arith.muli %arg1, %mul3A_1 : i32
    "tpu.region"() ({
      %run_scoped3A_254 = tpu.sem_alloc : memref<!tpu.dma_semaphore, #tpu.memory_space<semaphore_mem>>
      tpu.enqueue_dma source(%arg11 : memref<640xf32, #tpu.memory_space<hbm>>) target(%arg29 : memref<640xf32, #tpu.memory_space<vmem>>) target_semaphore(%run_scoped3A_254 : memref<!tpu.dma_semaphore, #tpu.memory_space<semaphore_mem>>)
      tpu.wait_dma2 semaphore(%run_scoped3A_254 : memref<!tpu.dma_semaphore, #tpu.memory_space<semaphore_mem>>) src(%arg11 : memref<640xf32, #tpu.memory_space<hbm>>) dst(%arg29 : memref<640xf32, #tpu.memory_space<vmem>>)
      tpu.yield
    }) : () -> ()
    "tpu.region"() ({
      %run_scoped3A_254 = tpu.sem_alloc : memref<!tpu.dma_semaphore, #tpu.memory_space<semaphore_mem>>
      %dma_start3A_255 = tpu.memref_slice %arg15[%mul3A_2] : memref<10240xf32, #tpu.memory_space<vmem_shared>> -> memref<640xf32, #tpu.memory_space<vmem_shared>>
      %dma_start3A_256 = tpu.memref_slice %arg15[%mul3A_2] : memref<10240xf32, #tpu.memory_space<vmem_shared>> -> memref<640xf32, #tpu.memory_space<vmem_shared>>
      tpu.enqueue_dma source(%arg29 : memref<640xf32, #tpu.memory_space<vmem>>) target(%dma_start3A_256 : memref<640xf32, #tpu.memory_space<vmem_shared>>) target_semaphore(%run_scoped3A_254 : memref<!tpu.dma_semaphore, #tpu.memory_space<semaphore_mem>>)
      %dma_wait3A_257 = tpu.memref_slice %arg15[%mul3A_2] : memref<10240xf32, #tpu.memory_space<vmem_shared>> -> memref<640xf32, #tpu.memory_space<vmem_shared>>
      %dma_wait3A_258 = tpu.memref_slice %arg15[%mul3A_2] : memref<10240xf32, #tpu.memory_space<vmem_shared>> -> memref<640xf32, #tpu.memory_space<vmem_shared>>
      tpu.wait_dma2 semaphore(%run_scoped3A_254 : memref<!tpu.dma_semaphore, #tpu.memory_space<semaphore_mem>>) src(%arg29 : memref<640xf32, #tpu.memory_space<vmem>>) dst(%dma_wait3A_258 : memref<640xf32, #tpu.memory_space<vmem_shared>>)
      tpu.yield
    }) : () -> ()
    "tpu.region"() ({
      %run_scoped3A_254 = tpu.sem_alloc : memref<!tpu.dma_semaphore, #tpu.memory_space<semaphore_mem>>
      tpu.enqueue_dma source(%arg12 : memref<640x8xf32, #tpu.memory_space<hbm>>) target(%arg32 : memref<640x8xf32, #tpu.memory_space<vmem>>) target_semaphore(%run_scoped3A_254 : memref<!tpu.dma_semaphore, #tpu.memory_space<semaphore_mem>>)
      tpu.wait_dma2 semaphore(%run_scoped3A_254 : memref<!tpu.dma_semaphore, #tpu.memory_space<semaphore_mem>>) src(%arg12 : memref<640x8xf32, #tpu.memory_space<hbm>>) dst(%arg32 : memref<640x8xf32, #tpu.memory_space<vmem>>)
      tpu.yield
    }) : () -> ()
    "tpu.region"() ({
      %run_scoped3A_254 = tpu.sem_alloc : memref<!tpu.dma_semaphore, #tpu.memory_space<semaphore_mem>>
      %dma_start3A_255 = arith.constant 0 : i32
      %dma_start3A_256 = tpu.memref_slice %arg17[%mul3A_2, %dma_start3A_255] : memref<10240x8xf32, #tpu.memory_space<vmem_shared>> -> memref<640x8xf32, #tpu.memory_space<vmem_shared>>
      %dma_start3A_257 = arith.constant 0 : i32
      %dma_start3A_258 = tpu.memref_slice %arg17[%mul3A_2, %dma_start3A_257] : memref<10240x8xf32, #tpu.memory_space<vmem_shared>> -> memref<640x8xf32, #tpu.memory_space<vmem_shared>>
      tpu.enqueue_dma source(%arg32 : memref<640x8xf32, #tpu.memory_space<vmem>>) target(%dma_start3A_258 : memref<640x8xf32, #tpu.memory_space<vmem_shared>>) target_semaphore(%run_scoped3A_254 : memref<!tpu.dma_semaphore, #tpu.memory_space<semaphore_mem>>)
      %dma_wait3A_259 = arith.constant 0 : i32
      %dma_wait3A_260 = tpu.memref_slice %arg17[%mul3A_2, %dma_wait3A_259] : memref<10240x8xf32, #tpu.memory_space<vmem_shared>> -> memref<640x8xf32, #tpu.memory_space<vmem_shared>>
      %dma_wait3A_261 = arith.constant 0 : i32
      %dma_wait3A_262 = tpu.memref_slice %arg17[%mul3A_2, %dma_wait3A_261] : memref<10240x8xf32, #tpu.memory_space<vmem_shared>> -> memref<640x8xf32, #tpu.memory_space<vmem_shared>>
      tpu.wait_dma2 semaphore(%run_scoped3A_254 : memref<!tpu.dma_semaphore, #tpu.memory_space<semaphore_mem>>) src(%arg32 : memref<640x8xf32, #tpu.memory_space<vmem>>) dst(%dma_wait3A_262 : memref<640x8xf32, #tpu.memory_space<vmem_shared>>)
      tpu.yield
    }) : () -> ()
    "tpu.region"() ({
      %run_scoped3A_254 = tpu.sem_alloc : memref<!tpu.dma_semaphore, #tpu.memory_space<semaphore_mem>>
      %dma_start3A_255 = arith.constant 0 : i32
      %dma_start3A_256 = tpu.memref_slice %arg18[%mul3A_2, %dma_start3A_255] : memref<10240x8xf32, #tpu.memory_space<vmem_shared>> -> memref<640x8xf32, #tpu.memory_space<vmem_shared>>
      %dma_start3A_257 = arith.constant 0 : i32
      %dma_start3A_258 = tpu.memref_slice %arg18[%mul3A_2, %dma_start3A_257] : memref<10240x8xf32, #tpu.memory_space<vmem_shared>> -> memref<640x8xf32, #tpu.memory_space<vmem_shared>>
      tpu.enqueue_dma source(%arg32 : memref<640x8xf32, #tpu.memory_space<vmem>>) target(%dma_start3A_258 : memref<640x8xf32, #tpu.memory_space<vmem_shared>>) target_semaphore(%run_scoped3A_254 : memref<!tpu.dma_semaphore, #tpu.memory_space<semaphore_mem>>)
      %dma_wait3A_259 = arith.constant 0 : i32
      %dma_wait3A_260 = tpu.memref_slice %arg18[%mul3A_2, %dma_wait3A_259] : memref<10240x8xf32, #tpu.memory_space<vmem_shared>> -> memref<640x8xf32, #tpu.memory_space<vmem_shared>>
      %dma_wait3A_261 = arith.constant 0 : i32
      %dma_wait3A_262 = tpu.memref_slice %arg18[%mul3A_2, %dma_wait3A_261] : memref<10240x8xf32, #tpu.memory_space<vmem_shared>> -> memref<640x8xf32, #tpu.memory_space<vmem_shared>>
      tpu.wait_dma2 semaphore(%run_scoped3A_254 : memref<!tpu.dma_semaphore, #tpu.memory_space<semaphore_mem>>) src(%arg32 : memref<640x8xf32, #tpu.memory_space<vmem>>) dst(%dma_wait3A_262 : memref<640x8xf32, #tpu.memory_space<vmem_shared>>)
      tpu.yield
    }) : () -> ()
    "tpu.region"() ({
      %run_scoped3A_254 = tpu.sem_alloc : memref<!tpu.dma_semaphore, #tpu.memory_space<semaphore_mem>>
      %dma_start3A_255 = arith.constant 0 : i32
      %dma_start3A_256 = arith.constant 0 : i32
      %dma_start3A_257 = tpu.memref_slice %arg27[%dma_start3A_255, %dma_start3A_256] : memref<5120x8xf32, #tpu.memory_space<vmem>> -> memref<640x8xf32, #tpu.memory_space<vmem>>
      %dma_start3A_258 = arith.constant 0 : i32
      %dma_start3A_259 = arith.constant 0 : i32
      %dma_start3A_260 = tpu.memref_slice %arg27[%dma_start3A_258, %dma_start3A_259] : memref<5120x8xf32, #tpu.memory_space<vmem>> -> memref<640x8xf32, #tpu.memory_space<vmem>>
      tpu.enqueue_dma source(%arg12 : memref<640x8xf32, #tpu.memory_space<hbm>>) target(%dma_start3A_260 : memref<640x8xf32, #tpu.memory_space<vmem>>) target_semaphore(%run_scoped3A_254 : memref<!tpu.dma_semaphore, #tpu.memory_space<semaphore_mem>>)
      %dma_wait3A_261 = arith.constant 0 : i32
      %dma_wait3A_262 = arith.constant 0 : i32
      %dma_wait3A_263 = tpu.memref_slice %arg27[%dma_wait3A_261, %dma_wait3A_262] : memref<5120x8xf32, #tpu.memory_space<vmem>> -> memref<640x8xf32, #tpu.memory_space<vmem>>
      %dma_wait3A_264 = arith.constant 0 : i32
      %dma_wait3A_265 = arith.constant 0 : i32
      %dma_wait3A_266 = tpu.memref_slice %arg27[%dma_wait3A_264, %dma_wait3A_265] : memref<5120x8xf32, #tpu.memory_space<vmem>> -> memref<640x8xf32, #tpu.memory_space<vmem>>
      tpu.wait_dma2 semaphore(%run_scoped3A_254 : memref<!tpu.dma_semaphore, #tpu.memory_space<semaphore_mem>>) src(%arg12 : memref<640x8xf32, #tpu.memory_space<hbm>>) dst(%dma_wait3A_266 : memref<640x8xf32, #tpu.memory_space<vmem>>)
      tpu.yield
    }) : () -> ()
    "tpu.region"() ({
      %run_scoped3A_254 = tpu.sem_alloc : memref<!tpu.dma_semaphore, #tpu.memory_space<semaphore_mem>>
      %dma_start3A_255 = arith.constant 640 : i32
      %dma_start3A_256 = arith.constant 0 : i32
      %dma_start3A_257 = tpu.memref_slice %arg27[%dma_start3A_255, %dma_start3A_256] : memref<5120x8xf32, #tpu.memory_space<vmem>> -> memref<640x8xf32, #tpu.memory_space<vmem>>
      %dma_start3A_258 = arith.constant 640 : i32
      %dma_start3A_259 = arith.constant 0 : i32
      %dma_start3A_260 = tpu.memref_slice %arg27[%dma_start3A_258, %dma_start3A_259] : memref<5120x8xf32, #tpu.memory_space<vmem>> -> memref<640x8xf32, #tpu.memory_space<vmem>>
      tpu.enqueue_dma source(%arg12 : memref<640x8xf32, #tpu.memory_space<hbm>>) target(%dma_start3A_260 : memref<640x8xf32, #tpu.memory_space<vmem>>) target_semaphore(%run_scoped3A_254 : memref<!tpu.dma_semaphore, #tpu.memory_space<semaphore_mem>>)
      %dma_wait3A_261 = arith.constant 640 : i32
      %dma_wait3A_262 = arith.constant 0 : i32
      %dma_wait3A_263 = tpu.memref_slice %arg27[%dma_wait3A_261, %dma_wait3A_262] : memref<5120x8xf32, #tpu.memory_space<vmem>> -> memref<640x8xf32, #tpu.memory_space<vmem>>
      %dma_wait3A_264 = arith.constant 640 : i32
      %dma_wait3A_265 = arith.constant 0 : i32
      %dma_wait3A_266 = tpu.memref_slice %arg27[%dma_wait3A_264, %dma_wait3A_265] : memref<5120x8xf32, #tpu.memory_space<vmem>> -> memref<640x8xf32, #tpu.memory_space<vmem>>
      tpu.wait_dma2 semaphore(%run_scoped3A_254 : memref<!tpu.dma_semaphore, #tpu.memory_space<semaphore_mem>>) src(%arg12 : memref<640x8xf32, #tpu.memory_space<hbm>>) dst(%dma_wait3A_266 : memref<640x8xf32, #tpu.memory_space<vmem>>)
      tpu.yield
    }) : () -> ()
    "tpu.region"() ({
      %run_scoped3A_254 = tpu.sem_alloc : memref<!tpu.dma_semaphore, #tpu.memory_space<semaphore_mem>>
      %dma_start3A_255 = arith.constant 1280 : i32
      %dma_start3A_256 = arith.constant 0 : i32
      %dma_start3A_257 = tpu.memref_slice %arg27[%dma_start3A_255, %dma_start3A_256] : memref<5120x8xf32, #tpu.memory_space<vmem>> -> memref<640x8xf32, #tpu.memory_space<vmem>>
      %dma_start3A_258 = arith.constant 1280 : i32
      %dma_start3A_259 = arith.constant 0 : i32
      %dma_start3A_260 = tpu.memref_slice %arg27[%dma_start3A_258, %dma_start3A_259] : memref<5120x8xf32, #tpu.memory_space<vmem>> -> memref<640x8xf32, #tpu.memory_space<vmem>>
      tpu.enqueue_dma source(%arg12 : memref<640x8xf32, #tpu.memory_space<hbm>>) target(%dma_start3A_260 : memref<640x8xf32, #tpu.memory_space<vmem>>) target_semaphore(%run_scoped3A_254 : memref<!tpu.dma_semaphore, #tpu.memory_space<semaphore_mem>>)
      %dma_wait3A_261 = arith.constant 1280 : i32
      %dma_wait3A_262 = arith.constant 0 : i32
      %dma_wait3A_263 = tpu.memref_slice %arg27[%dma_wait3A_261, %dma_wait3A_262] : memref<5120x8xf32, #tpu.memory_space<vmem>> -> memref<640x8xf32, #tpu.memory_space<vmem>>
      %dma_wait3A_264 = arith.constant 1280 : i32
      %dma_wait3A_265 = arith.constant 0 : i32
      %dma_wait3A_266 = tpu.memref_slice %arg27[%dma_wait3A_264, %dma_wait3A_265] : memref<5120x8xf32, #tpu.memory_space<vmem>> -> memref<640x8xf32, #tpu.memory_space<vmem>>
      tpu.wait_dma2 semaphore(%run_scoped3A_254 : memref<!tpu.dma_semaphore, #tpu.memory_space<semaphore_mem>>) src(%arg12 : memref<640x8xf32, #tpu.memory_space<hbm>>) dst(%dma_wait3A_266 : memref<640x8xf32, #tpu.memory_space<vmem>>)
      tpu.yield
    }) : () -> ()
    "tpu.region"() ({
      %run_scoped3A_254 = tpu.sem_alloc : memref<!tpu.dma_semaphore, #tpu.memory_space<semaphore_mem>>
      %dma_start3A_255 = arith.constant 1920 : i32
      %dma_start3A_256 = arith.constant 0 : i32
      %dma_start3A_257 = tpu.memref_slice %arg27[%dma_start3A_255, %dma_start3A_256] : memref<5120x8xf32, #tpu.memory_space<vmem>> -> memref<640x8xf32, #tpu.memory_space<vmem>>
      %dma_start3A_258 = arith.constant 1920 : i32
      %dma_start3A_259 = arith.constant 0 : i32
      %dma_start3A_260 = tpu.memref_slice %arg27[%dma_start3A_258, %dma_start3A_259] : memref<5120x8xf32, #tpu.memory_space<vmem>> -> memref<640x8xf32, #tpu.memory_space<vmem>>
      tpu.enqueue_dma source(%arg12 : memref<640x8xf32, #tpu.memory_space<hbm>>) target(%dma_start3A_260 : memref<640x8xf32, #tpu.memory_space<vmem>>) target_semaphore(%run_scoped3A_254 : memref<!tpu.dma_semaphore, #tpu.memory_space<semaphore_mem>>)
      %dma_wait3A_261 = arith.constant 1920 : i32
      %dma_wait3A_262 = arith.constant 0 : i32
      %dma_wait3A_263 = tpu.memref_slice %arg27[%dma_wait3A_261, %dma_wait3A_262] : memref<5120x8xf32, #tpu.memory_space<vmem>> -> memref<640x8xf32, #tpu.memory_space<vmem>>
      %dma_wait3A_264 = arith.constant 1920 : i32
      %dma_wait3A_265 = arith.constant 0 : i32
      %dma_wait3A_266 = tpu.memref_slice %arg27[%dma_wait3A_264, %dma_wait3A_265] : memref<5120x8xf32, #tpu.memory_space<vmem>> -> memref<640x8xf32, #tpu.memory_space<vmem>>
      tpu.wait_dma2 semaphore(%run_scoped3A_254 : memref<!tpu.dma_semaphore, #tpu.memory_space<semaphore_mem>>) src(%arg12 : memref<640x8xf32, #tpu.memory_space<hbm>>) dst(%dma_wait3A_266 : memref<640x8xf32, #tpu.memory_space<vmem>>)
      tpu.yield
    }) : () -> ()
    "tpu.region"() ({
      %run_scoped3A_254 = tpu.sem_alloc : memref<!tpu.dma_semaphore, #tpu.memory_space<semaphore_mem>>
      %dma_start3A_255 = arith.constant 2560 : i32
      %dma_start3A_256 = arith.constant 0 : i32
      %dma_start3A_257 = tpu.memref_slice %arg27[%dma_start3A_255, %dma_start3A_256] : memref<5120x8xf32, #tpu.memory_space<vmem>> -> memref<640x8xf32, #tpu.memory_space<vmem>>
      %dma_start3A_258 = arith.constant 2560 : i32
      %dma_start3A_259 = arith.constant 0 : i32
      %dma_start3A_260 = tpu.memref_slice %arg27[%dma_start3A_258, %dma_start3A_259] : memref<5120x8xf32, #tpu.memory_space<vmem>> -> memref<640x8xf32, #tpu.memory_space<vmem>>
      tpu.enqueue_dma source(%arg12 : memref<640x8xf32, #tpu.memory_space<hbm>>) target(%dma_start3A_260 : memref<640x8xf32, #tpu.memory_space<vmem>>) target_semaphore(%run_scoped3A_254 : memref<!tpu.dma_semaphore, #tpu.memory_space<semaphore_mem>>)
      %dma_wait3A_261 = arith.constant 2560 : i32
      %dma_wait3A_262 = arith.constant 0 : i32
      %dma_wait3A_263 = tpu.memref_slice %arg27[%dma_wait3A_261, %dma_wait3A_262] : memref<5120x8xf32, #tpu.memory_space<vmem>> -> memref<640x8xf32, #tpu.memory_space<vmem>>
      %dma_wait3A_264 = arith.constant 2560 : i32
      %dma_wait3A_265 = arith.constant 0 : i32
      %dma_wait3A_266 = tpu.memref_slice %arg27[%dma_wait3A_264, %dma_wait3A_265] : memref<5120x8xf32, #tpu.memory_space<vmem>> -> memref<640x8xf32, #tpu.memory_space<vmem>>
      tpu.wait_dma2 semaphore(%run_scoped3A_254 : memref<!tpu.dma_semaphore, #tpu.memory_space<semaphore_mem>>) src(%arg12 : memref<640x8xf32, #tpu.memory_space<hbm>>) dst(%dma_wait3A_266 : memref<640x8xf32, #tpu.memory_space<vmem>>)
      tpu.yield
    }) : () -> ()
    "tpu.region"() ({
      %run_scoped3A_254 = tpu.sem_alloc : memref<!tpu.dma_semaphore, #tpu.memory_space<semaphore_mem>>
      %dma_start3A_255 = arith.constant 3200 : i32
      %dma_start3A_256 = arith.constant 0 : i32
      %dma_start3A_257 = tpu.memref_slice %arg27[%dma_start3A_255, %dma_start3A_256] : memref<5120x8xf32, #tpu.memory_space<vmem>> -> memref<640x8xf32, #tpu.memory_space<vmem>>
      %dma_start3A_258 = arith.constant 3200 : i32
      %dma_start3A_259 = arith.constant 0 : i32
      %dma_start3A_260 = tpu.memref_slice %arg27[%dma_start3A_258, %dma_start3A_259] : memref<5120x8xf32, #tpu.memory_space<vmem>> -> memref<640x8xf32, #tpu.memory_space<vmem>>
      tpu.enqueue_dma source(%arg12 : memref<640x8xf32, #tpu.memory_space<hbm>>) target(%dma_start3A_260 : memref<640x8xf32, #tpu.memory_space<vmem>>) target_semaphore(%run_scoped3A_254 : memref<!tpu.dma_semaphore, #tpu.memory_space<semaphore_mem>>)
      %dma_wait3A_261 = arith.constant 3200 : i32
      %dma_wait3A_262 = arith.constant 0 : i32
      %dma_wait3A_263 = tpu.memref_slice %arg27[%dma_wait3A_261, %dma_wait3A_262] : memref<5120x8xf32, #tpu.memory_space<vmem>> -> memref<640x8xf32, #tpu.memory_space<vmem>>
      %dma_wait3A_264 = arith.constant 3200 : i32
      %dma_wait3A_265 = arith.constant 0 : i32
      %dma_wait3A_266 = tpu.memref_slice %arg27[%dma_wait3A_264, %dma_wait3A_265] : memref<5120x8xf32, #tpu.memory_space<vmem>> -> memref<640x8xf32, #tpu.memory_space<vmem>>
      tpu.wait_dma2 semaphore(%run_scoped3A_254 : memref<!tpu.dma_semaphore, #tpu.memory_space<semaphore_mem>>) src(%arg12 : memref<640x8xf32, #tpu.memory_space<hbm>>) dst(%dma_wait3A_266 : memref<640x8xf32, #tpu.memory_space<vmem>>)
      tpu.yield
    }) : () -> ()
    "tpu.region"() ({
      %run_scoped3A_254 = tpu.sem_alloc : memref<!tpu.dma_semaphore, #tpu.memory_space<semaphore_mem>>
      %dma_start3A_255 = arith.constant 3840 : i32
      %dma_start3A_256 = arith.constant 0 : i32
      %dma_start3A_257 = tpu.memref_slice %arg27[%dma_start3A_255, %dma_start3A_256] : memref<5120x8xf32, #tpu.memory_space<vmem>> -> memref<640x8xf32, #tpu.memory_space<vmem>>
      %dma_start3A_258 = arith.constant 3840 : i32
      %dma_start3A_259 = arith.constant 0 : i32
      %dma_start3A_260 = tpu.memref_slice %arg27[%dma_start3A_258, %dma_start3A_259] : memref<5120x8xf32, #tpu.memory_space<vmem>> -> memref<640x8xf32, #tpu.memory_space<vmem>>
      tpu.enqueue_dma source(%arg12 : memref<640x8xf32, #tpu.memory_space<hbm>>) target(%dma_start3A_260 : memref<640x8xf32, #tpu.memory_space<vmem>>) target_semaphore(%run_scoped3A_254 : memref<!tpu.dma_semaphore, #tpu.memory_space<semaphore_mem>>)
      %dma_wait3A_261 = arith.constant 3840 : i32
      %dma_wait3A_262 = arith.constant 0 : i32
      %dma_wait3A_263 = tpu.memref_slice %arg27[%dma_wait3A_261, %dma_wait3A_262] : memref<5120x8xf32, #tpu.memory_space<vmem>> -> memref<640x8xf32, #tpu.memory_space<vmem>>
      %dma_wait3A_264 = arith.constant 3840 : i32
      %dma_wait3A_265 = arith.constant 0 : i32
      %dma_wait3A_266 = tpu.memref_slice %arg27[%dma_wait3A_264, %dma_wait3A_265] : memref<5120x8xf32, #tpu.memory_space<vmem>> -> memref<640x8xf32, #tpu.memory_space<vmem>>
      tpu.wait_dma2 semaphore(%run_scoped3A_254 : memref<!tpu.dma_semaphore, #tpu.memory_space<semaphore_mem>>) src(%arg12 : memref<640x8xf32, #tpu.memory_space<hbm>>) dst(%dma_wait3A_266 : memref<640x8xf32, #tpu.memory_space<vmem>>)
      tpu.yield
    }) : () -> ()
    "tpu.region"() ({
      %run_scoped3A_254 = tpu.sem_alloc : memref<!tpu.dma_semaphore, #tpu.memory_space<semaphore_mem>>
      %dma_start3A_255 = arith.constant 4480 : i32
      %dma_start3A_256 = arith.constant 0 : i32
      %dma_start3A_257 = tpu.memref_slice %arg27[%dma_start3A_255, %dma_start3A_256] : memref<5120x8xf32, #tpu.memory_space<vmem>> -> memref<640x8xf32, #tpu.memory_space<vmem>>
      %dma_start3A_258 = arith.constant 4480 : i32
      %dma_start3A_259 = arith.constant 0 : i32
      %dma_start3A_260 = tpu.memref_slice %arg27[%dma_start3A_258, %dma_start3A_259] : memref<5120x8xf32, #tpu.memory_space<vmem>> -> memref<640x8xf32, #tpu.memory_space<vmem>>
      tpu.enqueue_dma source(%arg12 : memref<640x8xf32, #tpu.memory_space<hbm>>) target(%dma_start3A_260 : memref<640x8xf32, #tpu.memory_space<vmem>>) target_semaphore(%run_scoped3A_254 : memref<!tpu.dma_semaphore, #tpu.memory_space<semaphore_mem>>)
      %dma_wait3A_261 = arith.constant 4480 : i32
      %dma_wait3A_262 = arith.constant 0 : i32
      %dma_wait3A_263 = tpu.memref_slice %arg27[%dma_wait3A_261, %dma_wait3A_262] : memref<5120x8xf32, #tpu.memory_space<vmem>> -> memref<640x8xf32, #tpu.memory_space<vmem>>
      %dma_wait3A_264 = arith.constant 4480 : i32
      %dma_wait3A_265 = arith.constant 0 : i32
      %dma_wait3A_266 = tpu.memref_slice %arg27[%dma_wait3A_264, %dma_wait3A_265] : memref<5120x8xf32, #tpu.memory_space<vmem>> -> memref<640x8xf32, #tpu.memory_space<vmem>>
      tpu.wait_dma2 semaphore(%run_scoped3A_254 : memref<!tpu.dma_semaphore, #tpu.memory_space<semaphore_mem>>) src(%arg12 : memref<640x8xf32, #tpu.memory_space<hbm>>) dst(%dma_wait3A_266 : memref<640x8xf32, #tpu.memory_space<vmem>>)
      tpu.yield
    }) : () -> ()
    "tpu.region"() ({
      %run_scoped3A_254 = tpu.sem_alloc : memref<!tpu.dma_semaphore, #tpu.memory_space<semaphore_mem>>
      tpu.enqueue_dma source(%arg10 : memref<10x16xf32, #tpu.memory_space<hbm>>) target(%arg31 : memref<10x16xf32, #tpu.memory_space<vmem>>) target_semaphore(%run_scoped3A_254 : memref<!tpu.dma_semaphore, #tpu.memory_space<semaphore_mem>>)
      tpu.wait_dma2 semaphore(%run_scoped3A_254 : memref<!tpu.dma_semaphore, #tpu.memory_space<semaphore_mem>>) src(%arg10 : memref<10x16xf32, #tpu.memory_space<hbm>>) dst(%arg31 : memref<10x16xf32, #tpu.memory_space<vmem>>)
      tpu.yield
    }) : () -> ()
    %barrier3A = arith.constant 0 : index
    tpu.barrier barrier_id(%barrier3A)
    %add3A = arith.constant 0 : i32
    %add3A_3 = arith.addi %mul3A_0, %add3A : i32
    %dma_start3A = tpu.memref_slice %arg2[%add3A_3] : memref<327680xf32, #tpu.memory_space<hbm>> -> memref<5120xf32, #tpu.memory_space<hbm>>
    %dma_start3A_4 = tpu.memref_slice %arg2[%add3A_3] : memref<327680xf32, #tpu.memory_space<hbm>> -> memref<5120xf32, #tpu.memory_space<hbm>>
    tpu.enqueue_dma source(%dma_start3A_4 : memref<5120xf32, #tpu.memory_space<hbm>>) target(%arg22 : memref<5120xf32, #tpu.memory_space<vmem>>) target_semaphore(%arg35 : memref<!tpu.dma_semaphore, #tpu.memory_space<semaphore_mem>>)
    %dma_start3A_5 = tpu.memref_slice %arg9[%add3A_3] : memref<327680xi32, #tpu.memory_space<hbm>> -> memref<5120xi32, #tpu.memory_space<hbm>>
    %dma_start3A_6 = tpu.memref_slice %arg9[%add3A_3] : memref<327680xi32, #tpu.memory_space<hbm>> -> memref<5120xi32, #tpu.memory_space<hbm>>
    tpu.enqueue_dma source(%dma_start3A_6 : memref<5120xi32, #tpu.memory_space<hbm>>) target(%arg20 : memref<5120xi32, #tpu.memory_space<vmem>>) target_semaphore(%arg35 : memref<!tpu.dma_semaphore, #tpu.memory_space<semaphore_mem>>)
    %dma_wait3A = tpu.memref_slice %arg2[%add3A_3] : memref<327680xf32, #tpu.memory_space<hbm>> -> memref<5120xf32, #tpu.memory_space<hbm>>
    %dma_wait3A_7 = tpu.memref_slice %arg2[%add3A_3] : memref<327680xf32, #tpu.memory_space<hbm>> -> memref<5120xf32, #tpu.memory_space<hbm>>
    tpu.wait_dma2 semaphore(%arg35 : memref<!tpu.dma_semaphore, #tpu.memory_space<semaphore_mem>>) src(%dma_wait3A_7 : memref<5120xf32, #tpu.memory_space<hbm>>) dst(%arg22 : memref<5120xf32, #tpu.memory_space<vmem>>)
    %dma_wait3A_8 = tpu.memref_slice %arg9[%add3A_3] : memref<327680xi32, #tpu.memory_space<hbm>> -> memref<5120xi32, #tpu.memory_space<hbm>>
    %dma_wait3A_9 = tpu.memref_slice %arg9[%add3A_3] : memref<327680xi32, #tpu.memory_space<hbm>> -> memref<5120xi32, #tpu.memory_space<hbm>>
    tpu.wait_dma2 semaphore(%arg35 : memref<!tpu.dma_semaphore, #tpu.memory_space<semaphore_mem>>) src(%dma_wait3A_9 : memref<5120xi32, #tpu.memory_space<hbm>>) dst(%arg20 : memref<5120xi32, #tpu.memory_space<vmem>>)
    "tpu.region"() ({
      %run_scoped3A_254 = tpu.sem_alloc : memref<!tpu.dma_semaphore, #tpu.memory_space<semaphore_mem>>
      %dma_start3A_255 = arith.constant 0 : i32
      %dma_start3A_256 = tpu.memref_slice %arg15[%dma_start3A_255] : memref<10240xf32, #tpu.memory_space<vmem_shared>> -> memref<10240xf32, #tpu.memory_space<vmem_shared>>
      tpu.enqueue_indirect_dma source(%arg22 : memref<5120xf32, #tpu.memory_space<vmem>>) target(%dma_start3A_256 : memref<10240xf32, #tpu.memory_space<vmem_shared>>) offsets(%arg20 : memref<5120xi32, #tpu.memory_space<vmem>>) semaphore(%run_scoped3A_254 : memref<!tpu.dma_semaphore, #tpu.memory_space<semaphore_mem>>) {add = true}
      %dma_wait3A_257 = arith.constant 0 : i32
      %dma_wait3A_258 = tpu.memref_slice %arg15[%dma_wait3A_257] : memref<10240xf32, #tpu.memory_space<vmem_shared>> -> memref<10240xf32, #tpu.memory_space<vmem_shared>>
      tpu.wait_indirect_dma semaphore(%run_scoped3A_254 : memref<!tpu.dma_semaphore, #tpu.memory_space<semaphore_mem>>) src(%arg22 : memref<5120xf32, #tpu.memory_space<vmem>>) dst(%dma_wait3A_258 : memref<10240xf32, #tpu.memory_space<vmem_shared>>)
      tpu.yield
    }) : () -> ()
    %add3A_10 = arith.constant 5120 : i32
    %add3A_11 = arith.addi %mul3A_0, %add3A_10 : i32
    %dma_start3A_12 = tpu.memref_slice %arg2[%add3A_11] : memref<327680xf32, #tpu.memory_space<hbm>> -> memref<5120xf32, #tpu.memory_space<hbm>>
    %dma_start3A_13 = tpu.memref_slice %arg2[%add3A_11] : memref<327680xf32, #tpu.memory_space<hbm>> -> memref<5120xf32, #tpu.memory_space<hbm>>
    tpu.enqueue_dma source(%dma_start3A_13 : memref<5120xf32, #tpu.memory_space<hbm>>) target(%arg22 : memref<5120xf32, #tpu.memory_space<vmem>>) target_semaphore(%arg35 : memref<!tpu.dma_semaphore, #tpu.memory_space<semaphore_mem>>)
    %dma_start3A_14 = tpu.memref_slice %arg9[%add3A_11] : memref<327680xi32, #tpu.memory_space<hbm>> -> memref<5120xi32, #tpu.memory_space<hbm>>
    %dma_start3A_15 = tpu.memref_slice %arg9[%add3A_11] : memref<327680xi32, #tpu.memory_space<hbm>> -> memref<5120xi32, #tpu.memory_space<hbm>>
    tpu.enqueue_dma source(%dma_start3A_15 : memref<5120xi32, #tpu.memory_space<hbm>>) target(%arg20 : memref<5120xi32, #tpu.memory_space<vmem>>) target_semaphore(%arg35 : memref<!tpu.dma_semaphore, #tpu.memory_space<semaphore_mem>>)
    %dma_wait3A_16 = tpu.memref_slice %arg2[%add3A_11] : memref<327680xf32, #tpu.memory_space<hbm>> -> memref<5120xf32, #tpu.memory_space<hbm>>
    %dma_wait3A_17 = tpu.memref_slice %arg2[%add3A_11] : memref<327680xf32, #tpu.memory_space<hbm>> -> memref<5120xf32, #tpu.memory_space<hbm>>
    tpu.wait_dma2 semaphore(%arg35 : memref<!tpu.dma_semaphore, #tpu.memory_space<semaphore_mem>>) src(%dma_wait3A_17 : memref<5120xf32, #tpu.memory_space<hbm>>) dst(%arg22 : memref<5120xf32, #tpu.memory_space<vmem>>)
    %dma_wait3A_18 = tpu.memref_slice %arg9[%add3A_11] : memref<327680xi32, #tpu.memory_space<hbm>> -> memref<5120xi32, #tpu.memory_space<hbm>>
    %dma_wait3A_19 = tpu.memref_slice %arg9[%add3A_11] : memref<327680xi32, #tpu.memory_space<hbm>> -> memref<5120xi32, #tpu.memory_space<hbm>>
    tpu.wait_dma2 semaphore(%arg35 : memref<!tpu.dma_semaphore, #tpu.memory_space<semaphore_mem>>) src(%dma_wait3A_19 : memref<5120xi32, #tpu.memory_space<hbm>>) dst(%arg20 : memref<5120xi32, #tpu.memory_space<vmem>>)
    "tpu.region"() ({
      %run_scoped3A_254 = tpu.sem_alloc : memref<!tpu.dma_semaphore, #tpu.memory_space<semaphore_mem>>
      %dma_start3A_255 = arith.constant 0 : i32
      %dma_start3A_256 = tpu.memref_slice %arg15[%dma_start3A_255] : memref<10240xf32, #tpu.memory_space<vmem_shared>> -> memref<10240xf32, #tpu.memory_space<vmem_shared>>
      tpu.enqueue_indirect_dma source(%arg22 : memref<5120xf32, #tpu.memory_space<vmem>>) target(%dma_start3A_256 : memref<10240xf32, #tpu.memory_space<vmem_shared>>) offsets(%arg20 : memref<5120xi32, #tpu.memory_space<vmem>>) semaphore(%run_scoped3A_254 : memref<!tpu.dma_semaphore, #tpu.memory_space<semaphore_mem>>) {add = true}
      %dma_wait3A_257 = arith.constant 0 : i32
      %dma_wait3A_258 = tpu.memref_slice %arg15[%dma_wait3A_257] : memref<10240xf32, #tpu.memory_space<vmem_shared>> -> memref<10240xf32, #tpu.memory_space<vmem_shared>>
      tpu.wait_indirect_dma semaphore(%run_scoped3A_254 : memref<!tpu.dma_semaphore, #tpu.memory_space<semaphore_mem>>) src(%arg22 : memref<5120xf32, #tpu.memory_space<vmem>>) dst(%dma_wait3A_258 : memref<10240xf32, #tpu.memory_space<vmem_shared>>)
      tpu.yield
    }) : () -> ()
    %add3A_20 = arith.constant 10240 : i32
    %add3A_21 = arith.addi %mul3A_0, %add3A_20 : i32
    %dma_start3A_22 = tpu.memref_slice %arg2[%add3A_21] : memref<327680xf32, #tpu.memory_space<hbm>> -> memref<5120xf32, #tpu.memory_space<hbm>>
    %dma_start3A_23 = tpu.memref_slice %arg2[%add3A_21] : memref<327680xf32, #tpu.memory_space<hbm>> -> memref<5120xf32, #tpu.memory_space<hbm>>
    tpu.enqueue_dma source(%dma_start3A_23 : memref<5120xf32, #tpu.memory_space<hbm>>) target(%arg22 : memref<5120xf32, #tpu.memory_space<vmem>>) target_semaphore(%arg35 : memref<!tpu.dma_semaphore, #tpu.memory_space<semaphore_mem>>)
    %dma_start3A_24 = tpu.memref_slice %arg9[%add3A_21] : memref<327680xi32, #tpu.memory_space<hbm>> -> memref<5120xi32, #tpu.memory_space<hbm>>
    %dma_start3A_25 = tpu.memref_slice %arg9[%add3A_21] : memref<327680xi32, #tpu.memory_space<hbm>> -> memref<5120xi32, #tpu.memory_space<hbm>>
    tpu.enqueue_dma source(%dma_start3A_25 : memref<5120xi32, #tpu.memory_space<hbm>>) target(%arg20 : memref<5120xi32, #tpu.memory_space<vmem>>) target_semaphore(%arg35 : memref<!tpu.dma_semaphore, #tpu.memory_space<semaphore_mem>>)
    %dma_wait3A_26 = tpu.memref_slice %arg2[%add3A_21] : memref<327680xf32, #tpu.memory_space<hbm>> -> memref<5120xf32, #tpu.memory_space<hbm>>
    %dma_wait3A_27 = tpu.memref_slice %arg2[%add3A_21] : memref<327680xf32, #tpu.memory_space<hbm>> -> memref<5120xf32, #tpu.memory_space<hbm>>
    tpu.wait_dma2 semaphore(%arg35 : memref<!tpu.dma_semaphore, #tpu.memory_space<semaphore_mem>>) src(%dma_wait3A_27 : memref<5120xf32, #tpu.memory_space<hbm>>) dst(%arg22 : memref<5120xf32, #tpu.memory_space<vmem>>)
    %dma_wait3A_28 = tpu.memref_slice %arg9[%add3A_21] : memref<327680xi32, #tpu.memory_space<hbm>> -> memref<5120xi32, #tpu.memory_space<hbm>>
    %dma_wait3A_29 = tpu.memref_slice %arg9[%add3A_21] : memref<327680xi32, #tpu.memory_space<hbm>> -> memref<5120xi32, #tpu.memory_space<hbm>>
    tpu.wait_dma2 semaphore(%arg35 : memref<!tpu.dma_semaphore, #tpu.memory_space<semaphore_mem>>) src(%dma_wait3A_29 : memref<5120xi32, #tpu.memory_space<hbm>>) dst(%arg20 : memref<5120xi32, #tpu.memory_space<vmem>>)
    "tpu.region"() ({
      %run_scoped3A_254 = tpu.sem_alloc : memref<!tpu.dma_semaphore, #tpu.memory_space<semaphore_mem>>
      %dma_start3A_255 = arith.constant 0 : i32
      %dma_start3A_256 = tpu.memref_slice %arg15[%dma_start3A_255] : memref<10240xf32, #tpu.memory_space<vmem_shared>> -> memref<10240xf32, #tpu.memory_space<vmem_shared>>
      tpu.enqueue_indirect_dma source(%arg22 : memref<5120xf32, #tpu.memory_space<vmem>>) target(%dma_start3A_256 : memref<10240xf32, #tpu.memory_space<vmem_shared>>) offsets(%arg20 : memref<5120xi32, #tpu.memory_space<vmem>>) semaphore(%run_scoped3A_254 : memref<!tpu.dma_semaphore, #tpu.memory_space<semaphore_mem>>) {add = true}
      %dma_wait3A_257 = arith.constant 0 : i32
      %dma_wait3A_258 = tpu.memref_slice %arg15[%dma_wait3A_257] : memref<10240xf32, #tpu.memory_space<vmem_shared>> -> memref<10240xf32, #tpu.memory_space<vmem_shared>>
      tpu.wait_indirect_dma semaphore(%run_scoped3A_254 : memref<!tpu.dma_semaphore, #tpu.memory_space<semaphore_mem>>) src(%arg22 : memref<5120xf32, #tpu.memory_space<vmem>>) dst(%dma_wait3A_258 : memref<10240xf32, #tpu.memory_space<vmem_shared>>)
      tpu.yield
    }) : () -> ()
    %add3A_30 = arith.constant 15360 : i32
    %add3A_31 = arith.addi %mul3A_0, %add3A_30 : i32
    %dma_start3A_32 = tpu.memref_slice %arg2[%add3A_31] : memref<327680xf32, #tpu.memory_space<hbm>> -> memref<5120xf32, #tpu.memory_space<hbm>>
    %dma_start3A_33 = tpu.memref_slice %arg2[%add3A_31] : memref<327680xf32, #tpu.memory_space<hbm>> -> memref<5120xf32, #tpu.memory_space<hbm>>
    tpu.enqueue_dma source(%dma_start3A_33 : memref<5120xf32, #tpu.memory_space<hbm>>) target(%arg22 : memref<5120xf32, #tpu.memory_space<vmem>>) target_semaphore(%arg35 : memref<!tpu.dma_semaphore, #tpu.memory_space<semaphore_mem>>)
    %dma_start3A_34 = tpu.memref_slice %arg9[%add3A_31] : memref<327680xi32, #tpu.memory_space<hbm>> -> memref<5120xi32, #tpu.memory_space<hbm>>
    %dma_start3A_35 = tpu.memref_slice %arg9[%add3A_31] : memref<327680xi32, #tpu.memory_space<hbm>> -> memref<5120xi32, #tpu.memory_space<hbm>>
    tpu.enqueue_dma source(%dma_start3A_35 : memref<5120xi32, #tpu.memory_space<hbm>>) target(%arg20 : memref<5120xi32, #tpu.memory_space<vmem>>) target_semaphore(%arg35 : memref<!tpu.dma_semaphore, #tpu.memory_space<semaphore_mem>>)
    %dma_wait3A_36 = tpu.memref_slice %arg2[%add3A_31] : memref<327680xf32, #tpu.memory_space<hbm>> -> memref<5120xf32, #tpu.memory_space<hbm>>
    %dma_wait3A_37 = tpu.memref_slice %arg2[%add3A_31] : memref<327680xf32, #tpu.memory_space<hbm>> -> memref<5120xf32, #tpu.memory_space<hbm>>
    tpu.wait_dma2 semaphore(%arg35 : memref<!tpu.dma_semaphore, #tpu.memory_space<semaphore_mem>>) src(%dma_wait3A_37 : memref<5120xf32, #tpu.memory_space<hbm>>) dst(%arg22 : memref<5120xf32, #tpu.memory_space<vmem>>)
    %dma_wait3A_38 = tpu.memref_slice %arg9[%add3A_31] : memref<327680xi32, #tpu.memory_space<hbm>> -> memref<5120xi32, #tpu.memory_space<hbm>>
    %dma_wait3A_39 = tpu.memref_slice %arg9[%add3A_31] : memref<327680xi32, #tpu.memory_space<hbm>> -> memref<5120xi32, #tpu.memory_space<hbm>>
    tpu.wait_dma2 semaphore(%arg35 : memref<!tpu.dma_semaphore, #tpu.memory_space<semaphore_mem>>) src(%dma_wait3A_39 : memref<5120xi32, #tpu.memory_space<hbm>>) dst(%arg20 : memref<5120xi32, #tpu.memory_space<vmem>>)
    "tpu.region"() ({
      %run_scoped3A_254 = tpu.sem_alloc : memref<!tpu.dma_semaphore, #tpu.memory_space<semaphore_mem>>
      %dma_start3A_255 = arith.constant 0 : i32
      %dma_start3A_256 = tpu.memref_slice %arg15[%dma_start3A_255] : memref<10240xf32, #tpu.memory_space<vmem_shared>> -> memref<10240xf32, #tpu.memory_space<vmem_shared>>
      tpu.enqueue_indirect_dma source(%arg22 : memref<5120xf32, #tpu.memory_space<vmem>>) target(%dma_start3A_256 : memref<10240xf32, #tpu.memory_space<vmem_shared>>) offsets(%arg20 : memref<5120xi32, #tpu.memory_space<vmem>>) semaphore(%run_scoped3A_254 : memref<!tpu.dma_semaphore, #tpu.memory_space<semaphore_mem>>) {add = true}
      %dma_wait3A_257 = arith.constant 0 : i32
      %dma_wait3A_258 = tpu.memref_slice %arg15[%dma_wait3A_257] : memref<10240xf32, #tpu.memory_space<vmem_shared>> -> memref<10240xf32, #tpu.memory_space<vmem_shared>>
      tpu.wait_indirect_dma semaphore(%run_scoped3A_254 : memref<!tpu.dma_semaphore, #tpu.memory_space<semaphore_mem>>) src(%arg22 : memref<5120xf32, #tpu.memory_space<vmem>>) dst(%dma_wait3A_258 : memref<10240xf32, #tpu.memory_space<vmem_shared>>)
      tpu.yield
    }) : () -> ()
    %barrier3A_40 = arith.constant 0 : index
    tpu.barrier barrier_id(%barrier3A_40)
    "tpu.region"() ({
      %run_scoped3A_254 = tpu.sem_alloc : memref<!tpu.dma_semaphore, #tpu.memory_space<semaphore_mem>>
      %dma_start3A_255 = tpu.memref_slice %arg15[%mul3A_2] : memref<10240xf32, #tpu.memory_space<vmem_shared>> -> memref<640xf32, #tpu.memory_space<vmem_shared>>
      %dma_start3A_256 = tpu.memref_slice %arg15[%mul3A_2] : memref<10240xf32, #tpu.memory_space<vmem_shared>> -> memref<640xf32, #tpu.memory_space<vmem_shared>>
      tpu.enqueue_dma source(%dma_start3A_256 : memref<640xf32, #tpu.memory_space<vmem_shared>>) target(%arg29 : memref<640xf32, #tpu.memory_space<vmem>>) target_semaphore(%run_scoped3A_254 : memref<!tpu.dma_semaphore, #tpu.memory_space<semaphore_mem>>)
      %dma_wait3A_257 = tpu.memref_slice %arg15[%mul3A_2] : memref<10240xf32, #tpu.memory_space<vmem_shared>> -> memref<640xf32, #tpu.memory_space<vmem_shared>>
      %dma_wait3A_258 = tpu.memref_slice %arg15[%mul3A_2] : memref<10240xf32, #tpu.memory_space<vmem_shared>> -> memref<640xf32, #tpu.memory_space<vmem_shared>>
      tpu.wait_dma2 semaphore(%run_scoped3A_254 : memref<!tpu.dma_semaphore, #tpu.memory_space<semaphore_mem>>) src(%dma_wait3A_258 : memref<640xf32, #tpu.memory_space<vmem_shared>>) dst(%arg29 : memref<640xf32, #tpu.memory_space<vmem>>)
      tpu.yield
    }) : () -> ()
    %get3A = arith.constant 0 : i32
    %get3A_41 = arith.index_cast %get3A : i32 to index
    %get3A_42 = arith.constant 0 : index
    %get3A_43 = tpu.vector_load %arg31[%get3A_41, %get3A_42] {strides = array<i32>} : memref<10x16xf32, #tpu.memory_space<vmem>>, vector<16xf32>,
    %get3A_44 = arith.constant 1 : i32
    %get3A_45 = arith.index_cast %get3A_44 : i32 to index
    %get3A_46 = arith.constant 0 : index
    %get3A_47 = tpu.vector_load %arg31[%get3A_45, %get3A_46] {strides = array<i32>} : memref<10x16xf32, #tpu.memory_space<vmem>>, vector<16xf32>,
    %get3A_48 = arith.constant 2 : i32
    %get3A_49 = arith.index_cast %get3A_48 : i32 to index
    %get3A_50 = arith.constant 0 : index
    %get3A_51 = tpu.vector_load %arg31[%get3A_49, %get3A_50] {strides = array<i32>} : memref<10x16xf32, #tpu.memory_space<vmem>>, vector<16xf32>,
    %get3A_52 = arith.constant 3 : i32
    %get3A_53 = arith.index_cast %get3A_52 : i32 to index
    %get3A_54 = arith.constant 0 : index
    %get3A_55 = tpu.vector_load %arg31[%get3A_53, %get3A_54] {strides = array<i32>} : memref<10x16xf32, #tpu.memory_space<vmem>>, vector<16xf32>,
    %get3A_56 = arith.constant 4 : i32
    %get3A_57 = arith.index_cast %get3A_56 : i32 to index
    %get3A_58 = arith.constant 0 : index
    %get3A_59 = tpu.vector_load %arg31[%get3A_57, %get3A_58] {strides = array<i32>} : memref<10x16xf32, #tpu.memory_space<vmem>>, vector<16xf32>,
    %get3A_60 = arith.constant 5 : i32
    %get3A_61 = arith.index_cast %get3A_60 : i32 to index
    %get3A_62 = arith.constant 0 : index
    %get3A_63 = tpu.vector_load %arg31[%get3A_61, %get3A_62] {strides = array<i32>} : memref<10x16xf32, #tpu.memory_space<vmem>>, vector<16xf32>,
    %get3A_64 = arith.constant 6 : i32
    %get3A_65 = arith.index_cast %get3A_64 : i32 to index
    %get3A_66 = arith.constant 0 : index
    %get3A_67 = tpu.vector_load %arg31[%get3A_65, %get3A_66] {strides = array<i32>} : memref<10x16xf32, #tpu.memory_space<vmem>>, vector<16xf32>,
    %get3A_68 = arith.constant 7 : i32
    %get3A_69 = arith.index_cast %get3A_68 : i32 to index
    %get3A_70 = arith.constant 0 : index
    %get3A_71 = tpu.vector_load %arg31[%get3A_69, %get3A_70] {strides = array<i32>} : memref<10x16xf32, #tpu.memory_space<vmem>>, vector<16xf32>,
    %get3A_72 = arith.constant 8 : i32
    %get3A_73 = arith.index_cast %get3A_72 : i32 to index
    %get3A_74 = arith.constant 0 : index
    %get3A_75 = tpu.vector_load %arg31[%get3A_73, %get3A_74] {strides = array<i32>} : memref<10x16xf32, #tpu.memory_space<vmem>>, vector<16xf32>,
    %get3A_76 = arith.constant 9 : i32
    %get3A_77 = arith.index_cast %get3A_76 : i32 to index
    %get3A_78 = arith.constant 0 : index
    %get3A_79 = tpu.vector_load %arg31[%get3A_77, %get3A_78] {strides = array<i32>} : memref<10x16xf32, #tpu.memory_space<vmem>>, vector<16xf32>,
    %broadcast_in_dim3A = arith.constant 0.000000e+00 : f32
    %broadcast_in_dim3A_80 = vector.broadcast %broadcast_in_dim3A : f32 to vector<16xf32>
    %scan3A = arith.constant 0 : i32
    %scan3A_81 = arith.constant 40 : i32
    %scan3A_82 = arith.addi %scan3A, %scan3A_81 : i32
    %scan3A_83 = arith.constant 1 : i32
    %scan3A_84 = scf.for %scan3A_254 = %scan3A to %scan3A_82 step %scan3A_83 iter_args(%scan3A_255 = %broadcast_in_dim3A_80) -> (vector<16xf32>)  : i32 {
      %mul3A_256 = arith.constant 16 : i32
      %mul3A_257 = arith.muli %scan3A_254, %mul3A_256 : i32
      %get3A_258 = arith.index_cast %mul3A_257 : i32 to index
      %get3A_259 = tpu.vector_load %arg29[%get3A_258] {strides = array<i32>} : memref<640xf32, #tpu.memory_space<vmem>>, vector<16xf32>,
      %broadcast_in_dim3A_260 = arith.constant 1.000000e+00 : f32
      %broadcast_in_dim3A_261 = vector.broadcast %broadcast_in_dim3A_260 : f32 to vector<16xf32>
      %ge3A = arith.constant 4.000000e+00 : f32
      %ge3A_262 = vector.broadcast %ge3A : f32 to vector<16xf32>
      %ge3A_263 = arith.cmpf oge, %get3A_259, %ge3A_262 : vector<16xf32>
      %mul3A_264 = arith.constant 2.500000e-01 : f32
      %mul3A_265 = vector.broadcast %mul3A_264 : f32 to vector<16xf32>
      %mul3A_266 = arith.mulf %get3A_259, %mul3A_265 : vector<16xf32>
      %select_n3A = arith.select %ge3A_263, %mul3A_266, %get3A_259 : vector<16xi1>, vector<16xf32>
      %mul3A_267 = arith.constant 5.000000e-01 : f32
      %mul3A_268 = vector.broadcast %mul3A_267 : f32 to vector<16xf32>
      %mul3A_269 = arith.mulf %broadcast_in_dim3A_261, %mul3A_268 : vector<16xf32>
      %select_n3A_270 = arith.select %ge3A_263, %mul3A_269, %broadcast_in_dim3A_261 : vector<16xi1>, vector<16xf32>
      %ge3A_271 = arith.constant 4.000000e+00 : f32
      %ge3A_272 = vector.broadcast %ge3A_271 : f32 to vector<16xf32>
      %ge3A_273 = arith.cmpf oge, %select_n3A, %ge3A_272 : vector<16xf32>
      %mul3A_274 = arith.constant 2.500000e-01 : f32
      %mul3A_275 = vector.broadcast %mul3A_274 : f32 to vector<16xf32>
      %mul3A_276 = arith.mulf %select_n3A, %mul3A_275 : vector<16xf32>
      %select_n3A_277 = arith.select %ge3A_273, %mul3A_276, %select_n3A : vector<16xi1>, vector<16xf32>
      %mul3A_278 = arith.constant 5.000000e-01 : f32
      %mul3A_279 = vector.broadcast %mul3A_278 : f32 to vector<16xf32>
      %mul3A_280 = arith.mulf %select_n3A_270, %mul3A_279 : vector<16xf32>
      %select_n3A_281 = arith.select %ge3A_273, %mul3A_280, %select_n3A_270 : vector<16xi1>, vector<16xf32>
      %ge3A_282 = arith.constant 4.000000e+00 : f32
      %ge3A_283 = vector.broadcast %ge3A_282 : f32 to vector<16xf32>
      %ge3A_284 = arith.cmpf oge, %select_n3A_277, %ge3A_283 : vector<16xf32>
      %mul3A_285 = arith.constant 2.500000e-01 : f32
      %mul3A_286 = vector.broadcast %mul3A_285 : f32 to vector<16xf32>
      %mul3A_287 = arith.mulf %select_n3A_277, %mul3A_286 : vector<16xf32>
      %select_n3A_288 = arith.select %ge3A_284, %mul3A_287, %select_n3A_277 : vector<16xi1>, vector<16xf32>
      %mul3A_289 = arith.constant 5.000000e-01 : f32
      %mul3A_290 = vector.broadcast %mul3A_289 : f32 to vector<16xf32>
      %mul3A_291 = arith.mulf %select_n3A_281, %mul3A_290 : vector<16xf32>
      %select_n3A_292 = arith.select %ge3A_284, %mul3A_291, %select_n3A_281 : vector<16xi1>, vector<16xf32>
      %ge3A_293 = arith.constant 4.000000e+00 : f32
      %ge3A_294 = vector.broadcast %ge3A_293 : f32 to vector<16xf32>
      %ge3A_295 = arith.cmpf oge, %select_n3A_288, %ge3A_294 : vector<16xf32>
      %mul3A_296 = arith.constant 2.500000e-01 : f32
      %mul3A_297 = vector.broadcast %mul3A_296 : f32 to vector<16xf32>
      %mul3A_298 = arith.mulf %select_n3A_288, %mul3A_297 : vector<16xf32>
      %select_n3A_299 = arith.select %ge3A_295, %mul3A_298, %select_n3A_288 : vector<16xi1>, vector<16xf32>
      %mul3A_300 = arith.constant 5.000000e-01 : f32
      %mul3A_301 = vector.broadcast %mul3A_300 : f32 to vector<16xf32>
      %mul3A_302 = arith.mulf %select_n3A_292, %mul3A_301 : vector<16xf32>
      %select_n3A_303 = arith.select %ge3A_295, %mul3A_302, %select_n3A_292 : vector<16xi1>, vector<16xf32>
      %ge3A_304 = arith.constant 4.000000e+00 : f32
      %ge3A_305 = vector.broadcast %ge3A_304 : f32 to vector<16xf32>
      %ge3A_306 = arith.cmpf oge, %select_n3A_299, %ge3A_305 : vector<16xf32>
      %mul3A_307 = arith.constant 2.500000e-01 : f32
      %mul3A_308 = vector.broadcast %mul3A_307 : f32 to vector<16xf32>
      %mul3A_309 = arith.mulf %select_n3A_299, %mul3A_308 : vector<16xf32>
      %select_n3A_310 = arith.select %ge3A_306, %mul3A_309, %select_n3A_299 : vector<16xi1>, vector<16xf32>
      %mul3A_311 = arith.constant 5.000000e-01 : f32
      %mul3A_312 = vector.broadcast %mul3A_311 : f32 to vector<16xf32>
      %mul3A_313 = arith.mulf %select_n3A_303, %mul3A_312 : vector<16xf32>
      %select_n3A_314 = arith.select %ge3A_306, %mul3A_313, %select_n3A_303 : vector<16xi1>, vector<16xf32>
      %ge3A_315 = arith.constant 4.000000e+00 : f32
      %ge3A_316 = vector.broadcast %ge3A_315 : f32 to vector<16xf32>
      %ge3A_317 = arith.cmpf oge, %select_n3A_310, %ge3A_316 : vector<16xf32>
      %mul3A_318 = arith.constant 2.500000e-01 : f32
      %mul3A_319 = vector.broadcast %mul3A_318 : f32 to vector<16xf32>
      %mul3A_320 = arith.mulf %select_n3A_310, %mul3A_319 : vector<16xf32>
      %select_n3A_321 = arith.select %ge3A_317, %mul3A_320, %select_n3A_310 : vector<16xi1>, vector<16xf32>
      %mul3A_322 = arith.constant 5.000000e-01 : f32
      %mul3A_323 = vector.broadcast %mul3A_322 : f32 to vector<16xf32>
      %mul3A_324 = arith.mulf %select_n3A_314, %mul3A_323 : vector<16xf32>
      %select_n3A_325 = arith.select %ge3A_317, %mul3A_324, %select_n3A_314 : vector<16xi1>, vector<16xf32>
      %ge3A_326 = arith.constant 4.000000e+00 : f32
      %ge3A_327 = vector.broadcast %ge3A_326 : f32 to vector<16xf32>
      %ge3A_328 = arith.cmpf oge, %select_n3A_321, %ge3A_327 : vector<16xf32>
      %mul3A_329 = arith.constant 2.500000e-01 : f32
      %mul3A_330 = vector.broadcast %mul3A_329 : f32 to vector<16xf32>
      %mul3A_331 = arith.mulf %select_n3A_321, %mul3A_330 : vector<16xf32>
      %select_n3A_332 = arith.select %ge3A_328, %mul3A_331, %select_n3A_321 : vector<16xi1>, vector<16xf32>
      %mul3A_333 = arith.constant 5.000000e-01 : f32
      %mul3A_334 = vector.broadcast %mul3A_333 : f32 to vector<16xf32>
      %mul3A_335 = arith.mulf %select_n3A_325, %mul3A_334 : vector<16xf32>
      %select_n3A_336 = arith.select %ge3A_328, %mul3A_335, %select_n3A_325 : vector<16xi1>, vector<16xf32>
      %ge3A_337 = arith.constant 4.000000e+00 : f32
      %ge3A_338 = vector.broadcast %ge3A_337 : f32 to vector<16xf32>
      %ge3A_339 = arith.cmpf oge, %select_n3A_332, %ge3A_338 : vector<16xf32>
      %mul3A_340 = arith.constant 2.500000e-01 : f32
      %mul3A_341 = vector.broadcast %mul3A_340 : f32 to vector<16xf32>
      %mul3A_342 = arith.mulf %select_n3A_332, %mul3A_341 : vector<16xf32>
      %select_n3A_343 = arith.select %ge3A_339, %mul3A_342, %select_n3A_332 : vector<16xi1>, vector<16xf32>
      %mul3A_344 = arith.constant 5.000000e-01 : f32
      %mul3A_345 = vector.broadcast %mul3A_344 : f32 to vector<16xf32>
      %mul3A_346 = arith.mulf %select_n3A_336, %mul3A_345 : vector<16xf32>
      %select_n3A_347 = arith.select %ge3A_339, %mul3A_346, %select_n3A_336 : vector<16xi1>, vector<16xf32>
      %ge3A_348 = arith.constant 4.000000e+00 : f32
      %ge3A_349 = vector.broadcast %ge3A_348 : f32 to vector<16xf32>
      %ge3A_350 = arith.cmpf oge, %select_n3A_343, %ge3A_349 : vector<16xf32>
      %mul3A_351 = arith.constant 2.500000e-01 : f32
      %mul3A_352 = vector.broadcast %mul3A_351 : f32 to vector<16xf32>
      %mul3A_353 = arith.mulf %select_n3A_343, %mul3A_352 : vector<16xf32>
      %select_n3A_354 = arith.select %ge3A_350, %mul3A_353, %select_n3A_343 : vector<16xi1>, vector<16xf32>
      %mul3A_355 = arith.constant 5.000000e-01 : f32
      %mul3A_356 = vector.broadcast %mul3A_355 : f32 to vector<16xf32>
      %mul3A_357 = arith.mulf %select_n3A_347, %mul3A_356 : vector<16xf32>
      %select_n3A_358 = arith.select %ge3A_350, %mul3A_357, %select_n3A_347 : vector<16xi1>, vector<16xf32>
      %ge3A_359 = arith.constant 4.000000e+00 : f32
      %ge3A_360 = vector.broadcast %ge3A_359 : f32 to vector<16xf32>
      %ge3A_361 = arith.cmpf oge, %select_n3A_354, %ge3A_360 : vector<16xf32>
      %mul3A_362 = arith.constant 2.500000e-01 : f32
      %mul3A_363 = vector.broadcast %mul3A_362 : f32 to vector<16xf32>
      %mul3A_364 = arith.mulf %select_n3A_354, %mul3A_363 : vector<16xf32>
      %select_n3A_365 = arith.select %ge3A_361, %mul3A_364, %select_n3A_354 : vector<16xi1>, vector<16xf32>
      %mul3A_366 = arith.constant 5.000000e-01 : f32
      %mul3A_367 = vector.broadcast %mul3A_366 : f32 to vector<16xf32>
      %mul3A_368 = arith.mulf %select_n3A_358, %mul3A_367 : vector<16xf32>
      %select_n3A_369 = arith.select %ge3A_361, %mul3A_368, %select_n3A_358 : vector<16xi1>, vector<16xf32>
      %ge3A_370 = arith.constant 4.000000e+00 : f32
      %ge3A_371 = vector.broadcast %ge3A_370 : f32 to vector<16xf32>
      %ge3A_372 = arith.cmpf oge, %select_n3A_365, %ge3A_371 : vector<16xf32>
      %mul3A_373 = arith.constant 2.500000e-01 : f32
      %mul3A_374 = vector.broadcast %mul3A_373 : f32 to vector<16xf32>
      %mul3A_375 = arith.mulf %select_n3A_365, %mul3A_374 : vector<16xf32>
      %select_n3A_376 = arith.select %ge3A_372, %mul3A_375, %select_n3A_365 : vector<16xi1>, vector<16xf32>
      %mul3A_377 = arith.constant 5.000000e-01 : f32
      %mul3A_378 = vector.broadcast %mul3A_377 : f32 to vector<16xf32>
      %mul3A_379 = arith.mulf %select_n3A_369, %mul3A_378 : vector<16xf32>
      %select_n3A_380 = arith.select %ge3A_372, %mul3A_379, %select_n3A_369 : vector<16xi1>, vector<16xf32>
      %ge3A_381 = arith.constant 4.000000e+00 : f32
      %ge3A_382 = vector.broadcast %ge3A_381 : f32 to vector<16xf32>
      %ge3A_383 = arith.cmpf oge, %select_n3A_376, %ge3A_382 : vector<16xf32>
      %mul3A_384 = arith.constant 2.500000e-01 : f32
      %mul3A_385 = vector.broadcast %mul3A_384 : f32 to vector<16xf32>
      %mul3A_386 = arith.mulf %select_n3A_376, %mul3A_385 : vector<16xf32>
      %select_n3A_387 = arith.select %ge3A_383, %mul3A_386, %select_n3A_376 : vector<16xi1>, vector<16xf32>
      %mul3A_388 = arith.constant 5.000000e-01 : f32
      %mul3A_389 = vector.broadcast %mul3A_388 : f32 to vector<16xf32>
      %mul3A_390 = arith.mulf %select_n3A_380, %mul3A_389 : vector<16xf32>
      %select_n3A_391 = arith.select %ge3A_383, %mul3A_390, %select_n3A_380 : vector<16xi1>, vector<16xf32>
      %ge3A_392 = arith.constant 4.000000e+00 : f32
      %ge3A_393 = vector.broadcast %ge3A_392 : f32 to vector<16xf32>
      %ge3A_394 = arith.cmpf oge, %select_n3A_387, %ge3A_393 : vector<16xf32>
      %mul3A_395 = arith.constant 2.500000e-01 : f32
      %mul3A_396 = vector.broadcast %mul3A_395 : f32 to vector<16xf32>
      %mul3A_397 = arith.mulf %select_n3A_387, %mul3A_396 : vector<16xf32>
      %select_n3A_398 = arith.select %ge3A_394, %mul3A_397, %select_n3A_387 : vector<16xi1>, vector<16xf32>
      %mul3A_399 = arith.constant 5.000000e-01 : f32
      %mul3A_400 = vector.broadcast %mul3A_399 : f32 to vector<16xf32>
      %mul3A_401 = arith.mulf %select_n3A_391, %mul3A_400 : vector<16xf32>
      %select_n3A_402 = arith.select %ge3A_394, %mul3A_401, %select_n3A_391 : vector<16xi1>, vector<16xf32>
      %ge3A_403 = arith.constant 4.000000e+00 : f32
      %ge3A_404 = vector.broadcast %ge3A_403 : f32 to vector<16xf32>
      %ge3A_405 = arith.cmpf oge, %select_n3A_398, %ge3A_404 : vector<16xf32>
      %mul3A_406 = arith.constant 2.500000e-01 : f32
      %mul3A_407 = vector.broadcast %mul3A_406 : f32 to vector<16xf32>
      %mul3A_408 = arith.mulf %select_n3A_398, %mul3A_407 : vector<16xf32>
      %select_n3A_409 = arith.select %ge3A_405, %mul3A_408, %select_n3A_398 : vector<16xi1>, vector<16xf32>
      %mul3A_410 = arith.constant 5.000000e-01 : f32
      %mul3A_411 = vector.broadcast %mul3A_410 : f32 to vector<16xf32>
      %mul3A_412 = arith.mulf %select_n3A_402, %mul3A_411 : vector<16xf32>
      %select_n3A_413 = arith.select %ge3A_405, %mul3A_412, %select_n3A_402 : vector<16xi1>, vector<16xf32>
      %ge3A_414 = arith.constant 4.000000e+00 : f32
      %ge3A_415 = vector.broadcast %ge3A_414 : f32 to vector<16xf32>
      %ge3A_416 = arith.cmpf oge, %select_n3A_409, %ge3A_415 : vector<16xf32>
      %mul3A_417 = arith.constant 2.500000e-01 : f32
      %mul3A_418 = vector.broadcast %mul3A_417 : f32 to vector<16xf32>
      %mul3A_419 = arith.mulf %select_n3A_409, %mul3A_418 : vector<16xf32>
      %select_n3A_420 = arith.select %ge3A_416, %mul3A_419, %select_n3A_409 : vector<16xi1>, vector<16xf32>
      %mul3A_421 = arith.constant 5.000000e-01 : f32
      %mul3A_422 = vector.broadcast %mul3A_421 : f32 to vector<16xf32>
      %mul3A_423 = arith.mulf %select_n3A_413, %mul3A_422 : vector<16xf32>
      %select_n3A_424 = arith.select %ge3A_416, %mul3A_423, %select_n3A_413 : vector<16xi1>, vector<16xf32>
      %ge3A_425 = arith.constant 4.000000e+00 : f32
      %ge3A_426 = vector.broadcast %ge3A_425 : f32 to vector<16xf32>
      %ge3A_427 = arith.cmpf oge, %select_n3A_420, %ge3A_426 : vector<16xf32>
      %mul3A_428 = arith.constant 2.500000e-01 : f32
      %mul3A_429 = vector.broadcast %mul3A_428 : f32 to vector<16xf32>
      %mul3A_430 = arith.mulf %select_n3A_420, %mul3A_429 : vector<16xf32>
      %select_n3A_431 = arith.select %ge3A_427, %mul3A_430, %select_n3A_420 : vector<16xi1>, vector<16xf32>
      %mul3A_432 = arith.constant 5.000000e-01 : f32
      %mul3A_433 = vector.broadcast %mul3A_432 : f32 to vector<16xf32>
      %mul3A_434 = arith.mulf %select_n3A_424, %mul3A_433 : vector<16xf32>
      %select_n3A_435 = arith.select %ge3A_427, %mul3A_434, %select_n3A_424 : vector<16xi1>, vector<16xf32>
      %lt3A = arith.constant 1.000000e+00 : f32
      %lt3A_436 = vector.broadcast %lt3A : f32 to vector<16xf32>
      %lt3A_437 = arith.cmpf olt, %select_n3A_431, %lt3A_436 : vector<16xf32>
      %mul3A_438 = arith.constant 4.000000e+00 : f32
      %mul3A_439 = vector.broadcast %mul3A_438 : f32 to vector<16xf32>
      %mul3A_440 = arith.mulf %select_n3A_431, %mul3A_439 : vector<16xf32>
      %select_n3A_441 = arith.select %lt3A_437, %mul3A_440, %select_n3A_431 : vector<16xi1>, vector<16xf32>
      %mul3A_442 = arith.constant 2.000000e+00 : f32
      %mul3A_443 = vector.broadcast %mul3A_442 : f32 to vector<16xf32>
      %mul3A_444 = arith.mulf %select_n3A_435, %mul3A_443 : vector<16xf32>
      %select_n3A_445 = arith.select %lt3A_437, %mul3A_444, %select_n3A_435 : vector<16xi1>, vector<16xf32>
      %lt3A_446 = arith.constant 1.000000e+00 : f32
      %lt3A_447 = vector.broadcast %lt3A_446 : f32 to vector<16xf32>
      %lt3A_448 = arith.cmpf olt, %select_n3A_441, %lt3A_447 : vector<16xf32>
      %mul3A_449 = arith.constant 4.000000e+00 : f32
      %mul3A_450 = vector.broadcast %mul3A_449 : f32 to vector<16xf32>
      %mul3A_451 = arith.mulf %select_n3A_441, %mul3A_450 : vector<16xf32>
      %select_n3A_452 = arith.select %lt3A_448, %mul3A_451, %select_n3A_441 : vector<16xi1>, vector<16xf32>
      %mul3A_453 = arith.constant 2.000000e+00 : f32
      %mul3A_454 = vector.broadcast %mul3A_453 : f32 to vector<16xf32>
      %mul3A_455 = arith.mulf %select_n3A_445, %mul3A_454 : vector<16xf32>
      %select_n3A_456 = arith.select %lt3A_448, %mul3A_455, %select_n3A_445 : vector<16xi1>, vector<16xf32>
      %lt3A_457 = arith.constant 1.000000e+00 : f32
      %lt3A_458 = vector.broadcast %lt3A_457 : f32 to vector<16xf32>
      %lt3A_459 = arith.cmpf olt, %select_n3A_452, %lt3A_458 : vector<16xf32>
      %mul3A_460 = arith.constant 4.000000e+00 : f32
      %mul3A_461 = vector.broadcast %mul3A_460 : f32 to vector<16xf32>
      %mul3A_462 = arith.mulf %select_n3A_452, %mul3A_461 : vector<16xf32>
      %select_n3A_463 = arith.select %lt3A_459, %mul3A_462, %select_n3A_452 : vector<16xi1>, vector<16xf32>
      %mul3A_464 = arith.constant 2.000000e+00 : f32
      %mul3A_465 = vector.broadcast %mul3A_464 : f32 to vector<16xf32>
      %mul3A_466 = arith.mulf %select_n3A_456, %mul3A_465 : vector<16xf32>
      %select_n3A_467 = arith.select %lt3A_459, %mul3A_466, %select_n3A_456 : vector<16xi1>, vector<16xf32>
      %lt3A_468 = arith.constant 1.000000e+00 : f32
      %lt3A_469 = vector.broadcast %lt3A_468 : f32 to vector<16xf32>
      %lt3A_470 = arith.cmpf olt, %select_n3A_463, %lt3A_469 : vector<16xf32>
      %mul3A_471 = arith.constant 4.000000e+00 : f32
      %mul3A_472 = vector.broadcast %mul3A_471 : f32 to vector<16xf32>
      %mul3A_473 = arith.mulf %select_n3A_463, %mul3A_472 : vector<16xf32>
      %select_n3A_474 = arith.select %lt3A_470, %mul3A_473, %select_n3A_463 : vector<16xi1>, vector<16xf32>
      %mul3A_475 = arith.constant 2.000000e+00 : f32
      %mul3A_476 = vector.broadcast %mul3A_475 : f32 to vector<16xf32>
      %mul3A_477 = arith.mulf %select_n3A_467, %mul3A_476 : vector<16xf32>
      %select_n3A_478 = arith.select %lt3A_470, %mul3A_477, %select_n3A_467 : vector<16xi1>, vector<16xf32>
      %lt3A_479 = arith.constant 1.000000e+00 : f32
      %lt3A_480 = vector.broadcast %lt3A_479 : f32 to vector<16xf32>
      %lt3A_481 = arith.cmpf olt, %select_n3A_474, %lt3A_480 : vector<16xf32>
      %mul3A_482 = arith.constant 4.000000e+00 : f32
      %mul3A_483 = vector.broadcast %mul3A_482 : f32 to vector<16xf32>
      %mul3A_484 = arith.mulf %select_n3A_474, %mul3A_483 : vector<16xf32>
      %select_n3A_485 = arith.select %lt3A_481, %mul3A_484, %select_n3A_474 : vector<16xi1>, vector<16xf32>
      %mul3A_486 = arith.constant 2.000000e+00 : f32
      %mul3A_487 = vector.broadcast %mul3A_486 : f32 to vector<16xf32>
      %mul3A_488 = arith.mulf %select_n3A_478, %mul3A_487 : vector<16xf32>
      %select_n3A_489 = arith.select %lt3A_481, %mul3A_488, %select_n3A_478 : vector<16xi1>, vector<16xf32>
      %lt3A_490 = arith.constant 1.000000e+00 : f32
      %lt3A_491 = vector.broadcast %lt3A_490 : f32 to vector<16xf32>
      %lt3A_492 = arith.cmpf olt, %select_n3A_485, %lt3A_491 : vector<16xf32>
      %mul3A_493 = arith.constant 4.000000e+00 : f32
      %mul3A_494 = vector.broadcast %mul3A_493 : f32 to vector<16xf32>
      %mul3A_495 = arith.mulf %select_n3A_485, %mul3A_494 : vector<16xf32>
      %select_n3A_496 = arith.select %lt3A_492, %mul3A_495, %select_n3A_485 : vector<16xi1>, vector<16xf32>
      %mul3A_497 = arith.constant 2.000000e+00 : f32
      %mul3A_498 = vector.broadcast %mul3A_497 : f32 to vector<16xf32>
      %mul3A_499 = arith.mulf %select_n3A_489, %mul3A_498 : vector<16xf32>
      %select_n3A_500 = arith.select %lt3A_492, %mul3A_499, %select_n3A_489 : vector<16xi1>, vector<16xf32>
      %lt3A_501 = arith.constant 1.000000e+00 : f32
      %lt3A_502 = vector.broadcast %lt3A_501 : f32 to vector<16xf32>
      %lt3A_503 = arith.cmpf olt, %select_n3A_496, %lt3A_502 : vector<16xf32>
      %mul3A_504 = arith.constant 4.000000e+00 : f32
      %mul3A_505 = vector.broadcast %mul3A_504 : f32 to vector<16xf32>
      %mul3A_506 = arith.mulf %select_n3A_496, %mul3A_505 : vector<16xf32>
      %select_n3A_507 = arith.select %lt3A_503, %mul3A_506, %select_n3A_496 : vector<16xi1>, vector<16xf32>
      %mul3A_508 = arith.constant 2.000000e+00 : f32
      %mul3A_509 = vector.broadcast %mul3A_508 : f32 to vector<16xf32>
      %mul3A_510 = arith.mulf %select_n3A_500, %mul3A_509 : vector<16xf32>
      %select_n3A_511 = arith.select %lt3A_503, %mul3A_510, %select_n3A_500 : vector<16xi1>, vector<16xf32>
      %lt3A_512 = arith.constant 1.000000e+00 : f32
      %lt3A_513 = vector.broadcast %lt3A_512 : f32 to vector<16xf32>
      %lt3A_514 = arith.cmpf olt, %select_n3A_507, %lt3A_513 : vector<16xf32>
      %mul3A_515 = arith.constant 4.000000e+00 : f32
      %mul3A_516 = vector.broadcast %mul3A_515 : f32 to vector<16xf32>
      %mul3A_517 = arith.mulf %select_n3A_507, %mul3A_516 : vector<16xf32>
      %select_n3A_518 = arith.select %lt3A_514, %mul3A_517, %select_n3A_507 : vector<16xi1>, vector<16xf32>
      %mul3A_519 = arith.constant 2.000000e+00 : f32
      %mul3A_520 = vector.broadcast %mul3A_519 : f32 to vector<16xf32>
      %mul3A_521 = arith.mulf %select_n3A_511, %mul3A_520 : vector<16xf32>
      %select_n3A_522 = arith.select %lt3A_514, %mul3A_521, %select_n3A_511 : vector<16xi1>, vector<16xf32>
      %lt3A_523 = arith.constant 1.000000e+00 : f32
      %lt3A_524 = vector.broadcast %lt3A_523 : f32 to vector<16xf32>
      %lt3A_525 = arith.cmpf olt, %select_n3A_518, %lt3A_524 : vector<16xf32>
      %mul3A_526 = arith.constant 4.000000e+00 : f32
      %mul3A_527 = vector.broadcast %mul3A_526 : f32 to vector<16xf32>
      %mul3A_528 = arith.mulf %select_n3A_518, %mul3A_527 : vector<16xf32>
      %select_n3A_529 = arith.select %lt3A_525, %mul3A_528, %select_n3A_518 : vector<16xi1>, vector<16xf32>
      %mul3A_530 = arith.constant 2.000000e+00 : f32
      %mul3A_531 = vector.broadcast %mul3A_530 : f32 to vector<16xf32>
      %mul3A_532 = arith.mulf %select_n3A_522, %mul3A_531 : vector<16xf32>
      %select_n3A_533 = arith.select %lt3A_525, %mul3A_532, %select_n3A_522 : vector<16xi1>, vector<16xf32>
      %lt3A_534 = arith.constant 1.000000e+00 : f32
      %lt3A_535 = vector.broadcast %lt3A_534 : f32 to vector<16xf32>
      %lt3A_536 = arith.cmpf olt, %select_n3A_529, %lt3A_535 : vector<16xf32>
      %mul3A_537 = arith.constant 4.000000e+00 : f32
      %mul3A_538 = vector.broadcast %mul3A_537 : f32 to vector<16xf32>
      %mul3A_539 = arith.mulf %select_n3A_529, %mul3A_538 : vector<16xf32>
      %select_n3A_540 = arith.select %lt3A_536, %mul3A_539, %select_n3A_529 : vector<16xi1>, vector<16xf32>
      %mul3A_541 = arith.constant 2.000000e+00 : f32
      %mul3A_542 = vector.broadcast %mul3A_541 : f32 to vector<16xf32>
      %mul3A_543 = arith.mulf %select_n3A_533, %mul3A_542 : vector<16xf32>
      %select_n3A_544 = arith.select %lt3A_536, %mul3A_543, %select_n3A_533 : vector<16xi1>, vector<16xf32>
      %lt3A_545 = arith.constant 1.000000e+00 : f32
      %lt3A_546 = vector.broadcast %lt3A_545 : f32 to vector<16xf32>
      %lt3A_547 = arith.cmpf olt, %select_n3A_540, %lt3A_546 : vector<16xf32>
      %mul3A_548 = arith.constant 4.000000e+00 : f32
      %mul3A_549 = vector.broadcast %mul3A_548 : f32 to vector<16xf32>
      %mul3A_550 = arith.mulf %select_n3A_540, %mul3A_549 : vector<16xf32>
      %select_n3A_551 = arith.select %lt3A_547, %mul3A_550, %select_n3A_540 : vector<16xi1>, vector<16xf32>
      %mul3A_552 = arith.constant 2.000000e+00 : f32
      %mul3A_553 = vector.broadcast %mul3A_552 : f32 to vector<16xf32>
      %mul3A_554 = arith.mulf %select_n3A_544, %mul3A_553 : vector<16xf32>
      %select_n3A_555 = arith.select %lt3A_547, %mul3A_554, %select_n3A_544 : vector<16xi1>, vector<16xf32>
      %lt3A_556 = arith.constant 1.000000e+00 : f32
      %lt3A_557 = vector.broadcast %lt3A_556 : f32 to vector<16xf32>
      %lt3A_558 = arith.cmpf olt, %select_n3A_551, %lt3A_557 : vector<16xf32>
      %mul3A_559 = arith.constant 4.000000e+00 : f32
      %mul3A_560 = vector.broadcast %mul3A_559 : f32 to vector<16xf32>
      %mul3A_561 = arith.mulf %select_n3A_551, %mul3A_560 : vector<16xf32>
      %select_n3A_562 = arith.select %lt3A_558, %mul3A_561, %select_n3A_551 : vector<16xi1>, vector<16xf32>
      %mul3A_563 = arith.constant 2.000000e+00 : f32
      %mul3A_564 = vector.broadcast %mul3A_563 : f32 to vector<16xf32>
      %mul3A_565 = arith.mulf %select_n3A_555, %mul3A_564 : vector<16xf32>
      %select_n3A_566 = arith.select %lt3A_558, %mul3A_565, %select_n3A_555 : vector<16xi1>, vector<16xf32>
      %lt3A_567 = arith.constant 1.000000e+00 : f32
      %lt3A_568 = vector.broadcast %lt3A_567 : f32 to vector<16xf32>
      %lt3A_569 = arith.cmpf olt, %select_n3A_562, %lt3A_568 : vector<16xf32>
      %mul3A_570 = arith.constant 4.000000e+00 : f32
      %mul3A_571 = vector.broadcast %mul3A_570 : f32 to vector<16xf32>
      %mul3A_572 = arith.mulf %select_n3A_562, %mul3A_571 : vector<16xf32>
      %select_n3A_573 = arith.select %lt3A_569, %mul3A_572, %select_n3A_562 : vector<16xi1>, vector<16xf32>
      %mul3A_574 = arith.constant 2.000000e+00 : f32
      %mul3A_575 = vector.broadcast %mul3A_574 : f32 to vector<16xf32>
      %mul3A_576 = arith.mulf %select_n3A_566, %mul3A_575 : vector<16xf32>
      %select_n3A_577 = arith.select %lt3A_569, %mul3A_576, %select_n3A_566 : vector<16xi1>, vector<16xf32>
      %lt3A_578 = arith.constant 1.000000e+00 : f32
      %lt3A_579 = vector.broadcast %lt3A_578 : f32 to vector<16xf32>
      %lt3A_580 = arith.cmpf olt, %select_n3A_573, %lt3A_579 : vector<16xf32>
      %mul3A_581 = arith.constant 4.000000e+00 : f32
      %mul3A_582 = vector.broadcast %mul3A_581 : f32 to vector<16xf32>
      %mul3A_583 = arith.mulf %select_n3A_573, %mul3A_582 : vector<16xf32>
      %select_n3A_584 = arith.select %lt3A_580, %mul3A_583, %select_n3A_573 : vector<16xi1>, vector<16xf32>
      %mul3A_585 = arith.constant 2.000000e+00 : f32
      %mul3A_586 = vector.broadcast %mul3A_585 : f32 to vector<16xf32>
      %mul3A_587 = arith.mulf %select_n3A_577, %mul3A_586 : vector<16xf32>
      %select_n3A_588 = arith.select %lt3A_580, %mul3A_587, %select_n3A_577 : vector<16xi1>, vector<16xf32>
      %lt3A_589 = arith.constant 1.000000e+00 : f32
      %lt3A_590 = vector.broadcast %lt3A_589 : f32 to vector<16xf32>
      %lt3A_591 = arith.cmpf olt, %select_n3A_584, %lt3A_590 : vector<16xf32>
      %mul3A_592 = arith.constant 4.000000e+00 : f32
      %mul3A_593 = vector.broadcast %mul3A_592 : f32 to vector<16xf32>
      %mul3A_594 = arith.mulf %select_n3A_584, %mul3A_593 : vector<16xf32>
      %select_n3A_595 = arith.select %lt3A_591, %mul3A_594, %select_n3A_584 : vector<16xi1>, vector<16xf32>
      %mul3A_596 = arith.constant 2.000000e+00 : f32
      %mul3A_597 = vector.broadcast %mul3A_596 : f32 to vector<16xf32>
      %mul3A_598 = arith.mulf %select_n3A_588, %mul3A_597 : vector<16xf32>
      %select_n3A_599 = arith.select %lt3A_591, %mul3A_598, %select_n3A_588 : vector<16xi1>, vector<16xf32>
      %lt3A_600 = arith.constant 1.000000e+00 : f32
      %lt3A_601 = vector.broadcast %lt3A_600 : f32 to vector<16xf32>
      %lt3A_602 = arith.cmpf olt, %select_n3A_595, %lt3A_601 : vector<16xf32>
      %mul3A_603 = arith.constant 4.000000e+00 : f32
      %mul3A_604 = vector.broadcast %mul3A_603 : f32 to vector<16xf32>
      %mul3A_605 = arith.mulf %select_n3A_595, %mul3A_604 : vector<16xf32>
      %select_n3A_606 = arith.select %lt3A_602, %mul3A_605, %select_n3A_595 : vector<16xi1>, vector<16xf32>
      %mul3A_607 = arith.constant 2.000000e+00 : f32
      %mul3A_608 = vector.broadcast %mul3A_607 : f32 to vector<16xf32>
      %mul3A_609 = arith.mulf %select_n3A_599, %mul3A_608 : vector<16xf32>
      %select_n3A_610 = arith.select %lt3A_602, %mul3A_609, %select_n3A_599 : vector<16xi1>, vector<16xf32>
      %lt3A_611 = arith.constant 1.000000e+00 : f32
      %lt3A_612 = vector.broadcast %lt3A_611 : f32 to vector<16xf32>
      %lt3A_613 = arith.cmpf olt, %select_n3A_606, %lt3A_612 : vector<16xf32>
      %mul3A_614 = arith.constant 4.000000e+00 : f32
      %mul3A_615 = vector.broadcast %mul3A_614 : f32 to vector<16xf32>
      %mul3A_616 = arith.mulf %select_n3A_606, %mul3A_615 : vector<16xf32>
      %select_n3A_617 = arith.select %lt3A_613, %mul3A_616, %select_n3A_606 : vector<16xi1>, vector<16xf32>
      %mul3A_618 = arith.constant 2.000000e+00 : f32
      %mul3A_619 = vector.broadcast %mul3A_618 : f32 to vector<16xf32>
      %mul3A_620 = arith.mulf %select_n3A_610, %mul3A_619 : vector<16xf32>
      %select_n3A_621 = arith.select %lt3A_613, %mul3A_620, %select_n3A_610 : vector<16xi1>, vector<16xf32>
      %lt3A_622 = arith.constant 1.000000e+00 : f32
      %lt3A_623 = vector.broadcast %lt3A_622 : f32 to vector<16xf32>
      %lt3A_624 = arith.cmpf olt, %select_n3A_617, %lt3A_623 : vector<16xf32>
      %mul3A_625 = arith.constant 4.000000e+00 : f32
      %mul3A_626 = vector.broadcast %mul3A_625 : f32 to vector<16xf32>
      %mul3A_627 = arith.mulf %select_n3A_617, %mul3A_626 : vector<16xf32>
      %select_n3A_628 = arith.select %lt3A_624, %mul3A_627, %select_n3A_617 : vector<16xi1>, vector<16xf32>
      %mul3A_629 = arith.constant 2.000000e+00 : f32
      %mul3A_630 = vector.broadcast %mul3A_629 : f32 to vector<16xf32>
      %mul3A_631 = arith.mulf %select_n3A_621, %mul3A_630 : vector<16xf32>
      %select_n3A_632 = arith.select %lt3A_624, %mul3A_631, %select_n3A_621 : vector<16xi1>, vector<16xf32>
      %lt3A_633 = arith.constant 1.000000e+00 : f32
      %lt3A_634 = vector.broadcast %lt3A_633 : f32 to vector<16xf32>
      %lt3A_635 = arith.cmpf olt, %select_n3A_628, %lt3A_634 : vector<16xf32>
      %mul3A_636 = arith.constant 4.000000e+00 : f32
      %mul3A_637 = vector.broadcast %mul3A_636 : f32 to vector<16xf32>
      %mul3A_638 = arith.mulf %select_n3A_628, %mul3A_637 : vector<16xf32>
      %select_n3A_639 = arith.select %lt3A_635, %mul3A_638, %select_n3A_628 : vector<16xi1>, vector<16xf32>
      %mul3A_640 = arith.constant 2.000000e+00 : f32
      %mul3A_641 = vector.broadcast %mul3A_640 : f32 to vector<16xf32>
      %mul3A_642 = arith.mulf %select_n3A_632, %mul3A_641 : vector<16xf32>
      %select_n3A_643 = arith.select %lt3A_635, %mul3A_642, %select_n3A_632 : vector<16xi1>, vector<16xf32>
      %lt3A_644 = arith.constant 1.000000e+00 : f32
      %lt3A_645 = vector.broadcast %lt3A_644 : f32 to vector<16xf32>
      %lt3A_646 = arith.cmpf olt, %select_n3A_639, %lt3A_645 : vector<16xf32>
      %mul3A_647 = arith.constant 4.000000e+00 : f32
      %mul3A_648 = vector.broadcast %mul3A_647 : f32 to vector<16xf32>
      %mul3A_649 = arith.mulf %select_n3A_639, %mul3A_648 : vector<16xf32>
      %select_n3A_650 = arith.select %lt3A_646, %mul3A_649, %select_n3A_639 : vector<16xi1>, vector<16xf32>
      %mul3A_651 = arith.constant 2.000000e+00 : f32
      %mul3A_652 = vector.broadcast %mul3A_651 : f32 to vector<16xf32>
      %mul3A_653 = arith.mulf %select_n3A_643, %mul3A_652 : vector<16xf32>
      %select_n3A_654 = arith.select %lt3A_646, %mul3A_653, %select_n3A_643 : vector<16xi1>, vector<16xf32>
      %lt3A_655 = arith.constant 1.000000e+00 : f32
      %lt3A_656 = vector.broadcast %lt3A_655 : f32 to vector<16xf32>
      %lt3A_657 = arith.cmpf olt, %select_n3A_650, %lt3A_656 : vector<16xf32>
      %mul3A_658 = arith.constant 4.000000e+00 : f32
      %mul3A_659 = vector.broadcast %mul3A_658 : f32 to vector<16xf32>
      %mul3A_660 = arith.mulf %select_n3A_650, %mul3A_659 : vector<16xf32>
      %select_n3A_661 = arith.select %lt3A_657, %mul3A_660, %select_n3A_650 : vector<16xi1>, vector<16xf32>
      %mul3A_662 = arith.constant 2.000000e+00 : f32
      %mul3A_663 = vector.broadcast %mul3A_662 : f32 to vector<16xf32>
      %mul3A_664 = arith.mulf %select_n3A_654, %mul3A_663 : vector<16xf32>
      %select_n3A_665 = arith.select %lt3A_657, %mul3A_664, %select_n3A_654 : vector<16xi1>, vector<16xf32>
      %lt3A_666 = arith.constant 1.000000e+00 : f32
      %lt3A_667 = vector.broadcast %lt3A_666 : f32 to vector<16xf32>
      %lt3A_668 = arith.cmpf olt, %select_n3A_661, %lt3A_667 : vector<16xf32>
      %mul3A_669 = arith.constant 4.000000e+00 : f32
      %mul3A_670 = vector.broadcast %mul3A_669 : f32 to vector<16xf32>
      %mul3A_671 = arith.mulf %select_n3A_661, %mul3A_670 : vector<16xf32>
      %select_n3A_672 = arith.select %lt3A_668, %mul3A_671, %select_n3A_661 : vector<16xi1>, vector<16xf32>
      %mul3A_673 = arith.constant 2.000000e+00 : f32
      %mul3A_674 = vector.broadcast %mul3A_673 : f32 to vector<16xf32>
      %mul3A_675 = arith.mulf %select_n3A_665, %mul3A_674 : vector<16xf32>
      %select_n3A_676 = arith.select %lt3A_668, %mul3A_675, %select_n3A_665 : vector<16xi1>, vector<16xf32>
      %lt3A_677 = arith.constant 1.000000e+00 : f32
      %lt3A_678 = vector.broadcast %lt3A_677 : f32 to vector<16xf32>
      %lt3A_679 = arith.cmpf olt, %select_n3A_672, %lt3A_678 : vector<16xf32>
      %mul3A_680 = arith.constant 4.000000e+00 : f32
      %mul3A_681 = vector.broadcast %mul3A_680 : f32 to vector<16xf32>
      %mul3A_682 = arith.mulf %select_n3A_672, %mul3A_681 : vector<16xf32>
      %select_n3A_683 = arith.select %lt3A_679, %mul3A_682, %select_n3A_672 : vector<16xi1>, vector<16xf32>
      %mul3A_684 = arith.constant 2.000000e+00 : f32
      %mul3A_685 = vector.broadcast %mul3A_684 : f32 to vector<16xf32>
      %mul3A_686 = arith.mulf %select_n3A_676, %mul3A_685 : vector<16xf32>
      %select_n3A_687 = arith.select %lt3A_679, %mul3A_686, %select_n3A_676 : vector<16xi1>, vector<16xf32>
      %lt3A_688 = arith.constant 1.000000e+00 : f32
      %lt3A_689 = vector.broadcast %lt3A_688 : f32 to vector<16xf32>
      %lt3A_690 = arith.cmpf olt, %select_n3A_683, %lt3A_689 : vector<16xf32>
      %mul3A_691 = arith.constant 4.000000e+00 : f32
      %mul3A_692 = vector.broadcast %mul3A_691 : f32 to vector<16xf32>
      %mul3A_693 = arith.mulf %select_n3A_683, %mul3A_692 : vector<16xf32>
      %select_n3A_694 = arith.select %lt3A_690, %mul3A_693, %select_n3A_683 : vector<16xi1>, vector<16xf32>
      %mul3A_695 = arith.constant 2.000000e+00 : f32
      %mul3A_696 = vector.broadcast %mul3A_695 : f32 to vector<16xf32>
      %mul3A_697 = arith.mulf %select_n3A_687, %mul3A_696 : vector<16xf32>
      %select_n3A_698 = arith.select %lt3A_690, %mul3A_697, %select_n3A_687 : vector<16xi1>, vector<16xf32>
      %lt3A_699 = arith.constant 1.000000e+00 : f32
      %lt3A_700 = vector.broadcast %lt3A_699 : f32 to vector<16xf32>
      %lt3A_701 = arith.cmpf olt, %select_n3A_694, %lt3A_700 : vector<16xf32>
      %mul3A_702 = arith.constant 4.000000e+00 : f32
      %mul3A_703 = vector.broadcast %mul3A_702 : f32 to vector<16xf32>
      %mul3A_704 = arith.mulf %select_n3A_694, %mul3A_703 : vector<16xf32>
      %select_n3A_705 = arith.select %lt3A_701, %mul3A_704, %select_n3A_694 : vector<16xi1>, vector<16xf32>
      %mul3A_706 = arith.constant 2.000000e+00 : f32
      %mul3A_707 = vector.broadcast %mul3A_706 : f32 to vector<16xf32>
      %mul3A_708 = arith.mulf %select_n3A_698, %mul3A_707 : vector<16xf32>
      %select_n3A_709 = arith.select %lt3A_701, %mul3A_708, %select_n3A_698 : vector<16xi1>, vector<16xf32>
      %lt3A_710 = arith.constant 1.000000e+00 : f32
      %lt3A_711 = vector.broadcast %lt3A_710 : f32 to vector<16xf32>
      %lt3A_712 = arith.cmpf olt, %select_n3A_705, %lt3A_711 : vector<16xf32>
      %mul3A_713 = arith.constant 4.000000e+00 : f32
      %mul3A_714 = vector.broadcast %mul3A_713 : f32 to vector<16xf32>
      %mul3A_715 = arith.mulf %select_n3A_705, %mul3A_714 : vector<16xf32>
      %select_n3A_716 = arith.select %lt3A_712, %mul3A_715, %select_n3A_705 : vector<16xi1>, vector<16xf32>
      %mul3A_717 = arith.constant 2.000000e+00 : f32
      %mul3A_718 = vector.broadcast %mul3A_717 : f32 to vector<16xf32>
      %mul3A_719 = arith.mulf %select_n3A_709, %mul3A_718 : vector<16xf32>
      %select_n3A_720 = arith.select %lt3A_712, %mul3A_719, %select_n3A_709 : vector<16xi1>, vector<16xf32>
      %lt3A_721 = arith.constant 1.000000e+00 : f32
      %lt3A_722 = vector.broadcast %lt3A_721 : f32 to vector<16xf32>
      %lt3A_723 = arith.cmpf olt, %select_n3A_716, %lt3A_722 : vector<16xf32>
      %mul3A_724 = arith.constant 4.000000e+00 : f32
      %mul3A_725 = vector.broadcast %mul3A_724 : f32 to vector<16xf32>
      %mul3A_726 = arith.mulf %select_n3A_716, %mul3A_725 : vector<16xf32>
      %select_n3A_727 = arith.select %lt3A_723, %mul3A_726, %select_n3A_716 : vector<16xi1>, vector<16xf32>
      %mul3A_728 = arith.constant 2.000000e+00 : f32
      %mul3A_729 = vector.broadcast %mul3A_728 : f32 to vector<16xf32>
      %mul3A_730 = arith.mulf %select_n3A_720, %mul3A_729 : vector<16xf32>
      %select_n3A_731 = arith.select %lt3A_723, %mul3A_730, %select_n3A_720 : vector<16xi1>, vector<16xf32>
      %lt3A_732 = arith.constant 1.000000e+00 : f32
      %lt3A_733 = vector.broadcast %lt3A_732 : f32 to vector<16xf32>
      %lt3A_734 = arith.cmpf olt, %select_n3A_727, %lt3A_733 : vector<16xf32>
      %mul3A_735 = arith.constant 4.000000e+00 : f32
      %mul3A_736 = vector.broadcast %mul3A_735 : f32 to vector<16xf32>
      %mul3A_737 = arith.mulf %select_n3A_727, %mul3A_736 : vector<16xf32>
      %select_n3A_738 = arith.select %lt3A_734, %mul3A_737, %select_n3A_727 : vector<16xi1>, vector<16xf32>
      %mul3A_739 = arith.constant 2.000000e+00 : f32
      %mul3A_740 = vector.broadcast %mul3A_739 : f32 to vector<16xf32>
      %mul3A_741 = arith.mulf %select_n3A_731, %mul3A_740 : vector<16xf32>
      %select_n3A_742 = arith.select %lt3A_734, %mul3A_741, %select_n3A_731 : vector<16xi1>, vector<16xf32>
      %lt3A_743 = arith.constant 1.000000e+00 : f32
      %lt3A_744 = vector.broadcast %lt3A_743 : f32 to vector<16xf32>
      %lt3A_745 = arith.cmpf olt, %select_n3A_738, %lt3A_744 : vector<16xf32>
      %mul3A_746 = arith.constant 4.000000e+00 : f32
      %mul3A_747 = vector.broadcast %mul3A_746 : f32 to vector<16xf32>
      %mul3A_748 = arith.mulf %select_n3A_738, %mul3A_747 : vector<16xf32>
      %select_n3A_749 = arith.select %lt3A_745, %mul3A_748, %select_n3A_738 : vector<16xi1>, vector<16xf32>
      %mul3A_750 = arith.constant 2.000000e+00 : f32
      %mul3A_751 = vector.broadcast %mul3A_750 : f32 to vector<16xf32>
      %mul3A_752 = arith.mulf %select_n3A_742, %mul3A_751 : vector<16xf32>
      %select_n3A_753 = arith.select %lt3A_745, %mul3A_752, %select_n3A_742 : vector<16xi1>, vector<16xf32>
      %lt3A_754 = arith.constant 1.000000e+00 : f32
      %lt3A_755 = vector.broadcast %lt3A_754 : f32 to vector<16xf32>
      %lt3A_756 = arith.cmpf olt, %select_n3A_749, %lt3A_755 : vector<16xf32>
      %mul3A_757 = arith.constant 4.000000e+00 : f32
      %mul3A_758 = vector.broadcast %mul3A_757 : f32 to vector<16xf32>
      %mul3A_759 = arith.mulf %select_n3A_749, %mul3A_758 : vector<16xf32>
      %select_n3A_760 = arith.select %lt3A_756, %mul3A_759, %select_n3A_749 : vector<16xi1>, vector<16xf32>
      %mul3A_761 = arith.constant 2.000000e+00 : f32
      %mul3A_762 = vector.broadcast %mul3A_761 : f32 to vector<16xf32>
      %mul3A_763 = arith.mulf %select_n3A_753, %mul3A_762 : vector<16xf32>
      %select_n3A_764 = arith.select %lt3A_756, %mul3A_763, %select_n3A_753 : vector<16xi1>, vector<16xf32>
      %lt3A_765 = arith.constant 1.000000e+00 : f32
      %lt3A_766 = vector.broadcast %lt3A_765 : f32 to vector<16xf32>
      %lt3A_767 = arith.cmpf olt, %select_n3A_760, %lt3A_766 : vector<16xf32>
      %mul3A_768 = arith.constant 4.000000e+00 : f32
      %mul3A_769 = vector.broadcast %mul3A_768 : f32 to vector<16xf32>
      %mul3A_770 = arith.mulf %select_n3A_760, %mul3A_769 : vector<16xf32>
      %select_n3A_771 = arith.select %lt3A_767, %mul3A_770, %select_n3A_760 : vector<16xi1>, vector<16xf32>
      %mul3A_772 = arith.constant 2.000000e+00 : f32
      %mul3A_773 = vector.broadcast %mul3A_772 : f32 to vector<16xf32>
      %mul3A_774 = arith.mulf %select_n3A_764, %mul3A_773 : vector<16xf32>
      %select_n3A_775 = arith.select %lt3A_767, %mul3A_774, %select_n3A_764 : vector<16xi1>, vector<16xf32>
      %lt3A_776 = arith.constant 1.000000e+00 : f32
      %lt3A_777 = vector.broadcast %lt3A_776 : f32 to vector<16xf32>
      %lt3A_778 = arith.cmpf olt, %select_n3A_771, %lt3A_777 : vector<16xf32>
      %mul3A_779 = arith.constant 4.000000e+00 : f32
      %mul3A_780 = vector.broadcast %mul3A_779 : f32 to vector<16xf32>
      %mul3A_781 = arith.mulf %select_n3A_771, %mul3A_780 : vector<16xf32>
      %select_n3A_782 = arith.select %lt3A_778, %mul3A_781, %select_n3A_771 : vector<16xi1>, vector<16xf32>
      %mul3A_783 = arith.constant 2.000000e+00 : f32
      %mul3A_784 = vector.broadcast %mul3A_783 : f32 to vector<16xf32>
      %mul3A_785 = arith.mulf %select_n3A_775, %mul3A_784 : vector<16xf32>
      %select_n3A_786 = arith.select %lt3A_778, %mul3A_785, %select_n3A_775 : vector<16xi1>, vector<16xf32>
      %mul3A_787 = arith.constant 0.0493981391 : f32
      %mul3A_788 = vector.broadcast %mul3A_787 : f32 to vector<16xf32>
      %mul3A_789 = arith.mulf %select_n3A_782, %mul3A_788 : vector<16xf32>
      %add3A_790 = arith.constant -0.395166606 : f32
      %add3A_791 = vector.broadcast %add3A_790 : f32 to vector<16xf32>
      %add3A_792 = arith.addf %add3A_791, %mul3A_789 : vector<16xf32>
      %mul3A_793 = arith.mulf %select_n3A_782, %add3A_792 : vector<16xf32>
      %add3A_794 = arith.constant 1.30880082 : f32
      %add3A_795 = vector.broadcast %add3A_794 : f32 to vector<16xf32>
      %add3A_796 = arith.addf %add3A_795, %mul3A_793 : vector<16xf32>
      %mul3A_797 = arith.constant 5.000000e-01 : f32
      %mul3A_798 = vector.broadcast %mul3A_797 : f32 to vector<16xf32>
      %mul3A_799 = arith.mulf %mul3A_798, %select_n3A_782 : vector<16xf32>
      %mul3A_800 = arith.mulf %mul3A_799, %add3A_796 : vector<16xf32>
      %mul3A_801 = arith.mulf %mul3A_800, %add3A_796 : vector<16xf32>
      %sub3A = arith.constant 1.500000e+00 : f32
      %sub3A_802 = vector.broadcast %sub3A : f32 to vector<16xf32>
      %sub3A_803 = arith.subf %sub3A_802, %mul3A_801 : vector<16xf32>
      %mul3A_804 = arith.mulf %add3A_796, %sub3A_803 : vector<16xf32>
      %mul3A_805 = arith.constant 5.000000e-01 : f32
      %mul3A_806 = vector.broadcast %mul3A_805 : f32 to vector<16xf32>
      %mul3A_807 = arith.mulf %mul3A_806, %select_n3A_782 : vector<16xf32>
      %mul3A_808 = arith.mulf %mul3A_807, %mul3A_804 : vector<16xf32>
      %mul3A_809 = arith.mulf %mul3A_808, %mul3A_804 : vector<16xf32>
      %sub3A_810 = arith.constant 1.500000e+00 : f32
      %sub3A_811 = vector.broadcast %sub3A_810 : f32 to vector<16xf32>
      %sub3A_812 = arith.subf %sub3A_811, %mul3A_809 : vector<16xf32>
      %mul3A_813 = arith.mulf %mul3A_804, %sub3A_812 : vector<16xf32>
      %mul3A_814 = arith.constant 5.000000e-01 : f32
      %mul3A_815 = vector.broadcast %mul3A_814 : f32 to vector<16xf32>
      %mul3A_816 = arith.mulf %mul3A_815, %select_n3A_782 : vector<16xf32>
      %mul3A_817 = arith.mulf %mul3A_816, %mul3A_813 : vector<16xf32>
      %mul3A_818 = arith.mulf %mul3A_817, %mul3A_813 : vector<16xf32>
      %sub3A_819 = arith.constant 1.500000e+00 : f32
      %sub3A_820 = vector.broadcast %sub3A_819 : f32 to vector<16xf32>
      %sub3A_821 = arith.subf %sub3A_820, %mul3A_818 : vector<16xf32>
      %mul3A_822 = arith.mulf %mul3A_813, %sub3A_821 : vector<16xf32>
      %mul3A_823 = arith.mulf %mul3A_822, %select_n3A_786 : vector<16xf32>
      %mul3A_824 = arith.mulf %get3A_259, %mul3A_823 : vector<16xf32>
      %mul3A_825 = arith.mulf %get3A_43, %mul3A_824 : vector<16xf32>
      %mul3A_826 = arith.mulf %get3A_259, %get3A_59 : vector<16xf32>
      %add3A_827 = arith.addf %get3A_55, %mul3A_826 : vector<16xf32>
      %mul3A_828 = arith.mulf %get3A_259, %add3A_827 : vector<16xf32>
      %add3A_829 = arith.addf %get3A_51, %mul3A_828 : vector<16xf32>
      %mul3A_830 = arith.mulf %get3A_259, %add3A_829 : vector<16xf32>
      %add3A_831 = arith.addf %get3A_47, %mul3A_830 : vector<16xf32>
      %mul3A_832 = arith.mulf %get3A_259, %add3A_831 : vector<16xf32>
      %add3A_833 = arith.addf %mul3A_825, %mul3A_832 : vector<16xf32>
      %mul3A_834 = arith.mulf %get3A_63, %mul3A_823 : vector<16xf32>
      %add3A_835 = arith.addf %mul3A_834, %get3A_67 : vector<16xf32>
      %mul3A_836 = arith.mulf %get3A_259, %get3A_79 : vector<16xf32>
      %add3A_837 = arith.addf %get3A_75, %mul3A_836 : vector<16xf32>
      %mul3A_838 = arith.mulf %get3A_259, %add3A_837 : vector<16xf32>
      %add3A_839 = arith.addf %get3A_71, %mul3A_838 : vector<16xf32>
      %mul3A_840 = arith.mulf %get3A_259, %add3A_839 : vector<16xf32>
      %add3A_841 = arith.addf %add3A_835, %mul3A_840 : vector<16xf32>
      %swap3A_842 = arith.index_cast %mul3A_257 : i32 to index
      %swap3A_843 = tpu.vector_load %arg30[%swap3A_842] {strides = array<i32>} : memref<640xf32, #tpu.memory_space<vmem>>, vector<16xf32>,
      tpu.vector_store %arg30[%swap3A_842], %add3A_841 {strides = array<i32>} : memref<640xf32, #tpu.memory_space<vmem>>, vector<16xf32>,
      %add3A_844 = arith.addf %scan3A_255, %add3A_833 : vector<16xf32>
      scf.yield %add3A_844 : vector<16xf32>
    }
    %scan3A_85 = arith.constant 40 : i32
    "tpu.region"() ({
      %run_scoped3A_254 = tpu.sem_alloc : memref<!tpu.dma_semaphore, #tpu.memory_space<semaphore_mem>>
      %dma_start3A_255 = tpu.memref_slice %arg16[%mul3A_2] : memref<10240xf32, #tpu.memory_space<vmem_shared>> -> memref<640xf32, #tpu.memory_space<vmem_shared>>
      %dma_start3A_256 = tpu.memref_slice %arg16[%mul3A_2] : memref<10240xf32, #tpu.memory_space<vmem_shared>> -> memref<640xf32, #tpu.memory_space<vmem_shared>>
      tpu.enqueue_dma source(%arg30 : memref<640xf32, #tpu.memory_space<vmem>>) target(%dma_start3A_256 : memref<640xf32, #tpu.memory_space<vmem_shared>>) target_semaphore(%run_scoped3A_254 : memref<!tpu.dma_semaphore, #tpu.memory_space<semaphore_mem>>)
      %dma_wait3A_257 = tpu.memref_slice %arg16[%mul3A_2] : memref<10240xf32, #tpu.memory_space<vmem_shared>> -> memref<640xf32, #tpu.memory_space<vmem_shared>>
      %dma_wait3A_258 = tpu.memref_slice %arg16[%mul3A_2] : memref<10240xf32, #tpu.memory_space<vmem_shared>> -> memref<640xf32, #tpu.memory_space<vmem_shared>>
      tpu.wait_dma2 semaphore(%run_scoped3A_254 : memref<!tpu.dma_semaphore, #tpu.memory_space<semaphore_mem>>) src(%arg30 : memref<640xf32, #tpu.memory_space<vmem>>) dst(%dma_wait3A_258 : memref<640xf32, #tpu.memory_space<vmem_shared>>)
      tpu.yield
    }) : () -> ()
    %swap3A = arith.constant 0 : i32
    %swap3A_86 = arith.index_cast %swap3A : i32 to index
    %swap3A_87 = arith.constant 0 : index
    %swap3A_88 = tpu.vector_load %arg34[%swap3A_86, %swap3A_87] {strides = array<i32>} : memref<16x16xf32, #tpu.memory_space<vmem>>, vector<16xf32>,
    tpu.vector_store %arg34[%swap3A_86, %swap3A_87], %scan3A_84 {strides = array<i32>} : memref<16x16xf32, #tpu.memory_space<vmem>>, vector<16xf32>,
    %run_scoped3A = arith.constant 0 : i32
    "tpu.region"() ({
      %run_scoped3A_254 = tpu.sem_alloc : memref<!tpu.dma_semaphore, #tpu.memory_space<semaphore_mem>>
      %dma_start3A_255 = arith.constant 0 : i32
      %dma_start3A_256 = tpu.memref_slice %arg34[%run_scoped3A, %dma_start3A_255] : memref<16x16xf32, #tpu.memory_space<vmem>> -> memref<1x16xf32, #tpu.memory_space<vmem>>
      %dma_start3A_257 = tpu.memref_squeeze %dma_start3A_256 : memref<1x16xf32, #tpu.memory_space<vmem>> -> memref<16xf32, #tpu.memory_space<vmem>>
      %dma_start3A_258 = arith.constant 0 : i32
      %dma_start3A_259 = tpu.memref_slice %arg19[%arg1, %dma_start3A_258] : memref<16x16xf32, #tpu.memory_space<vmem_shared>> -> memref<1x16xf32, #tpu.memory_space<vmem_shared>>
      %dma_start3A_260 = tpu.memref_squeeze %dma_start3A_259 : memref<1x16xf32, #tpu.memory_space<vmem_shared>> -> memref<16xf32, #tpu.memory_space<vmem_shared>>
      %dma_start3A_261 = arith.constant 0 : i32
      %dma_start3A_262 = tpu.memref_slice %arg19[%arg1, %dma_start3A_261] : memref<16x16xf32, #tpu.memory_space<vmem_shared>> -> memref<1x16xf32, #tpu.memory_space<vmem_shared>>
      %dma_start3A_263 = tpu.memref_squeeze %dma_start3A_262 : memref<1x16xf32, #tpu.memory_space<vmem_shared>> -> memref<16xf32, #tpu.memory_space<vmem_shared>>
      %dma_start3A_264 = arith.constant 0 : i32
      %dma_start3A_265 = tpu.memref_slice %arg34[%run_scoped3A, %dma_start3A_264] : memref<16x16xf32, #tpu.memory_space<vmem>> -> memref<1x16xf32, #tpu.memory_space<vmem>>
      %dma_start3A_266 = tpu.memref_squeeze %dma_start3A_265 : memref<1x16xf32, #tpu.memory_space<vmem>> -> memref<16xf32, #tpu.memory_space<vmem>>
      tpu.enqueue_dma source(%dma_start3A_266 : memref<16xf32, #tpu.memory_space<vmem>>) target(%dma_start3A_263 : memref<16xf32, #tpu.memory_space<vmem_shared>>) target_semaphore(%run_scoped3A_254 : memref<!tpu.dma_semaphore, #tpu.memory_space<semaphore_mem>>)
      %dma_wait3A_267 = arith.constant 0 : i32
      %dma_wait3A_268 = tpu.memref_slice %arg34[%run_scoped3A, %dma_wait3A_267] : memref<16x16xf32, #tpu.memory_space<vmem>> -> memref<1x16xf32, #tpu.memory_space<vmem>>
      %dma_wait3A_269 = tpu.memref_squeeze %dma_wait3A_268 : memref<1x16xf32, #tpu.memory_space<vmem>> -> memref<16xf32, #tpu.memory_space<vmem>>
      %dma_wait3A_270 = arith.constant 0 : i32
      %dma_wait3A_271 = tpu.memref_slice %arg19[%arg1, %dma_wait3A_270] : memref<16x16xf32, #tpu.memory_space<vmem_shared>> -> memref<1x16xf32, #tpu.memory_space<vmem_shared>>
      %dma_wait3A_272 = tpu.memref_squeeze %dma_wait3A_271 : memref<1x16xf32, #tpu.memory_space<vmem_shared>> -> memref<16xf32, #tpu.memory_space<vmem_shared>>
      %dma_wait3A_273 = arith.constant 0 : i32
      %dma_wait3A_274 = tpu.memref_slice %arg19[%arg1, %dma_wait3A_273] : memref<16x16xf32, #tpu.memory_space<vmem_shared>> -> memref<1x16xf32, #tpu.memory_space<vmem_shared>>
      %dma_wait3A_275 = tpu.memref_squeeze %dma_wait3A_274 : memref<1x16xf32, #tpu.memory_space<vmem_shared>> -> memref<16xf32, #tpu.memory_space<vmem_shared>>
      %dma_wait3A_276 = arith.constant 0 : i32
      %dma_wait3A_277 = tpu.memref_slice %arg34[%run_scoped3A, %dma_wait3A_276] : memref<16x16xf32, #tpu.memory_space<vmem>> -> memref<1x16xf32, #tpu.memory_space<vmem>>
      %dma_wait3A_278 = tpu.memref_squeeze %dma_wait3A_277 : memref<1x16xf32, #tpu.memory_space<vmem>> -> memref<16xf32, #tpu.memory_space<vmem>>
      tpu.wait_dma2 semaphore(%run_scoped3A_254 : memref<!tpu.dma_semaphore, #tpu.memory_space<semaphore_mem>>) src(%dma_wait3A_278 : memref<16xf32, #tpu.memory_space<vmem>>) dst(%dma_wait3A_275 : memref<16xf32, #tpu.memory_space<vmem_shared>>)
      tpu.yield
    }) : () -> ()
    %barrier3A_89 = arith.constant 0 : index
    tpu.barrier barrier_id(%barrier3A_89)
    "tpu.region"() ({
      %run_scoped3A_254 = tpu.sem_alloc : memref<!tpu.dma_semaphore, #tpu.memory_space<semaphore_mem>>
      tpu.enqueue_dma source(%arg16 : memref<10240xf32, #tpu.memory_space<vmem_shared>>) target(%arg28 : memref<10240xf32, #tpu.memory_space<vmem>>) target_semaphore(%run_scoped3A_254 : memref<!tpu.dma_semaphore, #tpu.memory_space<semaphore_mem>>)
      tpu.wait_dma2 semaphore(%run_scoped3A_254 : memref<!tpu.dma_semaphore, #tpu.memory_space<semaphore_mem>>) src(%arg16 : memref<10240xf32, #tpu.memory_space<vmem_shared>>) dst(%arg28 : memref<10240xf32, #tpu.memory_space<vmem>>)
      tpu.yield
    }) : () -> ()
    %iota3A = tpu.iota {dimensions = array<i32: 0>} : vector<16xi32>
    %broadcast_in_dim3A_90 = arith.constant 0 : i32
    %broadcast_in_dim3A_91 = vector.broadcast %broadcast_in_dim3A_90 : i32 to vector<16xi32>
    %broadcast_in_dim3A_92 = arith.constant 1 : i32
    %broadcast_in_dim3A_93 = vector.broadcast %broadcast_in_dim3A_92 : i32 to vector<16xi32>
    %broadcast_in_dim3A_94 = arith.constant 2 : i32
    %broadcast_in_dim3A_95 = vector.broadcast %broadcast_in_dim3A_94 : i32 to vector<16xi32>
    %add3A_96 = arith.constant 0 : i32
    %add3A_97 = arith.addi %mul3A_0, %add3A_96 : i32
    %dma_start3A_98 = tpu.memref_slice %arg3[%add3A_97] : memref<327680xf32, #tpu.memory_space<hbm>> -> memref<5120xf32, #tpu.memory_space<hbm>>
    %dma_start3A_99 = tpu.memref_slice %arg3[%add3A_97] : memref<327680xf32, #tpu.memory_space<hbm>> -> memref<5120xf32, #tpu.memory_space<hbm>>
    tpu.enqueue_dma source(%dma_start3A_99 : memref<5120xf32, #tpu.memory_space<hbm>>) target(%arg22 : memref<5120xf32, #tpu.memory_space<vmem>>) target_semaphore(%arg35 : memref<!tpu.dma_semaphore, #tpu.memory_space<semaphore_mem>>)
    %dma_start3A_100 = tpu.memref_slice %arg4[%add3A_97] : memref<327680xf32, #tpu.memory_space<hbm>> -> memref<5120xf32, #tpu.memory_space<hbm>>
    %dma_start3A_101 = tpu.memref_slice %arg4[%add3A_97] : memref<327680xf32, #tpu.memory_space<hbm>> -> memref<5120xf32, #tpu.memory_space<hbm>>
    tpu.enqueue_dma source(%dma_start3A_101 : memref<5120xf32, #tpu.memory_space<hbm>>) target(%arg23 : memref<5120xf32, #tpu.memory_space<vmem>>) target_semaphore(%arg35 : memref<!tpu.dma_semaphore, #tpu.memory_space<semaphore_mem>>)
    %dma_start3A_102 = tpu.memref_slice %arg9[%add3A_97] : memref<327680xi32, #tpu.memory_space<hbm>> -> memref<5120xi32, #tpu.memory_space<hbm>>
    %dma_start3A_103 = tpu.memref_slice %arg9[%add3A_97] : memref<327680xi32, #tpu.memory_space<hbm>> -> memref<5120xi32, #tpu.memory_space<hbm>>
    tpu.enqueue_dma source(%dma_start3A_103 : memref<5120xi32, #tpu.memory_space<hbm>>) target(%arg20 : memref<5120xi32, #tpu.memory_space<vmem>>) target_semaphore(%arg35 : memref<!tpu.dma_semaphore, #tpu.memory_space<semaphore_mem>>)
    %dma_start3A_104 = tpu.memref_slice %arg8[%add3A_97] : memref<327680xi32, #tpu.memory_space<hbm>> -> memref<5120xi32, #tpu.memory_space<hbm>>
    %dma_start3A_105 = tpu.memref_slice %arg8[%add3A_97] : memref<327680xi32, #tpu.memory_space<hbm>> -> memref<5120xi32, #tpu.memory_space<hbm>>
    tpu.enqueue_dma source(%dma_start3A_105 : memref<5120xi32, #tpu.memory_space<hbm>>) target(%arg21 : memref<5120xi32, #tpu.memory_space<vmem>>) target_semaphore(%arg35 : memref<!tpu.dma_semaphore, #tpu.memory_space<semaphore_mem>>)
    %dma_start3A_106 = tpu.memref_slice %arg5[%add3A_97] : memref<327680xf32, #tpu.memory_space<hbm>> -> memref<5120xf32, #tpu.memory_space<hbm>>
    %dma_start3A_107 = tpu.memref_slice %arg5[%add3A_97] : memref<327680xf32, #tpu.memory_space<hbm>> -> memref<5120xf32, #tpu.memory_space<hbm>>
    tpu.enqueue_dma source(%dma_start3A_107 : memref<5120xf32, #tpu.memory_space<hbm>>) target(%arg24 : memref<5120xf32, #tpu.memory_space<vmem>>) target_semaphore(%arg35 : memref<!tpu.dma_semaphore, #tpu.memory_space<semaphore_mem>>)
    %dma_start3A_108 = tpu.memref_slice %arg6[%add3A_97] : memref<327680xf32, #tpu.memory_space<hbm>> -> memref<5120xf32, #tpu.memory_space<hbm>>
    %dma_start3A_109 = tpu.memref_slice %arg6[%add3A_97] : memref<327680xf32, #tpu.memory_space<hbm>> -> memref<5120xf32, #tpu.memory_space<hbm>>
    tpu.enqueue_dma source(%dma_start3A_109 : memref<5120xf32, #tpu.memory_space<hbm>>) target(%arg25 : memref<5120xf32, #tpu.memory_space<vmem>>) target_semaphore(%arg35 : memref<!tpu.dma_semaphore, #tpu.memory_space<semaphore_mem>>)
    %dma_start3A_110 = tpu.memref_slice %arg7[%add3A_97] : memref<327680xf32, #tpu.memory_space<hbm>> -> memref<5120xf32, #tpu.memory_space<hbm>>
    %dma_start3A_111 = tpu.memref_slice %arg7[%add3A_97] : memref<327680xf32, #tpu.memory_space<hbm>> -> memref<5120xf32, #tpu.memory_space<hbm>>
    tpu.enqueue_dma source(%dma_start3A_111 : memref<5120xf32, #tpu.memory_space<hbm>>) target(%arg26 : memref<5120xf32, #tpu.memory_space<vmem>>) target_semaphore(%arg35 : memref<!tpu.dma_semaphore, #tpu.memory_space<semaphore_mem>>)
    %dma_wait3A_112 = tpu.memref_slice %arg3[%add3A_97] : memref<327680xf32, #tpu.memory_space<hbm>> -> memref<5120xf32, #tpu.memory_space<hbm>>
    %dma_wait3A_113 = tpu.memref_slice %arg3[%add3A_97] : memref<327680xf32, #tpu.memory_space<hbm>> -> memref<5120xf32, #tpu.memory_space<hbm>>
    tpu.wait_dma2 semaphore(%arg35 : memref<!tpu.dma_semaphore, #tpu.memory_space<semaphore_mem>>) src(%dma_wait3A_113 : memref<5120xf32, #tpu.memory_space<hbm>>) dst(%arg22 : memref<5120xf32, #tpu.memory_space<vmem>>)
    %dma_wait3A_114 = tpu.memref_slice %arg4[%add3A_97] : memref<327680xf32, #tpu.memory_space<hbm>> -> memref<5120xf32, #tpu.memory_space<hbm>>
    %dma_wait3A_115 = tpu.memref_slice %arg4[%add3A_97] : memref<327680xf32, #tpu.memory_space<hbm>> -> memref<5120xf32, #tpu.memory_space<hbm>>
    tpu.wait_dma2 semaphore(%arg35 : memref<!tpu.dma_semaphore, #tpu.memory_space<semaphore_mem>>) src(%dma_wait3A_115 : memref<5120xf32, #tpu.memory_space<hbm>>) dst(%arg23 : memref<5120xf32, #tpu.memory_space<vmem>>)
    %dma_wait3A_116 = tpu.memref_slice %arg9[%add3A_97] : memref<327680xi32, #tpu.memory_space<hbm>> -> memref<5120xi32, #tpu.memory_space<hbm>>
    %dma_wait3A_117 = tpu.memref_slice %arg9[%add3A_97] : memref<327680xi32, #tpu.memory_space<hbm>> -> memref<5120xi32, #tpu.memory_space<hbm>>
    tpu.wait_dma2 semaphore(%arg35 : memref<!tpu.dma_semaphore, #tpu.memory_space<semaphore_mem>>) src(%dma_wait3A_117 : memref<5120xi32, #tpu.memory_space<hbm>>) dst(%arg20 : memref<5120xi32, #tpu.memory_space<vmem>>)
    %dma_wait3A_118 = tpu.memref_slice %arg8[%add3A_97] : memref<327680xi32, #tpu.memory_space<hbm>> -> memref<5120xi32, #tpu.memory_space<hbm>>
    %dma_wait3A_119 = tpu.memref_slice %arg8[%add3A_97] : memref<327680xi32, #tpu.memory_space<hbm>> -> memref<5120xi32, #tpu.memory_space<hbm>>
    tpu.wait_dma2 semaphore(%arg35 : memref<!tpu.dma_semaphore, #tpu.memory_space<semaphore_mem>>) src(%dma_wait3A_119 : memref<5120xi32, #tpu.memory_space<hbm>>) dst(%arg21 : memref<5120xi32, #tpu.memory_space<vmem>>)
    %dma_wait3A_120 = tpu.memref_slice %arg5[%add3A_97] : memref<327680xf32, #tpu.memory_space<hbm>> -> memref<5120xf32, #tpu.memory_space<hbm>>
    %dma_wait3A_121 = tpu.memref_slice %arg5[%add3A_97] : memref<327680xf32, #tpu.memory_space<hbm>> -> memref<5120xf32, #tpu.memory_space<hbm>>
    tpu.wait_dma2 semaphore(%arg35 : memref<!tpu.dma_semaphore, #tpu.memory_space<semaphore_mem>>) src(%dma_wait3A_121 : memref<5120xf32, #tpu.memory_space<hbm>>) dst(%arg24 : memref<5120xf32, #tpu.memory_space<vmem>>)
    %dma_wait3A_122 = tpu.memref_slice %arg6[%add3A_97] : memref<327680xf32, #tpu.memory_space<hbm>> -> memref<5120xf32, #tpu.memory_space<hbm>>
    %dma_wait3A_123 = tpu.memref_slice %arg6[%add3A_97] : memref<327680xf32, #tpu.memory_space<hbm>> -> memref<5120xf32, #tpu.memory_space<hbm>>
    tpu.wait_dma2 semaphore(%arg35 : memref<!tpu.dma_semaphore, #tpu.memory_space<semaphore_mem>>) src(%dma_wait3A_123 : memref<5120xf32, #tpu.memory_space<hbm>>) dst(%arg25 : memref<5120xf32, #tpu.memory_space<vmem>>)
    %dma_wait3A_124 = tpu.memref_slice %arg7[%add3A_97] : memref<327680xf32, #tpu.memory_space<hbm>> -> memref<5120xf32, #tpu.memory_space<hbm>>
    %dma_wait3A_125 = tpu.memref_slice %arg7[%add3A_97] : memref<327680xf32, #tpu.memory_space<hbm>> -> memref<5120xf32, #tpu.memory_space<hbm>>
    tpu.wait_dma2 semaphore(%arg35 : memref<!tpu.dma_semaphore, #tpu.memory_space<semaphore_mem>>) src(%dma_wait3A_125 : memref<5120xf32, #tpu.memory_space<hbm>>) dst(%arg26 : memref<5120xf32, #tpu.memory_space<vmem>>)
    %scan3A_126 = arith.constant 0 : i32
    %scan3A_127 = arith.constant 0 : i32
    %scan3A_128 = arith.constant 320 : i32
    %scan3A_129 = arith.addi %scan3A_127, %scan3A_128 : i32
    %scan3A_130 = arith.constant 1 : i32
    %scan3A_131 = scf.for %scan3A_254 = %scan3A_127 to %scan3A_129 step %scan3A_130 iter_args(%scan3A_255 = %scan3A_126) -> (i32)  : i32 {
      %mul3A_256 = arith.constant 16 : i32
      %mul3A_257 = arith.muli %scan3A_254, %mul3A_256 : i32
      %get3A_258 = arith.index_cast %mul3A_257 : i32 to index
      %get3A_259 = tpu.vector_load %arg20[%get3A_258] {strides = array<i32>} : memref<5120xi32, #tpu.memory_space<vmem>>, vector<16xi32>,
      %gather3A = tpu.vector_load_idx %arg28[%get3A_259] : memref<10240xf32, #tpu.memory_space<vmem>>[vector<16xi32>], vector<16xf32>,
      %get3A_260 = arith.index_cast %mul3A_257 : i32 to index
      %get3A_261 = tpu.vector_load %arg22[%get3A_260] {strides = array<i32>} : memref<5120xf32, #tpu.memory_space<vmem>>, vector<16xf32>,
      %mul3A_262 = arith.mulf %gather3A, %get3A_261 : vector<16xf32>
      %get3A_263 = arith.index_cast %mul3A_257 : i32 to index
      %get3A_264 = tpu.vector_load %arg23[%get3A_263] {strides = array<i32>} : memref<5120xf32, #tpu.memory_space<vmem>>, vector<16xf32>,
      %add3A_265 = arith.addf %mul3A_262, %get3A_264 : vector<16xf32>
      %add3A_266 = vector.broadcast %mul3A_257 : i32 to vector<16xi32>
      %add3A_267 = arith.addi %iota3A, %add3A_266 : vector<16xi32>
      %get3A_268 = arith.index_cast %mul3A_257 : i32 to index
      %get3A_269 = tpu.vector_load %arg24[%get3A_268] {strides = array<i32>} : memref<5120xf32, #tpu.memory_space<vmem>>, vector<16xf32>,
      %mul3A_270 = arith.mulf %add3A_265, %get3A_269 : vector<16xf32>
      tpu.vector_store_idx %arg27[%add3A_267, %broadcast_in_dim3A_91], %mul3A_270 : memref<5120x8xf32, #tpu.memory_space<vmem>>[vector<16xi32>, vector<16xi32>], vector<16xf32>,
      %get3A_271 = arith.index_cast %mul3A_257 : i32 to index
      %get3A_272 = tpu.vector_load %arg25[%get3A_271] {strides = array<i32>} : memref<5120xf32, #tpu.memory_space<vmem>>, vector<16xf32>,
      %mul3A_273 = arith.mulf %add3A_265, %get3A_272 : vector<16xf32>
      tpu.vector_store_idx %arg27[%add3A_267, %broadcast_in_dim3A_93], %mul3A_273 : memref<5120x8xf32, #tpu.memory_space<vmem>>[vector<16xi32>, vector<16xi32>], vector<16xf32>,
      %get3A_274 = arith.index_cast %mul3A_257 : i32 to index
      %get3A_275 = tpu.vector_load %arg26[%get3A_274] {strides = array<i32>} : memref<5120xf32, #tpu.memory_space<vmem>>, vector<16xf32>,
      %mul3A_276 = arith.mulf %add3A_265, %get3A_275 : vector<16xf32>
      tpu.vector_store_idx %arg27[%add3A_267, %broadcast_in_dim3A_95], %mul3A_276 : memref<5120x8xf32, #tpu.memory_space<vmem>>[vector<16xi32>, vector<16xi32>], vector<16xf32>,
      %scan3A_277 = arith.constant 0 : i32
      scf.yield %scan3A_277 : i32
    }
    %scan3A_132 = arith.constant 320 : i32
    "tpu.region"() ({
      %run_scoped3A_254 = tpu.sem_alloc : memref<!tpu.dma_semaphore, #tpu.memory_space<semaphore_mem>>
      %dma_start3A_255 = arith.constant 0 : i32
      %dma_start3A_256 = arith.constant 0 : i32
      %dma_start3A_257 = tpu.memref_slice %arg17[%dma_start3A_255, %dma_start3A_256] : memref<10240x8xf32, #tpu.memory_space<vmem_shared>> -> memref<10240x8xf32, #tpu.memory_space<vmem_shared>>
      tpu.enqueue_indirect_dma source(%arg27 : memref<5120x8xf32, #tpu.memory_space<vmem>>) target(%dma_start3A_257 : memref<10240x8xf32, #tpu.memory_space<vmem_shared>>) offsets(%arg21 : memref<5120xi32, #tpu.memory_space<vmem>>) semaphore(%run_scoped3A_254 : memref<!tpu.dma_semaphore, #tpu.memory_space<semaphore_mem>>) {add = true}
      %dma_wait3A_258 = arith.constant 0 : i32
      %dma_wait3A_259 = arith.constant 0 : i32
      %dma_wait3A_260 = tpu.memref_slice %arg17[%dma_wait3A_258, %dma_wait3A_259] : memref<10240x8xf32, #tpu.memory_space<vmem_shared>> -> memref<10240x8xf32, #tpu.memory_space<vmem_shared>>
      tpu.wait_indirect_dma semaphore(%run_scoped3A_254 : memref<!tpu.dma_semaphore, #tpu.memory_space<semaphore_mem>>) src(%arg27 : memref<5120x8xf32, #tpu.memory_space<vmem>>) dst(%dma_wait3A_260 : memref<10240x8xf32, #tpu.memory_space<vmem_shared>>)
      tpu.yield
    }) : () -> ()
    "tpu.region"() ({
      %run_scoped3A_254 = tpu.sem_alloc : memref<!tpu.dma_semaphore, #tpu.memory_space<semaphore_mem>>
      %dma_start3A_255 = arith.constant 0 : i32
      %dma_start3A_256 = arith.constant 0 : i32
      %dma_start3A_257 = tpu.memref_slice %arg18[%dma_start3A_255, %dma_start3A_256] : memref<10240x8xf32, #tpu.memory_space<vmem_shared>> -> memref<10240x8xf32, #tpu.memory_space<vmem_shared>>
      tpu.enqueue_indirect_dma source(%arg27 : memref<5120x8xf32, #tpu.memory_space<vmem>>) target(%dma_start3A_257 : memref<10240x8xf32, #tpu.memory_space<vmem_shared>>) offsets(%arg20 : memref<5120xi32, #tpu.memory_space<vmem>>) semaphore(%run_scoped3A_254 : memref<!tpu.dma_semaphore, #tpu.memory_space<semaphore_mem>>) {add = true}
      %dma_wait3A_258 = arith.constant 0 : i32
      %dma_wait3A_259 = arith.constant 0 : i32
      %dma_wait3A_260 = tpu.memref_slice %arg18[%dma_wait3A_258, %dma_wait3A_259] : memref<10240x8xf32, #tpu.memory_space<vmem_shared>> -> memref<10240x8xf32, #tpu.memory_space<vmem_shared>>
      tpu.wait_indirect_dma semaphore(%run_scoped3A_254 : memref<!tpu.dma_semaphore, #tpu.memory_space<semaphore_mem>>) src(%arg27 : memref<5120x8xf32, #tpu.memory_space<vmem>>) dst(%dma_wait3A_260 : memref<10240x8xf32, #tpu.memory_space<vmem_shared>>)
      tpu.yield
    }) : () -> ()
    %add3A_133 = arith.constant 5120 : i32
    %add3A_134 = arith.addi %mul3A_0, %add3A_133 : i32
    %dma_start3A_135 = tpu.memref_slice %arg3[%add3A_134] : memref<327680xf32, #tpu.memory_space<hbm>> -> memref<5120xf32, #tpu.memory_space<hbm>>
    %dma_start3A_136 = tpu.memref_slice %arg3[%add3A_134] : memref<327680xf32, #tpu.memory_space<hbm>> -> memref<5120xf32, #tpu.memory_space<hbm>>
    tpu.enqueue_dma source(%dma_start3A_136 : memref<5120xf32, #tpu.memory_space<hbm>>) target(%arg22 : memref<5120xf32, #tpu.memory_space<vmem>>) target_semaphore(%arg35 : memref<!tpu.dma_semaphore, #tpu.memory_space<semaphore_mem>>)
    %dma_start3A_137 = tpu.memref_slice %arg4[%add3A_134] : memref<327680xf32, #tpu.memory_space<hbm>> -> memref<5120xf32, #tpu.memory_space<hbm>>
    %dma_start3A_138 = tpu.memref_slice %arg4[%add3A_134] : memref<327680xf32, #tpu.memory_space<hbm>> -> memref<5120xf32, #tpu.memory_space<hbm>>
    tpu.enqueue_dma source(%dma_start3A_138 : memref<5120xf32, #tpu.memory_space<hbm>>) target(%arg23 : memref<5120xf32, #tpu.memory_space<vmem>>) target_semaphore(%arg35 : memref<!tpu.dma_semaphore, #tpu.memory_space<semaphore_mem>>)
    %dma_start3A_139 = tpu.memref_slice %arg9[%add3A_134] : memref<327680xi32, #tpu.memory_space<hbm>> -> memref<5120xi32, #tpu.memory_space<hbm>>
    %dma_start3A_140 = tpu.memref_slice %arg9[%add3A_134] : memref<327680xi32, #tpu.memory_space<hbm>> -> memref<5120xi32, #tpu.memory_space<hbm>>
    tpu.enqueue_dma source(%dma_start3A_140 : memref<5120xi32, #tpu.memory_space<hbm>>) target(%arg20 : memref<5120xi32, #tpu.memory_space<vmem>>) target_semaphore(%arg35 : memref<!tpu.dma_semaphore, #tpu.memory_space<semaphore_mem>>)
    %dma_start3A_141 = tpu.memref_slice %arg8[%add3A_134] : memref<327680xi32, #tpu.memory_space<hbm>> -> memref<5120xi32, #tpu.memory_space<hbm>>
    %dma_start3A_142 = tpu.memref_slice %arg8[%add3A_134] : memref<327680xi32, #tpu.memory_space<hbm>> -> memref<5120xi32, #tpu.memory_space<hbm>>
    tpu.enqueue_dma source(%dma_start3A_142 : memref<5120xi32, #tpu.memory_space<hbm>>) target(%arg21 : memref<5120xi32, #tpu.memory_space<vmem>>) target_semaphore(%arg35 : memref<!tpu.dma_semaphore, #tpu.memory_space<semaphore_mem>>)
    %dma_start3A_143 = tpu.memref_slice %arg5[%add3A_134] : memref<327680xf32, #tpu.memory_space<hbm>> -> memref<5120xf32, #tpu.memory_space<hbm>>
    %dma_start3A_144 = tpu.memref_slice %arg5[%add3A_134] : memref<327680xf32, #tpu.memory_space<hbm>> -> memref<5120xf32, #tpu.memory_space<hbm>>
    tpu.enqueue_dma source(%dma_start3A_144 : memref<5120xf32, #tpu.memory_space<hbm>>) target(%arg24 : memref<5120xf32, #tpu.memory_space<vmem>>) target_semaphore(%arg35 : memref<!tpu.dma_semaphore, #tpu.memory_space<semaphore_mem>>)
    %dma_start3A_145 = tpu.memref_slice %arg6[%add3A_134] : memref<327680xf32, #tpu.memory_space<hbm>> -> memref<5120xf32, #tpu.memory_space<hbm>>
    %dma_start3A_146 = tpu.memref_slice %arg6[%add3A_134] : memref<327680xf32, #tpu.memory_space<hbm>> -> memref<5120xf32, #tpu.memory_space<hbm>>
    tpu.enqueue_dma source(%dma_start3A_146 : memref<5120xf32, #tpu.memory_space<hbm>>) target(%arg25 : memref<5120xf32, #tpu.memory_space<vmem>>) target_semaphore(%arg35 : memref<!tpu.dma_semaphore, #tpu.memory_space<semaphore_mem>>)
    %dma_start3A_147 = tpu.memref_slice %arg7[%add3A_134] : memref<327680xf32, #tpu.memory_space<hbm>> -> memref<5120xf32, #tpu.memory_space<hbm>>
    %dma_start3A_148 = tpu.memref_slice %arg7[%add3A_134] : memref<327680xf32, #tpu.memory_space<hbm>> -> memref<5120xf32, #tpu.memory_space<hbm>>
    tpu.enqueue_dma source(%dma_start3A_148 : memref<5120xf32, #tpu.memory_space<hbm>>) target(%arg26 : memref<5120xf32, #tpu.memory_space<vmem>>) target_semaphore(%arg35 : memref<!tpu.dma_semaphore, #tpu.memory_space<semaphore_mem>>)
    %dma_wait3A_149 = tpu.memref_slice %arg3[%add3A_134] : memref<327680xf32, #tpu.memory_space<hbm>> -> memref<5120xf32, #tpu.memory_space<hbm>>
    %dma_wait3A_150 = tpu.memref_slice %arg3[%add3A_134] : memref<327680xf32, #tpu.memory_space<hbm>> -> memref<5120xf32, #tpu.memory_space<hbm>>
    tpu.wait_dma2 semaphore(%arg35 : memref<!tpu.dma_semaphore, #tpu.memory_space<semaphore_mem>>) src(%dma_wait3A_150 : memref<5120xf32, #tpu.memory_space<hbm>>) dst(%arg22 : memref<5120xf32, #tpu.memory_space<vmem>>)
    %dma_wait3A_151 = tpu.memref_slice %arg4[%add3A_134] : memref<327680xf32, #tpu.memory_space<hbm>> -> memref<5120xf32, #tpu.memory_space<hbm>>
    %dma_wait3A_152 = tpu.memref_slice %arg4[%add3A_134] : memref<327680xf32, #tpu.memory_space<hbm>> -> memref<5120xf32, #tpu.memory_space<hbm>>
    tpu.wait_dma2 semaphore(%arg35 : memref<!tpu.dma_semaphore, #tpu.memory_space<semaphore_mem>>) src(%dma_wait3A_152 : memref<5120xf32, #tpu.memory_space<hbm>>) dst(%arg23 : memref<5120xf32, #tpu.memory_space<vmem>>)
    %dma_wait3A_153 = tpu.memref_slice %arg9[%add3A_134] : memref<327680xi32, #tpu.memory_space<hbm>> -> memref<5120xi32, #tpu.memory_space<hbm>>
    %dma_wait3A_154 = tpu.memref_slice %arg9[%add3A_134] : memref<327680xi32, #tpu.memory_space<hbm>> -> memref<5120xi32, #tpu.memory_space<hbm>>
    tpu.wait_dma2 semaphore(%arg35 : memref<!tpu.dma_semaphore, #tpu.memory_space<semaphore_mem>>) src(%dma_wait3A_154 : memref<5120xi32, #tpu.memory_space<hbm>>) dst(%arg20 : memref<5120xi32, #tpu.memory_space<vmem>>)
    %dma_wait3A_155 = tpu.memref_slice %arg8[%add3A_134] : memref<327680xi32, #tpu.memory_space<hbm>> -> memref<5120xi32, #tpu.memory_space<hbm>>
    %dma_wait3A_156 = tpu.memref_slice %arg8[%add3A_134] : memref<327680xi32, #tpu.memory_space<hbm>> -> memref<5120xi32, #tpu.memory_space<hbm>>
    tpu.wait_dma2 semaphore(%arg35 : memref<!tpu.dma_semaphore, #tpu.memory_space<semaphore_mem>>) src(%dma_wait3A_156 : memref<5120xi32, #tpu.memory_space<hbm>>) dst(%arg21 : memref<5120xi32, #tpu.memory_space<vmem>>)
    %dma_wait3A_157 = tpu.memref_slice %arg5[%add3A_134] : memref<327680xf32, #tpu.memory_space<hbm>> -> memref<5120xf32, #tpu.memory_space<hbm>>
    %dma_wait3A_158 = tpu.memref_slice %arg5[%add3A_134] : memref<327680xf32, #tpu.memory_space<hbm>> -> memref<5120xf32, #tpu.memory_space<hbm>>
    tpu.wait_dma2 semaphore(%arg35 : memref<!tpu.dma_semaphore, #tpu.memory_space<semaphore_mem>>) src(%dma_wait3A_158 : memref<5120xf32, #tpu.memory_space<hbm>>) dst(%arg24 : memref<5120xf32, #tpu.memory_space<vmem>>)
    %dma_wait3A_159 = tpu.memref_slice %arg6[%add3A_134] : memref<327680xf32, #tpu.memory_space<hbm>> -> memref<5120xf32, #tpu.memory_space<hbm>>
    %dma_wait3A_160 = tpu.memref_slice %arg6[%add3A_134] : memref<327680xf32, #tpu.memory_space<hbm>> -> memref<5120xf32, #tpu.memory_space<hbm>>
    tpu.wait_dma2 semaphore(%arg35 : memref<!tpu.dma_semaphore, #tpu.memory_space<semaphore_mem>>) src(%dma_wait3A_160 : memref<5120xf32, #tpu.memory_space<hbm>>) dst(%arg25 : memref<5120xf32, #tpu.memory_space<vmem>>)
    %dma_wait3A_161 = tpu.memref_slice %arg7[%add3A_134] : memref<327680xf32, #tpu.memory_space<hbm>> -> memref<5120xf32, #tpu.memory_space<hbm>>
    %dma_wait3A_162 = tpu.memref_slice %arg7[%add3A_134] : memref<327680xf32, #tpu.memory_space<hbm>> -> memref<5120xf32, #tpu.memory_space<hbm>>
    tpu.wait_dma2 semaphore(%arg35 : memref<!tpu.dma_semaphore, #tpu.memory_space<semaphore_mem>>) src(%dma_wait3A_162 : memref<5120xf32, #tpu.memory_space<hbm>>) dst(%arg26 : memref<5120xf32, #tpu.memory_space<vmem>>)
    %scan3A_163 = arith.constant 0 : i32
    %scan3A_164 = arith.constant 0 : i32
    %scan3A_165 = arith.constant 320 : i32
    %scan3A_166 = arith.addi %scan3A_164, %scan3A_165 : i32
    %scan3A_167 = arith.constant 1 : i32
    %scan3A_168 = scf.for %scan3A_254 = %scan3A_164 to %scan3A_166 step %scan3A_167 iter_args(%scan3A_255 = %scan3A_163) -> (i32)  : i32 {
      %mul3A_256 = arith.constant 16 : i32
      %mul3A_257 = arith.muli %scan3A_254, %mul3A_256 : i32
      %get3A_258 = arith.index_cast %mul3A_257 : i32 to index
      %get3A_259 = tpu.vector_load %arg20[%get3A_258] {strides = array<i32>} : memref<5120xi32, #tpu.memory_space<vmem>>, vector<16xi32>,
      %gather3A = tpu.vector_load_idx %arg28[%get3A_259] : memref<10240xf32, #tpu.memory_space<vmem>>[vector<16xi32>], vector<16xf32>,
      %get3A_260 = arith.index_cast %mul3A_257 : i32 to index
      %get3A_261 = tpu.vector_load %arg22[%get3A_260] {strides = array<i32>} : memref<5120xf32, #tpu.memory_space<vmem>>, vector<16xf32>,
      %mul3A_262 = arith.mulf %gather3A, %get3A_261 : vector<16xf32>
      %get3A_263 = arith.index_cast %mul3A_257 : i32 to index
      %get3A_264 = tpu.vector_load %arg23[%get3A_263] {strides = array<i32>} : memref<5120xf32, #tpu.memory_space<vmem>>, vector<16xf32>,
      %add3A_265 = arith.addf %mul3A_262, %get3A_264 : vector<16xf32>
      %add3A_266 = vector.broadcast %mul3A_257 : i32 to vector<16xi32>
      %add3A_267 = arith.addi %iota3A, %add3A_266 : vector<16xi32>
      %get3A_268 = arith.index_cast %mul3A_257 : i32 to index
      %get3A_269 = tpu.vector_load %arg24[%get3A_268] {strides = array<i32>} : memref<5120xf32, #tpu.memory_space<vmem>>, vector<16xf32>,
      %mul3A_270 = arith.mulf %add3A_265, %get3A_269 : vector<16xf32>
      tpu.vector_store_idx %arg27[%add3A_267, %broadcast_in_dim3A_91], %mul3A_270 : memref<5120x8xf32, #tpu.memory_space<vmem>>[vector<16xi32>, vector<16xi32>], vector<16xf32>,
      %get3A_271 = arith.index_cast %mul3A_257 : i32 to index
      %get3A_272 = tpu.vector_load %arg25[%get3A_271] {strides = array<i32>} : memref<5120xf32, #tpu.memory_space<vmem>>, vector<16xf32>,
      %mul3A_273 = arith.mulf %add3A_265, %get3A_272 : vector<16xf32>
      tpu.vector_store_idx %arg27[%add3A_267, %broadcast_in_dim3A_93], %mul3A_273 : memref<5120x8xf32, #tpu.memory_space<vmem>>[vector<16xi32>, vector<16xi32>], vector<16xf32>,
      %get3A_274 = arith.index_cast %mul3A_257 : i32 to index
      %get3A_275 = tpu.vector_load %arg26[%get3A_274] {strides = array<i32>} : memref<5120xf32, #tpu.memory_space<vmem>>, vector<16xf32>,
      %mul3A_276 = arith.mulf %add3A_265, %get3A_275 : vector<16xf32>
      tpu.vector_store_idx %arg27[%add3A_267, %broadcast_in_dim3A_95], %mul3A_276 : memref<5120x8xf32, #tpu.memory_space<vmem>>[vector<16xi32>, vector<16xi32>], vector<16xf32>,
      %scan3A_277 = arith.constant 0 : i32
      scf.yield %scan3A_277 : i32
    }
    %scan3A_169 = arith.constant 320 : i32
    "tpu.region"() ({
      %run_scoped3A_254 = tpu.sem_alloc : memref<!tpu.dma_semaphore, #tpu.memory_space<semaphore_mem>>
      %dma_start3A_255 = arith.constant 0 : i32
      %dma_start3A_256 = arith.constant 0 : i32
      %dma_start3A_257 = tpu.memref_slice %arg17[%dma_start3A_255, %dma_start3A_256] : memref<10240x8xf32, #tpu.memory_space<vmem_shared>> -> memref<10240x8xf32, #tpu.memory_space<vmem_shared>>
      tpu.enqueue_indirect_dma source(%arg27 : memref<5120x8xf32, #tpu.memory_space<vmem>>) target(%dma_start3A_257 : memref<10240x8xf32, #tpu.memory_space<vmem_shared>>) offsets(%arg21 : memref<5120xi32, #tpu.memory_space<vmem>>) semaphore(%run_scoped3A_254 : memref<!tpu.dma_semaphore, #tpu.memory_space<semaphore_mem>>) {add = true}
      %dma_wait3A_258 = arith.constant 0 : i32
      %dma_wait3A_259 = arith.constant 0 : i32
      %dma_wait3A_260 = tpu.memref_slice %arg17[%dma_wait3A_258, %dma_wait3A_259] : memref<10240x8xf32, #tpu.memory_space<vmem_shared>> -> memref<10240x8xf32, #tpu.memory_space<vmem_shared>>
      tpu.wait_indirect_dma semaphore(%run_scoped3A_254 : memref<!tpu.dma_semaphore, #tpu.memory_space<semaphore_mem>>) src(%arg27 : memref<5120x8xf32, #tpu.memory_space<vmem>>) dst(%dma_wait3A_260 : memref<10240x8xf32, #tpu.memory_space<vmem_shared>>)
      tpu.yield
    }) : () -> ()
    "tpu.region"() ({
      %run_scoped3A_254 = tpu.sem_alloc : memref<!tpu.dma_semaphore, #tpu.memory_space<semaphore_mem>>
      %dma_start3A_255 = arith.constant 0 : i32
      %dma_start3A_256 = arith.constant 0 : i32
      %dma_start3A_257 = tpu.memref_slice %arg18[%dma_start3A_255, %dma_start3A_256] : memref<10240x8xf32, #tpu.memory_space<vmem_shared>> -> memref<10240x8xf32, #tpu.memory_space<vmem_shared>>
      tpu.enqueue_indirect_dma source(%arg27 : memref<5120x8xf32, #tpu.memory_space<vmem>>) target(%dma_start3A_257 : memref<10240x8xf32, #tpu.memory_space<vmem_shared>>) offsets(%arg20 : memref<5120xi32, #tpu.memory_space<vmem>>) semaphore(%run_scoped3A_254 : memref<!tpu.dma_semaphore, #tpu.memory_space<semaphore_mem>>) {add = true}
      %dma_wait3A_258 = arith.constant 0 : i32
      %dma_wait3A_259 = arith.constant 0 : i32
      %dma_wait3A_260 = tpu.memref_slice %arg18[%dma_wait3A_258, %dma_wait3A_259] : memref<10240x8xf32, #tpu.memory_space<vmem_shared>> -> memref<10240x8xf32, #tpu.memory_space<vmem_shared>>
      tpu.wait_indirect_dma semaphore(%run_scoped3A_254 : memref<!tpu.dma_semaphore, #tpu.memory_space<semaphore_mem>>) src(%arg27 : memref<5120x8xf32, #tpu.memory_space<vmem>>) dst(%dma_wait3A_260 : memref<10240x8xf32, #tpu.memory_space<vmem_shared>>)
      tpu.yield
    }) : () -> ()
    %add3A_170 = arith.constant 10240 : i32
    %add3A_171 = arith.addi %mul3A_0, %add3A_170 : i32
    %dma_start3A_172 = tpu.memref_slice %arg3[%add3A_171] : memref<327680xf32, #tpu.memory_space<hbm>> -> memref<5120xf32, #tpu.memory_space<hbm>>
    %dma_start3A_173 = tpu.memref_slice %arg3[%add3A_171] : memref<327680xf32, #tpu.memory_space<hbm>> -> memref<5120xf32, #tpu.memory_space<hbm>>
    tpu.enqueue_dma source(%dma_start3A_173 : memref<5120xf32, #tpu.memory_space<hbm>>) target(%arg22 : memref<5120xf32, #tpu.memory_space<vmem>>) target_semaphore(%arg35 : memref<!tpu.dma_semaphore, #tpu.memory_space<semaphore_mem>>)
    %dma_start3A_174 = tpu.memref_slice %arg4[%add3A_171] : memref<327680xf32, #tpu.memory_space<hbm>> -> memref<5120xf32, #tpu.memory_space<hbm>>
    %dma_start3A_175 = tpu.memref_slice %arg4[%add3A_171] : memref<327680xf32, #tpu.memory_space<hbm>> -> memref<5120xf32, #tpu.memory_space<hbm>>
    tpu.enqueue_dma source(%dma_start3A_175 : memref<5120xf32, #tpu.memory_space<hbm>>) target(%arg23 : memref<5120xf32, #tpu.memory_space<vmem>>) target_semaphore(%arg35 : memref<!tpu.dma_semaphore, #tpu.memory_space<semaphore_mem>>)
    %dma_start3A_176 = tpu.memref_slice %arg9[%add3A_171] : memref<327680xi32, #tpu.memory_space<hbm>> -> memref<5120xi32, #tpu.memory_space<hbm>>
    %dma_start3A_177 = tpu.memref_slice %arg9[%add3A_171] : memref<327680xi32, #tpu.memory_space<hbm>> -> memref<5120xi32, #tpu.memory_space<hbm>>
    tpu.enqueue_dma source(%dma_start3A_177 : memref<5120xi32, #tpu.memory_space<hbm>>) target(%arg20 : memref<5120xi32, #tpu.memory_space<vmem>>) target_semaphore(%arg35 : memref<!tpu.dma_semaphore, #tpu.memory_space<semaphore_mem>>)
    %dma_start3A_178 = tpu.memref_slice %arg8[%add3A_171] : memref<327680xi32, #tpu.memory_space<hbm>> -> memref<5120xi32, #tpu.memory_space<hbm>>
    %dma_start3A_179 = tpu.memref_slice %arg8[%add3A_171] : memref<327680xi32, #tpu.memory_space<hbm>> -> memref<5120xi32, #tpu.memory_space<hbm>>
    tpu.enqueue_dma source(%dma_start3A_179 : memref<5120xi32, #tpu.memory_space<hbm>>) target(%arg21 : memref<5120xi32, #tpu.memory_space<vmem>>) target_semaphore(%arg35 : memref<!tpu.dma_semaphore, #tpu.memory_space<semaphore_mem>>)
    %dma_start3A_180 = tpu.memref_slice %arg5[%add3A_171] : memref<327680xf32, #tpu.memory_space<hbm>> -> memref<5120xf32, #tpu.memory_space<hbm>>
    %dma_start3A_181 = tpu.memref_slice %arg5[%add3A_171] : memref<327680xf32, #tpu.memory_space<hbm>> -> memref<5120xf32, #tpu.memory_space<hbm>>
    tpu.enqueue_dma source(%dma_start3A_181 : memref<5120xf32, #tpu.memory_space<hbm>>) target(%arg24 : memref<5120xf32, #tpu.memory_space<vmem>>) target_semaphore(%arg35 : memref<!tpu.dma_semaphore, #tpu.memory_space<semaphore_mem>>)
    %dma_start3A_182 = tpu.memref_slice %arg6[%add3A_171] : memref<327680xf32, #tpu.memory_space<hbm>> -> memref<5120xf32, #tpu.memory_space<hbm>>
    %dma_start3A_183 = tpu.memref_slice %arg6[%add3A_171] : memref<327680xf32, #tpu.memory_space<hbm>> -> memref<5120xf32, #tpu.memory_space<hbm>>
    tpu.enqueue_dma source(%dma_start3A_183 : memref<5120xf32, #tpu.memory_space<hbm>>) target(%arg25 : memref<5120xf32, #tpu.memory_space<vmem>>) target_semaphore(%arg35 : memref<!tpu.dma_semaphore, #tpu.memory_space<semaphore_mem>>)
    %dma_start3A_184 = tpu.memref_slice %arg7[%add3A_171] : memref<327680xf32, #tpu.memory_space<hbm>> -> memref<5120xf32, #tpu.memory_space<hbm>>
    %dma_start3A_185 = tpu.memref_slice %arg7[%add3A_171] : memref<327680xf32, #tpu.memory_space<hbm>> -> memref<5120xf32, #tpu.memory_space<hbm>>
    tpu.enqueue_dma source(%dma_start3A_185 : memref<5120xf32, #tpu.memory_space<hbm>>) target(%arg26 : memref<5120xf32, #tpu.memory_space<vmem>>) target_semaphore(%arg35 : memref<!tpu.dma_semaphore, #tpu.memory_space<semaphore_mem>>)
    %dma_wait3A_186 = tpu.memref_slice %arg3[%add3A_171] : memref<327680xf32, #tpu.memory_space<hbm>> -> memref<5120xf32, #tpu.memory_space<hbm>>
    %dma_wait3A_187 = tpu.memref_slice %arg3[%add3A_171] : memref<327680xf32, #tpu.memory_space<hbm>> -> memref<5120xf32, #tpu.memory_space<hbm>>
    tpu.wait_dma2 semaphore(%arg35 : memref<!tpu.dma_semaphore, #tpu.memory_space<semaphore_mem>>) src(%dma_wait3A_187 : memref<5120xf32, #tpu.memory_space<hbm>>) dst(%arg22 : memref<5120xf32, #tpu.memory_space<vmem>>)
    %dma_wait3A_188 = tpu.memref_slice %arg4[%add3A_171] : memref<327680xf32, #tpu.memory_space<hbm>> -> memref<5120xf32, #tpu.memory_space<hbm>>
    %dma_wait3A_189 = tpu.memref_slice %arg4[%add3A_171] : memref<327680xf32, #tpu.memory_space<hbm>> -> memref<5120xf32, #tpu.memory_space<hbm>>
    tpu.wait_dma2 semaphore(%arg35 : memref<!tpu.dma_semaphore, #tpu.memory_space<semaphore_mem>>) src(%dma_wait3A_189 : memref<5120xf32, #tpu.memory_space<hbm>>) dst(%arg23 : memref<5120xf32, #tpu.memory_space<vmem>>)
    %dma_wait3A_190 = tpu.memref_slice %arg9[%add3A_171] : memref<327680xi32, #tpu.memory_space<hbm>> -> memref<5120xi32, #tpu.memory_space<hbm>>
    %dma_wait3A_191 = tpu.memref_slice %arg9[%add3A_171] : memref<327680xi32, #tpu.memory_space<hbm>> -> memref<5120xi32, #tpu.memory_space<hbm>>
    tpu.wait_dma2 semaphore(%arg35 : memref<!tpu.dma_semaphore, #tpu.memory_space<semaphore_mem>>) src(%dma_wait3A_191 : memref<5120xi32, #tpu.memory_space<hbm>>) dst(%arg20 : memref<5120xi32, #tpu.memory_space<vmem>>)
    %dma_wait3A_192 = tpu.memref_slice %arg8[%add3A_171] : memref<327680xi32, #tpu.memory_space<hbm>> -> memref<5120xi32, #tpu.memory_space<hbm>>
    %dma_wait3A_193 = tpu.memref_slice %arg8[%add3A_171] : memref<327680xi32, #tpu.memory_space<hbm>> -> memref<5120xi32, #tpu.memory_space<hbm>>
    tpu.wait_dma2 semaphore(%arg35 : memref<!tpu.dma_semaphore, #tpu.memory_space<semaphore_mem>>) src(%dma_wait3A_193 : memref<5120xi32, #tpu.memory_space<hbm>>) dst(%arg21 : memref<5120xi32, #tpu.memory_space<vmem>>)
    %dma_wait3A_194 = tpu.memref_slice %arg5[%add3A_171] : memref<327680xf32, #tpu.memory_space<hbm>> -> memref<5120xf32, #tpu.memory_space<hbm>>
    %dma_wait3A_195 = tpu.memref_slice %arg5[%add3A_171] : memref<327680xf32, #tpu.memory_space<hbm>> -> memref<5120xf32, #tpu.memory_space<hbm>>
    tpu.wait_dma2 semaphore(%arg35 : memref<!tpu.dma_semaphore, #tpu.memory_space<semaphore_mem>>) src(%dma_wait3A_195 : memref<5120xf32, #tpu.memory_space<hbm>>) dst(%arg24 : memref<5120xf32, #tpu.memory_space<vmem>>)
    %dma_wait3A_196 = tpu.memref_slice %arg6[%add3A_171] : memref<327680xf32, #tpu.memory_space<hbm>> -> memref<5120xf32, #tpu.memory_space<hbm>>
    %dma_wait3A_197 = tpu.memref_slice %arg6[%add3A_171] : memref<327680xf32, #tpu.memory_space<hbm>> -> memref<5120xf32, #tpu.memory_space<hbm>>
    tpu.wait_dma2 semaphore(%arg35 : memref<!tpu.dma_semaphore, #tpu.memory_space<semaphore_mem>>) src(%dma_wait3A_197 : memref<5120xf32, #tpu.memory_space<hbm>>) dst(%arg25 : memref<5120xf32, #tpu.memory_space<vmem>>)
    %dma_wait3A_198 = tpu.memref_slice %arg7[%add3A_171] : memref<327680xf32, #tpu.memory_space<hbm>> -> memref<5120xf32, #tpu.memory_space<hbm>>
    %dma_wait3A_199 = tpu.memref_slice %arg7[%add3A_171] : memref<327680xf32, #tpu.memory_space<hbm>> -> memref<5120xf32, #tpu.memory_space<hbm>>
    tpu.wait_dma2 semaphore(%arg35 : memref<!tpu.dma_semaphore, #tpu.memory_space<semaphore_mem>>) src(%dma_wait3A_199 : memref<5120xf32, #tpu.memory_space<hbm>>) dst(%arg26 : memref<5120xf32, #tpu.memory_space<vmem>>)
    %scan3A_200 = arith.constant 0 : i32
    %scan3A_201 = arith.constant 0 : i32
    %scan3A_202 = arith.constant 320 : i32
    %scan3A_203 = arith.addi %scan3A_201, %scan3A_202 : i32
    %scan3A_204 = arith.constant 1 : i32
    %scan3A_205 = scf.for %scan3A_254 = %scan3A_201 to %scan3A_203 step %scan3A_204 iter_args(%scan3A_255 = %scan3A_200) -> (i32)  : i32 {
      %mul3A_256 = arith.constant 16 : i32
      %mul3A_257 = arith.muli %scan3A_254, %mul3A_256 : i32
      %get3A_258 = arith.index_cast %mul3A_257 : i32 to index
      %get3A_259 = tpu.vector_load %arg20[%get3A_258] {strides = array<i32>} : memref<5120xi32, #tpu.memory_space<vmem>>, vector<16xi32>,
      %gather3A = tpu.vector_load_idx %arg28[%get3A_259] : memref<10240xf32, #tpu.memory_space<vmem>>[vector<16xi32>], vector<16xf32>,
      %get3A_260 = arith.index_cast %mul3A_257 : i32 to index
      %get3A_261 = tpu.vector_load %arg22[%get3A_260] {strides = array<i32>} : memref<5120xf32, #tpu.memory_space<vmem>>, vector<16xf32>,
      %mul3A_262 = arith.mulf %gather3A, %get3A_261 : vector<16xf32>
      %get3A_263 = arith.index_cast %mul3A_257 : i32 to index
      %get3A_264 = tpu.vector_load %arg23[%get3A_263] {strides = array<i32>} : memref<5120xf32, #tpu.memory_space<vmem>>, vector<16xf32>,
      %add3A_265 = arith.addf %mul3A_262, %get3A_264 : vector<16xf32>
      %add3A_266 = vector.broadcast %mul3A_257 : i32 to vector<16xi32>
      %add3A_267 = arith.addi %iota3A, %add3A_266 : vector<16xi32>
      %get3A_268 = arith.index_cast %mul3A_257 : i32 to index
      %get3A_269 = tpu.vector_load %arg24[%get3A_268] {strides = array<i32>} : memref<5120xf32, #tpu.memory_space<vmem>>, vector<16xf32>,
      %mul3A_270 = arith.mulf %add3A_265, %get3A_269 : vector<16xf32>
      tpu.vector_store_idx %arg27[%add3A_267, %broadcast_in_dim3A_91], %mul3A_270 : memref<5120x8xf32, #tpu.memory_space<vmem>>[vector<16xi32>, vector<16xi32>], vector<16xf32>,
      %get3A_271 = arith.index_cast %mul3A_257 : i32 to index
      %get3A_272 = tpu.vector_load %arg25[%get3A_271] {strides = array<i32>} : memref<5120xf32, #tpu.memory_space<vmem>>, vector<16xf32>,
      %mul3A_273 = arith.mulf %add3A_265, %get3A_272 : vector<16xf32>
      tpu.vector_store_idx %arg27[%add3A_267, %broadcast_in_dim3A_93], %mul3A_273 : memref<5120x8xf32, #tpu.memory_space<vmem>>[vector<16xi32>, vector<16xi32>], vector<16xf32>,
      %get3A_274 = arith.index_cast %mul3A_257 : i32 to index
      %get3A_275 = tpu.vector_load %arg26[%get3A_274] {strides = array<i32>} : memref<5120xf32, #tpu.memory_space<vmem>>, vector<16xf32>,
      %mul3A_276 = arith.mulf %add3A_265, %get3A_275 : vector<16xf32>
      tpu.vector_store_idx %arg27[%add3A_267, %broadcast_in_dim3A_95], %mul3A_276 : memref<5120x8xf32, #tpu.memory_space<vmem>>[vector<16xi32>, vector<16xi32>], vector<16xf32>,
      %scan3A_277 = arith.constant 0 : i32
      scf.yield %scan3A_277 : i32
    }
    %scan3A_206 = arith.constant 320 : i32
    "tpu.region"() ({
      %run_scoped3A_254 = tpu.sem_alloc : memref<!tpu.dma_semaphore, #tpu.memory_space<semaphore_mem>>
      %dma_start3A_255 = arith.constant 0 : i32
      %dma_start3A_256 = arith.constant 0 : i32
      %dma_start3A_257 = tpu.memref_slice %arg17[%dma_start3A_255, %dma_start3A_256] : memref<10240x8xf32, #tpu.memory_space<vmem_shared>> -> memref<10240x8xf32, #tpu.memory_space<vmem_shared>>
      tpu.enqueue_indirect_dma source(%arg27 : memref<5120x8xf32, #tpu.memory_space<vmem>>) target(%dma_start3A_257 : memref<10240x8xf32, #tpu.memory_space<vmem_shared>>) offsets(%arg21 : memref<5120xi32, #tpu.memory_space<vmem>>) semaphore(%run_scoped3A_254 : memref<!tpu.dma_semaphore, #tpu.memory_space<semaphore_mem>>) {add = true}
      %dma_wait3A_258 = arith.constant 0 : i32
      %dma_wait3A_259 = arith.constant 0 : i32
      %dma_wait3A_260 = tpu.memref_slice %arg17[%dma_wait3A_258, %dma_wait3A_259] : memref<10240x8xf32, #tpu.memory_space<vmem_shared>> -> memref<10240x8xf32, #tpu.memory_space<vmem_shared>>
      tpu.wait_indirect_dma semaphore(%run_scoped3A_254 : memref<!tpu.dma_semaphore, #tpu.memory_space<semaphore_mem>>) src(%arg27 : memref<5120x8xf32, #tpu.memory_space<vmem>>) dst(%dma_wait3A_260 : memref<10240x8xf32, #tpu.memory_space<vmem_shared>>)
      tpu.yield
    }) : () -> ()
    "tpu.region"() ({
      %run_scoped3A_254 = tpu.sem_alloc : memref<!tpu.dma_semaphore, #tpu.memory_space<semaphore_mem>>
      %dma_start3A_255 = arith.constant 0 : i32
      %dma_start3A_256 = arith.constant 0 : i32
      %dma_start3A_257 = tpu.memref_slice %arg18[%dma_start3A_255, %dma_start3A_256] : memref<10240x8xf32, #tpu.memory_space<vmem_shared>> -> memref<10240x8xf32, #tpu.memory_space<vmem_shared>>
      tpu.enqueue_indirect_dma source(%arg27 : memref<5120x8xf32, #tpu.memory_space<vmem>>) target(%dma_start3A_257 : memref<10240x8xf32, #tpu.memory_space<vmem_shared>>) offsets(%arg20 : memref<5120xi32, #tpu.memory_space<vmem>>) semaphore(%run_scoped3A_254 : memref<!tpu.dma_semaphore, #tpu.memory_space<semaphore_mem>>) {add = true}
      %dma_wait3A_258 = arith.constant 0 : i32
      %dma_wait3A_259 = arith.constant 0 : i32
      %dma_wait3A_260 = tpu.memref_slice %arg18[%dma_wait3A_258, %dma_wait3A_259] : memref<10240x8xf32, #tpu.memory_space<vmem_shared>> -> memref<10240x8xf32, #tpu.memory_space<vmem_shared>>
      tpu.wait_indirect_dma semaphore(%run_scoped3A_254 : memref<!tpu.dma_semaphore, #tpu.memory_space<semaphore_mem>>) src(%arg27 : memref<5120x8xf32, #tpu.memory_space<vmem>>) dst(%dma_wait3A_260 : memref<10240x8xf32, #tpu.memory_space<vmem_shared>>)
      tpu.yield
    }) : () -> ()
    %add3A_207 = arith.constant 15360 : i32
    %add3A_208 = arith.addi %mul3A_0, %add3A_207 : i32
    %dma_start3A_209 = tpu.memref_slice %arg3[%add3A_208] : memref<327680xf32, #tpu.memory_space<hbm>> -> memref<5120xf32, #tpu.memory_space<hbm>>
    %dma_start3A_210 = tpu.memref_slice %arg3[%add3A_208] : memref<327680xf32, #tpu.memory_space<hbm>> -> memref<5120xf32, #tpu.memory_space<hbm>>
    tpu.enqueue_dma source(%dma_start3A_210 : memref<5120xf32, #tpu.memory_space<hbm>>) target(%arg22 : memref<5120xf32, #tpu.memory_space<vmem>>) target_semaphore(%arg35 : memref<!tpu.dma_semaphore, #tpu.memory_space<semaphore_mem>>)
    %dma_start3A_211 = tpu.memref_slice %arg4[%add3A_208] : memref<327680xf32, #tpu.memory_space<hbm>> -> memref<5120xf32, #tpu.memory_space<hbm>>
    %dma_start3A_212 = tpu.memref_slice %arg4[%add3A_208] : memref<327680xf32, #tpu.memory_space<hbm>> -> memref<5120xf32, #tpu.memory_space<hbm>>
    tpu.enqueue_dma source(%dma_start3A_212 : memref<5120xf32, #tpu.memory_space<hbm>>) target(%arg23 : memref<5120xf32, #tpu.memory_space<vmem>>) target_semaphore(%arg35 : memref<!tpu.dma_semaphore, #tpu.memory_space<semaphore_mem>>)
    %dma_start3A_213 = tpu.memref_slice %arg9[%add3A_208] : memref<327680xi32, #tpu.memory_space<hbm>> -> memref<5120xi32, #tpu.memory_space<hbm>>
    %dma_start3A_214 = tpu.memref_slice %arg9[%add3A_208] : memref<327680xi32, #tpu.memory_space<hbm>> -> memref<5120xi32, #tpu.memory_space<hbm>>
    tpu.enqueue_dma source(%dma_start3A_214 : memref<5120xi32, #tpu.memory_space<hbm>>) target(%arg20 : memref<5120xi32, #tpu.memory_space<vmem>>) target_semaphore(%arg35 : memref<!tpu.dma_semaphore, #tpu.memory_space<semaphore_mem>>)
    %dma_start3A_215 = tpu.memref_slice %arg8[%add3A_208] : memref<327680xi32, #tpu.memory_space<hbm>> -> memref<5120xi32, #tpu.memory_space<hbm>>
    %dma_start3A_216 = tpu.memref_slice %arg8[%add3A_208] : memref<327680xi32, #tpu.memory_space<hbm>> -> memref<5120xi32, #tpu.memory_space<hbm>>
    tpu.enqueue_dma source(%dma_start3A_216 : memref<5120xi32, #tpu.memory_space<hbm>>) target(%arg21 : memref<5120xi32, #tpu.memory_space<vmem>>) target_semaphore(%arg35 : memref<!tpu.dma_semaphore, #tpu.memory_space<semaphore_mem>>)
    %dma_start3A_217 = tpu.memref_slice %arg5[%add3A_208] : memref<327680xf32, #tpu.memory_space<hbm>> -> memref<5120xf32, #tpu.memory_space<hbm>>
    %dma_start3A_218 = tpu.memref_slice %arg5[%add3A_208] : memref<327680xf32, #tpu.memory_space<hbm>> -> memref<5120xf32, #tpu.memory_space<hbm>>
    tpu.enqueue_dma source(%dma_start3A_218 : memref<5120xf32, #tpu.memory_space<hbm>>) target(%arg24 : memref<5120xf32, #tpu.memory_space<vmem>>) target_semaphore(%arg35 : memref<!tpu.dma_semaphore, #tpu.memory_space<semaphore_mem>>)
    %dma_start3A_219 = tpu.memref_slice %arg6[%add3A_208] : memref<327680xf32, #tpu.memory_space<hbm>> -> memref<5120xf32, #tpu.memory_space<hbm>>
    %dma_start3A_220 = tpu.memref_slice %arg6[%add3A_208] : memref<327680xf32, #tpu.memory_space<hbm>> -> memref<5120xf32, #tpu.memory_space<hbm>>
    tpu.enqueue_dma source(%dma_start3A_220 : memref<5120xf32, #tpu.memory_space<hbm>>) target(%arg25 : memref<5120xf32, #tpu.memory_space<vmem>>) target_semaphore(%arg35 : memref<!tpu.dma_semaphore, #tpu.memory_space<semaphore_mem>>)
    %dma_start3A_221 = tpu.memref_slice %arg7[%add3A_208] : memref<327680xf32, #tpu.memory_space<hbm>> -> memref<5120xf32, #tpu.memory_space<hbm>>
    %dma_start3A_222 = tpu.memref_slice %arg7[%add3A_208] : memref<327680xf32, #tpu.memory_space<hbm>> -> memref<5120xf32, #tpu.memory_space<hbm>>
    tpu.enqueue_dma source(%dma_start3A_222 : memref<5120xf32, #tpu.memory_space<hbm>>) target(%arg26 : memref<5120xf32, #tpu.memory_space<vmem>>) target_semaphore(%arg35 : memref<!tpu.dma_semaphore, #tpu.memory_space<semaphore_mem>>)
    %dma_wait3A_223 = tpu.memref_slice %arg3[%add3A_208] : memref<327680xf32, #tpu.memory_space<hbm>> -> memref<5120xf32, #tpu.memory_space<hbm>>
    %dma_wait3A_224 = tpu.memref_slice %arg3[%add3A_208] : memref<327680xf32, #tpu.memory_space<hbm>> -> memref<5120xf32, #tpu.memory_space<hbm>>
    tpu.wait_dma2 semaphore(%arg35 : memref<!tpu.dma_semaphore, #tpu.memory_space<semaphore_mem>>) src(%dma_wait3A_224 : memref<5120xf32, #tpu.memory_space<hbm>>) dst(%arg22 : memref<5120xf32, #tpu.memory_space<vmem>>)
    %dma_wait3A_225 = tpu.memref_slice %arg4[%add3A_208] : memref<327680xf32, #tpu.memory_space<hbm>> -> memref<5120xf32, #tpu.memory_space<hbm>>
    %dma_wait3A_226 = tpu.memref_slice %arg4[%add3A_208] : memref<327680xf32, #tpu.memory_space<hbm>> -> memref<5120xf32, #tpu.memory_space<hbm>>
    tpu.wait_dma2 semaphore(%arg35 : memref<!tpu.dma_semaphore, #tpu.memory_space<semaphore_mem>>) src(%dma_wait3A_226 : memref<5120xf32, #tpu.memory_space<hbm>>) dst(%arg23 : memref<5120xf32, #tpu.memory_space<vmem>>)
    %dma_wait3A_227 = tpu.memref_slice %arg9[%add3A_208] : memref<327680xi32, #tpu.memory_space<hbm>> -> memref<5120xi32, #tpu.memory_space<hbm>>
    %dma_wait3A_228 = tpu.memref_slice %arg9[%add3A_208] : memref<327680xi32, #tpu.memory_space<hbm>> -> memref<5120xi32, #tpu.memory_space<hbm>>
    tpu.wait_dma2 semaphore(%arg35 : memref<!tpu.dma_semaphore, #tpu.memory_space<semaphore_mem>>) src(%dma_wait3A_228 : memref<5120xi32, #tpu.memory_space<hbm>>) dst(%arg20 : memref<5120xi32, #tpu.memory_space<vmem>>)
    %dma_wait3A_229 = tpu.memref_slice %arg8[%add3A_208] : memref<327680xi32, #tpu.memory_space<hbm>> -> memref<5120xi32, #tpu.memory_space<hbm>>
    %dma_wait3A_230 = tpu.memref_slice %arg8[%add3A_208] : memref<327680xi32, #tpu.memory_space<hbm>> -> memref<5120xi32, #tpu.memory_space<hbm>>
    tpu.wait_dma2 semaphore(%arg35 : memref<!tpu.dma_semaphore, #tpu.memory_space<semaphore_mem>>) src(%dma_wait3A_230 : memref<5120xi32, #tpu.memory_space<hbm>>) dst(%arg21 : memref<5120xi32, #tpu.memory_space<vmem>>)
    %dma_wait3A_231 = tpu.memref_slice %arg5[%add3A_208] : memref<327680xf32, #tpu.memory_space<hbm>> -> memref<5120xf32, #tpu.memory_space<hbm>>
    %dma_wait3A_232 = tpu.memref_slice %arg5[%add3A_208] : memref<327680xf32, #tpu.memory_space<hbm>> -> memref<5120xf32, #tpu.memory_space<hbm>>
    tpu.wait_dma2 semaphore(%arg35 : memref<!tpu.dma_semaphore, #tpu.memory_space<semaphore_mem>>) src(%dma_wait3A_232 : memref<5120xf32, #tpu.memory_space<hbm>>) dst(%arg24 : memref<5120xf32, #tpu.memory_space<vmem>>)
    %dma_wait3A_233 = tpu.memref_slice %arg6[%add3A_208] : memref<327680xf32, #tpu.memory_space<hbm>> -> memref<5120xf32, #tpu.memory_space<hbm>>
    %dma_wait3A_234 = tpu.memref_slice %arg6[%add3A_208] : memref<327680xf32, #tpu.memory_space<hbm>> -> memref<5120xf32, #tpu.memory_space<hbm>>
    tpu.wait_dma2 semaphore(%arg35 : memref<!tpu.dma_semaphore, #tpu.memory_space<semaphore_mem>>) src(%dma_wait3A_234 : memref<5120xf32, #tpu.memory_space<hbm>>) dst(%arg25 : memref<5120xf32, #tpu.memory_space<vmem>>)
    %dma_wait3A_235 = tpu.memref_slice %arg7[%add3A_208] : memref<327680xf32, #tpu.memory_space<hbm>> -> memref<5120xf32, #tpu.memory_space<hbm>>
    %dma_wait3A_236 = tpu.memref_slice %arg7[%add3A_208] : memref<327680xf32, #tpu.memory_space<hbm>> -> memref<5120xf32, #tpu.memory_space<hbm>>
    tpu.wait_dma2 semaphore(%arg35 : memref<!tpu.dma_semaphore, #tpu.memory_space<semaphore_mem>>) src(%dma_wait3A_236 : memref<5120xf32, #tpu.memory_space<hbm>>) dst(%arg26 : memref<5120xf32, #tpu.memory_space<vmem>>)
    %scan3A_237 = arith.constant 0 : i32
    %scan3A_238 = arith.constant 0 : i32
    %scan3A_239 = arith.constant 320 : i32
    %scan3A_240 = arith.addi %scan3A_238, %scan3A_239 : i32
    %scan3A_241 = arith.constant 1 : i32
    %scan3A_242 = scf.for %scan3A_254 = %scan3A_238 to %scan3A_240 step %scan3A_241 iter_args(%scan3A_255 = %scan3A_237) -> (i32)  : i32 {
      %mul3A_256 = arith.constant 16 : i32
      %mul3A_257 = arith.muli %scan3A_254, %mul3A_256 : i32
      %get3A_258 = arith.index_cast %mul3A_257 : i32 to index
      %get3A_259 = tpu.vector_load %arg20[%get3A_258] {strides = array<i32>} : memref<5120xi32, #tpu.memory_space<vmem>>, vector<16xi32>,
      %gather3A = tpu.vector_load_idx %arg28[%get3A_259] : memref<10240xf32, #tpu.memory_space<vmem>>[vector<16xi32>], vector<16xf32>,
      %get3A_260 = arith.index_cast %mul3A_257 : i32 to index
      %get3A_261 = tpu.vector_load %arg22[%get3A_260] {strides = array<i32>} : memref<5120xf32, #tpu.memory_space<vmem>>, vector<16xf32>,
      %mul3A_262 = arith.mulf %gather3A, %get3A_261 : vector<16xf32>
      %get3A_263 = arith.index_cast %mul3A_257 : i32 to index
      %get3A_264 = tpu.vector_load %arg23[%get3A_263] {strides = array<i32>} : memref<5120xf32, #tpu.memory_space<vmem>>, vector<16xf32>,
      %add3A_265 = arith.addf %mul3A_262, %get3A_264 : vector<16xf32>
      %add3A_266 = vector.broadcast %mul3A_257 : i32 to vector<16xi32>
      %add3A_267 = arith.addi %iota3A, %add3A_266 : vector<16xi32>
      %get3A_268 = arith.index_cast %mul3A_257 : i32 to index
      %get3A_269 = tpu.vector_load %arg24[%get3A_268] {strides = array<i32>} : memref<5120xf32, #tpu.memory_space<vmem>>, vector<16xf32>,
      %mul3A_270 = arith.mulf %add3A_265, %get3A_269 : vector<16xf32>
      tpu.vector_store_idx %arg27[%add3A_267, %broadcast_in_dim3A_91], %mul3A_270 : memref<5120x8xf32, #tpu.memory_space<vmem>>[vector<16xi32>, vector<16xi32>], vector<16xf32>,
      %get3A_271 = arith.index_cast %mul3A_257 : i32 to index
      %get3A_272 = tpu.vector_load %arg25[%get3A_271] {strides = array<i32>} : memref<5120xf32, #tpu.memory_space<vmem>>, vector<16xf32>,
      %mul3A_273 = arith.mulf %add3A_265, %get3A_272 : vector<16xf32>
      tpu.vector_store_idx %arg27[%add3A_267, %broadcast_in_dim3A_93], %mul3A_273 : memref<5120x8xf32, #tpu.memory_space<vmem>>[vector<16xi32>, vector<16xi32>], vector<16xf32>,
      %get3A_274 = arith.index_cast %mul3A_257 : i32 to index
      %get3A_275 = tpu.vector_load %arg26[%get3A_274] {strides = array<i32>} : memref<5120xf32, #tpu.memory_space<vmem>>, vector<16xf32>,
      %mul3A_276 = arith.mulf %add3A_265, %get3A_275 : vector<16xf32>
      tpu.vector_store_idx %arg27[%add3A_267, %broadcast_in_dim3A_95], %mul3A_276 : memref<5120x8xf32, #tpu.memory_space<vmem>>[vector<16xi32>, vector<16xi32>], vector<16xf32>,
      %scan3A_277 = arith.constant 0 : i32
      scf.yield %scan3A_277 : i32
    }
    %scan3A_243 = arith.constant 320 : i32
    "tpu.region"() ({
      %run_scoped3A_254 = tpu.sem_alloc : memref<!tpu.dma_semaphore, #tpu.memory_space<semaphore_mem>>
      %dma_start3A_255 = arith.constant 0 : i32
      %dma_start3A_256 = arith.constant 0 : i32
      %dma_start3A_257 = tpu.memref_slice %arg17[%dma_start3A_255, %dma_start3A_256] : memref<10240x8xf32, #tpu.memory_space<vmem_shared>> -> memref<10240x8xf32, #tpu.memory_space<vmem_shared>>
      tpu.enqueue_indirect_dma source(%arg27 : memref<5120x8xf32, #tpu.memory_space<vmem>>) target(%dma_start3A_257 : memref<10240x8xf32, #tpu.memory_space<vmem_shared>>) offsets(%arg21 : memref<5120xi32, #tpu.memory_space<vmem>>) semaphore(%run_scoped3A_254 : memref<!tpu.dma_semaphore, #tpu.memory_space<semaphore_mem>>) {add = true}
      %dma_wait3A_258 = arith.constant 0 : i32
      %dma_wait3A_259 = arith.constant 0 : i32
      %dma_wait3A_260 = tpu.memref_slice %arg17[%dma_wait3A_258, %dma_wait3A_259] : memref<10240x8xf32, #tpu.memory_space<vmem_shared>> -> memref<10240x8xf32, #tpu.memory_space<vmem_shared>>
      tpu.wait_indirect_dma semaphore(%run_scoped3A_254 : memref<!tpu.dma_semaphore, #tpu.memory_space<semaphore_mem>>) src(%arg27 : memref<5120x8xf32, #tpu.memory_space<vmem>>) dst(%dma_wait3A_260 : memref<10240x8xf32, #tpu.memory_space<vmem_shared>>)
      tpu.yield
    }) : () -> ()
    "tpu.region"() ({
      %run_scoped3A_254 = tpu.sem_alloc : memref<!tpu.dma_semaphore, #tpu.memory_space<semaphore_mem>>
      %dma_start3A_255 = arith.constant 0 : i32
      %dma_start3A_256 = arith.constant 0 : i32
      %dma_start3A_257 = tpu.memref_slice %arg18[%dma_start3A_255, %dma_start3A_256] : memref<10240x8xf32, #tpu.memory_space<vmem_shared>> -> memref<10240x8xf32, #tpu.memory_space<vmem_shared>>
      tpu.enqueue_indirect_dma source(%arg27 : memref<5120x8xf32, #tpu.memory_space<vmem>>) target(%dma_start3A_257 : memref<10240x8xf32, #tpu.memory_space<vmem_shared>>) offsets(%arg20 : memref<5120xi32, #tpu.memory_space<vmem>>) semaphore(%run_scoped3A_254 : memref<!tpu.dma_semaphore, #tpu.memory_space<semaphore_mem>>) {add = true}
      %dma_wait3A_258 = arith.constant 0 : i32
      %dma_wait3A_259 = arith.constant 0 : i32
      %dma_wait3A_260 = tpu.memref_slice %arg18[%dma_wait3A_258, %dma_wait3A_259] : memref<10240x8xf32, #tpu.memory_space<vmem_shared>> -> memref<10240x8xf32, #tpu.memory_space<vmem_shared>>
      tpu.wait_indirect_dma semaphore(%run_scoped3A_254 : memref<!tpu.dma_semaphore, #tpu.memory_space<semaphore_mem>>) src(%arg27 : memref<5120x8xf32, #tpu.memory_space<vmem>>) dst(%dma_wait3A_260 : memref<10240x8xf32, #tpu.memory_space<vmem_shared>>)
      tpu.yield
    }) : () -> ()
    %barrier3A_244 = arith.constant 0 : index
    tpu.barrier barrier_id(%barrier3A_244)
    "tpu.region"() ({
      %run_scoped3A_254 = tpu.sem_alloc : memref<!tpu.dma_semaphore, #tpu.memory_space<semaphore_mem>>
      %dma_start3A_255 = arith.constant 0 : i32
      %dma_start3A_256 = tpu.memref_slice %arg17[%mul3A_2, %dma_start3A_255] : memref<10240x8xf32, #tpu.memory_space<vmem_shared>> -> memref<640x8xf32, #tpu.memory_space<vmem_shared>>
      %dma_start3A_257 = arith.constant 0 : i32
      %dma_start3A_258 = tpu.memref_slice %arg17[%mul3A_2, %dma_start3A_257] : memref<10240x8xf32, #tpu.memory_space<vmem_shared>> -> memref<640x8xf32, #tpu.memory_space<vmem_shared>>
      tpu.enqueue_dma source(%dma_start3A_258 : memref<640x8xf32, #tpu.memory_space<vmem_shared>>) target(%arg32 : memref<640x8xf32, #tpu.memory_space<vmem>>) target_semaphore(%run_scoped3A_254 : memref<!tpu.dma_semaphore, #tpu.memory_space<semaphore_mem>>)
      %dma_wait3A_259 = arith.constant 0 : i32
      %dma_wait3A_260 = tpu.memref_slice %arg17[%mul3A_2, %dma_wait3A_259] : memref<10240x8xf32, #tpu.memory_space<vmem_shared>> -> memref<640x8xf32, #tpu.memory_space<vmem_shared>>
      %dma_wait3A_261 = arith.constant 0 : i32
      %dma_wait3A_262 = tpu.memref_slice %arg17[%mul3A_2, %dma_wait3A_261] : memref<10240x8xf32, #tpu.memory_space<vmem_shared>> -> memref<640x8xf32, #tpu.memory_space<vmem_shared>>
      tpu.wait_dma2 semaphore(%run_scoped3A_254 : memref<!tpu.dma_semaphore, #tpu.memory_space<semaphore_mem>>) src(%dma_wait3A_262 : memref<640x8xf32, #tpu.memory_space<vmem_shared>>) dst(%arg32 : memref<640x8xf32, #tpu.memory_space<vmem>>)
      tpu.yield
    }) : () -> ()
    "tpu.region"() ({
      %run_scoped3A_254 = tpu.sem_alloc : memref<!tpu.dma_semaphore, #tpu.memory_space<semaphore_mem>>
      %dma_start3A_255 = arith.constant 0 : i32
      %dma_start3A_256 = tpu.memref_slice %arg18[%mul3A_2, %dma_start3A_255] : memref<10240x8xf32, #tpu.memory_space<vmem_shared>> -> memref<640x8xf32, #tpu.memory_space<vmem_shared>>
      %dma_start3A_257 = arith.constant 0 : i32
      %dma_start3A_258 = tpu.memref_slice %arg18[%mul3A_2, %dma_start3A_257] : memref<10240x8xf32, #tpu.memory_space<vmem_shared>> -> memref<640x8xf32, #tpu.memory_space<vmem_shared>>
      tpu.enqueue_dma source(%dma_start3A_258 : memref<640x8xf32, #tpu.memory_space<vmem_shared>>) target(%arg33 : memref<640x8xf32, #tpu.memory_space<vmem>>) target_semaphore(%run_scoped3A_254 : memref<!tpu.dma_semaphore, #tpu.memory_space<semaphore_mem>>)
      %dma_wait3A_259 = arith.constant 0 : i32
      %dma_wait3A_260 = tpu.memref_slice %arg18[%mul3A_2, %dma_wait3A_259] : memref<10240x8xf32, #tpu.memory_space<vmem_shared>> -> memref<640x8xf32, #tpu.memory_space<vmem_shared>>
      %dma_wait3A_261 = arith.constant 0 : i32
      %dma_wait3A_262 = tpu.memref_slice %arg18[%mul3A_2, %dma_wait3A_261] : memref<10240x8xf32, #tpu.memory_space<vmem_shared>> -> memref<640x8xf32, #tpu.memory_space<vmem_shared>>
      tpu.wait_dma2 semaphore(%run_scoped3A_254 : memref<!tpu.dma_semaphore, #tpu.memory_space<semaphore_mem>>) src(%dma_wait3A_262 : memref<640x8xf32, #tpu.memory_space<vmem_shared>>) dst(%arg33 : memref<640x8xf32, #tpu.memory_space<vmem>>)
      tpu.yield
    }) : () -> ()
    %scan3A_245 = arith.constant 0 : i32
    %scan3A_246 = arith.constant 0 : i32
    %scan3A_247 = arith.constant 120 : i32
    %scan3A_248 = arith.addi %scan3A_246, %scan3A_247 : i32
    %scan3A_249 = arith.constant 1 : i32
    %scan3A_250 = scf.for %scan3A_254 = %scan3A_246 to %scan3A_248 step %scan3A_249 iter_args(%scan3A_255 = %scan3A_245) -> (i32)  : i32 {
      %jit3A = arith.constant 40 : i32
      %div3A = arith.divsi %scan3A_254, %jit3A : i32
      %sign3A = arith.constant 0 : i32
      %sign3A_256 = arith.cmpi sgt, %scan3A_254, %sign3A : i32
      %sign3A_257 = arith.extui %sign3A_256 : i1 to i32
      %sign3A_258 = arith.constant 0 : i32
      %sign3A_259 = arith.cmpi slt, %scan3A_254, %sign3A_258 : i32
      %sign3A_260 = arith.extui %sign3A_259 : i1 to i32
      %sign3A_261 = arith.subi %sign3A_257, %sign3A_260 : i32
      %sign3A_262 = arith.constant 0 : i32
      %sign3A_263 = arith.cmpi sgt, %jit3A, %sign3A_262 : i32
      %sign3A_264 = arith.extui %sign3A_263 : i1 to i32
      %sign3A_265 = arith.constant 0 : i32
      %sign3A_266 = arith.cmpi slt, %jit3A, %sign3A_265 : i32
      %sign3A_267 = arith.extui %sign3A_266 : i1 to i32
      %sign3A_268 = arith.subi %sign3A_264, %sign3A_267 : i32
      %ne3A = arith.cmpi ne, %sign3A_261, %sign3A_268 : i32
      %rem3A = arith.remsi %scan3A_254, %jit3A : i32
      %ne3A_269 = arith.constant 0 : i32
      %ne3A_270 = arith.cmpi ne, %rem3A, %ne3A_269 : i32
      %and3A = arith.andi %ne3A, %ne3A_270 : i1
      %sub3A = arith.constant 1 : i32
      %sub3A_271 = arith.subi %div3A, %sub3A : i32
      %select_n3A = arith.select %and3A, %sub3A_271, %div3A : i32
      %jit3A_272 = arith.constant 40 : i32
      %eq3A_273 = arith.constant 0 : i32
      %eq3A_274 = arith.cmpi eq, %jit3A_272, %eq3A_273 : i32
      %jit3A_275 = arith.constant 1 : i32
      %select_n3A_276 = arith.select %eq3A_274, %jit3A_275, %jit3A_272 : i32
      %rem3A_277 = arith.remsi %scan3A_254, %select_n3A_276 : i32
      %ne3A_278 = arith.constant 0 : i32
      %ne3A_279 = arith.cmpi ne, %rem3A_277, %ne3A_278 : i32
      %lt3A = arith.constant 0 : i32
      %lt3A_280 = arith.cmpi slt, %rem3A_277, %lt3A : i32
      %lt3A_281 = arith.constant 0 : i32
      %lt3A_282 = arith.cmpi slt, %select_n3A_276, %lt3A_281 : i32
      %ne3A_283 = arith.xori %lt3A_280, %lt3A_282 : i1
      %and3A_284 = arith.andi %ne3A_283, %ne3A_279 : i1
      %add3A_285 = arith.addi %rem3A_277, %select_n3A_276 : i32
      %select_n3A_286 = arith.select %and3A_284, %add3A_285, %rem3A_277 : i32
      %mul3A_287 = arith.constant 16 : i32
      %mul3A_288 = arith.muli %mul3A_287, %select_n3A_286 : i32
      %add3A_289 = vector.broadcast %mul3A_288 : i32 to vector<16xi32>
      %add3A_290 = arith.addi %iota3A, %add3A_289 : vector<16xi32>
      %broadcast_in_dim3A_291 = arith.constant 1 : i32
      %broadcast_in_dim3A_292 = vector.broadcast %broadcast_in_dim3A_291 : i32 to vector<16xi32>
      %mul3A_293 = vector.broadcast %select_n3A : i32 to vector<16xi32>
      %mul3A_294 = arith.muli %broadcast_in_dim3A_292, %mul3A_293 : vector<16xi32>
      %gather3A = tpu.vector_load_idx %arg32[%add3A_290, %mul3A_294] : memref<640x8xf32, #tpu.memory_space<vmem>>[vector<16xi32>, vector<16xi32>], vector<16xf32>,
      %gather3A_295 = tpu.vector_load_idx %arg33[%add3A_290, %mul3A_294] : memref<640x8xf32, #tpu.memory_space<vmem>>[vector<16xi32>, vector<16xi32>], vector<16xf32>,
      %sub3A_296 = arith.subf %gather3A, %gather3A_295 : vector<16xf32>
      tpu.vector_store_idx %arg32[%add3A_290, %mul3A_294], %sub3A_296 : memref<640x8xf32, #tpu.memory_space<vmem>>[vector<16xi32>, vector<16xi32>], vector<16xf32>,
      %scan3A_297 = arith.constant 0 : i32
      scf.yield %scan3A_297 : i32
    }
    %scan3A_251 = arith.constant 120 : i32
    "tpu.region"() ({
      %run_scoped3A_254 = tpu.sem_alloc : memref<!tpu.dma_semaphore, #tpu.memory_space<semaphore_mem>>
      %dma_start3A_255 = arith.constant 0 : i32
      %dma_start3A_256 = tpu.memref_slice %arg13[%mul3A_2, %dma_start3A_255] : memref<10240x8xf32, #tpu.memory_space<hbm>> -> memref<640x8xf32, #tpu.memory_space<hbm>>
      %dma_start3A_257 = arith.constant 0 : i32
      %dma_start3A_258 = tpu.memref_slice %arg13[%mul3A_2, %dma_start3A_257] : memref<10240x8xf32, #tpu.memory_space<hbm>> -> memref<640x8xf32, #tpu.memory_space<hbm>>
      tpu.enqueue_dma source(%arg32 : memref<640x8xf32, #tpu.memory_space<vmem>>) target(%dma_start3A_258 : memref<640x8xf32, #tpu.memory_space<hbm>>) target_semaphore(%run_scoped3A_254 : memref<!tpu.dma_semaphore, #tpu.memory_space<semaphore_mem>>)
      %dma_wait3A_259 = arith.constant 0 : i32
      %dma_wait3A_260 = tpu.memref_slice %arg13[%mul3A_2, %dma_wait3A_259] : memref<10240x8xf32, #tpu.memory_space<hbm>> -> memref<640x8xf32, #tpu.memory_space<hbm>>
      %dma_wait3A_261 = arith.constant 0 : i32
      %dma_wait3A_262 = tpu.memref_slice %arg13[%mul3A_2, %dma_wait3A_261] : memref<10240x8xf32, #tpu.memory_space<hbm>> -> memref<640x8xf32, #tpu.memory_space<hbm>>
      tpu.wait_dma2 semaphore(%run_scoped3A_254 : memref<!tpu.dma_semaphore, #tpu.memory_space<semaphore_mem>>) src(%arg32 : memref<640x8xf32, #tpu.memory_space<vmem>>) dst(%dma_wait3A_262 : memref<640x8xf32, #tpu.memory_space<hbm>>)
      tpu.yield
    }) : () -> ()
    %eq3A = arith.constant 0 : i32
    %eq3A_252 = arith.cmpi eq, %arg1, %eq3A : i32
    %convert_element_type3A = arith.extui %eq3A_252 : i1 to i32
    %cond3A = arith.constant 0 : i32
    %cond3A_253 = arith.cmpi ne, %convert_element_type3A, %cond3A : i32
    scf.if %cond3A_253 {
      "tpu.region"() ({
        %run_scoped3A_342 = tpu.sem_alloc : memref<!tpu.dma_semaphore, #tpu.memory_space<semaphore_mem>>
        tpu.enqueue_dma source(%arg19 : memref<16x16xf32, #tpu.memory_space<vmem_shared>>) target(%arg34 : memref<16x16xf32, #tpu.memory_space<vmem>>) target_semaphore(%run_scoped3A_342 : memref<!tpu.dma_semaphore, #tpu.memory_space<semaphore_mem>>)
        tpu.wait_dma2 semaphore(%run_scoped3A_342 : memref<!tpu.dma_semaphore, #tpu.memory_space<semaphore_mem>>) src(%arg19 : memref<16x16xf32, #tpu.memory_space<vmem_shared>>) dst(%arg34 : memref<16x16xf32, #tpu.memory_space<vmem>>)
        tpu.yield
      }) : () -> ()
      %get3A_254 = arith.constant 0 : i32
      %get3A_255 = arith.index_cast %get3A_254 : i32 to index
      %get3A_256 = arith.constant 0 : index
      %get3A_257 = tpu.vector_load %arg34[%get3A_255, %get3A_256] {strides = array<i32>} : memref<16x16xf32, #tpu.memory_space<vmem>>, vector<16xf32>,
      %get3A_258 = arith.constant 1 : i32
      %get3A_259 = arith.index_cast %get3A_258 : i32 to index
      %get3A_260 = arith.constant 0 : index
      %get3A_261 = tpu.vector_load %arg34[%get3A_259, %get3A_260] {strides = array<i32>} : memref<16x16xf32, #tpu.memory_space<vmem>>, vector<16xf32>,
      %add3A_262 = arith.addf %get3A_257, %get3A_261 : vector<16xf32>
      %get3A_263 = arith.constant 2 : i32
      %get3A_264 = arith.index_cast %get3A_263 : i32 to index
      %get3A_265 = arith.constant 0 : index
      %get3A_266 = tpu.vector_load %arg34[%get3A_264, %get3A_265] {strides = array<i32>} : memref<16x16xf32, #tpu.memory_space<vmem>>, vector<16xf32>,
      %add3A_267 = arith.addf %add3A_262, %get3A_266 : vector<16xf32>
      %get3A_268 = arith.constant 3 : i32
      %get3A_269 = arith.index_cast %get3A_268 : i32 to index
      %get3A_270 = arith.constant 0 : index
      %get3A_271 = tpu.vector_load %arg34[%get3A_269, %get3A_270] {strides = array<i32>} : memref<16x16xf32, #tpu.memory_space<vmem>>, vector<16xf32>,
      %add3A_272 = arith.addf %add3A_267, %get3A_271 : vector<16xf32>
      %get3A_273 = arith.constant 4 : i32
      %get3A_274 = arith.index_cast %get3A_273 : i32 to index
      %get3A_275 = arith.constant 0 : index
      %get3A_276 = tpu.vector_load %arg34[%get3A_274, %get3A_275] {strides = array<i32>} : memref<16x16xf32, #tpu.memory_space<vmem>>, vector<16xf32>,
      %add3A_277 = arith.addf %add3A_272, %get3A_276 : vector<16xf32>
      %get3A_278 = arith.constant 5 : i32
      %get3A_279 = arith.index_cast %get3A_278 : i32 to index
      %get3A_280 = arith.constant 0 : index
      %get3A_281 = tpu.vector_load %arg34[%get3A_279, %get3A_280] {strides = array<i32>} : memref<16x16xf32, #tpu.memory_space<vmem>>, vector<16xf32>,
      %add3A_282 = arith.addf %add3A_277, %get3A_281 : vector<16xf32>
      %get3A_283 = arith.constant 6 : i32
      %get3A_284 = arith.index_cast %get3A_283 : i32 to index
      %get3A_285 = arith.constant 0 : index
      %get3A_286 = tpu.vector_load %arg34[%get3A_284, %get3A_285] {strides = array<i32>} : memref<16x16xf32, #tpu.memory_space<vmem>>, vector<16xf32>,
      %add3A_287 = arith.addf %add3A_282, %get3A_286 : vector<16xf32>
      %get3A_288 = arith.constant 7 : i32
      %get3A_289 = arith.index_cast %get3A_288 : i32 to index
      %get3A_290 = arith.constant 0 : index
      %get3A_291 = tpu.vector_load %arg34[%get3A_289, %get3A_290] {strides = array<i32>} : memref<16x16xf32, #tpu.memory_space<vmem>>, vector<16xf32>,
      %add3A_292 = arith.addf %add3A_287, %get3A_291 : vector<16xf32>
      %get3A_293 = arith.constant 8 : i32
      %get3A_294 = arith.index_cast %get3A_293 : i32 to index
      %get3A_295 = arith.constant 0 : index
      %get3A_296 = tpu.vector_load %arg34[%get3A_294, %get3A_295] {strides = array<i32>} : memref<16x16xf32, #tpu.memory_space<vmem>>, vector<16xf32>,
      %add3A_297 = arith.addf %add3A_292, %get3A_296 : vector<16xf32>
      %get3A_298 = arith.constant 9 : i32
      %get3A_299 = arith.index_cast %get3A_298 : i32 to index
      %get3A_300 = arith.constant 0 : index
      %get3A_301 = tpu.vector_load %arg34[%get3A_299, %get3A_300] {strides = array<i32>} : memref<16x16xf32, #tpu.memory_space<vmem>>, vector<16xf32>,
      %add3A_302 = arith.addf %add3A_297, %get3A_301 : vector<16xf32>
      %get3A_303 = arith.constant 10 : i32
      %get3A_304 = arith.index_cast %get3A_303 : i32 to index
      %get3A_305 = arith.constant 0 : index
      %get3A_306 = tpu.vector_load %arg34[%get3A_304, %get3A_305] {strides = array<i32>} : memref<16x16xf32, #tpu.memory_space<vmem>>, vector<16xf32>,
      %add3A_307 = arith.addf %add3A_302, %get3A_306 : vector<16xf32>
      %get3A_308 = arith.constant 11 : i32
      %get3A_309 = arith.index_cast %get3A_308 : i32 to index
      %get3A_310 = arith.constant 0 : index
      %get3A_311 = tpu.vector_load %arg34[%get3A_309, %get3A_310] {strides = array<i32>} : memref<16x16xf32, #tpu.memory_space<vmem>>, vector<16xf32>,
      %add3A_312 = arith.addf %add3A_307, %get3A_311 : vector<16xf32>
      %get3A_313 = arith.constant 12 : i32
      %get3A_314 = arith.index_cast %get3A_313 : i32 to index
      %get3A_315 = arith.constant 0 : index
      %get3A_316 = tpu.vector_load %arg34[%get3A_314, %get3A_315] {strides = array<i32>} : memref<16x16xf32, #tpu.memory_space<vmem>>, vector<16xf32>,
      %add3A_317 = arith.addf %add3A_312, %get3A_316 : vector<16xf32>
      %get3A_318 = arith.constant 13 : i32
      %get3A_319 = arith.index_cast %get3A_318 : i32 to index
      %get3A_320 = arith.constant 0 : index
      %get3A_321 = tpu.vector_load %arg34[%get3A_319, %get3A_320] {strides = array<i32>} : memref<16x16xf32, #tpu.memory_space<vmem>>, vector<16xf32>,
      %add3A_322 = arith.addf %add3A_317, %get3A_321 : vector<16xf32>
      %get3A_323 = arith.constant 14 : i32
      %get3A_324 = arith.index_cast %get3A_323 : i32 to index
      %get3A_325 = arith.constant 0 : index
      %get3A_326 = tpu.vector_load %arg34[%get3A_324, %get3A_325] {strides = array<i32>} : memref<16x16xf32, #tpu.memory_space<vmem>>, vector<16xf32>,
      %add3A_327 = arith.addf %add3A_322, %get3A_326 : vector<16xf32>
      %get3A_328 = arith.constant 15 : i32
      %get3A_329 = arith.index_cast %get3A_328 : i32 to index
      %get3A_330 = arith.constant 0 : index
      %get3A_331 = tpu.vector_load %arg34[%get3A_329, %get3A_330] {strides = array<i32>} : memref<16x16xf32, #tpu.memory_space<vmem>>, vector<16xf32>,
      %add3A_332 = arith.addf %add3A_327, %get3A_331 : vector<16xf32>
      %reduce_sum3A = arith.constant true
      %reduce_sum3A_333 = vector.broadcast %reduce_sum3A : i1 to vector<16xi1>
      %reduce_sum3A_334 = tpu.scan <sum>, %add3A_332 masked %reduce_sum3A_333 : vector<16xf32>, vector<16xi1> -> vector<16xf32>
      %reduce_sum3A_335 = vector.extract %reduce_sum3A_334[15] : f32 from vector<16xf32>
      %broadcast_in_dim3A_336 = vector.broadcast %reduce_sum3A_335 : f32 to vector<16xf32>
      %swap3A_337 = arith.constant 0 : i32
      %swap3A_338 = arith.index_cast %swap3A_337 : i32 to index
      %swap3A_339 = arith.constant 0 : index
      %swap3A_340 = tpu.vector_load %arg34[%swap3A_338, %swap3A_339] {strides = array<i32>} : memref<16x16xf32, #tpu.memory_space<vmem>>, vector<16xf32>,
      tpu.vector_store %arg34[%swap3A_338, %swap3A_339], %broadcast_in_dim3A_336 {strides = array<i32>} : memref<16x16xf32, #tpu.memory_space<vmem>>, vector<16xf32>,
      %run_scoped3A_341 = arith.constant 0 : i32
      "tpu.region"() ({
        %run_scoped3A_342 = tpu.sem_alloc : memref<!tpu.dma_semaphore, #tpu.memory_space<semaphore_mem>>
        %dma_start3A_343 = arith.constant 0 : i32
        %dma_start3A_344 = tpu.memref_slice %arg34[%run_scoped3A_341, %dma_start3A_343] : memref<16x16xf32, #tpu.memory_space<vmem>> -> memref<1x16xf32, #tpu.memory_space<vmem>>
        %dma_start3A_345 = tpu.memref_squeeze %dma_start3A_344 : memref<1x16xf32, #tpu.memory_space<vmem>> -> memref<16xf32, #tpu.memory_space<vmem>>
        %dma_start3A_346 = arith.constant 0 : i32
        %dma_start3A_347 = tpu.memref_slice %arg34[%run_scoped3A_341, %dma_start3A_346] : memref<16x16xf32, #tpu.memory_space<vmem>> -> memref<1x16xf32, #tpu.memory_space<vmem>>
        %dma_start3A_348 = tpu.memref_squeeze %dma_start3A_347 : memref<1x16xf32, #tpu.memory_space<vmem>> -> memref<16xf32, #tpu.memory_space<vmem>>
        tpu.enqueue_dma source(%dma_start3A_348 : memref<16xf32, #tpu.memory_space<vmem>>) target(%arg14 : memref<16xf32, #tpu.memory_space<hbm>>) target_semaphore(%run_scoped3A_342 : memref<!tpu.dma_semaphore, #tpu.memory_space<semaphore_mem>>)
        %dma_wait3A_349 = arith.constant 0 : i32
        %dma_wait3A_350 = tpu.memref_slice %arg34[%run_scoped3A_341, %dma_wait3A_349] : memref<16x16xf32, #tpu.memory_space<vmem>> -> memref<1x16xf32, #tpu.memory_space<vmem>>
        %dma_wait3A_351 = tpu.memref_squeeze %dma_wait3A_350 : memref<1x16xf32, #tpu.memory_space<vmem>> -> memref<16xf32, #tpu.memory_space<vmem>>
        %dma_wait3A_352 = arith.constant 0 : i32
        %dma_wait3A_353 = tpu.memref_slice %arg34[%run_scoped3A_341, %dma_wait3A_352] : memref<16x16xf32, #tpu.memory_space<vmem>> -> memref<1x16xf32, #tpu.memory_space<vmem>>
        %dma_wait3A_354 = tpu.memref_squeeze %dma_wait3A_353 : memref<1x16xf32, #tpu.memory_space<vmem>> -> memref<16xf32, #tpu.memory_space<vmem>>
        tpu.wait_dma2 semaphore(%run_scoped3A_342 : memref<!tpu.dma_semaphore, #tpu.memory_space<semaphore_mem>>) src(%dma_wait3A_354 : memref<16xf32, #tpu.memory_space<vmem>>) dst(%arg14 : memref<16xf32, #tpu.memory_space<hbm>>)
        tpu.yield
      }) : () -> ()
    } else {
    }
    return
  }
}

module attributes {stable_mosaic.version = 14 : i64} {
  func.func @_edge_body(%arg0: i32, %arg1: memref<4x128xf32, #tpu.memory_space<vmem>>, %arg2: memref<1x16x128xf32, #tpu.memory_space<vmem>>, %arg3: memref<1x16x128xf32, #tpu.memory_space<vmem>>, %arg4: memref<1x16x128xf32, #tpu.memory_space<vmem>>, %arg5: memref<1x16x128xf32, #tpu.memory_space<vmem>>, %arg6: memref<1x16x128xf32, #tpu.memory_space<vmem>>, %arg7: memref<1x16x128xf32, #tpu.memory_space<vmem>>, %arg8: memref<1x1xf32, #tpu.memory_space<smem>>) attributes {dimension_semantics = [#tpu.dimension_semantics<arbitrary>], iteration_bounds = array<i64: 160>, scalar_prefetch = 0 : i64, scratch_operands = 0 : i64, tpu.core_type = #tpu.core_type<tc>, window_params = [{pipeline_mode = #tpu.pipeline_mode<synchronous>, transform_indices = @transform_0, window_bounds = array<i64: 4, 128>}, {transform_indices = @transform_1, window_bounds = array<i64: 1, 16, 128>}, {transform_indices = @transform_2, window_bounds = array<i64: 1, 16, 128>}, {transform_indices = @transform_3, window_bounds = array<i64: 1, 16, 128>}, {transform_indices = @transform_4, window_bounds = array<i64: 1, 16, 128>}, {transform_indices = @transform_5, window_bounds = array<i64: 1, 16, 128>}, {transform_indices = @transform_6, window_bounds = array<i64: 1, 16, 128>}, {transform_indices = @transform_7, window_bounds = array<i64: 1, 1>}]} {
    %get3A = arith.constant 0 : index
    %get3A_0 = arith.constant 0 : index
    %get3A_1 = arith.constant 0 : index
    %get3A_2 = vector.load %arg2[%get3A, %get3A_0, %get3A_1] : memref<1x16x128xf32, #tpu.memory_space<vmem>>, vector<1x16x128xf32>
    %get3A_3 = vector.shape_cast %get3A_2 : vector<1x16x128xf32> to vector<16x128xf32>
    %get3A_4 = arith.constant 0 : index
    %get3A_5 = arith.constant 0 : index
    %get3A_6 = arith.constant 0 : index
    %get3A_7 = vector.load %arg3[%get3A_4, %get3A_5, %get3A_6] : memref<1x16x128xf32, #tpu.memory_space<vmem>>, vector<1x16x128xf32>
    %get3A_8 = vector.shape_cast %get3A_7 : vector<1x16x128xf32> to vector<16x128xf32>
    %get3A_9 = arith.constant 0 : index
    %get3A_10 = arith.constant 0 : index
    %get3A_11 = arith.constant 0 : index
    %get3A_12 = vector.load %arg4[%get3A_9, %get3A_10, %get3A_11] : memref<1x16x128xf32, #tpu.memory_space<vmem>>, vector<1x16x128xf32>
    %get3A_13 = vector.shape_cast %get3A_12 : vector<1x16x128xf32> to vector<16x128xf32>
    %mul3A = arith.mulf %get3A_3, %get3A_3 : vector<16x128xf32>
    %mul3A_14 = arith.mulf %get3A_8, %get3A_8 : vector<16x128xf32>
    %add3A = arith.addf %mul3A, %mul3A_14 : vector<16x128xf32>
    %mul3A_15 = arith.mulf %get3A_13, %get3A_13 : vector<16x128xf32>
    %add3A_16 = arith.addf %add3A, %mul3A_15 : vector<16x128xf32>
    %gt3A = arith.constant 0.000000e+00 : f32
    %gt3A_17 = vector.broadcast %gt3A : f32 to vector<16x128xf32>
    %gt3A_18 = arith.cmpf ogt, %add3A_16, %gt3A_17 : vector<16x128xf32>
    %max3A = arith.constant 1.000000e-30 : f32
    %max3A_19 = vector.broadcast %max3A : f32 to vector<16x128xf32>
    %max3A_20 = arith.maximumf %add3A_16, %max3A_19 : vector<16x128xf32>
    %rsqrt3A = math.rsqrt %max3A_20 : vector<16x128xf32>
    %mul3A_21 = arith.mulf %max3A_20, %rsqrt3A : vector<16x128xf32>
    %mul3A_22 = arith.constant 0.52359879 : f32
    %mul3A_23 = vector.broadcast %mul3A_22 : f32 to vector<16x128xf32>
    %mul3A_24 = arith.mulf %mul3A_23, %mul3A_21 : vector<16x128xf32>
    %cos3A = math.cos %mul3A_24 : vector<16x128xf32>
    %mul3A_25 = arith.constant 5.000000e-01 : f32
    %mul3A_26 = vector.broadcast %mul3A_25 : f32 to vector<16x128xf32>
    %mul3A_27 = arith.mulf %mul3A_26, %cos3A : vector<16x128xf32>
    %add3A_28 = arith.constant 5.000000e-01 : f32
    %add3A_29 = vector.broadcast %add3A_28 : f32 to vector<16x128xf32>
    %add3A_30 = arith.addf %add3A_29, %mul3A_27 : vector<16x128xf32>
    %sin3A = math.sin %mul3A_24 : vector<16x128xf32>
    %mul3A_31 = arith.constant -0.261799395 : f32
    %mul3A_32 = vector.broadcast %mul3A_31 : f32 to vector<16x128xf32>
    %mul3A_33 = arith.mulf %mul3A_32, %sin3A : vector<16x128xf32>
    %get3A_34 = arith.constant 0 : index
    %get3A_35 = arith.constant 0 : index
    %get3A_36 = vector.load %arg1[%get3A_34, %get3A_35] : memref<4x128xf32, #tpu.memory_space<vmem>>, vector<4x128xf32>
    %iota3A = tpu.iota {dimensions = array<i32: 0>} : vector<16x1xi32>
    %convert_element_type3A = arith.sitofp %iota3A : vector<16x1xi32> to vector<16x1xf32>
    %mul3A_37 = arith.constant 0.377952754 : f32
    %mul3A_38 = vector.broadcast %mul3A_37 : f32 to vector<16x1xf32>
    %mul3A_39 = arith.mulf %convert_element_type3A, %mul3A_38 : vector<16x1xf32>
    %slice3A = vector.extract_strided_slice %mul3A_21 {offsets = [0, 0], sizes = [1, 128], strides = [1, 1]} : vector<16x128xf32> to vector<1x128xf32>
    %sub3A = vector.broadcast %slice3A : vector<1x128xf32> to vector<16x128xf32>
    %sub3A_40 = vector.broadcast %mul3A_39 : vector<16x1xf32> to vector<16x128xf32>
    %sub3A_41 = arith.subf %sub3A, %sub3A_40 : vector<16x128xf32>
    %mul3A_42 = arith.mulf %sub3A_41, %sub3A_41 : vector<16x128xf32>
    %mul3A_43 = arith.constant -21.166666 : f32
    %mul3A_44 = vector.broadcast %mul3A_43 : f32 to vector<16x128xf32>
    %mul3A_45 = arith.mulf %mul3A_44, %mul3A_42 : vector<16x128xf32>
    %exp3A = math.exp %mul3A_45 : vector<16x128xf32>
    %mul3A_46 = arith.constant 2.000000e+00 : f32
    %mul3A_47 = vector.broadcast %mul3A_46 : f32 to vector<16x128xf32>
    %mul3A_48 = arith.mulf %mul3A_47, %sub3A_41 : vector<16x128xf32>
    %exp3A_49 = math.exp %mul3A_48 : vector<16x128xf32>
    %mul3A_50 = arith.mulf %exp3A, %exp3A_49 : vector<16x128xf32>
    %mul3A_51 = arith.mulf %mul3A_50, %exp3A_49 : vector<16x128xf32>
    %mul3A_52 = arith.mulf %mul3A_51, %exp3A_49 : vector<16x128xf32>
    %mul3A_53 = arith.mulf %mul3A_52, %exp3A_49 : vector<16x128xf32>
    %mul3A_54 = arith.mulf %mul3A_53, %exp3A_49 : vector<16x128xf32>
    %mul3A_55 = arith.mulf %mul3A_54, %exp3A_49 : vector<16x128xf32>
    %mul3A_56 = arith.mulf %mul3A_55, %exp3A_49 : vector<16x128xf32>
    %concatenate3A = tpu.concatenate %exp3A, %mul3A_50, %mul3A_51, %mul3A_52, %mul3A_53, %mul3A_54, %mul3A_55, %mul3A_56 in 0 : vector<16x128xf32>, vector<16x128xf32>, vector<16x128xf32>, vector<16x128xf32>, vector<16x128xf32>, vector<16x128xf32>, vector<16x128xf32>, vector<16x128xf32> -> vector<128x128xf32>
    %slice3A_57 = vector.extract_strided_slice %mul3A_21 {offsets = [1, 0], sizes = [1, 128], strides = [1, 1]} : vector<16x128xf32> to vector<1x128xf32>
    %sub3A_58 = vector.broadcast %slice3A_57 : vector<1x128xf32> to vector<16x128xf32>
    %sub3A_59 = vector.broadcast %mul3A_39 : vector<16x1xf32> to vector<16x128xf32>
    %sub3A_60 = arith.subf %sub3A_58, %sub3A_59 : vector<16x128xf32>
    %mul3A_61 = arith.mulf %sub3A_60, %sub3A_60 : vector<16x128xf32>
    %mul3A_62 = arith.constant -21.166666 : f32
    %mul3A_63 = vector.broadcast %mul3A_62 : f32 to vector<16x128xf32>
    %mul3A_64 = arith.mulf %mul3A_63, %mul3A_61 : vector<16x128xf32>
    %exp3A_65 = math.exp %mul3A_64 : vector<16x128xf32>
    %mul3A_66 = arith.constant 2.000000e+00 : f32
    %mul3A_67 = vector.broadcast %mul3A_66 : f32 to vector<16x128xf32>
    %mul3A_68 = arith.mulf %mul3A_67, %sub3A_60 : vector<16x128xf32>
    %exp3A_69 = math.exp %mul3A_68 : vector<16x128xf32>
    %mul3A_70 = arith.mulf %exp3A_65, %exp3A_69 : vector<16x128xf32>
    %mul3A_71 = arith.mulf %mul3A_70, %exp3A_69 : vector<16x128xf32>
    %mul3A_72 = arith.mulf %mul3A_71, %exp3A_69 : vector<16x128xf32>
    %mul3A_73 = arith.mulf %mul3A_72, %exp3A_69 : vector<16x128xf32>
    %mul3A_74 = arith.mulf %mul3A_73, %exp3A_69 : vector<16x128xf32>
    %mul3A_75 = arith.mulf %mul3A_74, %exp3A_69 : vector<16x128xf32>
    %mul3A_76 = arith.mulf %mul3A_75, %exp3A_69 : vector<16x128xf32>
    %concatenate3A_77 = tpu.concatenate %exp3A_65, %mul3A_70, %mul3A_71, %mul3A_72, %mul3A_73, %mul3A_74, %mul3A_75, %mul3A_76 in 0 : vector<16x128xf32>, vector<16x128xf32>, vector<16x128xf32>, vector<16x128xf32>, vector<16x128xf32>, vector<16x128xf32>, vector<16x128xf32>, vector<16x128xf32> -> vector<128x128xf32>
    %slice3A_78 = vector.extract_strided_slice %mul3A_21 {offsets = [2, 0], sizes = [1, 128], strides = [1, 1]} : vector<16x128xf32> to vector<1x128xf32>
    %sub3A_79 = vector.broadcast %slice3A_78 : vector<1x128xf32> to vector<16x128xf32>
    %sub3A_80 = vector.broadcast %mul3A_39 : vector<16x1xf32> to vector<16x128xf32>
    %sub3A_81 = arith.subf %sub3A_79, %sub3A_80 : vector<16x128xf32>
    %mul3A_82 = arith.mulf %sub3A_81, %sub3A_81 : vector<16x128xf32>
    %mul3A_83 = arith.constant -21.166666 : f32
    %mul3A_84 = vector.broadcast %mul3A_83 : f32 to vector<16x128xf32>
    %mul3A_85 = arith.mulf %mul3A_84, %mul3A_82 : vector<16x128xf32>
    %exp3A_86 = math.exp %mul3A_85 : vector<16x128xf32>
    %mul3A_87 = arith.constant 2.000000e+00 : f32
    %mul3A_88 = vector.broadcast %mul3A_87 : f32 to vector<16x128xf32>
    %mul3A_89 = arith.mulf %mul3A_88, %sub3A_81 : vector<16x128xf32>
    %exp3A_90 = math.exp %mul3A_89 : vector<16x128xf32>
    %mul3A_91 = arith.mulf %exp3A_86, %exp3A_90 : vector<16x128xf32>
    %mul3A_92 = arith.mulf %mul3A_91, %exp3A_90 : vector<16x128xf32>
    %mul3A_93 = arith.mulf %mul3A_92, %exp3A_90 : vector<16x128xf32>
    %mul3A_94 = arith.mulf %mul3A_93, %exp3A_90 : vector<16x128xf32>
    %mul3A_95 = arith.mulf %mul3A_94, %exp3A_90 : vector<16x128xf32>
    %mul3A_96 = arith.mulf %mul3A_95, %exp3A_90 : vector<16x128xf32>
    %mul3A_97 = arith.mulf %mul3A_96, %exp3A_90 : vector<16x128xf32>
    %concatenate3A_98 = tpu.concatenate %exp3A_86, %mul3A_91, %mul3A_92, %mul3A_93, %mul3A_94, %mul3A_95, %mul3A_96, %mul3A_97 in 0 : vector<16x128xf32>, vector<16x128xf32>, vector<16x128xf32>, vector<16x128xf32>, vector<16x128xf32>, vector<16x128xf32>, vector<16x128xf32>, vector<16x128xf32> -> vector<128x128xf32>
    %slice3A_99 = vector.extract_strided_slice %mul3A_21 {offsets = [3, 0], sizes = [1, 128], strides = [1, 1]} : vector<16x128xf32> to vector<1x128xf32>
    %sub3A_100 = vector.broadcast %slice3A_99 : vector<1x128xf32> to vector<16x128xf32>
    %sub3A_101 = vector.broadcast %mul3A_39 : vector<16x1xf32> to vector<16x128xf32>
    %sub3A_102 = arith.subf %sub3A_100, %sub3A_101 : vector<16x128xf32>
    %mul3A_103 = arith.mulf %sub3A_102, %sub3A_102 : vector<16x128xf32>
    %mul3A_104 = arith.constant -21.166666 : f32
    %mul3A_105 = vector.broadcast %mul3A_104 : f32 to vector<16x128xf32>
    %mul3A_106 = arith.mulf %mul3A_105, %mul3A_103 : vector<16x128xf32>
    %exp3A_107 = math.exp %mul3A_106 : vector<16x128xf32>
    %mul3A_108 = arith.constant 2.000000e+00 : f32
    %mul3A_109 = vector.broadcast %mul3A_108 : f32 to vector<16x128xf32>
    %mul3A_110 = arith.mulf %mul3A_109, %sub3A_102 : vector<16x128xf32>
    %exp3A_111 = math.exp %mul3A_110 : vector<16x128xf32>
    %mul3A_112 = arith.mulf %exp3A_107, %exp3A_111 : vector<16x128xf32>
    %mul3A_113 = arith.mulf %mul3A_112, %exp3A_111 : vector<16x128xf32>
    %mul3A_114 = arith.mulf %mul3A_113, %exp3A_111 : vector<16x128xf32>
    %mul3A_115 = arith.mulf %mul3A_114, %exp3A_111 : vector<16x128xf32>
    %mul3A_116 = arith.mulf %mul3A_115, %exp3A_111 : vector<16x128xf32>
    %mul3A_117 = arith.mulf %mul3A_116, %exp3A_111 : vector<16x128xf32>
    %mul3A_118 = arith.mulf %mul3A_117, %exp3A_111 : vector<16x128xf32>
    %concatenate3A_119 = tpu.concatenate %exp3A_107, %mul3A_112, %mul3A_113, %mul3A_114, %mul3A_115, %mul3A_116, %mul3A_117, %mul3A_118 in 0 : vector<16x128xf32>, vector<16x128xf32>, vector<16x128xf32>, vector<16x128xf32>, vector<16x128xf32>, vector<16x128xf32>, vector<16x128xf32>, vector<16x128xf32> -> vector<128x128xf32>
    %slice3A_120 = vector.extract_strided_slice %mul3A_21 {offsets = [4, 0], sizes = [1, 128], strides = [1, 1]} : vector<16x128xf32> to vector<1x128xf32>
    %sub3A_121 = vector.broadcast %slice3A_120 : vector<1x128xf32> to vector<16x128xf32>
    %sub3A_122 = vector.broadcast %mul3A_39 : vector<16x1xf32> to vector<16x128xf32>
    %sub3A_123 = arith.subf %sub3A_121, %sub3A_122 : vector<16x128xf32>
    %mul3A_124 = arith.mulf %sub3A_123, %sub3A_123 : vector<16x128xf32>
    %mul3A_125 = arith.constant -21.166666 : f32
    %mul3A_126 = vector.broadcast %mul3A_125 : f32 to vector<16x128xf32>
    %mul3A_127 = arith.mulf %mul3A_126, %mul3A_124 : vector<16x128xf32>
    %exp3A_128 = math.exp %mul3A_127 : vector<16x128xf32>
    %mul3A_129 = arith.constant 2.000000e+00 : f32
    %mul3A_130 = vector.broadcast %mul3A_129 : f32 to vector<16x128xf32>
    %mul3A_131 = arith.mulf %mul3A_130, %sub3A_123 : vector<16x128xf32>
    %exp3A_132 = math.exp %mul3A_131 : vector<16x128xf32>
    %mul3A_133 = arith.mulf %exp3A_128, %exp3A_132 : vector<16x128xf32>
    %mul3A_134 = arith.mulf %mul3A_133, %exp3A_132 : vector<16x128xf32>
    %mul3A_135 = arith.mulf %mul3A_134, %exp3A_132 : vector<16x128xf32>
    %mul3A_136 = arith.mulf %mul3A_135, %exp3A_132 : vector<16x128xf32>
    %mul3A_137 = arith.mulf %mul3A_136, %exp3A_132 : vector<16x128xf32>
    %mul3A_138 = arith.mulf %mul3A_137, %exp3A_132 : vector<16x128xf32>
    %mul3A_139 = arith.mulf %mul3A_138, %exp3A_132 : vector<16x128xf32>
    %concatenate3A_140 = tpu.concatenate %exp3A_128, %mul3A_133, %mul3A_134, %mul3A_135, %mul3A_136, %mul3A_137, %mul3A_138, %mul3A_139 in 0 : vector<16x128xf32>, vector<16x128xf32>, vector<16x128xf32>, vector<16x128xf32>, vector<16x128xf32>, vector<16x128xf32>, vector<16x128xf32>, vector<16x128xf32> -> vector<128x128xf32>
    %slice3A_141 = vector.extract_strided_slice %mul3A_21 {offsets = [5, 0], sizes = [1, 128], strides = [1, 1]} : vector<16x128xf32> to vector<1x128xf32>
    %sub3A_142 = vector.broadcast %slice3A_141 : vector<1x128xf32> to vector<16x128xf32>
    %sub3A_143 = vector.broadcast %mul3A_39 : vector<16x1xf32> to vector<16x128xf32>
    %sub3A_144 = arith.subf %sub3A_142, %sub3A_143 : vector<16x128xf32>
    %mul3A_145 = arith.mulf %sub3A_144, %sub3A_144 : vector<16x128xf32>
    %mul3A_146 = arith.constant -21.166666 : f32
    %mul3A_147 = vector.broadcast %mul3A_146 : f32 to vector<16x128xf32>
    %mul3A_148 = arith.mulf %mul3A_147, %mul3A_145 : vector<16x128xf32>
    %exp3A_149 = math.exp %mul3A_148 : vector<16x128xf32>
    %mul3A_150 = arith.constant 2.000000e+00 : f32
    %mul3A_151 = vector.broadcast %mul3A_150 : f32 to vector<16x128xf32>
    %mul3A_152 = arith.mulf %mul3A_151, %sub3A_144 : vector<16x128xf32>
    %exp3A_153 = math.exp %mul3A_152 : vector<16x128xf32>
    %mul3A_154 = arith.mulf %exp3A_149, %exp3A_153 : vector<16x128xf32>
    %mul3A_155 = arith.mulf %mul3A_154, %exp3A_153 : vector<16x128xf32>
    %mul3A_156 = arith.mulf %mul3A_155, %exp3A_153 : vector<16x128xf32>
    %mul3A_157 = arith.mulf %mul3A_156, %exp3A_153 : vector<16x128xf32>
    %mul3A_158 = arith.mulf %mul3A_157, %exp3A_153 : vector<16x128xf32>
    %mul3A_159 = arith.mulf %mul3A_158, %exp3A_153 : vector<16x128xf32>
    %mul3A_160 = arith.mulf %mul3A_159, %exp3A_153 : vector<16x128xf32>
    %concatenate3A_161 = tpu.concatenate %exp3A_149, %mul3A_154, %mul3A_155, %mul3A_156, %mul3A_157, %mul3A_158, %mul3A_159, %mul3A_160 in 0 : vector<16x128xf32>, vector<16x128xf32>, vector<16x128xf32>, vector<16x128xf32>, vector<16x128xf32>, vector<16x128xf32>, vector<16x128xf32>, vector<16x128xf32> -> vector<128x128xf32>
    %slice3A_162 = vector.extract_strided_slice %mul3A_21 {offsets = [6, 0], sizes = [1, 128], strides = [1, 1]} : vector<16x128xf32> to vector<1x128xf32>
    %sub3A_163 = vector.broadcast %slice3A_162 : vector<1x128xf32> to vector<16x128xf32>
    %sub3A_164 = vector.broadcast %mul3A_39 : vector<16x1xf32> to vector<16x128xf32>
    %sub3A_165 = arith.subf %sub3A_163, %sub3A_164 : vector<16x128xf32>
    %mul3A_166 = arith.mulf %sub3A_165, %sub3A_165 : vector<16x128xf32>
    %mul3A_167 = arith.constant -21.166666 : f32
    %mul3A_168 = vector.broadcast %mul3A_167 : f32 to vector<16x128xf32>
    %mul3A_169 = arith.mulf %mul3A_168, %mul3A_166 : vector<16x128xf32>
    %exp3A_170 = math.exp %mul3A_169 : vector<16x128xf32>
    %mul3A_171 = arith.constant 2.000000e+00 : f32
    %mul3A_172 = vector.broadcast %mul3A_171 : f32 to vector<16x128xf32>
    %mul3A_173 = arith.mulf %mul3A_172, %sub3A_165 : vector<16x128xf32>
    %exp3A_174 = math.exp %mul3A_173 : vector<16x128xf32>
    %mul3A_175 = arith.mulf %exp3A_170, %exp3A_174 : vector<16x128xf32>
    %mul3A_176 = arith.mulf %mul3A_175, %exp3A_174 : vector<16x128xf32>
    %mul3A_177 = arith.mulf %mul3A_176, %exp3A_174 : vector<16x128xf32>
    %mul3A_178 = arith.mulf %mul3A_177, %exp3A_174 : vector<16x128xf32>
    %mul3A_179 = arith.mulf %mul3A_178, %exp3A_174 : vector<16x128xf32>
    %mul3A_180 = arith.mulf %mul3A_179, %exp3A_174 : vector<16x128xf32>
    %mul3A_181 = arith.mulf %mul3A_180, %exp3A_174 : vector<16x128xf32>
    %concatenate3A_182 = tpu.concatenate %exp3A_170, %mul3A_175, %mul3A_176, %mul3A_177, %mul3A_178, %mul3A_179, %mul3A_180, %mul3A_181 in 0 : vector<16x128xf32>, vector<16x128xf32>, vector<16x128xf32>, vector<16x128xf32>, vector<16x128xf32>, vector<16x128xf32>, vector<16x128xf32>, vector<16x128xf32> -> vector<128x128xf32>
    %slice3A_183 = vector.extract_strided_slice %mul3A_21 {offsets = [7, 0], sizes = [1, 128], strides = [1, 1]} : vector<16x128xf32> to vector<1x128xf32>
    %sub3A_184 = vector.broadcast %slice3A_183 : vector<1x128xf32> to vector<16x128xf32>
    %sub3A_185 = vector.broadcast %mul3A_39 : vector<16x1xf32> to vector<16x128xf32>
    %sub3A_186 = arith.subf %sub3A_184, %sub3A_185 : vector<16x128xf32>
    %mul3A_187 = arith.mulf %sub3A_186, %sub3A_186 : vector<16x128xf32>
    %mul3A_188 = arith.constant -21.166666 : f32
    %mul3A_189 = vector.broadcast %mul3A_188 : f32 to vector<16x128xf32>
    %mul3A_190 = arith.mulf %mul3A_189, %mul3A_187 : vector<16x128xf32>
    %exp3A_191 = math.exp %mul3A_190 : vector<16x128xf32>
    %mul3A_192 = arith.constant 2.000000e+00 : f32
    %mul3A_193 = vector.broadcast %mul3A_192 : f32 to vector<16x128xf32>
    %mul3A_194 = arith.mulf %mul3A_193, %sub3A_186 : vector<16x128xf32>
    %exp3A_195 = math.exp %mul3A_194 : vector<16x128xf32>
    %mul3A_196 = arith.mulf %exp3A_191, %exp3A_195 : vector<16x128xf32>
    %mul3A_197 = arith.mulf %mul3A_196, %exp3A_195 : vector<16x128xf32>
    %mul3A_198 = arith.mulf %mul3A_197, %exp3A_195 : vector<16x128xf32>
    %mul3A_199 = arith.mulf %mul3A_198, %exp3A_195 : vector<16x128xf32>
    %mul3A_200 = arith.mulf %mul3A_199, %exp3A_195 : vector<16x128xf32>
    %mul3A_201 = arith.mulf %mul3A_200, %exp3A_195 : vector<16x128xf32>
    %mul3A_202 = arith.mulf %mul3A_201, %exp3A_195 : vector<16x128xf32>
    %concatenate3A_203 = tpu.concatenate %exp3A_191, %mul3A_196, %mul3A_197, %mul3A_198, %mul3A_199, %mul3A_200, %mul3A_201, %mul3A_202 in 0 : vector<16x128xf32>, vector<16x128xf32>, vector<16x128xf32>, vector<16x128xf32>, vector<16x128xf32>, vector<16x128xf32>, vector<16x128xf32>, vector<16x128xf32> -> vector<128x128xf32>
    %slice3A_204 = vector.extract_strided_slice %mul3A_21 {offsets = [8, 0], sizes = [1, 128], strides = [1, 1]} : vector<16x128xf32> to vector<1x128xf32>
    %sub3A_205 = vector.broadcast %slice3A_204 : vector<1x128xf32> to vector<16x128xf32>
    %sub3A_206 = vector.broadcast %mul3A_39 : vector<16x1xf32> to vector<16x128xf32>
    %sub3A_207 = arith.subf %sub3A_205, %sub3A_206 : vector<16x128xf32>
    %mul3A_208 = arith.mulf %sub3A_207, %sub3A_207 : vector<16x128xf32>
    %mul3A_209 = arith.constant -21.166666 : f32
    %mul3A_210 = vector.broadcast %mul3A_209 : f32 to vector<16x128xf32>
    %mul3A_211 = arith.mulf %mul3A_210, %mul3A_208 : vector<16x128xf32>
    %exp3A_212 = math.exp %mul3A_211 : vector<16x128xf32>
    %mul3A_213 = arith.constant 2.000000e+00 : f32
    %mul3A_214 = vector.broadcast %mul3A_213 : f32 to vector<16x128xf32>
    %mul3A_215 = arith.mulf %mul3A_214, %sub3A_207 : vector<16x128xf32>
    %exp3A_216 = math.exp %mul3A_215 : vector<16x128xf32>
    %mul3A_217 = arith.mulf %exp3A_212, %exp3A_216 : vector<16x128xf32>
    %mul3A_218 = arith.mulf %mul3A_217, %exp3A_216 : vector<16x128xf32>
    %mul3A_219 = arith.mulf %mul3A_218, %exp3A_216 : vector<16x128xf32>
    %mul3A_220 = arith.mulf %mul3A_219, %exp3A_216 : vector<16x128xf32>
    %mul3A_221 = arith.mulf %mul3A_220, %exp3A_216 : vector<16x128xf32>
    %mul3A_222 = arith.mulf %mul3A_221, %exp3A_216 : vector<16x128xf32>
    %mul3A_223 = arith.mulf %mul3A_222, %exp3A_216 : vector<16x128xf32>
    %concatenate3A_224 = tpu.concatenate %exp3A_212, %mul3A_217, %mul3A_218, %mul3A_219, %mul3A_220, %mul3A_221, %mul3A_222, %mul3A_223 in 0 : vector<16x128xf32>, vector<16x128xf32>, vector<16x128xf32>, vector<16x128xf32>, vector<16x128xf32>, vector<16x128xf32>, vector<16x128xf32>, vector<16x128xf32> -> vector<128x128xf32>
    %slice3A_225 = vector.extract_strided_slice %mul3A_21 {offsets = [9, 0], sizes = [1, 128], strides = [1, 1]} : vector<16x128xf32> to vector<1x128xf32>
    %sub3A_226 = vector.broadcast %slice3A_225 : vector<1x128xf32> to vector<16x128xf32>
    %sub3A_227 = vector.broadcast %mul3A_39 : vector<16x1xf32> to vector<16x128xf32>
    %sub3A_228 = arith.subf %sub3A_226, %sub3A_227 : vector<16x128xf32>
    %mul3A_229 = arith.mulf %sub3A_228, %sub3A_228 : vector<16x128xf32>
    %mul3A_230 = arith.constant -21.166666 : f32
    %mul3A_231 = vector.broadcast %mul3A_230 : f32 to vector<16x128xf32>
    %mul3A_232 = arith.mulf %mul3A_231, %mul3A_229 : vector<16x128xf32>
    %exp3A_233 = math.exp %mul3A_232 : vector<16x128xf32>
    %mul3A_234 = arith.constant 2.000000e+00 : f32
    %mul3A_235 = vector.broadcast %mul3A_234 : f32 to vector<16x128xf32>
    %mul3A_236 = arith.mulf %mul3A_235, %sub3A_228 : vector<16x128xf32>
    %exp3A_237 = math.exp %mul3A_236 : vector<16x128xf32>
    %mul3A_238 = arith.mulf %exp3A_233, %exp3A_237 : vector<16x128xf32>
    %mul3A_239 = arith.mulf %mul3A_238, %exp3A_237 : vector<16x128xf32>
    %mul3A_240 = arith.mulf %mul3A_239, %exp3A_237 : vector<16x128xf32>
    %mul3A_241 = arith.mulf %mul3A_240, %exp3A_237 : vector<16x128xf32>
    %mul3A_242 = arith.mulf %mul3A_241, %exp3A_237 : vector<16x128xf32>
    %mul3A_243 = arith.mulf %mul3A_242, %exp3A_237 : vector<16x128xf32>
    %mul3A_244 = arith.mulf %mul3A_243, %exp3A_237 : vector<16x128xf32>
    %concatenate3A_245 = tpu.concatenate %exp3A_233, %mul3A_238, %mul3A_239, %mul3A_240, %mul3A_241, %mul3A_242, %mul3A_243, %mul3A_244 in 0 : vector<16x128xf32>, vector<16x128xf32>, vector<16x128xf32>, vector<16x128xf32>, vector<16x128xf32>, vector<16x128xf32>, vector<16x128xf32>, vector<16x128xf32> -> vector<128x128xf32>
    %slice3A_246 = vector.extract_strided_slice %mul3A_21 {offsets = [10, 0], sizes = [1, 128], strides = [1, 1]} : vector<16x128xf32> to vector<1x128xf32>
    %sub3A_247 = vector.broadcast %slice3A_246 : vector<1x128xf32> to vector<16x128xf32>
    %sub3A_248 = vector.broadcast %mul3A_39 : vector<16x1xf32> to vector<16x128xf32>
    %sub3A_249 = arith.subf %sub3A_247, %sub3A_248 : vector<16x128xf32>
    %mul3A_250 = arith.mulf %sub3A_249, %sub3A_249 : vector<16x128xf32>
    %mul3A_251 = arith.constant -21.166666 : f32
    %mul3A_252 = vector.broadcast %mul3A_251 : f32 to vector<16x128xf32>
    %mul3A_253 = arith.mulf %mul3A_252, %mul3A_250 : vector<16x128xf32>
    %exp3A_254 = math.exp %mul3A_253 : vector<16x128xf32>
    %mul3A_255 = arith.constant 2.000000e+00 : f32
    %mul3A_256 = vector.broadcast %mul3A_255 : f32 to vector<16x128xf32>
    %mul3A_257 = arith.mulf %mul3A_256, %sub3A_249 : vector<16x128xf32>
    %exp3A_258 = math.exp %mul3A_257 : vector<16x128xf32>
    %mul3A_259 = arith.mulf %exp3A_254, %exp3A_258 : vector<16x128xf32>
    %mul3A_260 = arith.mulf %mul3A_259, %exp3A_258 : vector<16x128xf32>
    %mul3A_261 = arith.mulf %mul3A_260, %exp3A_258 : vector<16x128xf32>
    %mul3A_262 = arith.mulf %mul3A_261, %exp3A_258 : vector<16x128xf32>
    %mul3A_263 = arith.mulf %mul3A_262, %exp3A_258 : vector<16x128xf32>
    %mul3A_264 = arith.mulf %mul3A_263, %exp3A_258 : vector<16x128xf32>
    %mul3A_265 = arith.mulf %mul3A_264, %exp3A_258 : vector<16x128xf32>
    %concatenate3A_266 = tpu.concatenate %exp3A_254, %mul3A_259, %mul3A_260, %mul3A_261, %mul3A_262, %mul3A_263, %mul3A_264, %mul3A_265 in 0 : vector<16x128xf32>, vector<16x128xf32>, vector<16x128xf32>, vector<16x128xf32>, vector<16x128xf32>, vector<16x128xf32>, vector<16x128xf32>, vector<16x128xf32> -> vector<128x128xf32>
    %slice3A_267 = vector.extract_strided_slice %mul3A_21 {offsets = [11, 0], sizes = [1, 128], strides = [1, 1]} : vector<16x128xf32> to vector<1x128xf32>
    %sub3A_268 = vector.broadcast %slice3A_267 : vector<1x128xf32> to vector<16x128xf32>
    %sub3A_269 = vector.broadcast %mul3A_39 : vector<16x1xf32> to vector<16x128xf32>
    %sub3A_270 = arith.subf %sub3A_268, %sub3A_269 : vector<16x128xf32>
    %mul3A_271 = arith.mulf %sub3A_270, %sub3A_270 : vector<16x128xf32>
    %mul3A_272 = arith.constant -21.166666 : f32
    %mul3A_273 = vector.broadcast %mul3A_272 : f32 to vector<16x128xf32>
    %mul3A_274 = arith.mulf %mul3A_273, %mul3A_271 : vector<16x128xf32>
    %exp3A_275 = math.exp %mul3A_274 : vector<16x128xf32>
    %mul3A_276 = arith.constant 2.000000e+00 : f32
    %mul3A_277 = vector.broadcast %mul3A_276 : f32 to vector<16x128xf32>
    %mul3A_278 = arith.mulf %mul3A_277, %sub3A_270 : vector<16x128xf32>
    %exp3A_279 = math.exp %mul3A_278 : vector<16x128xf32>
    %mul3A_280 = arith.mulf %exp3A_275, %exp3A_279 : vector<16x128xf32>
    %mul3A_281 = arith.mulf %mul3A_280, %exp3A_279 : vector<16x128xf32>
    %mul3A_282 = arith.mulf %mul3A_281, %exp3A_279 : vector<16x128xf32>
    %mul3A_283 = arith.mulf %mul3A_282, %exp3A_279 : vector<16x128xf32>
    %mul3A_284 = arith.mulf %mul3A_283, %exp3A_279 : vector<16x128xf32>
    %mul3A_285 = arith.mulf %mul3A_284, %exp3A_279 : vector<16x128xf32>
    %mul3A_286 = arith.mulf %mul3A_285, %exp3A_279 : vector<16x128xf32>
    %concatenate3A_287 = tpu.concatenate %exp3A_275, %mul3A_280, %mul3A_281, %mul3A_282, %mul3A_283, %mul3A_284, %mul3A_285, %mul3A_286 in 0 : vector<16x128xf32>, vector<16x128xf32>, vector<16x128xf32>, vector<16x128xf32>, vector<16x128xf32>, vector<16x128xf32>, vector<16x128xf32>, vector<16x128xf32> -> vector<128x128xf32>
    %slice3A_288 = vector.extract_strided_slice %mul3A_21 {offsets = [12, 0], sizes = [1, 128], strides = [1, 1]} : vector<16x128xf32> to vector<1x128xf32>
    %sub3A_289 = vector.broadcast %slice3A_288 : vector<1x128xf32> to vector<16x128xf32>
    %sub3A_290 = vector.broadcast %mul3A_39 : vector<16x1xf32> to vector<16x128xf32>
    %sub3A_291 = arith.subf %sub3A_289, %sub3A_290 : vector<16x128xf32>
    %mul3A_292 = arith.mulf %sub3A_291, %sub3A_291 : vector<16x128xf32>
    %mul3A_293 = arith.constant -21.166666 : f32
    %mul3A_294 = vector.broadcast %mul3A_293 : f32 to vector<16x128xf32>
    %mul3A_295 = arith.mulf %mul3A_294, %mul3A_292 : vector<16x128xf32>
    %exp3A_296 = math.exp %mul3A_295 : vector<16x128xf32>
    %mul3A_297 = arith.constant 2.000000e+00 : f32
    %mul3A_298 = vector.broadcast %mul3A_297 : f32 to vector<16x128xf32>
    %mul3A_299 = arith.mulf %mul3A_298, %sub3A_291 : vector<16x128xf32>
    %exp3A_300 = math.exp %mul3A_299 : vector<16x128xf32>
    %mul3A_301 = arith.mulf %exp3A_296, %exp3A_300 : vector<16x128xf32>
    %mul3A_302 = arith.mulf %mul3A_301, %exp3A_300 : vector<16x128xf32>
    %mul3A_303 = arith.mulf %mul3A_302, %exp3A_300 : vector<16x128xf32>
    %mul3A_304 = arith.mulf %mul3A_303, %exp3A_300 : vector<16x128xf32>
    %mul3A_305 = arith.mulf %mul3A_304, %exp3A_300 : vector<16x128xf32>
    %mul3A_306 = arith.mulf %mul3A_305, %exp3A_300 : vector<16x128xf32>
    %mul3A_307 = arith.mulf %mul3A_306, %exp3A_300 : vector<16x128xf32>
    %concatenate3A_308 = tpu.concatenate %exp3A_296, %mul3A_301, %mul3A_302, %mul3A_303, %mul3A_304, %mul3A_305, %mul3A_306, %mul3A_307 in 0 : vector<16x128xf32>, vector<16x128xf32>, vector<16x128xf32>, vector<16x128xf32>, vector<16x128xf32>, vector<16x128xf32>, vector<16x128xf32>, vector<16x128xf32> -> vector<128x128xf32>
    %slice3A_309 = vector.extract_strided_slice %mul3A_21 {offsets = [13, 0], sizes = [1, 128], strides = [1, 1]} : vector<16x128xf32> to vector<1x128xf32>
    %sub3A_310 = vector.broadcast %slice3A_309 : vector<1x128xf32> to vector<16x128xf32>
    %sub3A_311 = vector.broadcast %mul3A_39 : vector<16x1xf32> to vector<16x128xf32>
    %sub3A_312 = arith.subf %sub3A_310, %sub3A_311 : vector<16x128xf32>
    %mul3A_313 = arith.mulf %sub3A_312, %sub3A_312 : vector<16x128xf32>
    %mul3A_314 = arith.constant -21.166666 : f32
    %mul3A_315 = vector.broadcast %mul3A_314 : f32 to vector<16x128xf32>
    %mul3A_316 = arith.mulf %mul3A_315, %mul3A_313 : vector<16x128xf32>
    %exp3A_317 = math.exp %mul3A_316 : vector<16x128xf32>
    %mul3A_318 = arith.constant 2.000000e+00 : f32
    %mul3A_319 = vector.broadcast %mul3A_318 : f32 to vector<16x128xf32>
    %mul3A_320 = arith.mulf %mul3A_319, %sub3A_312 : vector<16x128xf32>
    %exp3A_321 = math.exp %mul3A_320 : vector<16x128xf32>
    %mul3A_322 = arith.mulf %exp3A_317, %exp3A_321 : vector<16x128xf32>
    %mul3A_323 = arith.mulf %mul3A_322, %exp3A_321 : vector<16x128xf32>
    %mul3A_324 = arith.mulf %mul3A_323, %exp3A_321 : vector<16x128xf32>
    %mul3A_325 = arith.mulf %mul3A_324, %exp3A_321 : vector<16x128xf32>
    %mul3A_326 = arith.mulf %mul3A_325, %exp3A_321 : vector<16x128xf32>
    %mul3A_327 = arith.mulf %mul3A_326, %exp3A_321 : vector<16x128xf32>
    %mul3A_328 = arith.mulf %mul3A_327, %exp3A_321 : vector<16x128xf32>
    %concatenate3A_329 = tpu.concatenate %exp3A_317, %mul3A_322, %mul3A_323, %mul3A_324, %mul3A_325, %mul3A_326, %mul3A_327, %mul3A_328 in 0 : vector<16x128xf32>, vector<16x128xf32>, vector<16x128xf32>, vector<16x128xf32>, vector<16x128xf32>, vector<16x128xf32>, vector<16x128xf32>, vector<16x128xf32> -> vector<128x128xf32>
    %slice3A_330 = vector.extract_strided_slice %mul3A_21 {offsets = [14, 0], sizes = [1, 128], strides = [1, 1]} : vector<16x128xf32> to vector<1x128xf32>
    %sub3A_331 = vector.broadcast %slice3A_330 : vector<1x128xf32> to vector<16x128xf32>
    %sub3A_332 = vector.broadcast %mul3A_39 : vector<16x1xf32> to vector<16x128xf32>
    %sub3A_333 = arith.subf %sub3A_331, %sub3A_332 : vector<16x128xf32>
    %mul3A_334 = arith.mulf %sub3A_333, %sub3A_333 : vector<16x128xf32>
    %mul3A_335 = arith.constant -21.166666 : f32
    %mul3A_336 = vector.broadcast %mul3A_335 : f32 to vector<16x128xf32>
    %mul3A_337 = arith.mulf %mul3A_336, %mul3A_334 : vector<16x128xf32>
    %exp3A_338 = math.exp %mul3A_337 : vector<16x128xf32>
    %mul3A_339 = arith.constant 2.000000e+00 : f32
    %mul3A_340 = vector.broadcast %mul3A_339 : f32 to vector<16x128xf32>
    %mul3A_341 = arith.mulf %mul3A_340, %sub3A_333 : vector<16x128xf32>
    %exp3A_342 = math.exp %mul3A_341 : vector<16x128xf32>
    %mul3A_343 = arith.mulf %exp3A_338, %exp3A_342 : vector<16x128xf32>
    %mul3A_344 = arith.mulf %mul3A_343, %exp3A_342 : vector<16x128xf32>
    %mul3A_345 = arith.mulf %mul3A_344, %exp3A_342 : vector<16x128xf32>
    %mul3A_346 = arith.mulf %mul3A_345, %exp3A_342 : vector<16x128xf32>
    %mul3A_347 = arith.mulf %mul3A_346, %exp3A_342 : vector<16x128xf32>
    %mul3A_348 = arith.mulf %mul3A_347, %exp3A_342 : vector<16x128xf32>
    %mul3A_349 = arith.mulf %mul3A_348, %exp3A_342 : vector<16x128xf32>
    %concatenate3A_350 = tpu.concatenate %exp3A_338, %mul3A_343, %mul3A_344, %mul3A_345, %mul3A_346, %mul3A_347, %mul3A_348, %mul3A_349 in 0 : vector<16x128xf32>, vector<16x128xf32>, vector<16x128xf32>, vector<16x128xf32>, vector<16x128xf32>, vector<16x128xf32>, vector<16x128xf32>, vector<16x128xf32> -> vector<128x128xf32>
    %slice3A_351 = vector.extract_strided_slice %mul3A_21 {offsets = [15, 0], sizes = [1, 128], strides = [1, 1]} : vector<16x128xf32> to vector<1x128xf32>
    %sub3A_352 = vector.broadcast %slice3A_351 : vector<1x128xf32> to vector<16x128xf32>
    %sub3A_353 = vector.broadcast %mul3A_39 : vector<16x1xf32> to vector<16x128xf32>
    %sub3A_354 = arith.subf %sub3A_352, %sub3A_353 : vector<16x128xf32>
    %mul3A_355 = arith.mulf %sub3A_354, %sub3A_354 : vector<16x128xf32>
    %mul3A_356 = arith.constant -21.166666 : f32
    %mul3A_357 = vector.broadcast %mul3A_356 : f32 to vector<16x128xf32>
    %mul3A_358 = arith.mulf %mul3A_357, %mul3A_355 : vector<16x128xf32>
    %exp3A_359 = math.exp %mul3A_358 : vector<16x128xf32>
    %mul3A_360 = arith.constant 2.000000e+00 : f32
    %mul3A_361 = vector.broadcast %mul3A_360 : f32 to vector<16x128xf32>
    %mul3A_362 = arith.mulf %mul3A_361, %sub3A_354 : vector<16x128xf32>
    %exp3A_363 = math.exp %mul3A_362 : vector<16x128xf32>
    %mul3A_364 = arith.mulf %exp3A_359, %exp3A_363 : vector<16x128xf32>
    %mul3A_365 = arith.mulf %mul3A_364, %exp3A_363 : vector<16x128xf32>
    %mul3A_366 = arith.mulf %mul3A_365, %exp3A_363 : vector<16x128xf32>
    %mul3A_367 = arith.mulf %mul3A_366, %exp3A_363 : vector<16x128xf32>
    %mul3A_368 = arith.mulf %mul3A_367, %exp3A_363 : vector<16x128xf32>
    %mul3A_369 = arith.mulf %mul3A_368, %exp3A_363 : vector<16x128xf32>
    %mul3A_370 = arith.mulf %mul3A_369, %exp3A_363 : vector<16x128xf32>
    %concatenate3A_371 = tpu.concatenate %exp3A_359, %mul3A_364, %mul3A_365, %mul3A_366, %mul3A_367, %mul3A_368, %mul3A_369, %mul3A_370 in 0 : vector<16x128xf32>, vector<16x128xf32>, vector<16x128xf32>, vector<16x128xf32>, vector<16x128xf32>, vector<16x128xf32>, vector<16x128xf32>, vector<16x128xf32> -> vector<128x128xf32>
    %concatenate3A_372 = tpu.concatenate %concatenate3A, %concatenate3A_77, %concatenate3A_98, %concatenate3A_119, %concatenate3A_140, %concatenate3A_161, %concatenate3A_182, %concatenate3A_203, %concatenate3A_224, %concatenate3A_245, %concatenate3A_266, %concatenate3A_287, %concatenate3A_308, %concatenate3A_329, %concatenate3A_350, %concatenate3A_371 in 1 : vector<128x128xf32>, vector<128x128xf32>, vector<128x128xf32>, vector<128x128xf32>, vector<128x128xf32>, vector<128x128xf32>, vector<128x128xf32>, vector<128x128xf32>, vector<128x128xf32>, vector<128x128xf32>, vector<128x128xf32>, vector<128x128xf32>, vector<128x128xf32>, vector<128x128xf32>, vector<128x128xf32>, vector<128x128xf32> -> vector<128x2048xf32>
    %dot_general3A = arith.constant dense<0.000000e+00> : vector<4x2048xf32>
    %dot_general3A_373 = tpu.matmul %get3A_36, %concatenate3A_372, %dot_general3A {dimension_numbers = #tpu.dot_dimension_numbers<[1], [0], [0], [1], [0, 0, 1, 1], [], []>, precision = #tpu.contract_precision<fp32>, transpose_lhs_hint = false} : vector<4x128xf32>, vector<128x2048xf32>, vector<4x2048xf32> -> vector<4x2048xf32>
    %slice3A_374 = vector.extract_strided_slice %dot_general3A_373 {offsets = [0, 0], sizes = [1, 128], strides = [1, 1]} : vector<4x2048xf32> to vector<1x128xf32>
    %slice3A_375 = vector.extract_strided_slice %dot_general3A_373 {offsets = [1, 0], sizes = [1, 128], strides = [1, 1]} : vector<4x2048xf32> to vector<1x128xf32>
    %slice3A_376 = vector.extract_strided_slice %dot_general3A_373 {offsets = [2, 0], sizes = [1, 128], strides = [1, 1]} : vector<4x2048xf32> to vector<1x128xf32>
    %slice3A_377 = vector.extract_strided_slice %dot_general3A_373 {offsets = [3, 0], sizes = [1, 128], strides = [1, 1]} : vector<4x2048xf32> to vector<1x128xf32>
    %slice3A_378 = vector.extract_strided_slice %dot_general3A_373 {offsets = [0, 128], sizes = [1, 128], strides = [1, 1]} : vector<4x2048xf32> to vector<1x128xf32>
    %slice3A_379 = vector.extract_strided_slice %dot_general3A_373 {offsets = [1, 128], sizes = [1, 128], strides = [1, 1]} : vector<4x2048xf32> to vector<1x128xf32>
    %slice3A_380 = vector.extract_strided_slice %dot_general3A_373 {offsets = [2, 128], sizes = [1, 128], strides = [1, 1]} : vector<4x2048xf32> to vector<1x128xf32>
    %slice3A_381 = vector.extract_strided_slice %dot_general3A_373 {offsets = [3, 128], sizes = [1, 128], strides = [1, 1]} : vector<4x2048xf32> to vector<1x128xf32>
    %slice3A_382 = vector.extract_strided_slice %dot_general3A_373 {offsets = [0, 256], sizes = [1, 128], strides = [1, 1]} : vector<4x2048xf32> to vector<1x128xf32>
    %slice3A_383 = vector.extract_strided_slice %dot_general3A_373 {offsets = [1, 256], sizes = [1, 128], strides = [1, 1]} : vector<4x2048xf32> to vector<1x128xf32>
    %slice3A_384 = vector.extract_strided_slice %dot_general3A_373 {offsets = [2, 256], sizes = [1, 128], strides = [1, 1]} : vector<4x2048xf32> to vector<1x128xf32>
    %slice3A_385 = vector.extract_strided_slice %dot_general3A_373 {offsets = [3, 256], sizes = [1, 128], strides = [1, 1]} : vector<4x2048xf32> to vector<1x128xf32>
    %slice3A_386 = vector.extract_strided_slice %dot_general3A_373 {offsets = [0, 384], sizes = [1, 128], strides = [1, 1]} : vector<4x2048xf32> to vector<1x128xf32>
    %slice3A_387 = vector.extract_strided_slice %dot_general3A_373 {offsets = [1, 384], sizes = [1, 128], strides = [1, 1]} : vector<4x2048xf32> to vector<1x128xf32>
    %slice3A_388 = vector.extract_strided_slice %dot_general3A_373 {offsets = [2, 384], sizes = [1, 128], strides = [1, 1]} : vector<4x2048xf32> to vector<1x128xf32>
    %slice3A_389 = vector.extract_strided_slice %dot_general3A_373 {offsets = [3, 384], sizes = [1, 128], strides = [1, 1]} : vector<4x2048xf32> to vector<1x128xf32>
    %slice3A_390 = vector.extract_strided_slice %dot_general3A_373 {offsets = [0, 512], sizes = [1, 128], strides = [1, 1]} : vector<4x2048xf32> to vector<1x128xf32>
    %slice3A_391 = vector.extract_strided_slice %dot_general3A_373 {offsets = [1, 512], sizes = [1, 128], strides = [1, 1]} : vector<4x2048xf32> to vector<1x128xf32>
    %slice3A_392 = vector.extract_strided_slice %dot_general3A_373 {offsets = [2, 512], sizes = [1, 128], strides = [1, 1]} : vector<4x2048xf32> to vector<1x128xf32>
    %slice3A_393 = vector.extract_strided_slice %dot_general3A_373 {offsets = [3, 512], sizes = [1, 128], strides = [1, 1]} : vector<4x2048xf32> to vector<1x128xf32>
    %slice3A_394 = vector.extract_strided_slice %dot_general3A_373 {offsets = [0, 640], sizes = [1, 128], strides = [1, 1]} : vector<4x2048xf32> to vector<1x128xf32>
    %slice3A_395 = vector.extract_strided_slice %dot_general3A_373 {offsets = [1, 640], sizes = [1, 128], strides = [1, 1]} : vector<4x2048xf32> to vector<1x128xf32>
    %slice3A_396 = vector.extract_strided_slice %dot_general3A_373 {offsets = [2, 640], sizes = [1, 128], strides = [1, 1]} : vector<4x2048xf32> to vector<1x128xf32>
    %slice3A_397 = vector.extract_strided_slice %dot_general3A_373 {offsets = [3, 640], sizes = [1, 128], strides = [1, 1]} : vector<4x2048xf32> to vector<1x128xf32>
    %slice3A_398 = vector.extract_strided_slice %dot_general3A_373 {offsets = [0, 768], sizes = [1, 128], strides = [1, 1]} : vector<4x2048xf32> to vector<1x128xf32>
    %slice3A_399 = vector.extract_strided_slice %dot_general3A_373 {offsets = [1, 768], sizes = [1, 128], strides = [1, 1]} : vector<4x2048xf32> to vector<1x128xf32>
    %slice3A_400 = vector.extract_strided_slice %dot_general3A_373 {offsets = [2, 768], sizes = [1, 128], strides = [1, 1]} : vector<4x2048xf32> to vector<1x128xf32>
    %slice3A_401 = vector.extract_strided_slice %dot_general3A_373 {offsets = [3, 768], sizes = [1, 128], strides = [1, 1]} : vector<4x2048xf32> to vector<1x128xf32>
    %slice3A_402 = vector.extract_strided_slice %dot_general3A_373 {offsets = [0, 896], sizes = [1, 128], strides = [1, 1]} : vector<4x2048xf32> to vector<1x128xf32>
    %slice3A_403 = vector.extract_strided_slice %dot_general3A_373 {offsets = [1, 896], sizes = [1, 128], strides = [1, 1]} : vector<4x2048xf32> to vector<1x128xf32>
    %slice3A_404 = vector.extract_strided_slice %dot_general3A_373 {offsets = [2, 896], sizes = [1, 128], strides = [1, 1]} : vector<4x2048xf32> to vector<1x128xf32>
    %slice3A_405 = vector.extract_strided_slice %dot_general3A_373 {offsets = [3, 896], sizes = [1, 128], strides = [1, 1]} : vector<4x2048xf32> to vector<1x128xf32>
    %slice3A_406 = vector.extract_strided_slice %dot_general3A_373 {offsets = [0, 1024], sizes = [1, 128], strides = [1, 1]} : vector<4x2048xf32> to vector<1x128xf32>
    %slice3A_407 = vector.extract_strided_slice %dot_general3A_373 {offsets = [1, 1024], sizes = [1, 128], strides = [1, 1]} : vector<4x2048xf32> to vector<1x128xf32>
    %slice3A_408 = vector.extract_strided_slice %dot_general3A_373 {offsets = [2, 1024], sizes = [1, 128], strides = [1, 1]} : vector<4x2048xf32> to vector<1x128xf32>
    %slice3A_409 = vector.extract_strided_slice %dot_general3A_373 {offsets = [3, 1024], sizes = [1, 128], strides = [1, 1]} : vector<4x2048xf32> to vector<1x128xf32>
    %slice3A_410 = vector.extract_strided_slice %dot_general3A_373 {offsets = [0, 1152], sizes = [1, 128], strides = [1, 1]} : vector<4x2048xf32> to vector<1x128xf32>
    %slice3A_411 = vector.extract_strided_slice %dot_general3A_373 {offsets = [1, 1152], sizes = [1, 128], strides = [1, 1]} : vector<4x2048xf32> to vector<1x128xf32>
    %slice3A_412 = vector.extract_strided_slice %dot_general3A_373 {offsets = [2, 1152], sizes = [1, 128], strides = [1, 1]} : vector<4x2048xf32> to vector<1x128xf32>
    %slice3A_413 = vector.extract_strided_slice %dot_general3A_373 {offsets = [3, 1152], sizes = [1, 128], strides = [1, 1]} : vector<4x2048xf32> to vector<1x128xf32>
    %slice3A_414 = vector.extract_strided_slice %dot_general3A_373 {offsets = [0, 1280], sizes = [1, 128], strides = [1, 1]} : vector<4x2048xf32> to vector<1x128xf32>
    %slice3A_415 = vector.extract_strided_slice %dot_general3A_373 {offsets = [1, 1280], sizes = [1, 128], strides = [1, 1]} : vector<4x2048xf32> to vector<1x128xf32>
    %slice3A_416 = vector.extract_strided_slice %dot_general3A_373 {offsets = [2, 1280], sizes = [1, 128], strides = [1, 1]} : vector<4x2048xf32> to vector<1x128xf32>
    %slice3A_417 = vector.extract_strided_slice %dot_general3A_373 {offsets = [3, 1280], sizes = [1, 128], strides = [1, 1]} : vector<4x2048xf32> to vector<1x128xf32>
    %slice3A_418 = vector.extract_strided_slice %dot_general3A_373 {offsets = [0, 1408], sizes = [1, 128], strides = [1, 1]} : vector<4x2048xf32> to vector<1x128xf32>
    %slice3A_419 = vector.extract_strided_slice %dot_general3A_373 {offsets = [1, 1408], sizes = [1, 128], strides = [1, 1]} : vector<4x2048xf32> to vector<1x128xf32>
    %slice3A_420 = vector.extract_strided_slice %dot_general3A_373 {offsets = [2, 1408], sizes = [1, 128], strides = [1, 1]} : vector<4x2048xf32> to vector<1x128xf32>
    %slice3A_421 = vector.extract_strided_slice %dot_general3A_373 {offsets = [3, 1408], sizes = [1, 128], strides = [1, 1]} : vector<4x2048xf32> to vector<1x128xf32>
    %slice3A_422 = vector.extract_strided_slice %dot_general3A_373 {offsets = [0, 1536], sizes = [1, 128], strides = [1, 1]} : vector<4x2048xf32> to vector<1x128xf32>
    %slice3A_423 = vector.extract_strided_slice %dot_general3A_373 {offsets = [1, 1536], sizes = [1, 128], strides = [1, 1]} : vector<4x2048xf32> to vector<1x128xf32>
    %slice3A_424 = vector.extract_strided_slice %dot_general3A_373 {offsets = [2, 1536], sizes = [1, 128], strides = [1, 1]} : vector<4x2048xf32> to vector<1x128xf32>
    %slice3A_425 = vector.extract_strided_slice %dot_general3A_373 {offsets = [3, 1536], sizes = [1, 128], strides = [1, 1]} : vector<4x2048xf32> to vector<1x128xf32>
    %slice3A_426 = vector.extract_strided_slice %dot_general3A_373 {offsets = [0, 1664], sizes = [1, 128], strides = [1, 1]} : vector<4x2048xf32> to vector<1x128xf32>
    %slice3A_427 = vector.extract_strided_slice %dot_general3A_373 {offsets = [1, 1664], sizes = [1, 128], strides = [1, 1]} : vector<4x2048xf32> to vector<1x128xf32>
    %slice3A_428 = vector.extract_strided_slice %dot_general3A_373 {offsets = [2, 1664], sizes = [1, 128], strides = [1, 1]} : vector<4x2048xf32> to vector<1x128xf32>
    %slice3A_429 = vector.extract_strided_slice %dot_general3A_373 {offsets = [3, 1664], sizes = [1, 128], strides = [1, 1]} : vector<4x2048xf32> to vector<1x128xf32>
    %slice3A_430 = vector.extract_strided_slice %dot_general3A_373 {offsets = [0, 1792], sizes = [1, 128], strides = [1, 1]} : vector<4x2048xf32> to vector<1x128xf32>
    %slice3A_431 = vector.extract_strided_slice %dot_general3A_373 {offsets = [1, 1792], sizes = [1, 128], strides = [1, 1]} : vector<4x2048xf32> to vector<1x128xf32>
    %slice3A_432 = vector.extract_strided_slice %dot_general3A_373 {offsets = [2, 1792], sizes = [1, 128], strides = [1, 1]} : vector<4x2048xf32> to vector<1x128xf32>
    %slice3A_433 = vector.extract_strided_slice %dot_general3A_373 {offsets = [3, 1792], sizes = [1, 128], strides = [1, 1]} : vector<4x2048xf32> to vector<1x128xf32>
    %slice3A_434 = vector.extract_strided_slice %dot_general3A_373 {offsets = [0, 1920], sizes = [1, 128], strides = [1, 1]} : vector<4x2048xf32> to vector<1x128xf32>
    %slice3A_435 = vector.extract_strided_slice %dot_general3A_373 {offsets = [1, 1920], sizes = [1, 128], strides = [1, 1]} : vector<4x2048xf32> to vector<1x128xf32>
    %slice3A_436 = vector.extract_strided_slice %dot_general3A_373 {offsets = [2, 1920], sizes = [1, 128], strides = [1, 1]} : vector<4x2048xf32> to vector<1x128xf32>
    %slice3A_437 = vector.extract_strided_slice %dot_general3A_373 {offsets = [3, 1920], sizes = [1, 128], strides = [1, 1]} : vector<4x2048xf32> to vector<1x128xf32>
    %concatenate3A_438 = tpu.concatenate %slice3A_374, %slice3A_378, %slice3A_382, %slice3A_386, %slice3A_390, %slice3A_394, %slice3A_398, %slice3A_402, %slice3A_406, %slice3A_410, %slice3A_414, %slice3A_418, %slice3A_422, %slice3A_426, %slice3A_430, %slice3A_434 in 0 : vector<1x128xf32>, vector<1x128xf32>, vector<1x128xf32>, vector<1x128xf32>, vector<1x128xf32>, vector<1x128xf32>, vector<1x128xf32>, vector<1x128xf32>, vector<1x128xf32>, vector<1x128xf32>, vector<1x128xf32>, vector<1x128xf32>, vector<1x128xf32>, vector<1x128xf32>, vector<1x128xf32>, vector<1x128xf32> -> vector<16x128xf32>
    %concatenate3A_439 = tpu.concatenate %slice3A_375, %slice3A_379, %slice3A_383, %slice3A_387, %slice3A_391, %slice3A_395, %slice3A_399, %slice3A_403, %slice3A_407, %slice3A_411, %slice3A_415, %slice3A_419, %slice3A_423, %slice3A_427, %slice3A_431, %slice3A_435 in 0 : vector<1x128xf32>, vector<1x128xf32>, vector<1x128xf32>, vector<1x128xf32>, vector<1x128xf32>, vector<1x128xf32>, vector<1x128xf32>, vector<1x128xf32>, vector<1x128xf32>, vector<1x128xf32>, vector<1x128xf32>, vector<1x128xf32>, vector<1x128xf32>, vector<1x128xf32>, vector<1x128xf32>, vector<1x128xf32> -> vector<16x128xf32>
    %concatenate3A_440 = tpu.concatenate %slice3A_376, %slice3A_380, %slice3A_384, %slice3A_388, %slice3A_392, %slice3A_396, %slice3A_400, %slice3A_404, %slice3A_408, %slice3A_412, %slice3A_416, %slice3A_420, %slice3A_424, %slice3A_428, %slice3A_432, %slice3A_436 in 0 : vector<1x128xf32>, vector<1x128xf32>, vector<1x128xf32>, vector<1x128xf32>, vector<1x128xf32>, vector<1x128xf32>, vector<1x128xf32>, vector<1x128xf32>, vector<1x128xf32>, vector<1x128xf32>, vector<1x128xf32>, vector<1x128xf32>, vector<1x128xf32>, vector<1x128xf32>, vector<1x128xf32>, vector<1x128xf32> -> vector<16x128xf32>
    %concatenate3A_441 = tpu.concatenate %slice3A_377, %slice3A_381, %slice3A_385, %slice3A_389, %slice3A_393, %slice3A_397, %slice3A_401, %slice3A_405, %slice3A_409, %slice3A_413, %slice3A_417, %slice3A_421, %slice3A_425, %slice3A_429, %slice3A_433, %slice3A_437 in 0 : vector<1x128xf32>, vector<1x128xf32>, vector<1x128xf32>, vector<1x128xf32>, vector<1x128xf32>, vector<1x128xf32>, vector<1x128xf32>, vector<1x128xf32>, vector<1x128xf32>, vector<1x128xf32>, vector<1x128xf32>, vector<1x128xf32>, vector<1x128xf32>, vector<1x128xf32>, vector<1x128xf32>, vector<1x128xf32> -> vector<16x128xf32>
    %mul3A_442 = arith.mulf %mul3A_21, %concatenate3A_438 : vector<16x128xf32>
    %sub3A_443 = arith.subf %mul3A_442, %concatenate3A_439 : vector<16x128xf32>
    %mul3A_444 = arith.constant -42.3333321 : f32
    %mul3A_445 = vector.broadcast %mul3A_444 : f32 to vector<16x128xf32>
    %mul3A_446 = arith.mulf %mul3A_445, %sub3A_443 : vector<16x128xf32>
    %mul3A_447 = arith.mulf %mul3A_21, %concatenate3A_440 : vector<16x128xf32>
    %sub3A_448 = arith.subf %mul3A_447, %concatenate3A_441 : vector<16x128xf32>
    %mul3A_449 = arith.constant -42.3333321 : f32
    %mul3A_450 = vector.broadcast %mul3A_449 : f32 to vector<16x128xf32>
    %mul3A_451 = arith.mulf %mul3A_450, %sub3A_448 : vector<16x128xf32>
    %broadcast_in_dim3A = arith.constant 0.000000e+00 : f32
    %broadcast_in_dim3A_452 = vector.broadcast %broadcast_in_dim3A : f32 to vector<16x128xf32>
    %mul3A_453 = arith.constant 5.000000e-01 : f32
    %mul3A_454 = vector.broadcast %mul3A_453 : f32 to vector<16x128xf32>
    %mul3A_455 = arith.mulf %mul3A_454, %concatenate3A_438 : vector<16x128xf32>
    %mul3A_456 = arith.mulf %mul3A_455, %add3A_30 : vector<16x128xf32>
    %select_n3A = arith.select %gt3A_18, %mul3A_456, %broadcast_in_dim3A_452 : vector<16x128xi1>, vector<16x128xf32>
    %mul3A_457 = arith.mulf %mul3A_446, %add3A_30 : vector<16x128xf32>
    %mul3A_458 = arith.mulf %concatenate3A_438, %mul3A_33 : vector<16x128xf32>
    %add3A_459 = arith.addf %mul3A_457, %mul3A_458 : vector<16x128xf32>
    %mul3A_460 = arith.constant 5.000000e-01 : f32
    %mul3A_461 = vector.broadcast %mul3A_460 : f32 to vector<16x128xf32>
    %mul3A_462 = arith.mulf %mul3A_461, %add3A_459 : vector<16x128xf32>
    %mul3A_463 = arith.mulf %mul3A_462, %rsqrt3A : vector<16x128xf32>
    %select_n3A_464 = arith.select %gt3A_18, %mul3A_463, %broadcast_in_dim3A_452 : vector<16x128xi1>, vector<16x128xf32>
    %mul3A_465 = arith.constant 5.000000e-01 : f32
    %mul3A_466 = vector.broadcast %mul3A_465 : f32 to vector<16x128xf32>
    %mul3A_467 = arith.mulf %mul3A_466, %concatenate3A_440 : vector<16x128xf32>
    %mul3A_468 = arith.mulf %mul3A_467, %add3A_30 : vector<16x128xf32>
    %mul3A_469 = arith.mulf %mul3A_468, %rsqrt3A : vector<16x128xf32>
    %select_n3A_470 = arith.select %gt3A_18, %mul3A_469, %broadcast_in_dim3A_452 : vector<16x128xi1>, vector<16x128xf32>
    %mul3A_471 = arith.mulf %mul3A_451, %add3A_30 : vector<16x128xf32>
    %mul3A_472 = arith.mulf %concatenate3A_440, %mul3A_33 : vector<16x128xf32>
    %add3A_473 = arith.addf %mul3A_471, %mul3A_472 : vector<16x128xf32>
    %mul3A_474 = arith.constant 5.000000e-01 : f32
    %mul3A_475 = vector.broadcast %mul3A_474 : f32 to vector<16x128xf32>
    %mul3A_476 = arith.mulf %add3A_473, %mul3A_475 : vector<16x128xf32>
    %mul3A_477 = arith.mulf %mul3A_476, %rsqrt3A : vector<16x128xf32>
    %mul3A_478 = arith.mulf %select_n3A_470, %rsqrt3A : vector<16x128xf32>
    %sub3A_479 = arith.subf %mul3A_477, %mul3A_478 : vector<16x128xf32>
    %mul3A_480 = arith.mulf %sub3A_479, %rsqrt3A : vector<16x128xf32>
    %select_n3A_481 = arith.select %gt3A_18, %mul3A_480, %broadcast_in_dim3A_452 : vector<16x128xi1>, vector<16x128xf32>
    %reshape3A = vector.shape_cast %select_n3A : vector<16x128xf32> to vector<1x16x128xf32>
    %swap3A = arith.constant 0 : index
    %swap3A_482 = arith.constant 0 : index
    %swap3A_483 = arith.constant 0 : index
    %swap3A_484 = vector.load %arg5[%swap3A, %swap3A_482, %swap3A_483] : memref<1x16x128xf32, #tpu.memory_space<vmem>>, vector<1x16x128xf32>
    tpu.vector_store %arg5[%swap3A, %swap3A_482, %swap3A_483], %reshape3A {strides = array<i32>} : memref<1x16x128xf32, #tpu.memory_space<vmem>>, vector<1x16x128xf32>,
    %reshape3A_485 = vector.shape_cast %select_n3A_464 : vector<16x128xf32> to vector<1x16x128xf32>
    %swap3A_486 = arith.constant 0 : index
    %swap3A_487 = arith.constant 0 : index
    %swap3A_488 = arith.constant 0 : index
    %swap3A_489 = vector.load %arg6[%swap3A_486, %swap3A_487, %swap3A_488] : memref<1x16x128xf32, #tpu.memory_space<vmem>>, vector<1x16x128xf32>
    tpu.vector_store %arg6[%swap3A_486, %swap3A_487, %swap3A_488], %reshape3A_485 {strides = array<i32>} : memref<1x16x128xf32, #tpu.memory_space<vmem>>, vector<1x16x128xf32>,
    %reshape3A_490 = vector.shape_cast %select_n3A_481 : vector<16x128xf32> to vector<1x16x128xf32>
    %swap3A_491 = arith.constant 0 : index
    %swap3A_492 = arith.constant 0 : index
    %swap3A_493 = arith.constant 0 : index
    %swap3A_494 = vector.load %arg7[%swap3A_491, %swap3A_492, %swap3A_493] : memref<1x16x128xf32, #tpu.memory_space<vmem>>, vector<1x16x128xf32>
    tpu.vector_store %arg7[%swap3A_491, %swap3A_492, %swap3A_493], %reshape3A_490 {strides = array<i32>} : memref<1x16x128xf32, #tpu.memory_space<vmem>>, vector<1x16x128xf32>,
    %eq3A = arith.constant 0 : i32
    %eq3A_495 = arith.cmpi eq, %arg0, %eq3A : i32
    %convert_element_type3A_496 = arith.extui %eq3A_495 : i1 to i32
    %cond3A = arith.constant 0 : i32
    %cond3A_497 = arith.cmpi ne, %convert_element_type3A_496, %cond3A : i32
    scf.if %cond3A_497 {
      %swap3A_509 = arith.constant 0.000000e+00 : f32
      %swap3A_510 = arith.constant 0 : index
      %swap3A_511 = arith.constant 0 : index
      %swap3A_512 = memref.load %arg8[%swap3A_510, %swap3A_511] : memref<1x1xf32, #tpu.memory_space<smem>>
      memref.store %swap3A_509, %arg8[%swap3A_510, %swap3A_511] : memref<1x1xf32, #tpu.memory_space<smem>>
    } else {
    }
    %get3A_498 = arith.constant 0 : index
    %get3A_499 = arith.constant 0 : index
    %get3A_500 = memref.load %arg8[%get3A_498, %get3A_499] : memref<1x1xf32, #tpu.memory_space<smem>>
    %reduce_sum3A = vector.shape_cast %select_n3A_470 : vector<16x128xf32> to vector<1x16x128xf32>
    %reduce_sum3A_501 = arith.constant dense<0.000000e+00> : vector<1xf32>
    %reduce_sum3A_502 = vector.multi_reduction <add>, %reduce_sum3A, %reduce_sum3A_501 [1, 2] : vector<1x16x128xf32> to vector<1xf32>
    %reduce_sum3A_503 = vector.shape_cast %reduce_sum3A_502 : vector<1xf32> to vector<1x1x1xf32>
    %reduce_sum3A_504 = vector.extract %reduce_sum3A_503[0, 0, 0] : f32 from vector<1x1x1xf32>
    %add3A_505 = arith.addf %get3A_500, %reduce_sum3A_504 : f32
    %swap3A_506 = arith.constant 0 : index
    %swap3A_507 = arith.constant 0 : index
    %swap3A_508 = memref.load %arg8[%swap3A_506, %swap3A_507] : memref<1x1xf32, #tpu.memory_space<smem>>
    memref.store %add3A_505, %arg8[%swap3A_506, %swap3A_507] : memref<1x1xf32, #tpu.memory_space<smem>>
    return
  }
  func.func @transform_0(%arg0: i32) -> (i32, i32) {
    %c0_i32 = arith.constant 0 : i32
    %c0_i32_0 = arith.constant 0 : i32
    %c0_i32_1 = arith.constant 0 : i32
    return %c0_i32, %c0_i32_0 : i32, i32
  }
  func.func @transform_1(%arg0: i32) -> (i32, i32, i32) {
    %c0_i32 = arith.constant 0 : i32
    %c0_i32_0 = arith.constant 0 : i32
    %c0_i32_1 = arith.constant 0 : i32
    return %arg0, %c0_i32, %c0_i32_0 : i32, i32, i32
  }
  func.func @transform_2(%arg0: i32) -> (i32, i32, i32) {
    %c0_i32 = arith.constant 0 : i32
    %c0_i32_0 = arith.constant 0 : i32
    %c0_i32_1 = arith.constant 0 : i32
    return %arg0, %c0_i32, %c0_i32_0 : i32, i32, i32
  }
  func.func @transform_3(%arg0: i32) -> (i32, i32, i32) {
    %c0_i32 = arith.constant 0 : i32
    %c0_i32_0 = arith.constant 0 : i32
    %c0_i32_1 = arith.constant 0 : i32
    return %arg0, %c0_i32, %c0_i32_0 : i32, i32, i32
  }
  func.func @transform_4(%arg0: i32) -> (i32, i32, i32) {
    %c0_i32 = arith.constant 0 : i32
    %c0_i32_0 = arith.constant 0 : i32
    %c0_i32_1 = arith.constant 0 : i32
    return %arg0, %c0_i32, %c0_i32_0 : i32, i32, i32
  }
  func.func @transform_5(%arg0: i32) -> (i32, i32, i32) {
    %c0_i32 = arith.constant 0 : i32
    %c0_i32_0 = arith.constant 0 : i32
    %c0_i32_1 = arith.constant 0 : i32
    return %arg0, %c0_i32, %c0_i32_0 : i32, i32, i32
  }
  func.func @transform_6(%arg0: i32) -> (i32, i32, i32) {
    %c0_i32 = arith.constant 0 : i32
    %c0_i32_0 = arith.constant 0 : i32
    %c0_i32_1 = arith.constant 0 : i32
    return %arg0, %c0_i32, %c0_i32_0 : i32, i32, i32
  }
  func.func @transform_7(%arg0: i32) -> (i32, i32) {
    %c0_i32 = arith.constant 0 : i32
    %c0_i32_0 = arith.constant 0 : i32
    %c0_i32_1 = arith.constant 0 : i32
    return %c0_i32, %c0_i32_0 : i32, i32
  }
}

</mosaic_0001>

<sc_bundles>
// kernel: kernel.4.cloned.1.call-start
scs
__scs_entry_jumppad:
0x0: {  	(pc) =	sbr.rel $0x88, $3  }
0x1: {  	(tag) =	ssettag $0x0;
	lr =	simm.s32 $0x1  }
0x2: {  	[smem:$0x3F9C] =	sst lr;
	_ =	strace $0xD0000000  }
0x3: {  	_ = 	snop  }
0x4: {  	_ = 	snop  }
0x5: {  	_ = 	snop  }
0x6: {  	_ = 	snop  }
0x7: {  	_ = 	snop  }
__scs_overlays_trampoline_lowered:
0x8: {  	[smem:$0x3FAB] =	sst s0  }
0x9: {  	[smem:$0x3FAC] =	sst s1  }
0xa: {  	[smem:$0x3FAD] =	sst s2  }
0xb: {  	[smem:$0x3FAE] =	sst s3  }
0xc: {  	[smem:$0x3FAF] =	sst s4  }
0xd: {  	[smem:$0x3FB0] =	sst s5  }
0xe: {  	[smem:$0x3FB1] =	sst s6  }
0xf: {  	[smem:$0x3FB2] =	sst s7  }
0x10: {  	[smem:$0x3FB3] =	sst s8  }
0x11: {  	[smem:$0x3FB4] =	sst s9;
	s0 =	simm.s32 @!p0 $0x0  }
0x12: {  	s1 =	sld [smem:$0x3F9A];
	s0 =	simm.s32 @p0 $0x1  }
0x13: {  	[smem:$0x3FB5] =	sst s0;
	s0 =	simm.s32 @!p1 $0x0  }
0x14: {  	s2 =	sld [smem:$0x3F99];
	s0 =	simm.s32 @p1 $0x1  }
0x15: {  	[smem:$0x3FB6] =	sst s0;
	s0 =	simm.s32 @!p2 $0x0  }
0x16: {  	s3 =	sld [smem:$0x3FDB];
	s0 =	simm.s32 @p2 $0x1  }
0x17: {  	s4 =	simm.s32 $0x1BF5;
	[smem:$0x3FB8] =	sst s0  }
0x18: {  	s0 =	sld [smem:$0x3F9B];
	_ =	swait.ge [sflag:s4], $0x0  }
0x19: {  	s7 =	sld [smem:$0x3F9C]  }
0x1a: {  	s8 =	sadd.s32 $0xFFFFE003, lr  }
0x1b: {  	s9 =	sadd.s32 $0xFFFFFEF7, lr;
	s5 =	simm.s32 $0xFFFFFFFF;
	p2 =	slt.u32 s8, $0xFFFFF086  }
0x1c: {  	p1 =	slt.u32 s9, $0xF7A;
	s5 =	simm.s32 @!p2 $0x0  }
0x1d: {  	s5 =	simm.s32 @p1 $0x1;
	p0 =	seq.s32 s7, s2  }
0x1e: {  	s7 =	smul.u32 @!p0 $0xF7A, s2;
	p2 =	seq.s32 @!p0 s5, $0x0  }
0x1f: {  	s9 =	smul.u32 $0xF7A, s1;
	s8 =	simm.s32 @!p0 $0x1BF5;
	p2 =	por !p2, p0  }
0x20: {  	[sflag:s8] =	ssyncset.s32 @!p0 $0xFFFFF086;
	s6 =	sadd.s32 @!p0 s3, s7;
	s7 =	simm.s32 @!p0 $0x108  }
0x21: {  	s3 =	sadd.s32 s3, s9;
	s6 =	sadd.s32 @!p0 $0x88, s6;
	s7 =	simm.s32 @p2 $0x1082  }
0x22: {  	[simem:s7], [sflag:s8] =	dma.local @!p0 [hbm:s6], $0xF7A  }
0x23: {  	s9 =	sor.u32 $0xD0000000, s2;
	s6 =	simm.s32 $0x108;
	_ =	swait.ge @!p0 [sflag:s8], $0x0  }
0x24: {  	s3 =	sadd.s32 $0x88, s3;
	s6 =	simm.s32 @!p1 $0x1082;
	[sflag:s4] =	ssyncset.s32 $0xFFFFF086  }
0x25: {  	[simem:s6], [sflag:s4] =	dma.local [hbm:s3], $0xF7A  }
0x26: {  	[smem:$0x3F9C] =	sst s1;
	(tag) =	ssettag s2;
	_ =	strace s9  }
0x27: {  	s1 =	sld [smem:$0x3FAC]  }
0x28: {  	s2 =	sld [smem:$0x3FAD]  }
0x29: {  	s4 =	sld [smem:$0x3FAF]  }
0x2a: {  	p0 =	seq.s32 s5, $0x0;
	s5 =	sld [smem:$0x3FB0]  }
0x2b: {  	s6 =	sld [smem:$0x3FB1]  }
0x2c: {  	s7 =	sld [smem:$0x3FB2]  }
0x2d: {  	s3 =	simm.s32 $0x108;
	s8 =	sld [smem:$0x3FB3]  }
0x2e: {  	s3 =	simm.s32 @!p0 $0x1082;
	s9 =	sld [smem:$0x3FB4]  }
0x2f: {  	lr =	sadd.s32 s0, s3;
	s0 =	sld [smem:$0x3FAB]  }
0x30: {  	s3 =	sld [smem:$0x3FAE]  }
0x31: {  	[smem:$0x3FB7] =	sst s10  }
0x32: {  	s10 =	sld [smem:$0x3FB5];
	_ =	sdelay $0x3  }
0x33: {  	p0 =	seq.s32 s10, $0x1;
	s10 =	sld [smem:$0x3FB7];
	_ =	sdelay $0x3  }
0x34: {  	[smem:$0x3FB7] =	sst s10  }
0x35: {  	s10 =	sld [smem:$0x3FB6];
	_ =	sdelay $0x3  }
0x36: {  	p1 =	seq.s32 s10, $0x1;
	s10 =	sld [smem:$0x3FB7];
	_ =	sdelay $0x3  }
0x37: {  	[smem:$0x3FB7] =	sst s10  }
0x38: {  	s10 =	sld [smem:$0x3FB8]  }
0x39: {  	_ = 	snop;
	(pc) =	sbr.ind lr, $3  }
0x3a: {  	_ = 	snop  }
0x3b: {  	_ = 	snop  }
0x3c: {  	p2 =	seq.s32 s10, $0x1;
	s10 =	sld [smem:$0x3FB7]  }
0x3d: {  	_ =	shalt  }
0x3e: {  	_ =	shalt  }
0x3f: {  	_ =	shalt  }
0x40: {  	_ =	shalt  }
0x41: {  	_ =	shalt  }
0x42: {  	_ =	shalt  }
0x43: {  	_ =	shalt  }
0x44: {  	_ =	shalt  }
0x45: {  	_ =	shalt  }
0x46: {  	_ =	shalt  }
0x47: {  	_ =	shalt  }
0x48: {  	_ =	shalt  }
0x49: {  	_ =	shalt  }
0x4a: {  	_ =	shalt  }
0x4b: {  	_ =	shalt  }
0x4c: {  	_ =	shalt  }
0x4d: {  	_ =	shalt  }
0x4e: {  	_ =	shalt  }
0x4f: {  	_ =	shalt  }
0x50: {  	_ =	shalt  }
0x51: {  	_ =	shalt  }
0x52: {  	_ =	shalt  }
0x53: {  	_ =	shalt  }
0x54: {  	_ =	shalt  }
0x55: {  	_ =	shalt  }
0x56: {  	_ =	shalt  }
0x57: {  	_ =	shalt  }
0x58: {  	_ =	shalt  }
0x59: {  	_ =	shalt  }
0x5a: {  	_ =	shalt  }
0x5b: {  	_ =	shalt  }
0x5c: {  	_ =	shalt  }
0x5d: {  	_ =	shalt  }
0x5e: {  	_ =	shalt  }
0x5f: {  	_ =	shalt  }
0x60: {  	_ =	shalt  }
0x61: {  	_ =	shalt  }
0x62: {  	_ =	shalt  }
0x63: {  	_ =	shalt  }
0x64: {  	_ =	shalt  }
0x65: {  	_ =	shalt  }
0x66: {  	_ =	shalt  }
0x67: {  	_ =	shalt  }
0x68: {  	_ =	shalt  }
0x69: {  	_ =	shalt  }
0x6a: {  	_ =	shalt  }
0x6b: {  	_ =	shalt  }
0x6c: {  	_ =	shalt  }
0x6d: {  	_ =	shalt  }
0x6e: {  	_ =	shalt  }
0x6f: {  	_ =	shalt  }
0x70: {  	_ =	shalt  }
0x71: {  	_ =	shalt  }
0x72: {  	_ =	shalt  }
0x73: {  	_ =	shalt  }
0x74: {  	_ =	shalt  }
0x75: {  	_ =	shalt  }
0x76: {  	_ =	shalt  }
0x77: {  	_ =	shalt  }
0x78: {  	_ =	shalt  }
0x79: {  	_ =	shalt  }
0x7a: {  	_ =	shalt  }
0x7b: {  	_ =	shalt  }
0x7c: {  	_ =	shalt  }
0x7d: {  	_ =	shalt  }
0x7e: {  	_ =	shalt  }
0x7f: {  	_ =	shalt  }
0x80: {  	_ =	shalt  }
0x81: {  	_ =	shalt  }
0x82: {  	_ =	shalt  }
0x83: {  	_ =	shalt  }
0x84: {  	_ =	shalt  }
0x85: {  	_ =	shalt  }
0x86: {  	_ =	shalt  }
0x87: {  	_ =	shalt  }
.Lfunc_end0:
.L_simem_size_0:
called_computation_lowered:
.L_overlay_start_0:
0x88: {  	s0 =	sld [smem:$0x3FD9]  }
0x89: {  	s1 =	sld [smem:$0x3FFE];
	_ =	sdelay $0x3  }
0x8a: {  	s0 =	sadd.s32 s1, s0  }
0x8b: {  	[smem:$0x3FC3] =	sst s0  }
0x8c: {  	_ = 	snop  }
0x8d: {  	s0 =	sld [smem:$0x3FD0];
	_ =	sdelay $0x2  }
0x8e: {  	s13 =	simm.s32 $0xA;
	s2 =	simm.s32 $0x10  }
0x8f: {  	[smem:s2], [sflag:s13] =	dma.local [hbm:s0], $0x1  }
0x90: {  	_ =	swait.eq [sflag:s13], $0x1  }
0x91: {  	[sflag:s13] =	ssyncset.done $0x0  }
0x92: {  	[sflag:s13] =	ssyncadd.s32 $0xFFFFFFFF  }
0x93: {  	s14 =	sld [smem:$0x11];
	(tm) =	ssettm $0x1  }
0x94: {  	s15 =	sld [smem:$0x3FFB];
	_ =	sdelay $0x3  }
0x95: {  	_ =	strace s15  }
0x96: {  	s1 =	sld [smem:$0x3FFC];
	_ =	sdelay $0x3  }
0x97: {  	_ =	strace s1  }
0x98: {  	s1 =	sld [smem:$0x3FFD];
	_ =	sdelay $0x3  }
0x99: {  	_ =	strace s1  }
0x9a: {  	_ =	strace $0x8FFFFFFF  }
0x9b: {  	s16 =	sld [smem:$0x3FDB];
	_ =	sdelay $0x1  }
0x9c: {  	s17 =	simm.s32 $_scs_section_size  }
0x9d: {  	s3 =	simm.s32 $_size__tile_overlayer_lowered;
	s4 =	simm.s32 $_tile_overlayer_lowered  }
0x9e: {  	s20 =	simm.s32 $0x1BFF;
	s19 =	sshll.u32 s4, $0x1;
	s1 =	sadd.s32 s17, s16  }
0x9f: {  	s5 =	simm.s32 $0x0;
	s18 =	sshll.u32 s3, $0x1;
	s3 =	sadd.s32 s19, s1  }
0xa0: {  	[timem:s5], [sflag:s20] =	dma.local [hbm:s3], s18  }
0xa1: {  	_ =	swait.ge [sflag:s20], s18  }
0xa2: {  	s2 =	ssub.s32 $0x0, s18;
	[sflag:s20] =	ssyncset.done $0x0  }
0xa3: {  	[sflag:s20] =	ssyncadd.s32 s2;
	_ =	sdelay $0x1  }
0xa4: {  	s21 =	simm.s32 $0x1B8B  }
0xa5: {  	_ =	swait.ge [sflag:s21], $0x1  }
0xa6: {  	[sflag:s21] =	ssyncset.done $0x0  }
0xa7: {  	s23 =	simm.s32 $0x1B8E;
	s22 =	sld [smem:$0x3FFE];
	[sflag:s21] =	ssyncadd.s32 $0xFFFFFFFF  }
0xa8: {  	s24 =	simm.s32 $execute0_lowered;
	[smem:$0x3FD2] =	sst s23  }
0xa9: {  	s3 =	sshll.u32 s24, $0x1;
	_ =	strace $0x80000046;
	[dreg:$0x1] =	wrdreg $0xFFFFFFFF  }
0xaa: {  	s25 =	simm.s32 $_size_execute0_lowered;
	s1 =	sadd.s32 s1, s3;
	[dreg:$0x0] =	wrdreg $0x0  }
0xab: {  	s3 =	sshll.u32 s25, $0x1;
	[dreg:$0x2] =	wrdreg s1  }
0xac: {  	[dreg:$0x3] =	wrdreg s3  }
0xad: {  	[dreg:$0x4] =	wrdreg $0xC0  }
0xae: {  	_ =	task [dreg:s5], $0x5FFFF  }
0xaf: {  	[dreg:$0x1] =	wrdreg $0xFFFFFFFF  }
0xb0: {  	[dreg:$0x0] =	wrdreg $0x60  }
0xb1: {  	[dreg:$0x2] =	wrdreg s22  }
0xb2: {  	[dreg:$0x3] =	wrdreg s14  }
0xb3: {  	[dreg:$0x4] =	wrdreg $0x0  }
0xb4: {  	[dreg:$0x5] =	wrdreg $0x5000  }
0xb5: {  	[dreg:$0x6] =	wrdreg $0x19000  }
0xb6: {  	[dreg:$0x7] =	wrdreg $0x2800  }
0xb7: {  	[dreg:$0x8] =	wrdreg $0x2D000  }
0xb8: {  	[dreg:$0x9] =	wrdreg $0x9  }
0xb9: {  	_ =	task.clear_ibuf [dreg:s5], $0xAFFFF;
	_ =	strace $0x90000046  }
0xba: {  	s26 =	simm.s32 $0x9;
	_ =	strace $0x80000048  }
0xbb: {  	_ =	swait.ge [sflag:s26], $0x1  }
0xbc: {  	[sflag:s26] =	ssyncadd.s32 $0xFFFFFFFF  }
0xbd: {  	_ =	strace $0x90000048  }
0xbe: {  	_ =	sfence  }
0xbf: {  	s28 =	sld [smem:$0x0];
	_ =	sdelay $0x1  }
0xc0: {  	s29 =	srdreg.scid  }
0xc1: {  	s30 =	sshll.u32 s29, $0xD;
	s31 =	sshrl.u32 s29, $0x2  }
0xc2: {  	s2 =	sand.u32 $0x4000, s30;
	s1 =	sand.u32 $0x1, s29;
	s0 =	sadd.s32 s31, s28  }
0xc3: {  	s1 =	sor.u32 s2, s1;
	s0 =	sshll.u32 s0, $0x11  }
0xc4: {  	s0 =	sor.u32 s0, s1  }
0xc5: {  	s0 =	sadd.s32 $0x8F2B, s0  }
0xc6: {  	[sflag:s0] =	ssyncadd.remote.s32 $0x1  }
0xc7: {  	_ =	sfence.sel $0xFFFF  }
0xc8: {  	[dreg:$0x0] =	wrdreg $0xFFFFFFFF;
	(pc) =	sbr.abs _section_cstart, $3  }
0xc9: {  	[dreg:$0x1] =	wrdreg $0xFFFFFFFF  }
0xca: {  	_ =	task.clear_ibuf [dreg:s5], $0x2FFFF;
	_ =	strace $0x9FFFFFFF  }
0xcb: {  	(tm) =	ssettm $0x7FFFFFFF  }
tec
execute0_lowered:
.L_overlay_start_1:
0x0: {  	(tag) =	ssettag $0x1  }
0x1: {  	s12 =	rddreg [dreg:$0x0]  }
0x2: {  	s8 =	rddreg [dreg:$0x1]  }
0x3: {  	s15 =	rddreg [dreg:$0x2]  }
0x4: {  	s6 =	rddreg [dreg:$0x3]  }
0x5: {  	s4 =	rddreg [dreg:$0x4]  }
0x6: {  	s16 =	rddreg [dreg:$0x5]  }
0x7: {  	s1 =	rddreg [dreg:$0x6];
	s23 =	simm.s32 $0x0  }
0x8: {  	s20 =	simm.s32 $0x18110;
	s2 =	stileid.u32;
	[smem:$0x7FF] =	sst s23  }
0x9: {  	s21 =	simm.s32 $0x2;
	s0 =	sadd.s32 $0x51400, s12;
	_ =	strace $0x80000047  }
0xa: {  	[tilespmem:s20], [sflag:$0x2] =	stream.linear.gather [hbm4b:s0+s23], $0x280, $0x38;
	[tilespmem:$0x1AFB0] =	vst v63  }
0xb: {  	s17 =	smul.u32 $0x280, s2;
	_ =	swait.ge [sflag:s21], $0x280  }
0xc: {  	[sflag:s21] =	ssyncset.done $0x0  }
0xd: {  	s22 =	sadd.s32 s17, s15;
	[sflag:s21] =	ssyncadd.s32 $0xFFFFFD80  }
0xe: {  	[spmem:s22] =	stream.linear.scatter [tilespmem:s20], [sflag:$0x2], $0x280, $0x38;
	[tilespmem:$0x1AFB0] =	vst v63  }
0xf: {  	_ =	swait.ge [sflag:s21], $0x280  }
0x10: {  	[sflag:s21] =	ssyncset.done $0x0  }
0x11: {  	s13 =	simm.s32 $0x186B0;
	[sflag:s21] =	ssyncadd.s32 $0xFFFFFD80  }
0x12: {  	[tilespmem:s13], [sflag:$0x2] =	stream.linear.gather [hbm4b:s8+s23], $0x1400, $0x38;
	[tilespmem:$0x1AFB0] =	vst v63  }
0x13: {  	s3 =	smul.u32 $0x1400, s2;
	_ =	swait.ge [sflag:s21], $0x1400  }
0x14: {  	[sflag:s21] =	ssyncset.done $0x0  }
0x15: {  	s7 =	sadd.s32 s3, s6;
	[sflag:s21] =	ssyncadd.s32 $0xFFFFEC00  }
0x16: {  	[spmem:s7] =	stream.linear.scatter [tilespmem:s13], [sflag:$0x2], $0x1400, $0x38;
	[tilespmem:$0x1AFB0] =	vst v63  }
0x17: {  	_ =	swait.ge [sflag:s21], $0x1400  }
0x18: {  	[sflag:s21] =	ssyncset.done $0x0  }
0x19: {  	s5 =	sadd.s32 s3, s4;
	[sflag:s21] =	ssyncadd.s32 $0xFFFFEC00  }
0x1a: {  	[spmem:s5] =	stream.linear.scatter [tilespmem:s13], [sflag:$0x2], $0x1400, $0x38;
	[tilespmem:$0x1AFB0] =	vst v63  }
0x1b: {  	_ =	swait.ge [sflag:s21], $0x1400  }
0x1c: {  	[sflag:s21] =	ssyncset.done $0x0  }
0x1d: {  	s14 =	simm.s32 $0xB910;
	[sflag:s21] =	ssyncadd.s32 $0xFFFFEC00  }
0x1e: {  	[tilespmem:s14], [sflag:$0x2] =	stream.linear.gather [hbm4b:s8+s23], $0x1400, $0x38;
	[tilespmem:$0x1AFB0] =	vst v63  }
0x1f: {  	_ =	swait.ge [sflag:s21], $0x1400  }
0x20: {  	[sflag:s21] =	ssyncset.done $0x0  }
0x21: {  	s18 =	simm.s32 $0xCD10;
	[sflag:s21] =	ssyncadd.s32 $0xFFFFEC00  }
0x22: {  	[tilespmem:s18], [sflag:$0x2] =	stream.linear.gather [hbm4b:s8+s23], $0x1400, $0x38;
	[tilespmem:$0x1AFB0] =	vst v63  }
0x23: {  	_ =	swait.ge [sflag:s21], $0x1400  }
0x24: {  	[sflag:s21] =	ssyncset.done $0x0  }
0x25: {  	s19 =	simm.s32 $0xE110;
	[sflag:s21] =	ssyncadd.s32 $0xFFFFEC00  }
0x26: {  	[tilespmem:s19], [sflag:$0x2] =	stream.linear.gather [hbm4b:s8+s23], $0x1400, $0x38;
	[tilespmem:$0x1AFB0] =	vst v63  }
0x27: {  	_ =	swait.ge [sflag:s21], $0x1400  }
0x28: {  	[sflag:s21] =	ssyncset.done $0x0  }
0x29: {  	s24 =	simm.s32 $0xF510;
	[sflag:s21] =	ssyncadd.s32 $0xFFFFEC00  }
0x2a: {  	[tilespmem:s24], [sflag:$0x2] =	stream.linear.gather [hbm4b:s8+s23], $0x1400, $0x38;
	[tilespmem:$0x1AFB0] =	vst v63  }
0x2b: {  	_ =	swait.ge [sflag:s21], $0x1400  }
0x2c: {  	[sflag:s21] =	ssyncset.done $0x0  }
0x2d: {  	s25 =	simm.s32 $0x10910;
	[sflag:s21] =	ssyncadd.s32 $0xFFFFEC00  }
0x2e: {  	[tilespmem:s25], [sflag:$0x2] =	stream.linear.gather [hbm4b:s8+s23], $0x1400, $0x38;
	[tilespmem:$0x1AFB0] =	vst v63  }
0x2f: {  	_ =	swait.ge [sflag:s21], $0x1400  }
0x30: {  	[sflag:s21] =	ssyncset.done $0x0  }
0x31: {  	s26 =	simm.s32 $0x11D10;
	[sflag:s21] =	ssyncadd.s32 $0xFFFFEC00  }
0x32: {  	[tilespmem:s26], [sflag:$0x2] =	stream.linear.gather [hbm4b:s8+s23], $0x1400, $0x38;
	[tilespmem:$0x1AFB0] =	vst v63  }
0x33: {  	_ =	swait.ge [sflag:s21], $0x1400  }
0x34: {  	[sflag:s21] =	ssyncset.done $0x0  }
0x35: {  	s31 =	simm.s32 $0x13110;
	[sflag:s21] =	ssyncadd.s32 $0xFFFFEC00  }
0x36: {  	[tilespmem:s31], [sflag:$0x2] =	stream.linear.gather [hbm4b:s8+s23], $0x1400, $0x38;
	[tilespmem:$0x1AFB0] =	vst v63  }
0x37: {  	_ =	swait.ge [sflag:s21], $0x1400  }
0x38: {  	[sflag:s21] =	ssyncset.done $0x0  }
0x39: {  	s9 =	simm.s32 $0x14510;
	[sflag:s21] =	ssyncadd.s32 $0xFFFFEC00  }
0x3a: {  	[tilespmem:s9], [sflag:$0x2] =	stream.linear.gather [hbm4b:s8+s23], $0x1400, $0x38;
	[tilespmem:$0x1AFB0] =	vst v63  }
0x3b: {  	_ =	swait.ge [sflag:s21], $0x1400  }
0x3c: {  	s11 =	simm.s32 $0x18610;
	[sflag:s21] =	ssyncset.done $0x0  }
0x3d: {  	s10 =	sadd.s32 $0x1200, s12;
	s13 =	smul.u32 $0x5000, s2;
	[sflag:s21] =	ssyncadd.s32 $0xFFFFEC00  }
0x3e: {  	[tilespmem:s11], [sflag:$0x2] =	stream.linear.gather [hbm4b:s10+s23], $0xA0, $0x38;
	[tilespmem:$0x1AFB0] =	vst v63  }
0x3f: {  	_ =	swait.ge [sflag:s21], $0xA0  }
0x40: {  	s18 =	sshrl.u32 s13, $0x3;
	[sflag:s21] =	ssyncset.done $0x0  }
0x41: {  	s24 =	sadd.s32 $0x1400, s12;
	s9 =	sadd.s32 $0x33400, s12;
	[sflag:s21] =	ssyncadd.s32 $0xFFFFFF60  }
0x42: {  	s25 =	simm.s32 $0x5510;
	s0 =	sadd.s32 s9, s18;
	[bflag:$0x0] =	sbarrier.arrive $0xFFFF  }
0x43: {  	[tilespmem:s25], [sflag:$0x1] =	stream.linear.gather [hbm4b:s0+s23], $0x1400, $0x38;
	[tilespmem:$0x1AFB0] =	vst v63  }
0x44: {  	s19 =	sadd.s32 s24, s18;
	s26 =	simm.s32 $0x1;
	s0 =	simm.s32 $0x2D10  }
0x45: {  	[tilespmem:s0], [sflag:$0x1] =	stream.linear.gather [hbm4b:s19+s23], $0x1400, $0x38;
	[tilespmem:$0x1AFB0] =	vst v63  }
0x46: {  	_ =	swait.ge [sflag:s26], $0x1400  }
0x47: {  	[sflag:s26] =	ssyncset.done $0x0  }
0x48: {  	[sflag:s26] =	ssyncadd.s32 $0xFFFFEC00  }
0x49: {  	_ =	swait.ge [sflag:s26], $0x1400  }
0x4a: {  	[sflag:s26] =	ssyncset.done $0x0  }
0x4b: {  	s28 =	simm.s32 $0x1400;
	[sflag:s26] =	ssyncadd.s32 $0xFFFFEC00  }
0x4c: {  	[spmem:s15] =	stream.indirect.scatter.add.f32 [tilespmem:s25], [sflag:$0x2], $0x1, s0, s28, $0xb8;
	[tilespmem:$0x1AFB0] =	vst v63  }
0x4d: {  	_ =	swait.ge [sflag:s21], $0x1400  }
0x4e: {  	s13 =	sadd.s32 $0x280, s18;
	[sflag:s21] =	ssyncset.done $0x0  }
0x4f: {  	s14 =	sadd.s32 s9, s13;
	[sflag:s21] =	ssyncadd.s32 $0xFFFFEC00  }
0x50: {  	[tilespmem:s25], [sflag:$0x1] =	stream.linear.gather [hbm4b:s14+s23], $0x1400, $0x38;
	[tilespmem:$0x1AFB0] =	vst v63  }
0x51: {  	s14 =	sadd.s32 s24, s13  }
0x52: {  	[tilespmem:s0], [sflag:$0x1] =	stream.linear.gather [hbm4b:s14+s23], $0x1400, $0x38;
	[tilespmem:$0x1AFB0] =	vst v63  }
0x53: {  	_ =	swait.ge [sflag:s26], $0x1400  }
0x54: {  	[sflag:s26] =	ssyncset.done $0x0  }
0x55: {  	[sflag:s26] =	ssyncadd.s32 $0xFFFFEC00  }
0x56: {  	_ =	swait.ge [sflag:s26], $0x1400  }
0x57: {  	[sflag:s26] =	ssyncset.done $0x0  }
0x58: {  	[sflag:s26] =	ssyncadd.s32 $0xFFFFEC00  }
0x59: {  	[spmem:s15] =	stream.indirect.scatter.add.f32 [tilespmem:s25], [sflag:$0x2], $0x1, s0, s28, $0xb8;
	[tilespmem:$0x1AFB0] =	vst v63  }
0x5a: {  	_ =	swait.ge [sflag:s21], $0x1400  }
0x5b: {  	s10 =	sadd.s32 $0x500, s18;
	[sflag:s21] =	ssyncset.done $0x0  }
0x5c: {  	s31 =	sadd.s32 s9, s10;
	[sflag:s21] =	ssyncadd.s32 $0xFFFFEC00  }
0x5d: {  	[tilespmem:s25], [sflag:$0x1] =	stream.linear.gather [hbm4b:s31+s23], $0x1400, $0x38;
	[tilespmem:$0x1AFB0] =	vst v63  }
0x5e: {  	s11 =	sadd.s32 s24, s10  }
0x5f: {  	[tilespmem:s0], [sflag:$0x1] =	stream.linear.gather [hbm4b:s11+s23], $0x1400, $0x38;
	[tilespmem:$0x1AFB0] =	vst v63  }
0x60: {  	_ =	swait.ge [sflag:s26], $0x1400  }
0x61: {  	[sflag:s26] =	ssyncset.done $0x0  }
0x62: {  	[sflag:s26] =	ssyncadd.s32 $0xFFFFEC00  }
0x63: {  	_ =	swait.ge [sflag:s26], $0x1400  }
0x64: {  	[sflag:s26] =	ssyncset.done $0x0  }
0x65: {  	[sflag:s26] =	ssyncadd.s32 $0xFFFFEC00  }
0x66: {  	[spmem:s15] =	stream.indirect.scatter.add.f32 [tilespmem:s25], [sflag:$0x2], $0x1, s0, s28, $0xb8;
	[tilespmem:$0x1AFB0] =	vst v63  }
0x67: {  	_ =	swait.ge [sflag:s21], $0x1400  }
0x68: {  	s8 =	sadd.s32 $0x780, s18;
	[sflag:s21] =	ssyncset.done $0x0  }
0x69: {  	s9 =	sadd.s32 s9, s8;
	[sflag:s21] =	ssyncadd.s32 $0xFFFFEC00  }
0x6a: {  	[tilespmem:s25], [sflag:$0x1] =	stream.linear.gather [hbm4b:s9+s23], $0x1400, $0x38;
	[tilespmem:$0x1AFB0] =	vst v63  }
0x6b: {  	s9 =	sadd.s32 s24, s8  }
0x6c: {  	[tilespmem:s0], [sflag:$0x1] =	stream.linear.gather [hbm4b:s9+s23], $0x1400, $0x38;
	[tilespmem:$0x1AFB0] =	vst v63  }
0x6d: {  	_ =	swait.ge [sflag:s26], $0x1400  }
0x6e: {  	[sflag:s26] =	ssyncset.done $0x0  }
0x6f: {  	[sflag:s26] =	ssyncadd.s32 $0xFFFFEC00  }
0x70: {  	_ =	swait.ge [sflag:s26], $0x1400  }
0x71: {  	[sflag:s26] =	ssyncset.done $0x0  }
0x72: {  	[sflag:s26] =	ssyncadd.s32 $0xFFFFEC00  }
0x73: {  	[spmem:s15] =	stream.indirect.scatter.add.f32 [tilespmem:s25], [sflag:$0x2], $0x1, s0, s28, $0xb8;
	[tilespmem:$0x1AFB0] =	vst v63  }
0x74: {  	_ =	swait.ge [sflag:s21], $0x1400  }
0x75: {  	[sflag:s21] =	ssyncset.done $0x0  }
0x76: {  	[sflag:s21] =	ssyncadd.s32 $0xFFFFEC00  }
0x77: {  	[bflag:$0x0] =	sbarrier.arrive $0xFFFF  }
0x78: {  	[tilespmem:s20], [sflag:$0x2] =	stream.linear.gather [spmem:s22], $0x280, $0x38;
	[tilespmem:$0x1AFB0] =	vst v63  }
0x79: {  	_ =	swait.ge [sflag:s21], $0x280  }
0x7a: {  	[sflag:s21] =	ssyncset.done $0x0  }
0x7b: {  	s20 =	simm.s32 $0x0;
	[sflag:s21] =	ssyncadd.s32 $0xFFFFFD80  }
0x7c: {  	v18 =	vld [tilespmem:s20+$0x18110];
	_ =	sdelay $0x4  }
0x7d: {  	v0 =	vmul.f32 $2.500000000e-01, v18  }
0x7e: {  	vm0 =	vge.f32 v18, $4.000000000e+00  }
0x7f: {  	v0 =	vsel vm0, v0, v18  }
0x80: {  	v1 =	vmul.f32 $2.500000000e-01, v0  }
0x81: {  	vm1 =	vge.f32 v0, $4.000000000e+00  }
0x82: {  	v0 =	vsel vm1, v1, v0  }
0x83: {  	v1 =	vmul.f32 $2.500000000e-01, v0  }
0x84: {  	vm2 =	vge.f32 v0, $4.000000000e+00  }
0x85: {  	v0 =	vsel vm2, v1, v0  }
0x86: {  	v1 =	vmul.f32 $2.500000000e-01, v0  }
0x87: {  	vm3 =	vge.f32 v0, $4.000000000e+00  }
0x88: {  	v0 =	vsel vm3, v1, v0  }
0x89: {  	v3 =	vimm.f32 $1.000000000e+00;
	v1 =	vmul.f32 $2.500000000e-01, v0  }
0x8a: {  	v2 =	vsel vm0, $0x3F000000, v3;
	vm0 =	vge.f32 v0, $4.000000000e+00  }
0x8b: {  	v4 =	vmul.f32 $5.000000000e-01, v2;
	v0 =	vsel vm0, v1, v0  }
0x8c: {  	v1 =	vmul.f32 $2.500000000e-01, v0  }
0x8d: {  	v2 =	vsel vm1, v4, v2;
	vm1 =	vge.f32 v0, $4.000000000e+00  }
0x8e: {  	v4 =	vmul.f32 $5.000000000e-01, v2;
	v0 =	vsel vm1, v1, v0  }
0x8f: {  	v1 =	vmul.f32 $2.500000000e-01, v0  }
0x90: {  	v2 =	vsel vm2, v4, v2;
	vm2 =	vge.f32 v0, $4.000000000e+00  }
0x91: {  	v4 =	vmul.f32 $5.000000000e-01, v2;
	v0 =	vsel vm2, v1, v0  }
0x92: {  	v1 =	vmul.f32 $2.500000000e-01, v0  }
0x93: {  	v2 =	vsel vm3, v4, v2;
	vm3 =	vge.f32 v0, $4.000000000e+00  }
0x94: {  	v4 =	vmul.f32 $5.000000000e-01, v2;
	v0 =	vsel vm3, v1, v0  }
0x95: {  	v1 =	vmul.f32 $2.500000000e-01, v0  }
0x96: {  	v2 =	vsel vm0, v4, v2;
	vm0 =	vge.f32 v0, $4.000000000e+00  }
0x97: {  	v4 =	vmul.f32 $5.000000000e-01, v2;
	v0 =	vsel vm0, v1, v0  }
0x98: {  	v1 =	vmul.f32 $2.500000000e-01, v0  }
0x99: {  	v2 =	vsel vm1, v4, v2;
	vm4 =	vge.f32 v0, $4.000000000e+00  }
0x9a: {  	v0 =	vsel vm4, v1, v0;
	v1 =	vmul.f32 $5.000000000e-01, v2  }
0x9b: {  	v4 =	vmul.f32 $2.500000000e-01, v0  }
0x9c: {  	vm1 =	vge.f32 v0, $4.000000000e+00;
	v1 =	vsel vm2, v1, v2  }
0x9d: {  	s28 =	simm.s32 $0x10;
	v2 =	vsel vm1, v4, v0;
	v4 =	vmul.f32 $5.000000000e-01, v1  }
0x9e: {  	v0 =	vld [tilespmem:s28+$0x18110];
	v5 =	vmul.f32 $2.500000000e-01, v2  }
0x9f: {  	vm7 =	vge.f32 v2, $4.000000000e+00;
	v1 =	vsel vm3, v4, v1  }
0xa0: {  	v2 =	vsel vm7, v5, v2;
	v4 =	vmul.f32 $5.000000000e-01, v1  }
0xa1: {  	v5 =	vmul.f32 $2.500000000e-01, v2  }
0xa2: {  	vm3 =	vge.f32 v2, $4.000000000e+00;
	v1 =	vsel vm0, v4, v1  }
0xa3: {  	v4 =	vmul.f32 $2.500000000e-01, v0;
	v2 =	vsel vm3, v5, v2;
	v5 =	vmul.f32 $5.000000000e-01, v1  }
0xa4: {  	vm6 =	vge.f32 v0, $4.000000000e+00;
	v6 =	vmul.f32 $2.500000000e-01, v2  }
0xa5: {  	v4 =	vsel vm6, v4, v0;
	vm0 =	vge.f32 v2, $4.000000000e+00;
	v1 =	vsel vm4, v5, v1  }
0xa6: {  	v5 =	vmul.f32 $2.500000000e-01, v4;
	v2 =	vsel vm0, v6, v2;
	v6 =	vmul.f32 $5.000000000e-01, v1  }
0xa7: {  	vm2 =	vge.f32 v4, $4.000000000e+00;
	v7 =	vmul.f32 $2.500000000e-01, v2  }
0xa8: {  	v4 =	vsel vm2, v5, v4;
	vm5 =	vge.f32 v2, $4.000000000e+00;
	v1 =	vsel vm1, v6, v1  }
0xa9: {  	v5 =	vmul.f32 $2.500000000e-01, v4;
	v2 =	vsel vm5, v7, v2;
	v6 =	vmul.f32 $5.000000000e-01, v1  }
0xaa: {  	vm4 =	vge.f32 v4, $4.000000000e+00;
	v7 =	vmul.f32 $2.500000000e-01, v2  }
0xab: {  	v4 =	vsel vm4, v5, v4;
	vm8 =	vge.f32 v2, $4.000000000e+00;
	v1 =	vsel vm7, v6, v1  }
0xac: {  	v5 =	vmul.f32 $2.500000000e-01, v4;
	v2 =	vsel vm8, v7, v2;
	v7 =	vmul.f32 $5.000000000e-01, v1  }
0xad: {  	vm1 =	vge.f32 v4, $4.000000000e+00;
	v8 =	vmul.f32 $4.000000000e+00, v2  }
0xae: {  	v4 =	vsel vm1, v5, v4;
	vm7 =	vlt.f32 v2, $1.000000000e+00;
	v1 =	vsel vm3, v7, v1  }
0xaf: {  	v5 =	vmul.f32 $2.500000000e-01, v4;
	v2 =	vsel vm7, v8, v2;
	v8 =	vmul.f32 $5.000000000e-01, v1  }
0xb0: {  	vm3 =	vge.f32 v4, $4.000000000e+00;
	v9 =	vmul.f32 $4.000000000e+00, v2  }
0xb1: {  	v6 =	vld [tilespmem:$0x18650];
	v4 =	vsel vm3, v5, v4;
	vm10 =	vlt.f32 v2, $1.000000000e+00;
	v1 =	vsel vm0, v8, v1  }
0xb2: {  	v5 =	vmul.f32 $2.500000000e-01, v4;
	v2 =	vsel vm10, v9, v2;
	v8 =	vmul.f32 $5.000000000e-01, v1  }
0xb3: {  	vm0 =	vge.f32 v4, $4.000000000e+00;
	v10 =	vmul.f32 $4.000000000e+00, v2  }
0xb4: {  	v4 =	vsel vm0, v5, v4;
	vm9 =	vlt.f32 v2, $1.000000000e+00;
	v1 =	vsel vm5, v8, v1  }
0xb5: {  	v5 =	vmul.f32 $2.500000000e-01, v4;
	v8 =	vld [tilespmem:$0x18640];
	v2 =	vsel vm9, v10, v2;
	v10 =	vmul.f32 $5.000000000e-01, v1  }
0xb6: {  	v9 =	vmul.f32 v18, v6;
	vm5 =	vge.f32 v4, $4.000000000e+00  }
0xb7: {  	v11 =	vmul.f32 $4.000000000e+00, v2;
	v4 =	vsel vm5, v5, v4;
	v1 =	vsel vm8, v10, v1  }
0xb8: {  	vm8 =	vlt.f32 v2, $1.000000000e+00;
	v5 =	vmul.f32 $2.500000000e-01, v4;
	v10 =	vsel vm6, $0x3F000000, v3  }
0xb9: {  	vm6 =	vge.f32 v4, $4.000000000e+00;
	v2 =	vsel vm8, v11, v2;
	v11 =	vadd.f32 v1, v1  }
0xba: {  	v13 =	vmul.f32 $5.000000000e-01, v10;
	v4 =	vsel vm6, v5, v4;
	v5 =	vadd.f32 v9, v8  }
0xbb: {  	v9 =	vmul.f32 $4.000000000e+00, v2;
	vm12 =	vlt.f32 v2, $1.000000000e+00;
	v14 =	vmul.f32 $2.500000000e-01, v4  }
0xbc: {  	v1 =	vsel vm7, v11, v1;
	v10 =	vsel vm2, v13, v10;
	vm2 =	vge.f32 v4, $4.000000000e+00  }
0xbd: {  	v11 =	vmul.f32 $5.000000000e-01, v10;
	v5 =	vmul.f32 v5, v18;
	v4 =	vsel vm2, v14, v4  }
0xbe: {  	v7 =	vld [tilespmem:$0x186A0];
	v2 =	vsel vm12, v9, v2;
	v14 =	vadd.f32 v1, v1;
	v13 =	vmul.f32 $2.500000000e-01, v4  }
0xbf: {  	v9 =	vld [tilespmem:$0x18630];
	v10 =	vsel vm4, v11, v10;
	vm7 =	vge.f32 v4, $4.000000000e+00;
	v11 =	vmul.f32 $4.000000000e+00, v2  }
0xc0: {  	vm11 =	vlt.f32 v2, $1.000000000e+00;
	v15 =	vmul.f32 $5.000000000e-01, v10;
	v4 =	vsel vm7, v13, v4  }
0xc1: {  	v1 =	vsel vm10, v14, v1;
	v2 =	vsel vm11, v11, v2;
	v13 =	vmul.f32 $2.500000000e-01, v4  }
0xc2: {  	v11 =	vadd.f32 v1, v1;
	v10 =	vsel vm1, v15, v10;
	vm4 =	vge.f32 v4, $4.000000000e+00  }
0xc3: {  	v12 =	vmul.f32 v18, v7;
	v14 =	vmul.f32 $5.000000000e-01, v10;
	v4 =	vsel vm4, v13, v4  }
0xc4: {  	v5 =	vadd.f32 v5, v9;
	v1 =	vsel vm9, v11, v1;
	v15 =	vmul.f32 $2.500000000e-01, v4  }
0xc5: {  	v13 =	vmul.f32 $4.000000000e+00, v2;
	v11 =	vsel vm3, v14, v10;
	vm9 =	vge.f32 v4, $4.000000000e+00  }
0xc6: {  	vm13 =	vlt.f32 v2, $1.000000000e+00;
	v14 =	vmul.f32 $5.000000000e-01, v11;
	v4 =	vsel vm9, v15, v4  }
0xc7: {  	v5 =	vmul.f32 v5, v18;
	v2 =	vsel vm13, v13, v2;
	v13 =	vmul.f32 $2.500000000e-01, v4  }
0xc8: {  	v10 =	vld [tilespmem:$0x18620];
	v15 =	vadd.f32 v1, v1;
	v11 =	vsel vm0, v14, v11;
	vm3 =	vge.f32 v4, $4.000000000e+00  }
0xc9: {  	v14 =	vmul.f32 $4.000000000e+00, v2;
	v16 =	vmul.f32 $5.000000000e-01, v11;
	v4 =	vsel vm3, v13, v4  }
0xca: {  	vm10 =	vlt.f32 v2, $1.000000000e+00;
	v1 =	vsel vm8, v15, v1;
	v13 =	vmul.f32 $2.500000000e-01, v4  }
0xcb: {  	v2 =	vsel vm10, v14, v2;
	v11 =	vsel vm5, v16, v11;
	vm0 =	vge.f32 v4, $4.000000000e+00  }
0xcc: {  	v14 =	vadd.f32 v1, v1;
	v15 =	vmul.f32 $5.000000000e-01, v11;
	v4 =	vsel vm0, v13, v4  }
0xcd: {  	v5 =	vadd.f32 v5, v10;
	vm5 =	vlt.f32 v2, $1.000000000e+00;
	v16 =	vmul.f32 $2.500000000e-01, v4  }
0xce: {  	v13 =	vmul.f32 $4.000000000e+00, v2;
	v15 =	vsel vm6, v15, v11;
	vm1 =	vge.f32 v4, $4.000000000e+00  }
0xcf: {  	v14 =	vsel vm12, v14, v1;
	v17 =	vmul.f32 $5.000000000e-01, v15;
	v4 =	vsel vm1, v16, v4  }
0xd0: {  	v1 =	vmul.f32 v5, v18;
	v11 =	vld [tilespmem:$0x18690];
	v2 =	vsel vm5, v13, v2;
	v5 =	vmul.f32 $2.500000000e-01, v4  }
0xd1: {  	v13 =	vadd.f32 v14, v14;
	v15 =	vsel vm2, v17, v15;
	vm2 =	vge.f32 v4, $4.000000000e+00  }
0xd2: {  	v16 =	vmul.f32 $4.000000000e+00, v2;
	v4 =	vsel vm2, v5, v4;
	v5 =	vmul.f32 $5.000000000e-01, v15  }
0xd3: {  	v13 =	vsel vm11, v13, v14;
	vm11 =	vlt.f32 v2, $1.000000000e+00;
	v14 =	vmul.f32 $4.000000000e+00, v4  }
0xd4: {  	v2 =	vsel vm11, v16, v2;
	v5 =	vsel vm7, v5, v15;
	vm7 =	vlt.f32 v4, $1.000000000e+00  }
0xd5: {  	v12 =	vadd.f32 v12, v11;
	v4 =	vsel vm7, v14, v4;
	v15 =	vmul.f32 $5.000000000e-01, v5  }
0xd6: {  	v16 =	vmul.f32 $4.000000000e+00, v2;
	v14 =	vadd.f32 v13, v13;
	v17 =	vmul.f32 $4.000000000e+00, v4  }
0xd7: {  	vm12 =	vlt.f32 v2, $1.000000000e+00;
	vm8 =	vlt.f32 v4, $1.000000000e+00;
	v5 =	vsel vm4, v15, v5  }
0xd8: {  	v14 =	vsel vm13, v14, v13;
	v4 =	vsel vm8, v17, v4;
	v15 =	vmul.f32 $5.000000000e-01, v5  }
0xd9: {  	v13 =	vmul.f32 v12, v18;
	v12 =	vsel vm12, v16, v2;
	v2 =	vmul.f32 $4.000000000e+00, v4  }
0xda: {  	v17 =	vadd.f32 v14, v14;
	v5 =	vsel vm9, v15, v5;
	vm9 =	vlt.f32 v4, $1.000000000e+00  }
0xdb: {  	v16 =	vmul.f32 $4.000000000e+00, v12;
	v15 =	vmul.f32 v0, v6;
	v4 =	vsel vm9, v2, v4  }
0xdc: {  	v14 =	vsel vm10, v17, v14;
	v20 =	vmul.f32 $5.000000000e-01, v5;
	v19 =	vmul.f32 $4.000000000e+00, v4  }
0xdd: {  	vm10 =	vlt.f32 v12, $1.000000000e+00;
	v17 =	vadd.f32 v14, v14;
	vm6 =	vlt.f32 v4, $1.000000000e+00  }
0xde: {  	v15 =	vadd.f32 v15, v8;
	v5 =	vsel vm3, v20, v5;
	v4 =	vsel vm6, v19, v4  }
0xdf: {  	v14 =	vsel vm5, v17, v14;
	v17 =	vmul.f32 $5.000000000e-01, v5;
	v19 =	vmul.f32 $4.000000000e+00, v4  }
0xe0: {  	v12 =	vsel vm10, v16, v12;
	vm5 =	vlt.f32 v4, $1.000000000e+00  }
0xe1: {  	v15 =	vmul.f32 v15, v0;
	v5 =	vsel vm0, v17, v5;
	v4 =	vsel vm5, v19, v4  }
0xe2: {  	v16 =	vadd.f32 v14, v14;
	v17 =	vmul.f32 $5.000000000e-01, v5;
	v19 =	vmul.f32 $4.000000000e+00, v4  }
0xe3: {  	v15 =	vadd.f32 v15, v9;
	vm4 =	vlt.f32 v4, $1.000000000e+00  }
0xe4: {  	v14 =	vsel vm11, v16, v14;
	v5 =	vsel vm1, v17, v5;
	v4 =	vsel vm4, v19, v4  }
0xe5: {  	v17 =	vadd.f32 v14, v14;
	v20 =	vmul.f32 $5.000000000e-01, v5;
	v16 =	vmul.f32 $4.000000000e+00, v4  }
0xe6: {  	vm11 =	vlt.f32 v12, $1.000000000e+00;
	v15 =	vmul.f32 v15, v0;
	vm3 =	vlt.f32 v4, $1.000000000e+00  }
0xe7: {  	v14 =	vsel vm12, v17, v14;
	v5 =	vsel vm2, v20, v5;
	v16 =	vsel vm3, v16, v4  }
0xe8: {  	v17 =	vadd.f32 v14, v14;
	v4 =	vadd.f32 v15, v10;
	v15 =	vmul.f32 $4.000000000e+00, v16  }
0xe9: {  	v19 =	vmul.f32 $4.000000000e+00, v12;
	v21 =	vadd.f32 v5, v5;
	vm1 =	vlt.f32 v16, $1.000000000e+00  }
0xea: {  	v20 =	vmul.f32 v0, v7;
	v15 =	vsel vm1, v15, v16;
	v16 =	vsel vm10, v17, v14  }
0xeb: {  	v12 =	vsel vm11, v19, v12;
	v5 =	vsel vm7, v21, v5;
	v17 =	vadd.f32 v16, v16  }
0xec: {  	vm2 =	vlt.f32 v12, $1.000000000e+00;
	v4 =	vmul.f32 v4, v0;
	v22 =	vadd.f32 v5, v5  }
0xed: {  	vm0 =	vlt.f32 v15, $1.000000000e+00;
	v21 =	vmul.f32 $4.000000000e+00, v15;
	v16 =	vsel vm11, v17, v16  }
0xee: {  	v5 =	vsel vm8, v22, v5;
	v17 =	vmul.f32 $4.000000000e+00, v12;
	v19 =	vadd.f32 v16, v16  }
0xef: {  	v14 =	vadd.f32 v20, v11;
	v15 =	vsel vm0, v21, v15;
	v20 =	vadd.f32 v5, v5  }
0xf0: {  	s29 =	simm.s32 $0x20;
	v12 =	vsel vm2, v17, v12;
	v17 =	vmul.f32 $4.000000000e+00, v15;
	v16 =	vsel vm2, v19, v16  }
0xf1: {  	v20 =	vsel vm9, v20, v5;
	v5 =	vld [tilespmem:s29+$0x18110];
	v19 =	vmul.f32 $4.000000000e+00, v12;
	v21 =	vadd.f32 v16, v16  }
0xf2: {  	vm7 =	vlt.f32 v12, $1.000000000e+00;
	vm2 =	vlt.f32 v15, $1.000000000e+00;
	v22 =	vadd.f32 v20, v20  }
0xf3: {  	v19 =	vsel vm7, v19, v12;
	v12 =	vsel vm2, v17, v15;
	v16 =	vsel vm7, v21, v16  }
0xf4: {  	v20 =	vsel vm6, v22, v20;
	v17 =	vmul.f32 $4.000000000e+00, v19;
	v21 =	vadd.f32 v16, v16  }
0xf5: {  	v14 =	vmul.f32 v14, v0;
	vm6 =	vlt.f32 v19, $1.000000000e+00;
	v22 =	vadd.f32 v20, v20  }
0xf6: {  	v23 =	vmul.f32 $2.500000000e-01, v5;
	v17 =	vsel vm6, v17, v19;
	v19 =	vsel vm6, v21, v16  }
0xf7: {  	v21 =	vmul.f32 $4.000000000e+00, v17;
	vm6 =	vge.f32 v5, $4.000000000e+00;
	vm7 =	vlt.f32 v17, $1.000000000e+00  }
0xf8: {  	v16 =	vsel vm5, v22, v20;
	v24 =	vadd.f32 v19, v19;
	v20 =	vsel vm6, $0x3F000000, v3  }
0xf9: {  	v17 =	vsel vm7, v21, v17;
	v21 =	vsel vm6, v23, v5;
	v23 =	vmul.f32 $5.000000000e-01, v20  }
0xfa: {  	v22 =	vmul.f32 $4.000000000e+00, v17;
	v19 =	vsel vm7, v24, v19;
	vm5 =	vlt.f32 v17, $1.000000000e+00  }
0xfb: {  	vm6 =	vge.f32 v21, $4.000000000e+00;
	v25 =	vmul.f32 $2.500000000e-01, v21;
	v24 =	vadd.f32 v19, v19  }
0xfc: {  	v15 =	vmul.f32 $4.000000000e+00, v12;
	v20 =	vsel vm6, v23, v20;
	v17 =	vsel vm5, v22, v17  }
0xfd: {  	v21 =	vsel vm6, v25, v21;
	v22 =	vmul.f32 $4.000000000e+00, v17;
	v19 =	vsel vm5, v24, v19  }
0xfe: {  	vm5 =	vlt.f32 v17, $1.000000000e+00;
	v24 =	vmul.f32 $2.500000000e-01, v21;
	v23 =	vadd.f32 v19, v19  }
0xff: {  	vm6 =	vge.f32 v21, $4.000000000e+00;
	v17 =	vsel vm5, v22, v17;
	v22 =	vmul.f32 $5.000000000e-01, v20  }
0x100: {  	v21 =	vsel vm6, v24, v21;
	v25 =	vmul.f32 $4.000000000e+00, v17;
	v19 =	vsel vm5, v23, v19  }
0x101: {  	vm5 =	vlt.f32 v17, $1.000000000e+00;
	v24 =	vmul.f32 $2.500000000e-01, v21;
	v23 =	vadd.f32 v19, v19  }
0x102: {  	vm8 =	vge.f32 v21, $4.000000000e+00;
	v20 =	vsel vm6, v22, v20;
	v17 =	vsel vm5, v25, v17  }
0x103: {  	v21 =	vsel vm8, v24, v21;
	v22 =	vmul.f32 $4.000000000e+00, v17;
	v19 =	vsel vm5, v23, v19  }
0x104: {  	vm5 =	vlt.f32 v17, $1.000000000e+00;
	v24 =	vmul.f32 $2.500000000e-01, v21;
	v23 =	vadd.f32 v19, v19  }
0x105: {  	vm9 =	vge.f32 v21, $4.000000000e+00;
	v17 =	vsel vm5, v22, v17;
	v22 =	vmul.f32 $5.000000000e-01, v20  }
0x106: {  	v21 =	vsel vm9, v24, v21;
	v25 =	vmul.f32 $4.000000000e+00, v17;
	v19 =	vsel vm5, v23, v19  }
0x107: {  	vm5 =	vlt.f32 v17, $1.000000000e+00;
	v24 =	vmul.f32 $2.500000000e-01, v21;
	v23 =	vadd.f32 v19, v19  }
0x108: {  	vm7 =	vge.f32 v21, $4.000000000e+00;
	v20 =	vsel vm8, v22, v20;
	v17 =	vsel vm5, v25, v17  }
0x109: {  	v21 =	vsel vm7, v24, v21;
	v22 =	vmul.f32 $4.000000000e+00, v17;
	v19 =	vsel vm5, v23, v19  }
0x10a: {  	vm5 =	vlt.f32 v17, $1.000000000e+00;
	v24 =	vmul.f32 $2.500000000e-01, v21;
	v23 =	vadd.f32 v19, v19  }
0x10b: {  	vm6 =	vge.f32 v21, $4.000000000e+00;
	v17 =	vsel vm5, v22, v17;
	v22 =	vmul.f32 $5.000000000e-01, v20  }
0x10c: {  	v21 =	vsel vm6, v24, v21;
	v25 =	vmul.f32 $4.000000000e+00, v17;
	v19 =	vsel vm5, v23, v19  }
0x10d: {  	vm8 =	vlt.f32 v17, $1.000000000e+00;
	v24 =	vmul.f32 $2.500000000e-01, v21;
	v23 =	vadd.f32 v19, v19  }
0x10e: {  	vm5 =	vge.f32 v21, $4.000000000e+00;
	v20 =	vsel vm9, v22, v20;
	v17 =	vsel vm8, v25, v17  }
0x10f: {  	v21 =	vsel vm5, v24, v21;
	v22 =	vmul.f32 $4.000000000e+00, v17;
	v19 =	vsel vm8, v23, v19  }
0x110: {  	vm8 =	vlt.f32 v17, $1.000000000e+00;
	v24 =	vmul.f32 $2.500000000e-01, v21;
	v23 =	vadd.f32 v19, v19  }
0x111: {  	vm10 =	vge.f32 v21, $4.000000000e+00;
	v17 =	vsel vm8, v22, v17;
	v22 =	vmul.f32 $5.000000000e-01, v20  }
0x112: {  	v21 =	vsel vm10, v24, v21;
	v25 =	vmul.f32 $4.000000000e+00, v17;
	v19 =	vsel vm8, v23, v19  }
0x113: {  	vm9 =	vlt.f32 v17, $1.000000000e+00;
	v24 =	vmul.f32 $2.500000000e-01, v21;
	v23 =	vadd.f32 v19, v19  }
0x114: {  	vm8 =	vge.f32 v21, $4.000000000e+00;
	v20 =	vsel vm7, v22, v20;
	v17 =	vsel vm9, v25, v17  }
0x115: {  	v21 =	vsel vm8, v24, v21;
	v22 =	vmul.f32 $4.000000000e+00, v17;
	v19 =	vsel vm9, v23, v19  }
0x116: {  	vm7 =	vlt.f32 v17, $1.000000000e+00;
	v24 =	vmul.f32 $2.500000000e-01, v21;
	v23 =	vadd.f32 v19, v19  }
0x117: {  	vm9 =	vge.f32 v21, $4.000000000e+00;
	v17 =	vsel vm7, v22, v17;
	v22 =	vmul.f32 $5.000000000e-01, v20  }
0x118: {  	v21 =	vsel vm9, v24, v21;
	v25 =	vmul.f32 $4.000000000e+00, v17;
	v19 =	vsel vm7, v23, v19  }
0x119: {  	vm7 =	vlt.f32 v17, $1.000000000e+00;
	v24 =	vmul.f32 $2.500000000e-01, v21;
	vm11 =	vge.f32 v21, $4.000000000e+00  }
0x11a: {  	v23 =	vadd.f32 v19, v19;
	v20 =	vsel vm6, v22, v20;
	v17 =	vsel vm7, v25, v17  }
0x11b: {  	v21 =	vsel vm11, v24, v21;
	v24 =	vadd.f32 v16, v16;
	v22 =	vmul.f32 $4.000000000e+00, v17  }
0x11c: {  	v19 =	vsel vm7, v23, v19;
	vm6 =	vlt.f32 v17, $1.000000000e+00;
	v25 =	vmul.f32 $2.500000000e-01, v21  }
0x11d: {  	vm7 =	vge.f32 v21, $4.000000000e+00;
	v23 =	vadd.f32 v19, v19;
	v16 =	vsel vm4, v24, v16  }
0x11e: {  	v17 =	vsel vm6, v22, v17;
	v22 =	vmul.f32 $5.000000000e-01, v20;
	v21 =	vsel vm7, v25, v21  }
0x11f: {  	v24 =	vadd.f32 v16, v16;
	v19 =	vsel vm6, v23, v19;
	v23 =	vmul.f32 $4.000000000e+00, v17  }
0x120: {  	v25 =	vadd.f32 v19, v19;
	v20 =	vsel vm5, v22, v20;
	vm5 =	vlt.f32 v17, $1.000000000e+00  }
0x121: {  	v26 =	vmul.f32 $2.500000000e-01, v21;
	vm6 =	vge.f32 v21, $4.000000000e+00;
	v17 =	vsel vm5, v23, v17  }
0x122: {  	v22 =	vmul.f32 $5.000000000e-01, v20;
	v19 =	vsel vm5, v25, v19;
	v23 =	vmul.f32 $4.000000000e+00, v17  }
0x123: {  	v16 =	vsel vm3, v24, v16;
	vm5 =	vlt.f32 v17, $1.000000000e+00;
	v25 =	vadd.f32 v19, v19  }
0x124: {  	v21 =	vsel vm6, v26, v21;
	v20 =	vsel vm10, v22, v20;
	v17 =	vsel vm5, v23, v17  }
0x125: {  	v22 =	vmul.f32 $2.500000000e-01, v21;
	v19 =	vsel vm5, v25, v19;
	v23 =	vmul.f32 $4.000000000e+00, v17  }
0x126: {  	vm5 =	vge.f32 v21, $4.000000000e+00;
	vm4 =	vlt.f32 v17, $1.000000000e+00;
	v25 =	vadd.f32 v19, v19  }
0x127: {  	v21 =	vsel vm5, v22, v21;
	v22 =	vmul.f32 $5.000000000e-01, v20;
	v17 =	vsel vm4, v23, v17  }
0x128: {  	v23 =	vsel vm4, v25, v19;
	vm4 =	vlt.f32 v12, $1.000000000e+00;
	v19 =	vmul.f32 $2.500000000e-01, v21  }
0x129: {  	vm12 =	vge.f32 v21, $4.000000000e+00;
	v15 =	vsel vm4, v15, v12;
	v12 =	vsel vm8, v22, v20  }
0x12a: {  	v19 =	vsel vm12, v19, v21;
	v20 =	vmul.f32 $5.000000000e-01, v12;
	v21 =	vmul.f32 $4.939813910e-02, v17  }
0x12b: {  	vm3 =	vlt.f32 v15, $1.000000000e+00;
	v24 =	vmul.f32 $4.000000000e+00, v15;
	v22 =	vmul.f32 $4.000000000e+00, v19  }
0x12c: {  	vm10 =	vlt.f32 v19, $1.000000000e+00;
	v20 =	vsel vm9, v20, v12;
	v21 =	vadd.f32 $-3.951666060e-01, v21  }
0x12d: {  	v12 =	vld [tilespmem:$0x18680];
	v24 =	vsel vm3, v24, v15;
	v19 =	vsel vm10, v22, v19;
	v22 =	vmul.f32 $5.000000000e-01, v20  }
0x12e: {  	v30 =	vimm.s32 $0x0;
	v27 =	vmul.f32 $4.000000000e+00, v24;
	v15 =	vmul.f32 $4.000000000e+00, v19  }
0x12f: {  	v2 =	vimm.f32 $0.0e+00;
	v21 =	vmul.f32 v21, v17;
	v17 =	vmul.f32 $5.000000000e-01, v17  }
0x130: {  	v20 =	vsel vm11, v22, v20;
	vm11 =	vlt.f32 v19, $1.000000000e+00;
	v22 =	vmul.f32 v5, v6  }
0x131: {  	v15 =	vsel vm11, v15, v19;
	v19 =	vadd.f32 $1.308800820e+00, v21;
	v21 =	vadd.f32 v16, v16  }
0x132: {  	v26 =	vmul.f32 $5.000000000e-01, v20;
	v25 =	vadd.f32 v13, v12;
	v13 =	vmul.f32 $4.000000000e+00, v15  }
0x133: {  	vm13 =	vlt.f32 v15, $1.000000000e+00;
	v22 =	vadd.f32 v22, v8;
	v16 =	vsel vm1, v21, v16  }
0x134: {  	v21 =	vmul.f32 v19, v17;
	v20 =	vsel vm7, v26, v20;
	vm1 =	vlt.f32 v24, $1.000000000e+00  }
0x135: {  	v13 =	vsel vm13, v13, v15;
	v15 =	vadd.f32 v16, v16;
	v22 =	vmul.f32 v22, v5  }
0x136: {  	v24 =	vsel vm1, v27, v24;
	v26 =	vmul.f32 $4.000000000e+00, v13;
	v21 =	vmul.f32 v21, v19  }
0x137: {  	vm8 =	vlt.f32 v13, $1.000000000e+00;
	v15 =	vsel vm0, v15, v16;
	v22 =	vadd.f32 v22, v9  }
0x138: {  	v16 =	vsel vm8, v26, v13;
	v21 =	vsub.f32 $1.500000000e+00, v21;
	v26 =	vmul.f32 $5.000000000e-01, v20  }
0x139: {  	v13 =	vadd.f32 v14, v12;
	v14 =	vmul.f32 v25, v18;
	v28 =	vmul.f32 $4.000000000e+00, v16  }
0x13a: {  	vm9 =	vlt.f32 v16, $1.000000000e+00;
	v22 =	vmul.f32 v22, v5;
	v19 =	vmul.f32 v21, v19  }
0x13b: {  	v21 =	vadd.f32 v15, v15;
	v16 =	vsel vm9, v28, v16;
	v28 =	vmul.f32 v5, v7  }
0x13c: {  	v20 =	vsel vm6, v26, v20;
	v25 =	vmul.f32 $4.000000000e+00, v16;
	v26 =	vmul.f32 v19, v17  }
0x13d: {  	v15 =	vsel vm2, v21, v15;
	vm7 =	vlt.f32 v16, $1.000000000e+00;
	v21 =	vmul.f32 $5.000000000e-01, v20  }
0x13e: {  	v22 =	vadd.f32 v22, v10;
	v16 =	vsel vm7, v25, v16;
	v25 =	vmul.f32 v26, v19  }
0x13f: {  	v29 =	vadd.f32 v15, v15;
	v20 =	vsel vm5, v21, v20;
	v26 =	vmul.f32 $4.000000000e+00, v16  }
0x140: {  	vm6 =	vlt.f32 v16, $1.000000000e+00;
	v21 =	vsub.f32 $1.500000000e+00, v25;
	v25 =	vmul.f32 $5.000000000e-01, v20  }
0x141: {  	v15 =	vsel vm4, v29, v15;
	v29 =	vimm.s32 $0x0;
	v16 =	vsel vm6, v26, v16  }
0x142: {  	v26 =	vmul.f32 $4.000000000e+00, v16;
	v21 =	vmul.f32 v21, v19;
	v20 =	vsel vm12, v25, v20  }
0x143: {  	vm5 =	vlt.f32 v16, $1.000000000e+00;
	v19 =	vmul.f32 v22, v5;
	v22 =	vadd.f32 v20, v20  }
0x144: {  	v16 =	vsel vm5, v26, v16;
	v17 =	vmul.f32 v21, v17;
	v26 =	vadd.f32 v15, v15  }
0x145: {  	vm0 =	vlt.f32 v16, $1.000000000e+00;
	v25 =	vmul.f32 $4.000000000e+00, v16;
	v20 =	vsel vm10, v22, v20  }
0x146: {  	v22 =	vadd.f32 v28, v11;
	v17 =	vmul.f32 v17, v21;
	v28 =	vadd.f32 v20, v20  }
0x147: {  	v29 =	vsel vm0, $0xFFFFFFFF, v29;
	v15 =	vsel vm3, v26, v15;
	v25 =	vsel vm0, v25, v16  }
0x148: {  	vm0 =	vlt.f32 v25, $1.000000000e+00;
	v26 =	vmul.f32 $4.000000000e+00, v25;
	v17 =	vsub.f32 $1.500000000e+00, v17  }
0x149: {  	[tilespmem:$0x1FFE0] =	vst v29;
	v20 =	vsel vm11, v28, v20;
	v28 =	vadd.f32 v15, v15;
	v30 =	vsel vm0, $0xFFFFFFFF, v30  }
0x14a: {  	v22 =	vmul.f32 v22, v5;
	v16 =	vld [tilespmem:$0x18660];
	v29 =	vadd.f32 v20, v20;
	[tilespmem:$0x1FFF0] =	vst v30;
	v30 =	vsel vm0, v26, v25  }
0x14b: {  	v17 =	vmul.f32 v17, v21;
	v28 =	vsel vm1, v28, v15;
	v21 =	vmul.f32 $4.000000000e+00, v30  }
0x14c: {  	v15 =	vld [tilespmem:$0x18610];
	vm0 =	vlt.f32 v24, $1.000000000e+00;
	vm12 =	vlt.f32 v30, $1.000000000e+00;
	v25 =	vsel vm13, v29, v20  }
0x14d: {  	v20 =	vadd.f32 v28, v28;
	v23 =	vmul.f32 v17, v23;
	v17 =	vld [tilespmem:$0x18670];
	v21 =	vsel vm12, v21, v30  }
0x14e: {  	v29 =	vmul.f32 $4.000000000e+00, v24;
	v26 =	vadd.f32 v25, v25;
	v27 =	vmul.f32 $4.000000000e+00, v21  }
0x14f: {  	vm2 =	vlt.f32 v21, $1.000000000e+00;
	v30 =	vmul.f32 v23, v18;
	v23 =	vmul.f32 v23, v16  }
0x150: {  	s30 =	simm.s32 $0xC0;
	s24 =	sadd.s32 $0x47400, s12;
	s23 =	sadd.s32 $0x15400, s12;
	v18 =	vsel vm2, v27, v21;
	v27 =	vsel vm0, v29, v24;
	v24 =	vsel vm0, v20, v28  }
0x151: {  	s26 =	sadd.s32 $0xB400, s12;
	s25 =	sadd.s32 $0x3D400, s12;
	s15 =	sadd.s32 $0x51600, s12;
	v21 =	vmul.f32 v30, v15;
	vm1 =	vlt.f32 v18, $1.000000000e+00;
	v20 =	vmul.f32 $4.000000000e+00, v18  }
0x152: {  	s22 =	sadd.s32 $0x1F400, s12;
	s21 =	sadd.s32 $0x29400, s12;
	s12 =	sadd.s32 $0x53E00, s12;
	vm10 =	vlt.f32 v27, $1.000000000e+00;
	v28 =	vmul.f32 $4.000000000e+00, v27;
	v23 =	vadd.f32 v23, v17  }
.LBB2_1:
0x153: {  	v29 =	vimm.s32 $0x0  }
0x154: {  	s0 =	sshra.s32 s30, $0x2;
	v29 =	vsel vm12, $0xFFFFFFFF, v29;
	v25 =	vsel vm8, v26, v25;
	v26 =	vadd.f32 v24, v24  }
0x155: {  	v27 =	vsel vm10, v28, v27;
	[tilespmem:$0x1FFD0] =	vst v29;
	v29 =	vadd.f32 v21, v1;
	v21 =	vld [tilespmem:s0+$0x18110];
	v30 =	vadd.f32 v25, v25  }
0x156: {  	v14 =	vadd.f32 v23, v14;
	v24 =	vsel vm10, v26, v24;
	v26 =	vmul.f32 $4.000000000e+00, v27  }
0x157: {  	v1 =	vmovc v4;
	v4 =	vmovc v19;
	vm0 =	vlt.f32 v27, $1.000000000e+00;
	v19 =	vsel vm9, v30, v25;
	v25 =	vadd.f32 v24, v24  }
0x158: {  	v22 =	vadd.f32 v22, v12;
	[tilespmem:s20+$0x18390] =	vst v14;
	v14 =	vmul.f32 v13, v0;
	v26 =	vsel vm0, v26, v27  }
0x159: {  	v2 =	vadd.f32 v29, v2;
	v24 =	vsel vm0, v25, v24;
	v25 =	vmul.f32 $4.000000000e+00, v26  }
0x15a: {  	vm8 =	vlt.f32 v26, $1.000000000e+00;
	vm0 =	vge.f32 v21, $4.000000000e+00;
	v27 =	vmul.f32 $2.500000000e-01, v21  }
0x15b: {  	v13 =	vmovc v22;
	v22 =	vsel vm0, $0x3F000000, v3;
	v25 =	vsel vm8, v25, v26;
	v26 =	vadd.f32 v24, v24  }
0x15c: {  	v27 =	vsel vm0, v27, v21;
	v28 =	vmul.f32 $5.000000000e-01, v22;
	v29 =	vmul.f32 $4.000000000e+00, v25  }
0x15d: {  	vm9 =	vlt.f32 v25, $1.000000000e+00;
	vm0 =	vge.f32 v27, $4.000000000e+00;
	v30 =	vmul.f32 $2.500000000e-01, v27  }
0x15e: {  	v24 =	vsel vm8, v26, v24;
	v22 =	vsel vm0, v28, v22;
	v25 =	vsel vm9, v29, v25  }
0x15f: {  	v26 =	vsel vm0, v30, v27;
	v27 =	vadd.f32 v24, v24;
	v28 =	vmul.f32 $4.000000000e+00, v25  }
0x160: {  	vm3 =	vmmov vm1;
	vm4 =	vmmov vm2;
	vm8 =	vlt.f32 v25, $1.000000000e+00  }
0x161: {  	v23 =	vadd.f32 v19, v19;
	v24 =	vsel vm9, v27, v24;
	v25 =	vsel vm8, v28, v25  }
0x162: {  	v29 =	vmul.f32 $2.500000000e-01, v26;
	v27 =	vadd.f32 v24, v24;
	v28 =	vmul.f32 $4.000000000e+00, v25  }
0x163: {  	v30 =	vmul.f32 $5.000000000e-01, v22;
	vm0 =	vge.f32 v26, $4.000000000e+00;
	vm10 =	vlt.f32 v25, $1.000000000e+00  }
0x164: {  	v26 =	vsel vm0, v29, v26;
	v24 =	vsel vm8, v27, v24;
	v25 =	vsel vm10, v28, v25  }
0x165: {  	v29 =	vmul.f32 $2.500000000e-01, v26;
	v27 =	vadd.f32 v24, v24;
	v28 =	vmul.f32 $4.000000000e+00, v25  }
0x166: {  	v22 =	vsel vm0, v30, v22;
	vm9 =	vge.f32 v26, $4.000000000e+00;
	vm11 =	vlt.f32 v25, $1.000000000e+00  }
0x167: {  	v26 =	vsel vm9, v29, v26;
	v24 =	vsel vm10, v27, v24;
	v25 =	vsel vm11, v28, v25  }
0x168: {  	v29 =	vmul.f32 $2.500000000e-01, v26;
	v27 =	vadd.f32 v24, v24;
	v28 =	vmul.f32 $4.000000000e+00, v25  }
0x169: {  	v30 =	vmul.f32 $5.000000000e-01, v22;
	vm8 =	vge.f32 v26, $4.000000000e+00;
	vm12 =	vlt.f32 v25, $1.000000000e+00  }
0x16a: {  	v26 =	vsel vm8, v29, v26;
	v24 =	vsel vm11, v27, v24;
	v25 =	vsel vm12, v28, v25  }
0x16b: {  	v29 =	vmul.f32 $2.500000000e-01, v26;
	v27 =	vadd.f32 v24, v24;
	v28 =	vmul.f32 $4.000000000e+00, v25  }
0x16c: {  	v22 =	vsel vm9, v30, v22;
	vm0 =	vge.f32 v26, $4.000000000e+00;
	vm9 =	vlt.f32 v25, $1.000000000e+00  }
0x16d: {  	v26 =	vsel vm0, v29, v26;
	v24 =	vsel vm12, v27, v24;
	v25 =	vsel vm9, v28, v25  }
0x16e: {  	v29 =	vmul.f32 $2.500000000e-01, v26;
	v27 =	vadd.f32 v24, v24;
	v28 =	vmul.f32 $4.000000000e+00, v25  }
0x16f: {  	v30 =	vmul.f32 $5.000000000e-01, v22;
	vm10 =	vge.f32 v26, $4.000000000e+00;
	vm11 =	vlt.f32 v25, $1.000000000e+00  }
0x170: {  	v26 =	vsel vm10, v29, v26;
	v24 =	vsel vm9, v27, v24;
	v25 =	vsel vm11, v28, v25  }
0x171: {  	v29 =	vmul.f32 $2.500000000e-01, v26;
	v27 =	vadd.f32 v24, v24;
	v28 =	vmul.f32 $4.000000000e+00, v25  }
0x172: {  	v22 =	vsel vm8, v30, v22;
	vm12 =	vge.f32 v26, $4.000000000e+00;
	vm9 =	vlt.f32 v25, $1.000000000e+00  }
0x173: {  	v26 =	vsel vm12, v29, v26;
	v24 =	vsel vm11, v27, v24;
	v25 =	vsel vm9, v28, v25  }
0x174: {  	v29 =	vmul.f32 $2.500000000e-01, v26;
	v27 =	vadd.f32 v24, v24;
	v28 =	vmul.f32 $4.000000000e+00, v25  }
0x175: {  	v30 =	vmul.f32 $5.000000000e-01, v22;
	vm14 =	vge.f32 v26, $4.000000000e+00;
	vm11 =	vlt.f32 v25, $1.000000000e+00  }
0x176: {  	v26 =	vsel vm14, v29, v26;
	v24 =	vsel vm9, v27, v24;
	v25 =	vsel vm11, v28, v25  }
0x177: {  	v29 =	vmul.f32 $2.500000000e-01, v26;
	v27 =	vadd.f32 v24, v24;
	v28 =	vmul.f32 $4.000000000e+00, v25  }
0x178: {  	v22 =	vsel vm0, v30, v22;
	vm8 =	vge.f32 v26, $4.000000000e+00;
	vm13 =	vlt.f32 v25, $1.000000000e+00  }
0x179: {  	v26 =	vsel vm8, v29, v26;
	v24 =	vsel vm11, v27, v24;
	v25 =	vsel vm13, v28, v25  }
0x17a: {  	v29 =	vmul.f32 $2.500000000e-01, v26;
	v27 =	vadd.f32 v24, v24;
	v28 =	vmul.f32 $4.000000000e+00, v25  }
0x17b: {  	v30 =	vmul.f32 $5.000000000e-01, v22;
	vm0 =	vge.f32 v26, $4.000000000e+00;
	vm11 =	vlt.f32 v25, $1.000000000e+00  }
0x17c: {  	v26 =	vsel vm0, v29, v26;
	v24 =	vsel vm13, v27, v24;
	v25 =	vsel vm11, v28, v25  }
0x17d: {  	v29 =	vmul.f32 $2.500000000e-01, v26;
	v27 =	vadd.f32 v24, v24;
	v28 =	vmul.f32 $4.000000000e+00, v25  }
0x17e: {  	v22 =	vsel vm10, v30, v22;
	vm9 =	vge.f32 v26, $4.000000000e+00;
	vm13 =	vlt.f32 v25, $1.000000000e+00  }
0x17f: {  	v26 =	vsel vm9, v29, v26;
	v24 =	vsel vm11, v27, v24;
	v25 =	vsel vm13, v28, v25  }
0x180: {  	v29 =	vmul.f32 $2.500000000e-01, v26;
	v27 =	vadd.f32 v24, v24;
	v28 =	vmul.f32 $4.000000000e+00, v25  }
0x181: {  	v30 =	vmul.f32 $5.000000000e-01, v22;
	vm10 =	vge.f32 v26, $4.000000000e+00;
	vm15 =	vlt.f32 v25, $1.000000000e+00  }
0x182: {  	v26 =	vsel vm10, v29, v26;
	v24 =	vsel vm13, v27, v24;
	v25 =	vsel vm15, v28, v25  }
0x183: {  	v29 =	vmul.f32 $2.500000000e-01, v26;
	v27 =	vadd.f32 v24, v24;
	v28 =	vmul.f32 $4.000000000e+00, v25  }
0x184: {  	v22 =	vsel vm12, v30, v22;
	vm11 =	vge.f32 v26, $4.000000000e+00;
	vm1 =	vlt.f32 v25, $1.000000000e+00  }
0x185: {  	v26 =	vsel vm11, v29, v26;
	v24 =	vsel vm15, v27, v24;
	v25 =	vsel vm1, v28, v25  }
0x186: {  	v29 =	vmul.f32 $2.500000000e-01, v26;
	v27 =	vadd.f32 v24, v24;
	v28 =	vmul.f32 $4.000000000e+00, v25  }
0x187: {  	v30 =	vmul.f32 $5.000000000e-01, v22;
	vm12 =	vge.f32 v26, $4.000000000e+00;
	vm2 =	vlt.f32 v25, $1.000000000e+00  }
0x188: {  	v26 =	vsel vm12, v29, v26;
	v24 =	vsel vm1, v27, v24;
	v25 =	vsel vm2, v28, v25  }
0x189: {  	v29 =	vmul.f32 $2.500000000e-01, v26;
	v27 =	vadd.f32 v24, v24;
	v28 =	vmul.f32 $4.939813910e-02, v25  }
0x18a: {  	v19 =	vsel vm7, v23, v19;
	v22 =	vsel vm14, v30, v22;
	vm13 =	vge.f32 v26, $4.000000000e+00  }
0x18b: {  	v26 =	vsel vm13, v29, v26;
	v23 =	vsel vm2, v27, v24;
	v24 =	vadd.f32 $-3.951666060e-01, v28  }
0x18c: {  	v29 =	vmul.f32 $5.000000000e-01, v22;
	v30 =	vmul.f32 $4.000000000e+00, v26  }
0x18d: {  	vm15 =	vlt.f32 v26, $1.000000000e+00;
	v24 =	vmul.f32 v24, v25  }
0x18e: {  	v22 =	vsel vm8, v29, v22;
	v27 =	vadd.f32 v19, v19;
	v26 =	vsel vm15, v30, v26  }
0x18f: {  	v29 =	vmul.f32 $5.000000000e-01, v22;
	v25 =	vmul.f32 $5.000000000e-01, v25;
	v24 =	vadd.f32 $1.308800820e+00, v24  }
0x190: {  	vm14 =	vlt.f32 v26, $1.000000000e+00;
	v28 =	vmul.f32 $4.000000000e+00, v26  }
0x191: {  	v19 =	vsel vm6, v27, v19;
	v22 =	vsel vm0, v29, v22;
	v31 =	vmul.f32 v24, v25  }
0x192: {  	v29 =	vadd.f32 v19, v19;
	v26 =	vsel vm14, v28, v26;
	v28 =	vmul.f32 $5.000000000e-01, v22  }
0x193: {  	v27 =	vmul.f32 $4.000000000e+00, v26;
	v31 =	vmul.f32 v31, v24  }
0x194: {  	v30 =	vmul.f32 v21, v6;
	vm0 =	vlt.f32 v26, $1.000000000e+00;
	v19 =	vsel vm5, v29, v19  }
0x195: {  	v22 =	vsel vm9, v28, v22;
	v26 =	vsel vm0, v27, v26;
	v29 =	vsub.f32 $1.500000000e+00, v31  }
0x196: {  	v27 =	vadd.f32 v30, v8;
	v28 =	vmul.f32 $5.000000000e-01, v22;
	v32 =	vmul.f32 $4.000000000e+00, v26  }
0x197: {  	vm8 =	vlt.f32 v26, $1.000000000e+00;
	v24 =	vmul.f32 v29, v24;
	v29 =	vld [tilespmem:$0x1FFE0]  }
0x198: {  	v27 =	vmul.f32 v27, v21;
	v22 =	vsel vm10, v28, v22;
	v26 =	vsel vm8, v32, v26  }
0x199: {  	v28 =	vmul.f32 $5.000000000e-01, v22;
	v31 =	vmul.f32 $4.000000000e+00, v26  }
0x19a: {  	v33 =	vld [tilespmem:$0x1FFF0];
	v59 =	vadd.f32 v19, v19;
	vm9 =	vlt.f32 v26, $1.000000000e+00  }
0x19b: {  	v27 =	vadd.f32 v27, v9;
	v22 =	vsel vm11, v28, v22;
	v26 =	vsel vm9, v31, v26  }
0x19c: {  	v31 =	vmul.f32 v24, v25;
	vm1 =	vnez.u8 v29;
	v29 =	vmul.f32 $4.000000000e+00, v26  }
0x19d: {  	v60 =	vmul.f32 $5.000000000e-01, v22;
	vm7 =	vlt.f32 v26, $1.000000000e+00;
	v19 =	vsel vm1, v59, v19  }
0x19e: {  	v28 =	vadd.f32 v19, v19;
	v26 =	vsel vm7, v29, v26;
	v29 =	vmul.f32 v31, v24  }
0x19f: {  	v27 =	vmul.f32 v27, v21;
	vm1 =	vnez.u8 v33  }
0x1a0: {  	v28 =	vsel vm1, v28, v19;
	v19 =	vsel vm12, v60, v22;
	v29 =	vsub.f32 $1.500000000e+00, v29  }
0x1a1: {  	v27 =	vadd.f32 v27, v10;
	v32 =	vmul.f32 $5.000000000e-01, v19  }
0x1a2: {  	v31 =	vmul.f32 $4.000000000e+00, v26;
	v24 =	vmul.f32 v29, v24  }
0x1a3: {  	vm6 =	vlt.f32 v26, $1.000000000e+00;
	v29 =	vsel vm13, v32, v19;
	v19 =	vmul.f32 v27, v21;
	v27 =	vld [tilespmem:$0x1FFD0]  }
0x1a4: {  	v26 =	vsel vm6, v31, v26;
	v25 =	vmul.f32 v24, v25  }
0x1a5: {  	v61 =	vimm.s32 $0x0;
	v62 =	vimm.s32 $0x0;
	v31 =	vmul.f32 $4.000000000e+00, v26  }
0x1a6: {  	v20 =	vsel vm3, v20, v18;
	vm5 =	vlt.f32 v26, $1.000000000e+00;
	v25 =	vmul.f32 v25, v24  }
0x1a7: {  	v30 =	vmul.f32 v21, v7;
	v22 =	vadd.f32 v28, v28;
	v26 =	vsel vm5, v31, v26  }
0x1a8: {  	vm1 =	vnez.u8 v27;
	v27 =	vadd.f32 v29, v29;
	v25 =	vsub.f32 $1.500000000e+00, v25  }
0x1a9: {  	v22 =	vsel vm1, v22, v28;
	vm1 =	vlt.f32 v26, $1.000000000e+00;
	v28 =	vmul.f32 $4.000000000e+00, v26  }
0x1aa: {  	v31 =	vadd.f32 v22, v22;
	v27 =	vsel vm15, v27, v29;
	v29 =	vadd.f32 v30, v11  }
0x1ab: {  	v32 =	vsel vm1, $0xFFFFFFFF, v61;
	v30 =	vadd.f32 v27, v27;
	v26 =	vsel vm1, v28, v26  }
0x1ac: {  	v24 =	vmul.f32 v25, v24;
	v28 =	vsel vm4, v31, v22;
	v31 =	vmul.f32 $4.000000000e+00, v26  }
0x1ad: {  	vm1 =	vlt.f32 v26, $1.000000000e+00;
	v22 =	vmul.f32 v29, v21;
	v27 =	vsel vm14, v30, v27  }
0x1ae: {  	v29 =	vadd.f32 v28, v28;
	v30 =	vadd.f32 v27, v27;
	v31 =	vsel vm1, v31, v26  }
0x1af: {  	[tilespmem:$0x1FFE0] =	vst v32;
	v23 =	vmul.f32 v24, v23;
	v32 =	vsel vm1, $0xFFFFFFFF, v62;
	vm12 =	vlt.f32 v31, $1.000000000e+00  }
0x1b0: {  	v63 =	vmul.f32 $4.000000000e+00, v31;
	v28 =	vsel vm3, v29, v28;
	v25 =	vsel vm0, v30, v27  }
0x1b1: {  	p0 =	sne.s32 s30, $0x9C0;
	v29 =	vadd.f32 v28, v28;
	v27 =	vmul.f32 $4.000000000e+00, v20;
	vm0 =	vlt.f32 v20, $1.000000000e+00  }
.Ltmp0:
0x1b2: {  	v30 =	vmul.f32 v23, v0;
	v23 =	vmul.f32 v23, v16;
	v24 =	vsel vm12, v63, v31;
	(pc) =	sbr.rel @p0 .LBB2_1-.Ltmp0, $4  }
0x1b3: {  	v0 =	vmovc v5;
	v26 =	vadd.f32 v25, v25;
	vm2 =	vlt.f32 v24, $1.000000000e+00;
	v18 =	vmul.f32 $4.000000000e+00, v24  }
0x1b4: {  	v5 =	vmovc v21;
	v27 =	vsel vm0, v27, v20;
	v21 =	vmul.f32 v30, v15;
	v23 =	vadd.f32 v23, v17  }
0x1b5: {  	s30 =	sadd.s32 $0x40, s30;
	vm10 =	vlt.f32 v27, $1.000000000e+00;
	v18 =	vsel vm2, v18, v24;
	v24 =	vsel vm0, v29, v28  }
0x1b6: {  	s20 =	smov.u32 s28;
	s28 =	smov.u32 s29;
	s29 =	smov.u32 s0;
	[tilespmem:$0x1FFF0] =	vst v32;
	v28 =	vmul.f32 $4.000000000e+00, v27;
	vm1 =	vlt.f32 v18, $1.000000000e+00;
	v20 =	vmul.f32 $4.000000000e+00, v18  }
0x1b7: {  	v3 =	vsel vm8, v26, v25  }
0x1b8: {  	v6 =	vadd.f32 v3, v3;
	_ =	sdelay $0x1  }
0x1b9: {  	v60 =	vsel vm1, v20, v18;
	v3 =	vsel vm9, v6, v3  }
0x1ba: {  	v62 =	vimm.s32 $0x0;
	v8 =	vmul.f32 $4.000000000e+00, v60;
	v7 =	vadd.f32 v3, v3  }
0x1bb: {  	v25 =	vimm.s32 $0x0;
	v29 =	vimm.s32 $0x0;
	vm15 =	vlt.f32 v60, $1.000000000e+00  }
0x1bc: {  	v31 =	vimm.s32 $0x0;
	v6 =	vsel vm15, v8, v60;
	v3 =	vsel vm7, v7, v3  }
0x1bd: {  	v9 =	vsel vm10, v28, v27;
	v8 =	vmul.f32 $4.000000000e+00, v6;
	v7 =	vadd.f32 v3, v3  }
0x1be: {  	v34 =	vimm.s32 $0x0;
	v10 =	vmul.f32 $4.000000000e+00, v9;
	vm11 =	vlt.f32 v6, $1.000000000e+00  }
0x1bf: {  	v11 =	vld [tilespmem:$0x1FFE0];
	vm8 =	vlt.f32 v9, $1.000000000e+00;
	v6 =	vsel vm11, v8, v6;
	v3 =	vsel vm6, v7, v3  }
0x1c0: {  	v9 =	vsel vm8, v10, v9;
	v8 =	vmul.f32 $4.000000000e+00, v6;
	v7 =	vadd.f32 v3, v3  }
0x1c1: {  	v36 =	vimm.s32 $0x0;
	v10 =	vmul.f32 $4.000000000e+00, v9;
	vm9 =	vlt.f32 v6, $1.000000000e+00  }
0x1c2: {  	v61 =	vld [tilespmem:$0x1FFF0];
	vm6 =	vlt.f32 v9, $1.000000000e+00;
	v6 =	vsel vm9, v8, v6;
	v3 =	vsel vm5, v7, v3  }
0x1c3: {  	v9 =	vsel vm6, v10, v9;
	v8 =	vmul.f32 $4.000000000e+00, v6;
	v7 =	vadd.f32 v3, v3  }
0x1c4: {  	vm0 =	vnez.u8 v11;
	vm14 =	vlt.f32 v6, $1.000000000e+00;
	v10 =	vmul.f32 $4.000000000e+00, v9  }
0x1c5: {  	vm4 =	vlt.f32 v9, $1.000000000e+00;
	v6 =	vsel vm14, v8, v6;
	v3 =	vsel vm0, v7, v3  }
0x1c6: {  	v9 =	vsel vm4, v10, v9;
	v8 =	vmul.f32 $4.000000000e+00, v6;
	v7 =	vadd.f32 v3, v3  }
0x1c7: {  	vm3 =	vnez.u8 v61;
	v10 =	vmul.f32 $4.000000000e+00, v9;
	vm0 =	vlt.f32 v6, $1.000000000e+00  }
0x1c8: {  	v6 =	vsel vm0, v8, v6;
	v3 =	vsel vm3, v7, v3;
	vm3 =	vlt.f32 v9, $1.000000000e+00  }
0x1c9: {  	v8 =	vmul.f32 $4.000000000e+00, v6;
	v7 =	vadd.f32 v3, v3;
	v9 =	vsel vm3, v10, v9  }
0x1ca: {  	v39 =	vimm.s32 $0x0;
	vm5 =	vlt.f32 v6, $1.000000000e+00;
	v10 =	vmul.f32 $4.000000000e+00, v9  }
0x1cb: {  	v6 =	vsel vm5, v8, v6;
	v3 =	vsel vm12, v7, v3;
	vm12 =	vlt.f32 v9, $1.000000000e+00  }
0x1cc: {  	v8 =	vmul.f32 $4.000000000e+00, v6;
	v7 =	vadd.f32 v3, v3;
	v9 =	vsel vm12, v10, v9  }
0x1cd: {  	v18 =	vimm.s32 $0x0;
	vm13 =	vlt.f32 v6, $1.000000000e+00;
	v10 =	vmul.f32 $4.000000000e+00, v9  }
0x1ce: {  	v6 =	vsel vm13, v8, v6;
	vm7 =	vlt.f32 v9, $1.000000000e+00;
	v3 =	vsel vm2, v7, v3  }
0x1cf: {  	v8 =	vmul.f32 $4.000000000e+00, v6;
	v63 =	vadd.f32 v3, v3;
	v9 =	vsel vm7, v10, v9  }
0x1d0: {  	v7 =	vsel vm7, $0xFFFFFFFF, v62;
	vm7 =	vlt.f32 v6, $1.000000000e+00;
	v10 =	vmul.f32 $4.000000000e+00, v9  }
0x1d1: {  	v6 =	vsel vm7, v8, v6;
	v3 =	vsel vm1, v63, v3;
	vm1 =	vlt.f32 v9, $1.000000000e+00  }
0x1d2: {  	v27 =	vadd.f32 v24, v24;
	[tilespmem:$0x1FF50] =	vst v7;
	v8 =	vmul.f32 $4.000000000e+00, v6;
	v7 =	vsel vm1, $0xFFFFFFFF, v18  }
0x1d3: {  	v20 =	vadd.f32 v3, v3;
	v9 =	vsel vm1, v10, v9;
	vm1 =	vlt.f32 v6, $1.000000000e+00  }
0x1d4: {  	v57 =	vld [tilespmem:$0x1FF50];
	v10 =	vsel vm1, $0xFFFFFFFF, v25;
	v26 =	vmul.f32 $4.000000000e+00, v9;
	v6 =	vsel vm1, v8, v6  }
0x1d5: {  	v8 =	vsel vm10, v27, v24;
	v3 =	vsel vm15, v20, v3;
	vm15 =	vlt.f32 v9, $1.000000000e+00  }
0x1d6: {  	v28 =	vmul.f32 $4.000000000e+00, v6;
	v35 =	vadd.f32 v8, v8;
	v11 =	vsel vm15, $0xFFFFFFFF, v29  }
0x1d7: {  	[tilespmem:$0x1FF60] =	vst v7;
	v7 =	vsel vm15, v26, v9;
	v30 =	vadd.f32 v3, v3;
	vm15 =	vlt.f32 v6, $1.000000000e+00  }
0x1d8: {  	[tilespmem:$0x1FF80] =	vst v11;
	v11 =	vsel vm15, $0xFFFFFFFF, v31;
	v32 =	vmul.f32 $4.000000000e+00, v7;
	v6 =	vsel vm15, v28, v6  }
0x1d9: {  	vm10 =	vlt.f32 v7, $1.000000000e+00;
	v8 =	vsel vm8, v35, v8;
	vm8 =	vnez.u8 v57  }
0x1da: {  	[tilespmem:$0x1FF70] =	vst v10;
	v3 =	vsel vm11, v30, v3;
	v33 =	vmul.f32 $4.000000000e+00, v6;
	v10 =	vsel vm10, $0xFFFFFFFF, v34  }
0x1db: {  	vm11 =	vlt.f32 v6, $1.000000000e+00;
	v40 =	vadd.f32 v8, v8;
	v7 =	vsel vm10, v32, v7  }
0x1dc: {  	[tilespmem:$0x1FF90] =	vst v11;
	v11 =	vsel vm11, $0xFFFFFFFF, v36;
	v38 =	vadd.f32 v3, v3;
	v37 =	vmul.f32 $4.000000000e+00, v7  }
0x1dd: {  	v6 =	vsel vm11, v33, v6;
	vm15 =	vlt.f32 v7, $1.000000000e+00;
	v8 =	vsel vm6, v40, v8  }
0x1de: {  	[tilespmem:$0x1FFA0] =	vst v10;
	v9 =	vmul.f32 $4.000000000e+00, v6;
	v10 =	vsel vm15, $0xFFFFFFFF, v39;
	v3 =	vsel vm9, v38, v3  }
0x1df: {  	[tilespmem:$0x1FFB0] =	vst v11;
	vm9 =	vlt.f32 v6, $1.000000000e+00;
	v7 =	vsel vm15, v37, v7;
	v41 =	vadd.f32 v3, v3  }
0x1e0: {  	[tilespmem:$0x1FFC0] =	vst v10;
	v10 =	vadd.f32 v8, v8;
	v11 =	vmul.f32 $4.000000000e+00, v7;
	v6 =	vsel vm9, v9, v6  }
0x1e1: {  	vm10 =	vlt.f32 v7, $1.000000000e+00;
	v42 =	vmul.f32 $4.000000000e+00, v6;
	vm11 =	vlt.f32 v6, $1.000000000e+00  }
0x1e2: {  	v3 =	vsel vm14, v41, v3;
	v8 =	vsel vm4, v10, v8;
	v7 =	vsel vm10, v11, v7  }
0x1e3: {  	v45 =	vadd.f32 v3, v3;
	v43 =	vmul.f32 $4.000000000e+00, v7;
	v6 =	vsel vm11, v42, v6  }
0x1e4: {  	v48 =	vadd.f32 v8, v8;
	vm15 =	vlt.f32 v7, $1.000000000e+00;
	v44 =	vmul.f32 $4.000000000e+00, v6  }
0x1e5: {  	vm14 =	vlt.f32 v6, $1.000000000e+00;
	v3 =	vsel vm0, v45, v3;
	v7 =	vsel vm15, v43, v7  }
0x1e6: {  	v8 =	vsel vm3, v48, v8;
	v46 =	vmul.f32 $4.000000000e+00, v7;
	v6 =	vsel vm14, v44, v6  }
0x1e7: {  	v49 =	vadd.f32 v3, v3;
	vm6 =	vlt.f32 v7, $1.000000000e+00;
	v47 =	vmul.f32 $4.000000000e+00, v6  }
0x1e8: {  	v50 =	vadd.f32 v8, v8;
	vm4 =	vlt.f32 v6, $1.000000000e+00;
	v7 =	vsel vm6, v46, v7  }
0x1e9: {  	v3 =	vsel vm5, v49, v3;
	v10 =	vmul.f32 $4.000000000e+00, v7;
	v6 =	vsel vm4, v47, v6  }
0x1ea: {  	v52 =	vadd.f32 v3, v3;
	vm3 =	vlt.f32 v7, $1.000000000e+00;
	v9 =	vmul.f32 $4.000000000e+00, v6  }
0x1eb: {  	v8 =	vsel vm12, v50, v8;
	vm2 =	vlt.f32 v6, $1.000000000e+00;
	v7 =	vsel vm3, v10, v7  }
0x1ec: {  	v62 =	vld [tilespmem:$0x1FF60];
	v3 =	vsel vm13, v52, v3;
	v51 =	vmul.f32 $4.000000000e+00, v7;
	v6 =	vsel vm2, v9, v6  }
0x1ed: {  	v10 =	vadd.f32 v8, v8;
	vm1 =	vlt.f32 v7, $1.000000000e+00;
	v53 =	vmul.f32 $4.000000000e+00, v6  }
0x1ee: {  	v56 =	vadd.f32 v3, v3;
	vm12 =	vlt.f32 v6, $1.000000000e+00;
	v7 =	vsel vm1, v51, v7  }
0x1ef: {  	v8 =	vsel vm8, v10, v8;
	v54 =	vmul.f32 $4.000000000e+00, v7;
	v6 =	vsel vm12, v53, v6  }
0x1f0: {  	v24 =	vld [tilespmem:$0x1FF70];
	v3 =	vsel vm7, v56, v3;
	vm5 =	vlt.f32 v7, $1.000000000e+00;
	v55 =	vmul.f32 $4.000000000e+00, v6  }
0x1f1: {  	vm8 =	vnez.u8 v62;
	vm13 =	vlt.f32 v6, $1.000000000e+00;
	v7 =	vsel vm5, v54, v7  }
0x1f2: {  	v27 =	vld [tilespmem:$0x1FF80];
	v60 =	vadd.f32 v8, v8;
	v58 =	vmul.f32 $4.000000000e+00, v7;
	v6 =	vsel vm13, v55, v6  }
0x1f3: {  	v29 =	vld [tilespmem:$0x1FF90];
	v61 =	vadd.f32 v3, v3;
	vm0 =	vlt.f32 v7, $1.000000000e+00;
	v59 =	vmul.f32 $4.000000000e+00, v6  }
0x1f4: {  	v8 =	vsel vm8, v60, v8;
	vm7 =	vlt.f32 v6, $1.000000000e+00;
	v7 =	vsel vm0, v58, v7  }
0x1f5: {  	v31 =	vld [tilespmem:$0x1FFA0];
	vm8 =	vnez.u8 v24;
	v10 =	vmul.f32 $4.939813910e-02, v7;
	v6 =	vsel vm7, v59, v6  }
0x1f6: {  	v3 =	vsel vm8, v61, v3;
	v25 =	vadd.f32 v8, v8;
	v63 =	vmul.f32 $4.939813910e-02, v6  }
0x1f7: {  	v33 =	vld [tilespmem:$0x1FFB0];
	vm8 =	vnez.u8 v27;
	v26 =	vadd.f32 v3, v3;
	v10 =	vadd.f32 $-3.951666060e-01, v10  }
0x1f8: {  	v8 =	vsel vm8, v25, v8;
	vm8 =	vnez.u8 v29;
	v11 =	vadd.f32 $-3.951666060e-01, v63  }
0x1f9: {  	v38 =	vld [tilespmem:$0x1FFC0];
	v3 =	vsel vm8, v26, v3;
	v30 =	vadd.f32 v8, v8;
	v28 =	vmul.f32 v10, v7  }
0x1fa: {  	vm8 =	vnez.u8 v31;
	v18 =	vadd.f32 v3, v3;
	v11 =	vmul.f32 v11, v6  }
0x1fb: {  	v8 =	vsel vm8, v30, v8;
	v7 =	vmul.f32 $5.000000000e-01, v7;
	v9 =	vadd.f32 $1.308800820e+00, v28  }
0x1fc: {  	vm8 =	vnez.u8 v33;
	v6 =	vmul.f32 $5.000000000e-01, v6;
	v32 =	vadd.f32 $1.308800820e+00, v11  }
0x1fd: {  	v3 =	vsel vm8, v18, v3;
	v34 =	vadd.f32 v8, v8;
	v35 =	vmul.f32 v9, v7  }
0x1fe: {  	vm8 =	vnez.u8 v38;
	v36 =	vadd.f32 v3, v3;
	v37 =	vmul.f32 v32, v6  }
0x1ff: {  	v8 =	vsel vm8, v34, v8;
	v39 =	vmul.f32 v35, v9  }
0x200: {  	v3 =	vsel vm9, v36, v3;
	v40 =	vadd.f32 v8, v8;
	v41 =	vmul.f32 v37, v32  }
0x201: {  	v42 =	vadd.f32 v3, v3;
	v11 =	vsub.f32 $1.500000000e+00, v39  }
0x202: {  	v8 =	vsel vm10, v40, v8;
	v43 =	vsub.f32 $1.500000000e+00, v41  }
0x203: {  	v3 =	vsel vm11, v42, v3;
	v44 =	vadd.f32 v8, v8;
	v9 =	vmul.f32 v11, v9  }
0x204: {  	v45 =	vadd.f32 v3, v3;
	v10 =	vmul.f32 v43, v32  }
0x205: {  	v8 =	vsel vm15, v44, v8;
	v46 =	vmul.f32 v9, v7  }
0x206: {  	v47 =	vadd.f32 v8, v8;
	v3 =	vsel vm14, v45, v3;
	v48 =	vmul.f32 v10, v6  }
0x207: {  	v49 =	vadd.f32 v3, v3;
	v11 =	vmul.f32 v46, v9  }
0x208: {  	v8 =	vsel vm6, v47, v8;
	v18 =	vmul.f32 v48, v10  }
0x209: {  	v3 =	vsel vm4, v49, v3;
	v20 =	vadd.f32 v8, v8;
	v11 =	vsub.f32 $1.500000000e+00, v11  }
0x20a: {  	v24 =	vadd.f32 v3, v3;
	v18 =	vsub.f32 $1.500000000e+00, v18  }
0x20b: {  	v8 =	vsel vm3, v20, v8;
	v9 =	vmul.f32 v11, v9  }
0x20c: {  	v3 =	vsel vm2, v24, v3;
	v50 =	vadd.f32 v8, v8;
	v10 =	vmul.f32 v18, v10  }
0x20d: {  	v51 =	vadd.f32 v3, v3;
	v7 =	vmul.f32 v9, v7  }
0x20e: {  	v8 =	vsel vm1, v50, v8;
	v6 =	vmul.f32 v10, v6  }
0x20f: {  	v3 =	vsel vm12, v51, v3;
	v11 =	vadd.f32 v8, v8;
	v7 =	vmul.f32 v7, v9  }
0x210: {  	v18 =	vadd.f32 v3, v3;
	v6 =	vmul.f32 v6, v10  }
0x211: {  	v8 =	vsel vm5, v11, v8;
	v7 =	vsub.f32 $1.500000000e+00, v7  }
0x212: {  	v3 =	vsel vm13, v18, v3;
	v11 =	vadd.f32 v8, v8;
	v6 =	vsub.f32 $1.500000000e+00, v6  }
0x213: {  	v52 =	vadd.f32 v3, v3;
	v7 =	vmul.f32 v7, v9  }
0x214: {  	v8 =	vsel vm0, v11, v8;
	v6 =	vmul.f32 v6, v10  }
0x215: {  	v3 =	vsel vm7, v52, v3;
	v7 =	vmul.f32 v7, v8  }
0x216: {  	v3 =	vmul.f32 v6, v3  }
0x217: {  	v53 =	vmul.f32 v7, v16  }
0x218: {  	v54 =	vadd.f32 v22, v12;
	v55 =	vmul.f32 v3, v16  }
0x219: {  	v57 =	vmul.f32 v13, v0;
	v56 =	vadd.f32 v23, v14;
	v6 =	vadd.f32 v53, v17  }
0x21a: {  	v58 =	vmul.f32 v54, v5;
	v0 =	vmul.f32 v7, v0;
	v59 =	vadd.f32 v55, v17  }
0x21b: {  	v1 =	vadd.f32 v21, v1;
	v6 =	vadd.f32 v6, v57  }
0x21c: {  	[tilespmem:s20+$0x18390] =	vst v56;
	v3 =	vmul.f32 v3, v5;
	v0 =	vmul.f32 v0, v15;
	v60 =	vadd.f32 v59, v58  }
0x21d: {  	[tilespmem:s28+$0x18390] =	vst v6  }
0x21e: {  	s0 =	sadd.s32 s17, s16;
	v1 =	vadd.f32 v1, v2;
	s20 =	simm.s32 $0x18390;
	v2 =	vmul.f32 v3, v15;
	v0 =	vadd.f32 v0, v4;
	[tilespmem:s29+$0x18390] =	vst v60  }
0x21f: {  	[spmem:s0] =	stream.linear.scatter [tilespmem:s20], [sflag:$0x2], $0x280, $0x38;
	[tilespmem:$0x1AFB0] =	vst v63  }
0x220: {  	v0 =	vadd.f32 v0, v1;
	v1 =	vadd.f32 v2, v19;
	s0 =	simm.s32 $0x2  }
0x221: {  	_ =	swait.ge [sflag:s0], $0x280  }
0x222: {  	v0 =	vadd.f32 v1, v0;
	[sflag:s0] =	ssyncset.done $0x0  }
0x223: {  	s20 =	sshll.u32 s2, $0x4;
	[sflag:s0] =	ssyncadd.s32 $0xFFFFFD80  }
0x224: {  	s17 =	sadd.s32 s20, s1;
	s20 =	simm.s32 $0x1AEB0;
	[tilespmem:$0x1AEB0] =	vst v0  }
0x225: {  	[spmem:s17] =	stream.linear.scatter [tilespmem:s20], [sflag:$0x2], $0x10, $0x38;
	[tilespmem:$0x1AFB0] =	vst v63  }
0x226: {  	_ =	swait.ge [sflag:s0], $0x10  }
0x227: {  	[sflag:s0] =	ssyncset.done $0x0  }
0x228: {  	[sflag:s0] =	ssyncadd.s32 $0xFFFFFFF0  }
0x229: {  	s17 =	simm.s32 $0x15910;
	[bflag:$0x0] =	sbarrier.arrive $0xFFFF  }
0x22a: {  	[tilespmem:s17], [sflag:$0x2] =	stream.linear.gather [spmem:s16], $0x2800, $0x38;
	[tilespmem:$0x1AFB0] =	vst v63  }
0x22b: {  	_ =	swait.ge [sflag:s0], $0x2800  }
0x22c: {  	s29 =	simm.s32 $0x5510;
	[sflag:s0] =	ssyncset.done $0x0  }
0x22d: {  	s20 =	sadd.s32 s25, s18;
	[sflag:s0] =	ssyncadd.s32 $0xFFFFD800;
	s0 =	simm.s32 $0x0  }
0x22e: {  	[tilespmem:s29], [sflag:$0x1] =	stream.linear.gather [hbm4b:s20+s0], $0x1400, $0x38;
	[tilespmem:$0x1AFB0] =	vst v63  }
0x22f: {  	s16 =	sadd.s32 s24, s18;
	s20 =	simm.s32 $0x6910  }
0x230: {  	[tilespmem:s20], [sflag:$0x1] =	stream.linear.gather [hbm4b:s16+s0], $0x1400, $0x38;
	[tilespmem:$0x1AFB0] =	vst v63  }
0x231: {  	s30 =	simm.s32 $0x2D10  }
0x232: {  	[tilespmem:s30], [sflag:$0x1] =	stream.linear.gather [hbm4b:s19+s0], $0x1400, $0x38;
	[tilespmem:$0x1AFB0] =	vst v63  }
0x233: {  	s16 =	sadd.s32 s26, s18;
	s19 =	simm.s32 $0x4110  }
0x234: {  	[tilespmem:s19], [sflag:$0x1] =	stream.linear.gather [hbm4b:s16+s0], $0x1400, $0x38;
	[tilespmem:$0x1AFB0] =	vst v63  }
0x235: {  	s28 =	simm.s32 $0x7D10;
	s19 =	sadd.s32 s21, s18  }
0x236: {  	[tilespmem:s28], [sflag:$0x1] =	stream.linear.gather [hbm4b:s19+s0], $0x1400, $0x38;
	[tilespmem:$0x1AFB0] =	vst v63  }
0x237: {  	s16 =	sadd.s32 s22, s18;
	s19 =	simm.s32 $0x9110  }
0x238: {  	[tilespmem:s19], [sflag:$0x1] =	stream.linear.gather [hbm4b:s16+s0], $0x1400, $0x38;
	[tilespmem:$0x1AFB0] =	vst v63  }
0x239: {  	s18 =	sadd.s32 s23, s18;
	s16 =	simm.s32 $0xA510  }
0x23a: {  	[tilespmem:s16], [sflag:$0x1] =	stream.linear.gather [hbm4b:s18+s0], $0x1400, $0x38;
	[tilespmem:$0x1AFB0] =	vst v63  }
0x23b: {  	s18 =	simm.s32 $0x1  }
0x23c: {  	_ =	swait.ge [sflag:s18], $0x1400  }
0x23d: {  	[sflag:s18] =	ssyncset.done $0x0  }
0x23e: {  	[sflag:s18] =	ssyncadd.s32 $0xFFFFEC00  }
0x23f: {  	_ =	swait.ge [sflag:s18], $0x1400  }
0x240: {  	[sflag:s18] =	ssyncset.done $0x0  }
0x241: {  	[sflag:s18] =	ssyncadd.s32 $0xFFFFEC00  }
0x242: {  	_ =	swait.ge [sflag:s18], $0x1400  }
0x243: {  	[sflag:s18] =	ssyncset.done $0x0  }
0x244: {  	[sflag:s18] =	ssyncadd.s32 $0xFFFFEC00  }
0x245: {  	_ =	swait.ge [sflag:s18], $0x1400  }
0x246: {  	[sflag:s18] =	ssyncset.done $0x0  }
0x247: {  	[sflag:s18] =	ssyncadd.s32 $0xFFFFEC00  }
0x248: {  	_ =	swait.ge [sflag:s18], $0x1400  }
0x249: {  	[sflag:s18] =	ssyncset.done $0x0  }
0x24a: {  	[sflag:s18] =	ssyncadd.s32 $0xFFFFEC00  }
0x24b: {  	_ =	swait.ge [sflag:s18], $0x1400  }
0x24c: {  	[sflag:s18] =	ssyncset.done $0x0  }
0x24d: {  	[sflag:s18] =	ssyncadd.s32 $0xFFFFEC00  }
0x24e: {  	_ =	swait.ge [sflag:s18], $0x1400  }
0x24f: {  	[sflag:s18] =	ssyncset.done $0x0  }
0x250: {  	[sflag:s18] =	ssyncadd.s32 $0xFFFFEC00  }
0x251: {  	v0 =	vld [tilespmem:s30+$0x0];
	_ =	sdelay $0x6  }
0x252: {  	v1 =	vld [tilespmem:s29+$0x0]  }
0x253: {  	v2 =	vld.idx.msk [tilespmem:v0+s17+$0x0], $0xffff;
	_ =	sdelay $0x1  }
0x254: {  	v3 =	vld [tilespmem:s20+$0x0]  }
0x255: {  	v0 =	vlaneseq.u32  }
0x256: {  	v62 =	vmov s0;
	v61 =	vld [tilespmem:s28+$0x0];
	v0 =	vmul.u32 $0x8, v0  }
0x257: {  	v1 =	vmul.f32 v1, v2;
	v2 =	vshll.u32 v62, $0x3  }
0x258: {  	v2 =	vor.u32 v0, v2  }
0x259: {  	v1 =	vadd.f32 v3, v1;
	_ =	sdelay $0x1  }
0x25a: {  	v3 =	vmul.f32 v61, v1  }
0x25b: {  	s18 =	simm.s32 $0xB910  }
0x25c: {  	[tilespmem:v2+s18+$0x0] =	vst.idx.msk $0xffff, v3  }
0x25d: {  	v3 =	vld [tilespmem:s19+$0x0];
	_ =	sdelay $0x1  }
0x25e: {  	v63 =	vor.u32 $0x1, v2;
	_ =	sdelay $0x2  }
0x25f: {  	v3 =	vmul.f32 v3, v1;
	_ =	sdelay $0x1  }
0x260: {  	[tilespmem:v63+s18+$0x0] =	vst.idx.msk $0xffff, v3  }
0x261: {  	v3 =	vld [tilespmem:s16+$0x0];
	_ =	sdelay $0x1  }
0x262: {  	v2 =	vor.u32 $0x2, v2;
	_ =	sdelay $0x2  }
0x263: {  	v1 =	vmul.f32 v3, v1;
	_ =	sdelay $0x1  }
0x264: {  	s30 =	simm.s32 $0x2D20;
	[tilespmem:v2+s18+$0x0] =	vst.idx.msk $0xffff, v1  }
0x265: {  	s31 =	simm.s32 $0x5520;
	s0 =	simm.s32 $0x20;
	s29 =	simm.s32 $0x10;
	v1 =	vld [tilespmem:s30+$0x0]  }
.LBB2_3:
0x266: {  	p0 =	sne.s32 s0, $0x13F0;
	v2 =	vld [tilespmem:s31+$0x0];
	s20 =	sadd.s32 $0x10, s20  }
0x267: {  	s28 =	sadd.s32 $0x10, s28;
	v3 =	vld [tilespmem:s20+$0x0]  }
0x268: {  	v4 =	vld [tilespmem:s28+$0x0];
	_ =	sdelay $0x4  }
0x269: {  	v1 =	vld.idx.msk [tilespmem:v1+s17+$0x0], $0xffff;
	_ =	sdelay $0x4  }
0x26a: {  	v5 =	vmov s29;
	s29 =	smov.u32 s0  }
0x26b: {  	v1 =	vmul.f32 v2, v1;
	v2 =	vshll.u32 v5, $0x3  }
0x26c: {  	v2 =	vor.u32 v0, v2  }
0x26d: {  	v1 =	vadd.f32 v3, v1;
	_ =	sdelay $0x1  }
0x26e: {  	v3 =	vmul.f32 v4, v1;
	_ =	sdelay $0x1  }
0x26f: {  	s19 =	sadd.s32 $0x10, s19;
	[tilespmem:v2+s18+$0x0] =	vst.idx.msk $0xffff, v3  }
0x270: {  	v3 =	vld [tilespmem:s19+$0x0];
	_ =	sdelay $0x1  }
0x271: {  	v4 =	vor.u32 $0x1, v2;
	_ =	sdelay $0x2  }
0x272: {  	v3 =	vmul.f32 v3, v1;
	_ =	sdelay $0x1  }
0x273: {  	s16 =	sadd.s32 $0x10, s16;
	[tilespmem:v4+s18+$0x0] =	vst.idx.msk $0xffff, v3  }
0x274: {  	v3 =	vld [tilespmem:s16+$0x0];
	_ =	sdelay $0x1  }
0x275: {  	v2 =	vor.u32 $0x2, v2;
	_ =	sdelay $0x1  }
.Ltmp1:
0x276: {  	(pc) =	sbr.rel @p0 .LBB2_3-.Ltmp1, $3  }
0x277: {  	v1 =	vmul.f32 v3, v1;
	_ =	sdelay $0x1  }
0x278: {  	s30 =	sadd.s32 $0x10, s30;
	[tilespmem:v2+s18+$0x0] =	vst.idx.msk $0xffff, v1  }
0x279: {  	s0 =	sadd.s32 $0x10, s0;
	s31 =	sadd.s32 $0x10, s31;
	v1 =	vld [tilespmem:s30+$0x0]  }
0x27a: {  	_ =	sdelay $0x6  }
0x27b: {  	v2 =	vld [tilespmem:s31+$0x0]  }
0x27c: {  	v1 =	vld.idx.msk [tilespmem:v1+s17+$0x0], $0xffff  }
0x27d: {  	s0 =	sadd.s32 $0x10, s20  }
0x27e: {  	v3 =	vld [tilespmem:s0+$0x0]  }
0x27f: {  	s30 =	sadd.s32 $0x10, s28  }
0x280: {  	v5 =	vmov s29;
	v4 =	vld [tilespmem:s30+$0x0]  }
0x281: {  	v1 =	vmul.f32 v2, v1;
	v2 =	vshll.u32 v5, $0x3  }
0x282: {  	v0 =	vor.u32 v0, v2  }
0x283: {  	v1 =	vadd.f32 v3, v1;
	_ =	sdelay $0x1  }
0x284: {  	v2 =	vmul.f32 v4, v1;
	_ =	sdelay $0x1  }
0x285: {  	s31 =	sadd.s32 $0x10, s19;
	[tilespmem:v0+s18+$0x0] =	vst.idx.msk $0xffff, v2  }
0x286: {  	v2 =	vld [tilespmem:s31+$0x0];
	_ =	sdelay $0x1  }
0x287: {  	v3 =	vor.u32 $0x1, v0;
	_ =	sdelay $0x2  }
0x288: {  	v2 =	vmul.f32 v2, v1;
	_ =	sdelay $0x1  }
0x289: {  	s16 =	sadd.s32 $0x10, s16;
	[tilespmem:v3+s18+$0x0] =	vst.idx.msk $0xffff, v2  }
0x28a: {  	v2 =	vld [tilespmem:s16+$0x0];
	_ =	sdelay $0x1  }
0x28b: {  	v0 =	vor.u32 $0x2, v0;
	_ =	sdelay $0x2  }
0x28c: {  	v1 =	vmul.f32 v2, v1  }
0x28d: {  	s20 =	simm.s32 $0x2  }
0x28e: {  	s17 =	simm.s32 $0x1400;
	s16 =	simm.s32 $0xB910;
	[tilespmem:v0+s18+$0x0] =	vst.idx.msk $0xffff, v1;
	s18 =	simm.s32 $0x4110  }
0x28f: {  	[spmem:s6] =	stream.indirect.scatter.add.f32 [tilespmem:s16], [sflag:$0x2], $0x8, s18, s17, $0xb8;
	[tilespmem:$0x1AFB0] =	vst v63  }
0x290: {  	_ =	swait.ge [sflag:s20], $0xA000  }
0x291: {  	[sflag:s20] =	ssyncset.done $0x0  }
0x292: {  	s19 =	simm.s32 $0x2D10;
	[sflag:s20] =	ssyncadd.s32 $0xFFFF6000  }
0x293: {  	[spmem:s4] =	stream.indirect.scatter.add.f32 [tilespmem:s16], [sflag:$0x2], $0x8, s19, s17, $0xb8;
	[tilespmem:$0x1AFB0] =	vst v63  }
0x294: {  	_ =	swait.ge [sflag:s20], $0xA000  }
0x295: {  	s28 =	simm.s32 $0x5510;
	[sflag:s20] =	ssyncset.done $0x0  }
0x296: {  	s30 =	sadd.s32 s25, s13;
	[sflag:s20] =	ssyncadd.s32 $0xFFFF6000;
	s20 =	simm.s32 $0x0  }
0x297: {  	[tilespmem:s28], [sflag:$0x1] =	stream.linear.gather [hbm4b:s30+s20], $0x1400, $0x38;
	[tilespmem:$0x1AFB0] =	vst v63  }
0x298: {  	s31 =	sadd.s32 s24, s13;
	s17 =	simm.s32 $0x6910  }
0x299: {  	[tilespmem:s17], [sflag:$0x1] =	stream.linear.gather [hbm4b:s31+s20], $0x1400, $0x38;
	[tilespmem:$0x1AFB0] =	vst v63  }
0x29a: {  	_ = 	snop  }
0x29b: {  	[tilespmem:s19], [sflag:$0x1] =	stream.linear.gather [hbm4b:s14+s20], $0x1400, $0x38;
	[tilespmem:$0x1AFB0] =	vst v63  }
0x29c: {  	s14 =	sadd.s32 s26, s13  }
0x29d: {  	[tilespmem:s18], [sflag:$0x1] =	stream.linear.gather [hbm4b:s14+s20], $0x1400, $0x38;
	[tilespmem:$0x1AFB0] =	vst v63  }
0x29e: {  	s30 =	sadd.s32 s21, s13;
	s18 =	simm.s32 $0x7D10  }
0x29f: {  	[tilespmem:s18], [sflag:$0x1] =	stream.linear.gather [hbm4b:s30+s20], $0x1400, $0x38;
	[tilespmem:$0x1AFB0] =	vst v63  }
0x2a0: {  	s31 =	sadd.s32 s22, s13;
	s14 =	simm.s32 $0x9110  }
0x2a1: {  	[tilespmem:s14], [sflag:$0x1] =	stream.linear.gather [hbm4b:s31+s20], $0x1400, $0x38;
	[tilespmem:$0x1AFB0] =	vst v63  }
0x2a2: {  	s30 =	sadd.s32 s23, s13;
	s13 =	simm.s32 $0xA510;
	s31 =	simm.s32 $0x1  }
0x2a3: {  	[tilespmem:s13], [sflag:$0x1] =	stream.linear.gather [hbm4b:s30+s20], $0x1400, $0x38;
	[tilespmem:$0x1AFB0] =	vst v63  }
0x2a4: {  	_ =	swait.ge [sflag:s31], $0x1400  }
0x2a5: {  	[sflag:s31] =	ssyncset.done $0x0  }
0x2a6: {  	[sflag:s31] =	ssyncadd.s32 $0xFFFFEC00  }
0x2a7: {  	_ =	swait.ge [sflag:s31], $0x1400  }
0x2a8: {  	[sflag:s31] =	ssyncset.done $0x0  }
0x2a9: {  	[sflag:s31] =	ssyncadd.s32 $0xFFFFEC00  }
0x2aa: {  	_ =	swait.ge [sflag:s31], $0x1400  }
0x2ab: {  	[sflag:s31] =	ssyncset.done $0x0  }
0x2ac: {  	[sflag:s31] =	ssyncadd.s32 $0xFFFFEC00  }
0x2ad: {  	_ =	swait.ge [sflag:s31], $0x1400  }
0x2ae: {  	[sflag:s31] =	ssyncset.done $0x0  }
0x2af: {  	[sflag:s31] =	ssyncadd.s32 $0xFFFFEC00  }
0x2b0: {  	_ =	swait.ge [sflag:s31], $0x1400  }
0x2b1: {  	[sflag:s31] =	ssyncset.done $0x0  }
0x2b2: {  	[sflag:s31] =	ssyncadd.s32 $0xFFFFEC00  }
0x2b3: {  	_ =	swait.ge [sflag:s31], $0x1400  }
0x2b4: {  	[sflag:s31] =	ssyncset.done $0x0  }
0x2b5: {  	[sflag:s31] =	ssyncadd.s32 $0xFFFFEC00  }
0x2b6: {  	_ =	swait.ge [sflag:s31], $0x1400  }
0x2b7: {  	[sflag:s31] =	ssyncset.done $0x0  }
0x2b8: {  	[sflag:s31] =	ssyncadd.s32 $0xFFFFEC00  }
0x2b9: {  	v0 =	vld [tilespmem:s19+$0x0];
	_ =	sdelay $0x6  }
0x2ba: {  	s19 =	simm.s32 $0x15910;
	v1 =	vld [tilespmem:s28+$0x0]  }
0x2bb: {  	v2 =	vld.idx.msk [tilespmem:v0+s19+$0x0], $0xffff;
	_ =	sdelay $0x1  }
0x2bc: {  	v3 =	vld [tilespmem:s17+$0x0]  }
0x2bd: {  	v0 =	vlaneseq.u32  }
0x2be: {  	v62 =	vmov s20;
	v61 =	vld [tilespmem:s18+$0x0];
	v0 =	vmul.u32 $0x8, v0  }
0x2bf: {  	v1 =	vmul.f32 v1, v2;
	v2 =	vshll.u32 v62, $0x3  }
0x2c0: {  	v2 =	vor.u32 v0, v2  }
0x2c1: {  	v1 =	vadd.f32 v3, v1;
	_ =	sdelay $0x1  }
0x2c2: {  	v3 =	vmul.f32 v61, v1;
	_ =	sdelay $0x1  }
0x2c3: {  	[tilespmem:v2+s16+$0x0] =	vst.idx.msk $0xffff, v3  }
0x2c4: {  	v3 =	vld [tilespmem:s14+$0x0];
	_ =	sdelay $0x1  }
0x2c5: {  	v63 =	vor.u32 $0x1, v2;
	_ =	sdelay $0x2  }
0x2c6: {  	v3 =	vmul.f32 v3, v1;
	_ =	sdelay $0x1  }
0x2c7: {  	[tilespmem:v63+s16+$0x0] =	vst.idx.msk $0xffff, v3  }
0x2c8: {  	v3 =	vld [tilespmem:s13+$0x0];
	_ =	sdelay $0x1  }
0x2c9: {  	v2 =	vor.u32 $0x2, v2;
	_ =	sdelay $0x2  }
0x2ca: {  	v1 =	vmul.f32 v3, v1;
	_ =	sdelay $0x1  }
0x2cb: {  	s28 =	simm.s32 $0x2D20;
	[tilespmem:v2+s16+$0x0] =	vst.idx.msk $0xffff, v1  }
0x2cc: {  	s29 =	simm.s32 $0x5520;
	s0 =	simm.s32 $0x20;
	s20 =	simm.s32 $0x10;
	v1 =	vld [tilespmem:s28+$0x0]  }
.LBB2_5:
0x2cd: {  	p0 =	sne.s32 s0, $0x13F0;
	v2 =	vld [tilespmem:s29+$0x0];
	s17 =	sadd.s32 $0x10, s17  }
0x2ce: {  	s18 =	sadd.s32 $0x10, s18;
	v3 =	vld [tilespmem:s17+$0x0]  }
0x2cf: {  	v4 =	vld [tilespmem:s18+$0x0];
	_ =	sdelay $0x4  }
0x2d0: {  	v1 =	vld.idx.msk [tilespmem:v1+s19+$0x0], $0xffff;
	_ =	sdelay $0x4  }
0x2d1: {  	v5 =	vmov s20;
	s20 =	smov.u32 s0  }
0x2d2: {  	v1 =	vmul.f32 v2, v1;
	v2 =	vshll.u32 v5, $0x3  }
0x2d3: {  	v2 =	vor.u32 v0, v2  }
0x2d4: {  	v1 =	vadd.f32 v3, v1;
	_ =	sdelay $0x1  }
0x2d5: {  	v3 =	vmul.f32 v4, v1;
	_ =	sdelay $0x1  }
0x2d6: {  	s14 =	sadd.s32 $0x10, s14;
	[tilespmem:v2+s16+$0x0] =	vst.idx.msk $0xffff, v3  }
0x2d7: {  	v3 =	vld [tilespmem:s14+$0x0];
	_ =	sdelay $0x1  }
0x2d8: {  	v4 =	vor.u32 $0x1, v2;
	_ =	sdelay $0x2  }
0x2d9: {  	v3 =	vmul.f32 v3, v1;
	_ =	sdelay $0x1  }
0x2da: {  	s13 =	sadd.s32 $0x10, s13;
	[tilespmem:v4+s16+$0x0] =	vst.idx.msk $0xffff, v3  }
0x2db: {  	v3 =	vld [tilespmem:s13+$0x0];
	_ =	sdelay $0x1  }
0x2dc: {  	v2 =	vor.u32 $0x2, v2;
	_ =	sdelay $0x1  }
.Ltmp2:
0x2dd: {  	(pc) =	sbr.rel @p0 .LBB2_5-.Ltmp2, $3  }
0x2de: {  	v1 =	vmul.f32 v3, v1;
	_ =	sdelay $0x1  }
0x2df: {  	s28 =	sadd.s32 $0x10, s28;
	[tilespmem:v2+s16+$0x0] =	vst.idx.msk $0xffff, v1  }
0x2e0: {  	s0 =	sadd.s32 $0x10, s0;
	s29 =	sadd.s32 $0x10, s29;
	v1 =	vld [tilespmem:s28+$0x0]  }
0x2e1: {  	_ =	sdelay $0x6  }
0x2e2: {  	v2 =	vld [tilespmem:s29+$0x0]  }
0x2e3: {  	v1 =	vld.idx.msk [tilespmem:v1+s19+$0x0], $0xffff  }
0x2e4: {  	s0 =	sadd.s32 $0x10, s17  }
0x2e5: {  	v3 =	vld [tilespmem:s0+$0x0]  }
0x2e6: {  	s17 =	sadd.s32 $0x10, s18  }
0x2e7: {  	v5 =	vmov s20;
	v4 =	vld [tilespmem:s17+$0x0]  }
0x2e8: {  	v1 =	vmul.f32 v2, v1;
	v2 =	vshll.u32 v5, $0x3  }
0x2e9: {  	v0 =	vor.u32 v0, v2  }
0x2ea: {  	v1 =	vadd.f32 v3, v1;
	_ =	sdelay $0x1  }
0x2eb: {  	v2 =	vmul.f32 v4, v1;
	_ =	sdelay $0x1  }
0x2ec: {  	s18 =	sadd.s32 $0x10, s14;
	[tilespmem:v0+s16+$0x0] =	vst.idx.msk $0xffff, v2  }
0x2ed: {  	v2 =	vld [tilespmem:s18+$0x0];
	_ =	sdelay $0x1  }
0x2ee: {  	v3 =	vor.u32 $0x1, v0;
	_ =	sdelay $0x2  }
0x2ef: {  	v2 =	vmul.f32 v2, v1;
	_ =	sdelay $0x1  }
0x2f0: {  	s19 =	sadd.s32 $0x10, s13;
	[tilespmem:v3+s16+$0x0] =	vst.idx.msk $0xffff, v2  }
0x2f1: {  	v2 =	vld [tilespmem:s19+$0x0];
	_ =	sdelay $0x1  }
0x2f2: {  	v0 =	vor.u32 $0x2, v0;
	_ =	sdelay $0x2  }
0x2f3: {  	v1 =	vmul.f32 v2, v1  }
0x2f4: {  	s20 =	simm.s32 $0x1400  }
0x2f5: {  	s28 =	simm.s32 $0x4110;
	s29 =	simm.s32 $0x2;
	s13 =	simm.s32 $0xB910;
	[tilespmem:v0+s16+$0x0] =	vst.idx.msk $0xffff, v1  }
0x2f6: {  	[spmem:s6] =	stream.indirect.scatter.add.f32 [tilespmem:s13], [sflag:$0x2], $0x8, s28, s20, $0xb8;
	[tilespmem:$0x1AFB0] =	vst v63  }
0x2f7: {  	_ =	swait.ge [sflag:s29], $0xA000  }
0x2f8: {  	[sflag:s29] =	ssyncset.done $0x0  }
0x2f9: {  	s17 =	simm.s32 $0x2D10;
	[sflag:s29] =	ssyncadd.s32 $0xFFFF6000  }
0x2fa: {  	[spmem:s4] =	stream.indirect.scatter.add.f32 [tilespmem:s13], [sflag:$0x2], $0x8, s17, s20, $0xb8;
	[tilespmem:$0x1AFB0] =	vst v63  }
0x2fb: {  	_ =	swait.ge [sflag:s29], $0xA000  }
0x2fc: {  	s30 =	sadd.s32 s25, s10;
	[sflag:s29] =	ssyncset.done $0x0  }
0x2fd: {  	s18 =	simm.s32 $0x0;
	s19 =	simm.s32 $0x5510;
	[sflag:s29] =	ssyncadd.s32 $0xFFFF6000  }
0x2fe: {  	[tilespmem:s19], [sflag:$0x1] =	stream.linear.gather [hbm4b:s30+s18], $0x1400, $0x38;
	[tilespmem:$0x1AFB0] =	vst v63  }
0x2ff: {  	s31 =	sadd.s32 s24, s10;
	s14 =	simm.s32 $0x6910  }
0x300: {  	[tilespmem:s14], [sflag:$0x1] =	stream.linear.gather [hbm4b:s31+s18], $0x1400, $0x38;
	[tilespmem:$0x1AFB0] =	vst v63  }
0x301: {  	_ = 	snop  }
0x302: {  	[tilespmem:s17], [sflag:$0x1] =	stream.linear.gather [hbm4b:s11+s18], $0x1400, $0x38;
	[tilespmem:$0x1AFB0] =	vst v63  }
0x303: {  	s20 =	sadd.s32 s26, s10  }
0x304: {  	[tilespmem:s28], [sflag:$0x1] =	stream.linear.gather [hbm4b:s20+s18], $0x1400, $0x38;
	[tilespmem:$0x1AFB0] =	vst v63  }
0x305: {  	s16 =	simm.s32 $0x7D10;
	s28 =	sadd.s32 s21, s10  }
0x306: {  	[tilespmem:s16], [sflag:$0x1] =	stream.linear.gather [hbm4b:s28+s18], $0x1400, $0x38;
	[tilespmem:$0x1AFB0] =	vst v63  }
0x307: {  	s29 =	sadd.s32 s22, s10;
	s11 =	simm.s32 $0x9110  }
0x308: {  	[tilespmem:s11], [sflag:$0x1] =	stream.linear.gather [hbm4b:s29+s18], $0x1400, $0x38;
	[tilespmem:$0x1AFB0] =	vst v63  }
0x309: {  	s30 =	sadd.s32 s23, s10;
	s31 =	simm.s32 $0x1;
	s10 =	simm.s32 $0xA510  }
0x30a: {  	[tilespmem:s10], [sflag:$0x1] =	stream.linear.gather [hbm4b:s30+s18], $0x1400, $0x38;
	[tilespmem:$0x1AFB0] =	vst v63  }
0x30b: {  	_ =	swait.ge [sflag:s31], $0x1400  }
0x30c: {  	[sflag:s31] =	ssyncset.done $0x0  }
0x30d: {  	[sflag:s31] =	ssyncadd.s32 $0xFFFFEC00  }
0x30e: {  	_ =	swait.ge [sflag:s31], $0x1400  }
0x30f: {  	[sflag:s31] =	ssyncset.done $0x0  }
0x310: {  	[sflag:s31] =	ssyncadd.s32 $0xFFFFEC00  }
0x311: {  	_ =	swait.ge [sflag:s31], $0x1400  }
0x312: {  	[sflag:s31] =	ssyncset.done $0x0  }
0x313: {  	[sflag:s31] =	ssyncadd.s32 $0xFFFFEC00  }
0x314: {  	_ =	swait.ge [sflag:s31], $0x1400  }
0x315: {  	[sflag:s31] =	ssyncset.done $0x0  }
0x316: {  	[sflag:s31] =	ssyncadd.s32 $0xFFFFEC00  }
0x317: {  	_ =	swait.ge [sflag:s31], $0x1400  }
0x318: {  	[sflag:s31] =	ssyncset.done $0x0  }
0x319: {  	[sflag:s31] =	ssyncadd.s32 $0xFFFFEC00  }
0x31a: {  	_ =	swait.ge [sflag:s31], $0x1400  }
0x31b: {  	[sflag:s31] =	ssyncset.done $0x0  }
0x31c: {  	[sflag:s31] =	ssyncadd.s32 $0xFFFFEC00  }
0x31d: {  	_ =	swait.ge [sflag:s31], $0x1400  }
0x31e: {  	[sflag:s31] =	ssyncset.done $0x0  }
0x31f: {  	[sflag:s31] =	ssyncadd.s32 $0xFFFFEC00  }
0x320: {  	v0 =	vld [tilespmem:s17+$0x0];
	_ =	sdelay $0x6  }
0x321: {  	s17 =	simm.s32 $0x15910;
	v1 =	vld [tilespmem:s19+$0x0]  }
0x322: {  	v2 =	vld.idx.msk [tilespmem:v0+s17+$0x0], $0xffff;
	_ =	sdelay $0x1  }
0x323: {  	v3 =	vld [tilespmem:s14+$0x0]  }
0x324: {  	v0 =	vlaneseq.u32  }
0x325: {  	v62 =	vmov s18;
	v61 =	vld [tilespmem:s16+$0x0];
	v0 =	vmul.u32 $0x8, v0  }
0x326: {  	v1 =	vmul.f32 v1, v2;
	v2 =	vshll.u32 v62, $0x3  }
0x327: {  	v2 =	vor.u32 v0, v2  }
0x328: {  	v1 =	vadd.f32 v3, v1;
	_ =	sdelay $0x1  }
0x329: {  	v3 =	vmul.f32 v61, v1;
	_ =	sdelay $0x1  }
0x32a: {  	[tilespmem:v2+s13+$0x0] =	vst.idx.msk $0xffff, v3  }
0x32b: {  	v3 =	vld [tilespmem:s11+$0x0];
	_ =	sdelay $0x1  }
0x32c: {  	v63 =	vor.u32 $0x1, v2;
	_ =	sdelay $0x2  }
0x32d: {  	v3 =	vmul.f32 v3, v1;
	_ =	sdelay $0x1  }
0x32e: {  	[tilespmem:v63+s13+$0x0] =	vst.idx.msk $0xffff, v3  }
0x32f: {  	v3 =	vld [tilespmem:s10+$0x0];
	_ =	sdelay $0x1  }
0x330: {  	v2 =	vor.u32 $0x2, v2;
	_ =	sdelay $0x2  }
0x331: {  	v1 =	vmul.f32 v3, v1;
	_ =	sdelay $0x1  }
0x332: {  	s19 =	simm.s32 $0x2D20;
	[tilespmem:v2+s13+$0x0] =	vst.idx.msk $0xffff, v1  }
0x333: {  	s0 =	simm.s32 $0x20;
	s20 =	simm.s32 $0x5520;
	s18 =	simm.s32 $0x10;
	v1 =	vld [tilespmem:s19+$0x0]  }
.LBB2_7:
0x334: {  	p0 =	sne.s32 s0, $0x13F0;
	v2 =	vld [tilespmem:s20+$0x0];
	s14 =	sadd.s32 $0x10, s14  }
0x335: {  	s16 =	sadd.s32 $0x10, s16;
	v3 =	vld [tilespmem:s14+$0x0]  }
0x336: {  	v4 =	vld [tilespmem:s16+$0x0];
	_ =	sdelay $0x4  }
0x337: {  	v1 =	vld.idx.msk [tilespmem:v1+s17+$0x0], $0xffff;
	_ =	sdelay $0x4  }
0x338: {  	v5 =	vmov s18;
	s18 =	smov.u32 s0  }
0x339: {  	v1 =	vmul.f32 v2, v1;
	v2 =	vshll.u32 v5, $0x3  }
0x33a: {  	v2 =	vor.u32 v0, v2  }
0x33b: {  	v1 =	vadd.f32 v3, v1;
	_ =	sdelay $0x1  }
0x33c: {  	v3 =	vmul.f32 v4, v1;
	_ =	sdelay $0x1  }
0x33d: {  	s11 =	sadd.s32 $0x10, s11;
	[tilespmem:v2+s13+$0x0] =	vst.idx.msk $0xffff, v3  }
0x33e: {  	v3 =	vld [tilespmem:s11+$0x0];
	_ =	sdelay $0x1  }
0x33f: {  	v4 =	vor.u32 $0x1, v2;
	_ =	sdelay $0x2  }
0x340: {  	v3 =	vmul.f32 v3, v1;
	_ =	sdelay $0x1  }
0x341: {  	s10 =	sadd.s32 $0x10, s10;
	[tilespmem:v4+s13+$0x0] =	vst.idx.msk $0xffff, v3  }
0x342: {  	v3 =	vld [tilespmem:s10+$0x0];
	_ =	sdelay $0x1  }
0x343: {  	v2 =	vor.u32 $0x2, v2;
	_ =	sdelay $0x1  }
.Ltmp3:
0x344: {  	(pc) =	sbr.rel @p0 .LBB2_7-.Ltmp3, $3  }
0x345: {  	v1 =	vmul.f32 v3, v1;
	_ =	sdelay $0x1  }
0x346: {  	s19 =	sadd.s32 $0x10, s19;
	[tilespmem:v2+s13+$0x0] =	vst.idx.msk $0xffff, v1  }
0x347: {  	s0 =	sadd.s32 $0x10, s0;
	s20 =	sadd.s32 $0x10, s20;
	v1 =	vld [tilespmem:s19+$0x0]  }
0x348: {  	_ =	sdelay $0x6  }
0x349: {  	v2 =	vld [tilespmem:s20+$0x0]  }
0x34a: {  	v1 =	vld.idx.msk [tilespmem:v1+s17+$0x0], $0xffff  }
0x34b: {  	s0 =	sadd.s32 $0x10, s14  }
0x34c: {  	v3 =	vld [tilespmem:s0+$0x0]  }
0x34d: {  	s30 =	sadd.s32 $0x10, s16  }
0x34e: {  	v5 =	vmov s18;
	v4 =	vld [tilespmem:s30+$0x0]  }
0x34f: {  	v1 =	vmul.f32 v2, v1;
	v2 =	vshll.u32 v5, $0x3  }
0x350: {  	v0 =	vor.u32 v0, v2  }
0x351: {  	v1 =	vadd.f32 v3, v1;
	_ =	sdelay $0x1  }
0x352: {  	v2 =	vmul.f32 v4, v1;
	_ =	sdelay $0x1  }
0x353: {  	s31 =	sadd.s32 $0x10, s11;
	[tilespmem:v0+s13+$0x0] =	vst.idx.msk $0xffff, v2  }
0x354: {  	v2 =	vld [tilespmem:s31+$0x0];
	_ =	sdelay $0x1  }
0x355: {  	v3 =	vor.u32 $0x1, v0;
	_ =	sdelay $0x2  }
0x356: {  	v2 =	vmul.f32 v2, v1;
	_ =	sdelay $0x1  }
0x357: {  	s11 =	sadd.s32 $0x10, s10;
	[tilespmem:v3+s13+$0x0] =	vst.idx.msk $0xffff, v2  }
0x358: {  	v2 =	vld [tilespmem:s11+$0x0];
	_ =	sdelay $0x1  }
0x359: {  	v0 =	vor.u32 $0x2, v0;
	_ =	sdelay $0x2  }
0x35a: {  	v1 =	vmul.f32 v2, v1  }
0x35b: {  	s14 =	simm.s32 $0x4110  }
0x35c: {  	s10 =	simm.s32 $0xB910;
	s16 =	simm.s32 $0x2;
	[tilespmem:v0+s13+$0x0] =	vst.idx.msk $0xffff, v1;
	s13 =	simm.s32 $0x1400  }
0x35d: {  	[spmem:s6] =	stream.indirect.scatter.add.f32 [tilespmem:s10], [sflag:$0x2], $0x8, s14, s13, $0xb8;
	[tilespmem:$0x1AFB0] =	vst v63  }
0x35e: {  	_ =	swait.ge [sflag:s16], $0xA000  }
0x35f: {  	[sflag:s16] =	ssyncset.done $0x0  }
0x360: {  	s17 =	simm.s32 $0x2D10;
	[sflag:s16] =	ssyncadd.s32 $0xFFFF6000  }
0x361: {  	[spmem:s4] =	stream.indirect.scatter.add.f32 [tilespmem:s10], [sflag:$0x2], $0x8, s17, s13, $0xb8;
	[tilespmem:$0x1AFB0] =	vst v63  }
0x362: {  	_ =	swait.ge [sflag:s16], $0xA000  }
0x363: {  	s18 =	sadd.s32 s25, s8;
	[sflag:s16] =	ssyncset.done $0x0  }
0x364: {  	s19 =	simm.s32 $0x0;
	s20 =	simm.s32 $0x5510;
	[sflag:s16] =	ssyncadd.s32 $0xFFFF6000  }
0x365: {  	[tilespmem:s20], [sflag:$0x1] =	stream.linear.gather [hbm4b:s18+s19], $0x1400, $0x38;
	[tilespmem:$0x1AFB0] =	vst v63  }
0x366: {  	s25 =	sadd.s32 s24, s8;
	s11 =	simm.s32 $0x6910  }
0x367: {  	[tilespmem:s11], [sflag:$0x1] =	stream.linear.gather [hbm4b:s25+s19], $0x1400, $0x38;
	[tilespmem:$0x1AFB0] =	vst v63  }
0x368: {  	_ = 	snop  }
0x369: {  	[tilespmem:s17], [sflag:$0x1] =	stream.linear.gather [hbm4b:s9+s19], $0x1400, $0x38;
	[tilespmem:$0x1AFB0] =	vst v63  }
0x36a: {  	s26 =	sadd.s32 s26, s8  }
0x36b: {  	[tilespmem:s14], [sflag:$0x1] =	stream.linear.gather [hbm4b:s26+s19], $0x1400, $0x38;
	[tilespmem:$0x1AFB0] =	vst v63  }
0x36c: {  	s28 =	sadd.s32 s21, s8;
	s13 =	simm.s32 $0x7D10  }
0x36d: {  	[tilespmem:s13], [sflag:$0x1] =	stream.linear.gather [hbm4b:s28+s19], $0x1400, $0x38;
	[tilespmem:$0x1AFB0] =	vst v63  }
0x36e: {  	s29 =	sadd.s32 s22, s8;
	s9 =	simm.s32 $0x9110  }
0x36f: {  	[tilespmem:s9], [sflag:$0x1] =	stream.linear.gather [hbm4b:s29+s19], $0x1400, $0x38;
	[tilespmem:$0x1AFB0] =	vst v63  }
0x370: {  	s30 =	sadd.s32 s23, s8;
	s8 =	simm.s32 $0xA510;
	s31 =	simm.s32 $0x1  }
0x371: {  	[tilespmem:s8], [sflag:$0x1] =	stream.linear.gather [hbm4b:s30+s19], $0x1400, $0x38;
	[tilespmem:$0x1AFB0] =	vst v63  }
0x372: {  	_ =	swait.ge [sflag:s31], $0x1400  }
0x373: {  	[sflag:s31] =	ssyncset.done $0x0  }
0x374: {  	[sflag:s31] =	ssyncadd.s32 $0xFFFFEC00  }
0x375: {  	_ =	swait.ge [sflag:s31], $0x1400  }
0x376: {  	[sflag:s31] =	ssyncset.done $0x0  }
0x377: {  	[sflag:s31] =	ssyncadd.s32 $0xFFFFEC00  }
0x378: {  	_ =	swait.ge [sflag:s31], $0x1400  }
0x379: {  	[sflag:s31] =	ssyncset.done $0x0  }
0x37a: {  	[sflag:s31] =	ssyncadd.s32 $0xFFFFEC00  }
0x37b: {  	_ =	swait.ge [sflag:s31], $0x1400  }
0x37c: {  	[sflag:s31] =	ssyncset.done $0x0  }
0x37d: {  	[sflag:s31] =	ssyncadd.s32 $0xFFFFEC00  }
0x37e: {  	_ =	swait.ge [sflag:s31], $0x1400  }
0x37f: {  	[sflag:s31] =	ssyncset.done $0x0  }
0x380: {  	[sflag:s31] =	ssyncadd.s32 $0xFFFFEC00  }
0x381: {  	_ =	swait.ge [sflag:s31], $0x1400  }
0x382: {  	[sflag:s31] =	ssyncset.done $0x0  }
0x383: {  	[sflag:s31] =	ssyncadd.s32 $0xFFFFEC00  }
0x384: {  	_ =	swait.ge [sflag:s31], $0x1400  }
0x385: {  	[sflag:s31] =	ssyncset.done $0x0  }
0x386: {  	[sflag:s31] =	ssyncadd.s32 $0xFFFFEC00  }
0x387: {  	v0 =	vld [tilespmem:s17+$0x0];
	_ =	sdelay $0x6  }
0x388: {  	s14 =	simm.s32 $0x15910;
	v1 =	vld [tilespmem:s20+$0x0]  }
0x389: {  	v2 =	vld.idx.msk [tilespmem:v0+s14+$0x0], $0xffff;
	_ =	sdelay $0x1  }
0x38a: {  	v3 =	vld [tilespmem:s11+$0x0]  }
0x38b: {  	v0 =	vlaneseq.u32  }
0x38c: {  	v62 =	vmov s19;
	v61 =	vld [tilespmem:s13+$0x0];
	v0 =	vmul.u32 $0x8, v0  }
0x38d: {  	v1 =	vmul.f32 v1, v2;
	v2 =	vshll.u32 v62, $0x3  }
0x38e: {  	v2 =	vor.u32 v0, v2  }
0x38f: {  	v1 =	vadd.f32 v3, v1;
	_ =	sdelay $0x1  }
0x390: {  	v3 =	vmul.f32 v61, v1;
	_ =	sdelay $0x1  }
0x391: {  	[tilespmem:v2+s10+$0x0] =	vst.idx.msk $0xffff, v3  }
0x392: {  	v3 =	vld [tilespmem:s9+$0x0];
	_ =	sdelay $0x1  }
0x393: {  	v63 =	vor.u32 $0x1, v2;
	_ =	sdelay $0x2  }
0x394: {  	v3 =	vmul.f32 v3, v1;
	_ =	sdelay $0x1  }
0x395: {  	[tilespmem:v63+s10+$0x0] =	vst.idx.msk $0xffff, v3  }
0x396: {  	v3 =	vld [tilespmem:s8+$0x0];
	_ =	sdelay $0x1  }
0x397: {  	v2 =	vor.u32 $0x2, v2;
	_ =	sdelay $0x2  }
0x398: {  	v1 =	vmul.f32 v3, v1;
	_ =	sdelay $0x1  }
0x399: {  	s17 =	simm.s32 $0x2D20;
	[tilespmem:v2+s10+$0x0] =	vst.idx.msk $0xffff, v1  }
0x39a: {  	s0 =	simm.s32 $0x20;
	s16 =	simm.s32 $0x10;
	s18 =	simm.s32 $0x5520;
	v1 =	vld [tilespmem:s17+$0x0]  }
.LBB2_9:
0x39b: {  	p0 =	sne.s32 s0, $0x13F0;
	v2 =	vld [tilespmem:s18+$0x0];
	s11 =	sadd.s32 $0x10, s11  }
0x39c: {  	s13 =	sadd.s32 $0x10, s13;
	v3 =	vld [tilespmem:s11+$0x0]  }
0x39d: {  	v4 =	vld [tilespmem:s13+$0x0];
	_ =	sdelay $0x4  }
0x39e: {  	v1 =	vld.idx.msk [tilespmem:v1+s14+$0x0], $0xffff;
	_ =	sdelay $0x4  }
0x39f: {  	v5 =	vmov s16;
	s16 =	smov.u32 s0  }
0x3a0: {  	v1 =	vmul.f32 v2, v1;
	v2 =	vshll.u32 v5, $0x3  }
0x3a1: {  	v2 =	vor.u32 v0, v2  }
0x3a2: {  	v1 =	vadd.f32 v3, v1;
	_ =	sdelay $0x1  }
0x3a3: {  	v3 =	vmul.f32 v4, v1;
	_ =	sdelay $0x1  }
0x3a4: {  	s9 =	sadd.s32 $0x10, s9;
	[tilespmem:v2+s10+$0x0] =	vst.idx.msk $0xffff, v3  }
0x3a5: {  	v3 =	vld [tilespmem:s9+$0x0];
	_ =	sdelay $0x1  }
0x3a6: {  	v4 =	vor.u32 $0x1, v2;
	_ =	sdelay $0x2  }
0x3a7: {  	v3 =	vmul.f32 v3, v1;
	_ =	sdelay $0x1  }
0x3a8: {  	s8 =	sadd.s32 $0x10, s8;
	[tilespmem:v4+s10+$0x0] =	vst.idx.msk $0xffff, v3  }
0x3a9: {  	v3 =	vld [tilespmem:s8+$0x0];
	_ =	sdelay $0x1  }
0x3aa: {  	v2 =	vor.u32 $0x2, v2;
	_ =	sdelay $0x1  }
.Ltmp4:
0x3ab: {  	(pc) =	sbr.rel @p0 .LBB2_9-.Ltmp4, $3  }
0x3ac: {  	v1 =	vmul.f32 v3, v1;
	_ =	sdelay $0x1  }
0x3ad: {  	s17 =	sadd.s32 $0x10, s17;
	[tilespmem:v2+s10+$0x0] =	vst.idx.msk $0xffff, v1  }
0x3ae: {  	s0 =	sadd.s32 $0x10, s0;
	s18 =	sadd.s32 $0x10, s18;
	v1 =	vld [tilespmem:s17+$0x0]  }
0x3af: {  	_ =	sdelay $0x6  }
0x3b0: {  	v2 =	vld [tilespmem:s18+$0x0]  }
0x3b1: {  	v1 =	vld.idx.msk [tilespmem:v1+s14+$0x0], $0xffff  }
0x3b2: {  	s0 =	sadd.s32 $0x10, s11  }
0x3b3: {  	v3 =	vld [tilespmem:s0+$0x0]  }
0x3b4: {  	s17 =	sadd.s32 $0x10, s13  }
0x3b5: {  	v5 =	vmov s16;
	v4 =	vld [tilespmem:s17+$0x0]  }
0x3b6: {  	v1 =	vmul.f32 v2, v1;
	v2 =	vshll.u32 v5, $0x3  }
0x3b7: {  	v0 =	vor.u32 v0, v2  }
0x3b8: {  	v1 =	vadd.f32 v3, v1;
	_ =	sdelay $0x1  }
0x3b9: {  	v2 =	vmul.f32 v4, v1;
	_ =	sdelay $0x1  }
0x3ba: {  	s18 =	sadd.s32 $0x10, s9;
	[tilespmem:v0+s10+$0x0] =	vst.idx.msk $0xffff, v2  }
0x3bb: {  	v2 =	vld [tilespmem:s18+$0x0];
	_ =	sdelay $0x1  }
0x3bc: {  	v3 =	vor.u32 $0x1, v0;
	_ =	sdelay $0x2  }
0x3bd: {  	v2 =	vmul.f32 v2, v1;
	_ =	sdelay $0x1  }
0x3be: {  	s19 =	sadd.s32 $0x10, s8;
	[tilespmem:v3+s10+$0x0] =	vst.idx.msk $0xffff, v2  }
0x3bf: {  	v2 =	vld [tilespmem:s19+$0x0];
	_ =	sdelay $0x1  }
0x3c0: {  	v0 =	vor.u32 $0x2, v0;
	_ =	sdelay $0x2  }
0x3c1: {  	v1 =	vmul.f32 v2, v1  }
0x3c2: {  	s20 =	simm.s32 $0x1400;
	s21 =	simm.s32 $0x4110;
	s25 =	simm.s32 $0x0  }
0x3c3: {  	s22 =	simm.s32 $0xB910;
	s23 =	simm.s32 $0x2;
	s0 =	smul.u32 $0xCD, s25;
	[tilespmem:v0+s10+$0x0] =	vst.idx.msk $0xffff, v1  }
0x3c4: {  	[spmem:s6] =	stream.indirect.scatter.add.f32 [tilespmem:s22], [sflag:$0x2], $0x8, s21, s20, $0xb8;
	[tilespmem:$0x1AFB0] =	vst v63  }
0x3c5: {  	s0 =	sshrl.u32 s0, $0xD;
	_ =	swait.ge [sflag:s23], $0xA000  }
0x3c6: {  	s26 =	sand.u32 $0x7, s0;
	[sflag:s23] =	ssyncset.done $0x0  }
0x3c7: {  	s24 =	simm.s32 $0x2D10;
	s0 =	smul.u32 $0x28, s26;
	[sflag:s23] =	ssyncadd.s32 $0xFFFF6000  }
0x3c8: {  	[spmem:s4] =	stream.indirect.scatter.add.f32 [tilespmem:s22], [sflag:$0x2], $0x8, s24, s20, $0xb8;
	[tilespmem:$0x1AFB0] =	vst v63  }
0x3c9: {  	s0 =	ssub.s32 $0x0, s0;
	_ =	swait.ge [sflag:s23], $0xA000  }
0x3ca: {  	s0 =	sand.u32 $0xFF, s0;
	[sflag:s23] =	ssyncset.done $0x0  }
0x3cb: {  	s28 =	simm.s32 $0x1;
	s0 =	sshll.u32 s0, $0x4;
	[sflag:s23] =	ssyncadd.s32 $0xFFFF6000  }
0x3cc: {  	v0 =	vlaneseq.u32;
	s6 =	smul.u32 $0xCD, s28;
	s4 =	simm.s32 $0x186B0;
	[bflag:$0x0] =	sbarrier.arrive $0xFFFF  }
0x3cd: {  	v1 =	vmov s0;
	v0 =	vmul.u32 $0x8, v0;
	[tilespmem:s4], [sflag:$0x2] =	stream.linear.gather [spmem:s7], $0x1400, $0x38;
	[tilespmem:$0x1AFB0] =	vst v63  }
0x3ce: {  	v1 =	vshll.u32 v1, $0x3;
	s29 =	sshrl.u32 s6, $0xD;
	_ =	swait.ge [sflag:s23], $0x1400  }
0x3cf: {  	v1 =	vor.u32 v0, v1;
	s6 =	sand.u32 $0x7, s29;
	[sflag:s23] =	ssyncset.done $0x0  }
0x3d0: {  	s0 =	simm.s32 $0x19AB0;
	v1 =	vor.u32 s26, v1;
	s30 =	smul.u32 $0x28, s6;
	[sflag:s23] =	ssyncadd.s32 $0xFFFFEC00  }
0x3d1: {  	[tilespmem:s0], [sflag:$0x2] =	stream.linear.gather [spmem:s5], $0x1400, $0x38;
	[tilespmem:$0x1AFB0] =	vst v63  }
0x3d2: {  	s31 =	ssub.s32 $0x1, s30;
	_ =	swait.ge [sflag:s23], $0x1400  }
0x3d3: {  	s5 =	sand.u32 $0xFF, s31;
	[sflag:s23] =	ssyncset.done $0x0  }
0x3d4: {  	s5 =	sshll.u32 s5, $0x4;
	[sflag:s23] =	ssyncadd.s32 $0xFFFFEC00  }
0x3d5: {  	v3 =	vmov s5;
	v2 =	vld.idx.msk [tilespmem:v1+s0+$0x0], $0xffff  }
0x3d6: {  	s5 =	simm.s32 $0x2;
	v4 =	vshll.u32 v3, $0x3;
	v3 =	vld.idx.msk [tilespmem:v1+s4+$0x0], $0xffff  }
0x3d7: {  	s8 =	smul.u32 $0xCD, s5  }
0x3d8: {  	s7 =	simm.s32 $0x3;
	v4 =	vor.u32 v0, v4  }
.LBB2_11:
0x3d9: {  	p0 =	sne.s32 s7, $0x77;
	s8 =	sshrl.u32 s8, $0xD;
	v4 =	vor.u32 s6, v4  }
0x3da: {  	s6 =	sand.u32 $0x7, s8  }
0x3db: {  	v2 =	vsub.f32 v3, v2;
	s8 =	smul.u32 $0x28, s6;
	_ =	sdelay $0x1  }
0x3dc: {  	s8 =	ssub.s32 s5, s8;
	[tilespmem:v1+s4+$0x0] =	vst.idx.msk $0xffff, v2;
	v1 =	vmov v4;
	s5 =	smov.u32 s7  }
.Ltmp5:
0x3dd: {  	s8 =	sand.u32 $0xFF, s8;
	v2 =	vld.idx.msk [tilespmem:v4+s0+$0x0], $0xffff;
	(pc) =	sbr.rel @p0 .LBB2_11-.Ltmp5, $4  }
0x3de: {  	s8 =	sshll.u32 s8, $0x4;
	v3 =	vld.idx.msk [tilespmem:v4+s4+$0x0], $0xffff  }
0x3df: {  	v4 =	vmov s8  }
0x3e0: {  	s8 =	smul.u32 $0xCD, s7;
	v4 =	vshll.u32 v4, $0x3  }
0x3e1: {  	s7 =	sadd.s32 $0x1, s7;
	v4 =	vor.u32 v0, v4  }
0x3e2: {  	s7 =	sshrl.u32 s8, $0xD  }
0x3e3: {  	v4 =	vor.u32 s6, v4;
	s26 =	sand.u32 $0x7, s7  }
0x3e4: {  	s7 =	smul.u32 $0x28, s26  }
0x3e5: {  	v2 =	vsub.f32 v3, v2  }
0x3e6: {  	s5 =	ssub.s32 s5, s7  }
0x3e7: {  	[tilespmem:v1+s4+$0x0] =	vst.idx.msk $0xffff, v2;
	s5 =	sand.u32 $0xFF, s5  }
0x3e8: {  	v1 =	vld.idx.msk [tilespmem:v4+s0+$0x0], $0xffff;
	s5 =	sshll.u32 s5, $0x4  }
0x3e9: {  	v2 =	vld.idx.msk [tilespmem:v4+s4+$0x0], $0xffff;
	v62 =	vmov s5  }
0x3ea: {  	v3 =	vshll.u32 v62, $0x3  }
0x3eb: {  	v0 =	vor.u32 v0, v3  }
0x3ec: {  	v0 =	vor.u32 s26, v0;
	_ =	sdelay $0x1  }
0x3ed: {  	v1 =	vsub.f32 v2, v1;
	_ =	sdelay $0x1  }
0x3ee: {  	[tilespmem:v4+s4+$0x0] =	vst.idx.msk $0xffff, v1  }
0x3ef: {  	v1 =	vld.idx.msk [tilespmem:v0+s0+$0x0], $0xffff  }
0x3f0: {  	v63 =	vld.idx.msk [tilespmem:v0+s4+$0x0], $0xffff;
	_ =	sdelay $0x4  }
0x3f1: {  	v1 =	vsub.f32 v63, v1  }
0x3f2: {  	s28 =	sshrl.u32 s3, $0x3;
	s29 =	simm.s32 $0x0  }
0x3f3: {  	s30 =	simm.s32 $0x186B0;
	s31 =	simm.s32 $0x2;
	s0 =	sadd.s32 s15, s28;
	[tilespmem:v0+s4+$0x0] =	vst.idx.msk $0xffff, v1  }
0x3f4: {  	[hbm4b:s0+s29] =	stream.linear.scatter [tilespmem:s30], [sflag:$0x2], $0x1400, $0x38;
	[tilespmem:$0x1AFB0] =	vst v63  }
0x3f5: {  	_ =	swait.ge [sflag:s31], $0x1400  }
0x3f6: {  	[sflag:s31] =	ssyncset.done $0x0  }
0x3f7: {  	p0 =	sne.s32 s2, $0x0;
	[sflag:s31] =	ssyncadd.s32 $0xFFFFEC00  }
0x3f8: {  	_ =	sfence.sel @p0 $0x180000  }
0x3f9: {  	[bflag:$0x0] =	sbarrier.arrive @p0 $0xFFFF  }
0x3fa: {  	_ =	strace @p0 $0x90000047  }
0x3fb: {  	s0 =	simm.s32 @!p0 $0x1AEB0;
	[bflag:$0x2] =	sbarrier.arrive @p0 $0xFFFF  }
0x3fc: {  	[tilespmem:s0], [sflag:$0x2] =	stream.linear.gather @!p0 [spmem:s1], $0x100, $0x38;
	[tilespmem:$0x1AFB0] =	vst v63  }
0x3fd: {  	s1 =	simm.s32 @!p0 $0x2  }
0x3fe: {  	_ =	swait.ge @!p0 [sflag:s1], $0x100  }
0x3ff: {  	[sflag:s1] =	ssyncset.done @!p0 $0x0  }
0x400: {  	[sflag:s1] =	ssyncadd.s32 @!p0 $0xFFFFFF00  }
0x401: {  	v0 =	vld @!p0 [tilespmem:$0x1AEB0]  }
0x402: {  	v1 =	vld @!p0 [tilespmem:$0x1AEC0];
	_ =	sdelay $0x1  }
0x403: {  	v2 =	vld @!p0 [tilespmem:$0x1AED0];
	_ =	sdelay $0x1  }
0x404: {  	v3 =	vld @!p0 [tilespmem:$0x1AEE0]  }
0x405: {  	v0 =	vadd.f32 @!p0 v1, v0  }
0x406: {  	v1 =	vld @!p0 [tilespmem:$0x1AEF0]  }
0x407: {  	v0 =	vadd.f32 @!p0 v2, v0  }
0x408: {  	v2 =	vld @!p0 [tilespmem:$0x1AF00]  }
0x409: {  	v0 =	vadd.f32 @!p0 v3, v0  }
0x40a: {  	v3 =	vld @!p0 [tilespmem:$0x1AF10]  }
0x40b: {  	v0 =	vadd.f32 @!p0 v1, v0  }
0x40c: {  	v1 =	vld @!p0 [tilespmem:$0x1AF20]  }
0x40d: {  	v0 =	vadd.f32 @!p0 v2, v0  }
0x40e: {  	v2 =	vld @!p0 [tilespmem:$0x1AF30]  }
0x40f: {  	v0 =	vadd.f32 @!p0 v3, v0  }
0x410: {  	v3 =	vld @!p0 [tilespmem:$0x1AF40]  }
0x411: {  	v0 =	vadd.f32 @!p0 v1, v0  }
0x412: {  	v1 =	vld @!p0 [tilespmem:$0x1AF50]  }
0x413: {  	v0 =	vadd.f32 @!p0 v2, v0  }
0x414: {  	v2 =	vld @!p0 [tilespmem:$0x1AF60]  }
0x415: {  	v0 =	vadd.f32 @!p0 v3, v0  }
0x416: {  	v3 =	vld @!p0 [tilespmem:$0x1AF70]  }
0x417: {  	v0 =	vadd.f32 @!p0 v1, v0  }
0x418: {  	v1 =	vld @!p0 [tilespmem:$0x1AF80]  }
0x419: {  	v0 =	vadd.f32 @!p0 v2, v0  }
0x41a: {  	v2 =	vld @!p0 [tilespmem:$0x1AF90]  }
0x41b: {  	v0 =	vadd.f32 @!p0 v3, v0  }
0x41c: {  	v3 =	vld @!p0 [tilespmem:$0x1AFA0]  }
0x41d: {  	v0 =	vadd.f32 @!p0 v1, v0;
	_ =	sdelay $0x1  }
0x41e: {  	v0 =	vadd.f32 @!p0 v2, v0;
	_ =	sdelay $0x1  }
0x41f: {  	v0 =	vadd.f32 @!p0 v3, v0;
	_ =	sdelay $0x1  }
0x420: {  	(xrf2) =	vadd.scan.msk.f32 @!p0 $0xffff, v0;
	_ =	sdelay $0x9  }
0x421: {  	v0, _, _ =	vpop @!p0 (xrf2)  }
0x422: {  	v0 =	vbroadcast @!p0 v0, $0xF;
	_ =	sdelay $0x1  }
0x423: {  	s2 =	simm.s32 @!p0 $0x0;
	[tilespmem:$0x1AEB0] =	vst @!p0 v0  }
0x424: {  	[hbm4b:s12+s2] =	stream.linear.scatter @!p0 [tilespmem:s0], [sflag:$0x2], $0x10, $0x38;
	[tilespmem:$0x1AFB0] =	vst v63  }
0x425: {  	_ =	swait.ge @!p0 [sflag:s1], $0x10  }
0x426: {  	[sflag:s1] =	ssyncset.done @!p0 $0x0  }
0x427: {  	[sflag:s1] =	ssyncadd.s32 @!p0 $0xFFFFFFF0  }
0x428: {  	_ =	sfence.sel @!p0 $0x180000  }
0x429: {  	[bflag:$0x0] =	sbarrier.arrive @!p0 $0xFFFF  }
0x42a: {  	_ =	strace @!p0 $0x90000047  }
0x42b: {  	[bflag:$0x2] =	sbarrier.arrive @!p0 $0xFFFF  }
0x42c: {  	s0 =	rddreg [dreg:$0x7]  }
0x42d: {  	s0 =	sadd.s32 @!p0 $0x100000, s0  }
0x42e: {  	[sflag:s0] =	ssyncadd.tile.s32 @!p0 $0x1;
	_ =	shalt  }
.Lfunc_end2:
_tile_overlayer_lowered:
.L_overlay_start_2:
0x42f: {  	(tag) =	ssettag $0x2  }
0x430: {  	s0 =	rddreg [dreg:$0x0];
	s2 =	stileid.u32  }
0x431: {  	s1 =	rddreg [dreg:$0x1];
	p0 =	sne.s32 s2, $0x0  }
0x432: {  	s3 =	rddreg [dreg:$0x2];
	[bflag:$0x3] =	sbarrier.arrive $0xFFFF;
	s2 =	simm.s32 @!p0 $0x1C02  }
0x433: {  	[timem:s3], [sflag:s2] =	dma.local @!p0 [hbm:s0], s1  }
0x434: {  	s0 =	simm.s32 @!p0 $0x2  }
0x435: {  	_ =	swait.ge @!p0 [sflag:s0], s1  }
0x436: {  	s1 =	ssub.s32 @!p0 $0x0, s1;
	[sflag:s0] =	ssyncset.done @!p0 $0x0  }
0x437: {  	[sflag:s0] =	ssyncadd.s32 @!p0 s1  }
0x438: {  	[bflag:$0x3] =	sbarrier.arrive $0xFFFF  }
0x439: {  	_ =	shalt  }

</sc_bundles>
